<compile_context>
chip_gen: v7x
topology: tpu7x:2x2x1
jax: 0.10.2.dev20260603
libtpu: 0.0.44.dev20260713+nightly
codegen_flags: <defaults>
</compile_context>

<pallas_src>
import jax
import jax.numpy as jnp
from jax import lax
from jax.experimental import pallas as pl
from jax.experimental.pallas import tpu as pltpu
from jax.experimental.pallas import tpu_sc as plsc

N = 10000
CC = 16
GG = 64
E = 320000

N_PAD = 10240
BN = 1024
CH = 20736
SUB = CH // 2
E_PAD = 16 * CH
BB = 128
NBLK1 = CH // BB
NBLK2 = SUB // BB



def _logits(h, as_ref, ad_ref, es_ref, ed_ref, gm_ref, mx_ref):
    h3 = h.reshape(BN // 128, 128, 128)
    a_s = as_ref[...].reshape(128)
    a_d = ad_ref[...].reshape(128)
    es = jnp.sum(h3 * a_s[None, None, :], axis=-1)
    ed = jnp.sum(h3 * a_d[None, None, :], axis=-1)
    es_ref[...] = es
    ed_ref[...] = ed
    i = pl.program_id(0)
    m_blk = jnp.max(es)

    @pl.when(i == 0)
    def _():
        mx_ref[0, 0] = m_blk

    mx_ref[0, 0] = jnp.maximum(mx_ref[0, 0], m_blk)

    @pl.when(i == pl.num_programs(0) - 1)
    def _():
        gm_ref[...] = jnp.full((1, 128), mx_ref[0, 0], jnp.float32)


def _dense_body_first(x_ref, w_ref, as_ref, ad_ref, h_ref, es_ref, ed_ref,
                      gm_ref, mx_ref):
    h = jnp.dot(x_ref[...], w_ref[...], preferred_element_type=jnp.float32)
    h_ref[...] = h
    _logits(h, as_ref, ad_ref, es_ref, ed_ref, gm_ref, mx_ref)


def _dense_body_mid(op_ref, b_ref, w_ref, as_ref, ad_ref, h_ref, es_ref,
                    ed_ref, gm_ref, mx_ref):
    act = jnp.maximum(op_ref[0] + op_ref[1] + b_ref[...].reshape(1, 128), 0.0)
    h = jnp.dot(act, w_ref[...], preferred_element_type=jnp.float32)
    h_ref[...] = h
    _logits(h, as_ref, ad_ref, es_ref, ed_ref, gm_ref, mx_ref)


_DENSE_OUT_SPECS = [
    pl.BlockSpec((BN, 128), lambda i: (i, 0)),
    pl.BlockSpec((BN // 128, 128), lambda i: (i, 0)),
    pl.BlockSpec((BN // 128, 128), lambda i: (i, 0)),
    pl.BlockSpec((1, 128), lambda i: (0, 0)),
]
_DENSE_OUT_SHAPE = [
    jax.ShapeDtypeStruct((N_PAD, 128), jnp.float32),
    jax.ShapeDtypeStruct((N_PAD // 128, 128), jnp.float32),
    jax.ShapeDtypeStruct((N_PAD // 128, 128), jnp.float32),
    jax.ShapeDtypeStruct((1, 128), jnp.float32),
]
_DENSE_SCRATCH = [pltpu.SMEM((1, 1), jnp.float32)]


def _tc_dense_first(x_pad, w, a_s, a_d):
    return pl.pallas_call(
        _dense_body_first,
        grid=(N_PAD // BN,),
        in_specs=[
            pl.BlockSpec((BN, 128), lambda i: (i, 0)),
            pl.BlockSpec((128, 128), lambda i: (0, 0)),
            pl.BlockSpec((1, 128), lambda i: (0, 0)),
            pl.BlockSpec((1, 128), lambda i: (0, 0)),
        ],
        out_specs=_DENSE_OUT_SPECS,
        out_shape=_DENSE_OUT_SHAPE,
        scratch_shapes=_DENSE_SCRATCH,
    )(x_pad, w, a_s.reshape(1, 128), a_d.reshape(1, 128))


def _tc_dense_mid(op, b, w, a_s, a_d):
    return pl.pallas_call(
        _dense_body_mid,
        grid=(N_PAD // BN,),
        in_specs=[
            pl.BlockSpec((2, BN, 128), lambda i: (0, i, 0)),
            pl.BlockSpec((1, 128), lambda i: (0, 0)),
            pl.BlockSpec((128, 128), lambda i: (0, 0)),
            pl.BlockSpec((1, 128), lambda i: (0, 0)),
            pl.BlockSpec((1, 128), lambda i: (0, 0)),
        ],
        out_specs=_DENSE_OUT_SPECS,
        out_shape=_DENSE_OUT_SHAPE,
        scratch_shapes=_DENSE_SCRATCH,
    )(op, b.reshape(1, 128), w, a_s.reshape(1, 128), a_d.reshape(1, 128))


def _pool_body(op_ref, b_ref, batch_ref, hw1_ref, hb1_ref, hw2_ref, hb2_ref,
               out_ref, acc_ref, cnt_ref):
    i = pl.program_id(0)
    nsteps = pl.num_programs(0)

    @pl.when(i == 0)
    def _():
        acc_ref[...] = jnp.zeros_like(acc_ref)
        cnt_ref[...] = jnp.zeros_like(cnt_ref)

    h3 = op_ref[0] + op_ref[1] + b_ref[...].reshape(1, 1, 128)
    batch3 = batch_ref[...]
    iota3 = lax.broadcasted_iota(jnp.int32, (GG, BN // 128, 128), 0)
    oh2 = (iota3 == batch3[None, :, :]).astype(jnp.float32).reshape(GG, BN)
    h2 = h3.reshape(BN, 128)
    acc_ref[...] += jnp.dot(oh2, h2, preferred_element_type=jnp.float32)
    cnt_ref[...] += jnp.dot(oh2, jnp.ones((BN, 128), jnp.float32),
                            preferred_element_type=jnp.float32)

    @pl.when(i == nsteps - 1)
    def _():
        pooled = acc_ref[...] / jnp.maximum(cnt_ref[...], 1.0)
        z = jnp.dot(pooled, hw1_ref[...], preferred_element_type=jnp.float32)
        z = jnp.maximum(z + hb1_ref[...].reshape(1, 128), 0.0)
        out_ref[...] = (jnp.dot(z, hw2_ref[...],
                                preferred_element_type=jnp.float32)
                        + hb2_ref[...].reshape(1, CC))


def _tc_pool(op, b, batch2d, hw1, hb1, hw2, hb2):
    return pl.pallas_call(
        _pool_body,
        grid=(N_PAD // BN,),
        in_specs=[
            pl.BlockSpec((2, BN, 128), lambda i: (0, i, 0)),
            pl.BlockSpec((1, 128), lambda i: (0, 0)),
            pl.BlockSpec((BN // 128, 128), lambda i: (i, 0)),
            pl.BlockSpec((128, 128), lambda i: (0, 0)),
            pl.BlockSpec((1, 128), lambda i: (0, 0)),
            pl.BlockSpec((128, CC), lambda i: (0, 0)),
            pl.BlockSpec((1, CC), lambda i: (0, 0)),
        ],
        out_specs=pl.BlockSpec((GG, CC), lambda i: (0, 0)),
        out_shape=jax.ShapeDtypeStruct((GG, CC), jnp.float32),
        scratch_shapes=[
            pltpu.VMEM((GG, 128), jnp.float32),
            pltpu.VMEM((GG, 128), jnp.float32),
        ],
    )(op, b.reshape(1, 128), batch2d, hw1, hb1.reshape(1, 128), hw2,
      hb2.reshape(1, CC))



def _sc_edge_body(h_hbm, es_hbm, ed_hbm, gm_hbm, src_hbm, dst_hbm, out_hbm,
                  es_v, ed_v, s_v, gidx, sidx, rows, alpha_v, gm_v, sem,
                  s_acc, o_acc):
    c = lax.axis_index("c")
    t = lax.axis_index("s")

    def _unpack(hbm, flat):
        pltpu.sync_copy(hbm, rows.at[pl.ds(0, N_PAD // 128)])

        def _cp(i, _):
            for kk in range(8):
                flat[pl.ds(i * 128 + kk * 16, 16)] = rows[i, pl.ds(kk * 16, 16)]
            return 0
        lax.fori_loop(0, N_PAD // 128, _cp, 0)

    _unpack(es_hbm, es_v)
    _unpack(ed_hbm, ed_v)

    pltpu.sync_copy(gm_hbm, gm_v)
    gvec = gm_v[0, pl.ds(0, 16)]

    def _zrows(i, _):
        rows[0, pl.ds(i * 16, 16)] = jnp.zeros((16,), jnp.float32)
        return 0
    lax.fori_loop(0, 128 * 8, _zrows, 0)
    for k in range(5):
        pltpu.sync_copy(rows.at[0],
                        s_acc.at[pl.ds(t * 640 + k * 128, 128)])
        pltpu.sync_copy(rows, o_acc.at[pl.ds(t * 640 + k * 128, 128)])
    plsc.subcore_barrier()

    base1 = t * CH

    def _wvec(j, slot):
        sv = gidx[slot, pl.ds(j * 16, 16)]
        dv = sidx[slot, pl.ds(j * 16, 16)]
        esg = plsc.load_gather(es_v, [sv])
        edg = plsc.load_gather(ed_v, [dv])
        tsum = esg + edg
        e = jnp.where(tsum > 0, tsum, 0.2 * tsum)
        bn = gvec + edg
        bnd = jnp.where(bn > 0, bn, 0.2 * bn)
        return jnp.exp(e - bnd), dv

    def _p1(blk, _):
        eb = base1 + blk * BB
        pltpu.sync_copy(src_hbm.at[pl.ds(eb, BB)], gidx.at[0])
        pltpu.sync_copy(dst_hbm.at[pl.ds(eb, BB)], sidx.at[0])

        def _vreg(j, _2):
            wv, _dv = _wvec(j, 0)
            alpha_v[pl.ds(j * 16, 16)] = wv
            return 0
        lax.fori_loop(0, BB // 16, _vreg, 0)
        pltpu.sync_copy(alpha_v, s_acc.at[sidx.at[0]], add=True)
        return 0
    lax.fori_loop(0, NBLK1, _p1, 0)

    plsc.subcore_barrier()
    pltpu.sync_copy(s_acc, s_v)

    base2 = base1 + c * SUB

    def _p2(blk, _):
        eb = base2 + blk * BB
        pltpu.sync_copy(src_hbm.at[pl.ds(eb, BB)], gidx.at[1])
        pltpu.sync_copy(dst_hbm.at[pl.ds(eb, BB)], sidx.at[1])

        def _al(j, _2):
            wv, dv = _wvec(j, 1)
            sg = plsc.load_gather(s_v, [dv])
            alpha_v[pl.ds(j * 16, 16)] = wv / (sg + 1e-16)
            return 0
        lax.fori_loop(0, BB // 16, _al, 0)

        pltpu.async_copy(h_hbm.at[gidx.at[1]], rows, sem).wait()

        def _scale(r, _2):
            av = plsc.load_gather(alpha_v, [jnp.full((16,), r, jnp.int32)])
            for kk in range(8):
                rows[r, pl.ds(kk * 16, 16)] = rows[r, pl.ds(kk * 16, 16)] * av
            return 0
        lax.fori_loop(0, BB, _scale, 0)

        pltpu.sync_copy(rows, o_acc.at[sidx.at[1]], add=True)
        return 0
    lax.fori_loop(0, NBLK2, _p2, 0)

    plsc.subcore_barrier()
    pltpu.sync_copy(o_acc.at[pl.ds(t * 640, 640)],
                    out_hbm.at[c, pl.ds(t * 640, 640)])


_SC_EDGE_CACHE = []


def _sc_edge(h, es, ed, gm, src, dst):
    if not _SC_EDGE_CACHE:
        _SC_EDGE_CACHE.append(_make_sc_edge())
    return _SC_EDGE_CACHE[0](h, es, ed, gm, src, dst)


def _make_sc_edge():
    return pl.kernel(
        _sc_edge_body,
        out_type=jax.ShapeDtypeStruct((2, N_PAD, 128), jnp.float32),
        mesh=plsc.VectorSubcoreMesh(core_axis_name="c", subcore_axis_name="s",
                                    num_cores=2, num_subcores=16),
        compiler_params=pltpu.CompilerParams(needs_layout_passes=False),
        scratch_types=[
            pltpu.VMEM((N_PAD,), jnp.float32),
            pltpu.VMEM((N_PAD,), jnp.float32),
            pltpu.VMEM((N_PAD,), jnp.float32),
            pltpu.VMEM((2, BB), jnp.int32),
            pltpu.VMEM((2, BB), jnp.int32),
            pltpu.VMEM((BB, 128), jnp.float32),
            pltpu.VMEM((BB,), jnp.float32),
            pltpu.VMEM((1, 128), jnp.float32),
            pltpu.SemaphoreType.DMA,
            pltpu.VMEM_SHARED((N_PAD,), jnp.float32),
            pltpu.VMEM_SHARED((N_PAD, 128), jnp.float32),
        ],
    )



def kernel(x, edge_index, batch_sample_indices,
           W0, asrc0, adst0, b0, W1, asrc1, adst1, b1, W2, asrc2, adst2, b2,
           hW1, hb1, hW2, hb2):
    n_extra = E_PAD - (E + N)
    pad_nodes = (jnp.arange(n_extra, dtype=jnp.int32) % (N_PAD - N - 1)) + N
    loop = jnp.arange(N, dtype=jnp.int32)
    src = jnp.concatenate([edge_index[0], loop, pad_nodes])
    dst = jnp.concatenate([edge_index[1], loop, pad_nodes])
    x_pad = jnp.pad(x, ((0, N_PAD - N), (0, 0)))
    batch2d = jnp.pad(batch_sample_indices.astype(jnp.int32),
                      (0, N_PAD - N), constant_values=GG).reshape(
                          N_PAD // 128, 128)

    h, es, ed, gm = _tc_dense_first(x_pad, W0, asrc0, adst0)
    op = _sc_edge(h, es, ed, gm, src, dst)
    h, es, ed, gm = _tc_dense_mid(op, b0, W1, asrc1, adst1)
    op = _sc_edge(h, es, ed, gm, src, dst)
    h, es, ed, gm = _tc_dense_mid(op, b1, W2, asrc2, adst2)
    op = _sc_edge(h, es, ed, gm, src, dst)
    return _tc_pool(op, b2, batch2d, hW1, hb1, hW2, hb2)

# --- scband reference (transcript-rebuilt; emitter-appended) ---
"""Pipeline reference for scband-gat-baseline-51943334478422 (READ-ONLY COPY).

The authoritative reference and input builder live on the scoring server;
editing this copy changes nothing except your own understanding.
"""

import jax, jax.numpy as jnp
import numpy as np

N = 10000
E = 320000
D = 128
H = 128
C = 16
G = 64

def setup_inputs(seed: int = 0):
    key = jax.random.key(seed)
    ks = jax.random.split(key, 24)
    inp = {}
    inp['x'] = jax.random.normal(ks[0], (N, D), dtype=jnp.float32)
    inp['edge_index'] = jax.random.randint(ks[1], (2, E), 0, N, dtype=jnp.int32)
    inp['batch_sample_indices'] = jnp.sort(jax.random.randint(ks[2], (N,), 0, G, dtype=jnp.int32))
    dims = [(D, H), (H, H), (H, H)]
    for i, (din, dout) in enumerate(dims):
        inp['W%d' % i] = jax.random.normal(ks[3 + 4 * i], (din, dout), dtype=jnp.float32) / np.sqrt(din)
        inp['asrc%d' % i] = jax.random.normal(ks[4 + 4 * i], (dout,), dtype=jnp.float32) / np.sqrt(dout)
        inp['adst%d' % i] = jax.random.normal(ks[5 + 4 * i], (dout,), dtype=jnp.float32) / np.sqrt(dout)
        inp['b%d' % i] = jnp.zeros((dout,), dtype=jnp.float32)
    inp['hW1'] = jax.random.normal(ks[16], (H, H), dtype=jnp.float32) / np.sqrt(H)
    inp['hb1'] = jnp.zeros((H,), dtype=jnp.float32)
    inp['hW2'] = jax.random.normal(ks[17], (H, C), dtype=jnp.float32) / np.sqrt(H)
    inp['hb2'] = jnp.zeros((C,), dtype=jnp.float32)
    return inp

def _gat_conv(x, src, dst, W, a_s, a_d, b):
    n = x.shape[0]
    h = x @ W
    e = (h @ a_s)[src] + (h @ a_d)[dst]
    e = jax.nn.leaky_relu(e, negative_slope=0.2)
    m = jax.ops.segment_max(e, dst, num_segments=n)
    ex = jnp.exp(e - m[dst])
    s = jax.ops.segment_sum(ex, dst, num_segments=n)
    alpha = ex / (s[dst] + 1e-16)
    out = jax.ops.segment_sum(alpha[:, None] * h[src], dst, num_segments=n)
    return out + b

def reference(x, edge_index, batch_sample_indices, W0, asrc0, adst0, b0, W1, asrc1, adst1, b1, W2, asrc2, adst2, b2, hW1, hb1, hW2, hb2):
    n = x.shape[0]
    loop = jnp.arange(n, dtype=edge_index.dtype)
    src = jnp.concatenate([edge_index[0], loop])
    dst = jnp.concatenate([edge_index[1], loop])
    h = jax.nn.relu(_gat_conv(x, src, dst, W0, asrc0, adst0, b0))
    h = jax.nn.relu(_gat_conv(h, src, dst, W1, asrc1, adst1, b1))
    h = _gat_conv(h, src, dst, W2, asrc2, adst2, b2)
    seg = jax.ops.segment_sum(h, batch_sample_indices, num_segments=G)
    cnt = jax.ops.segment_sum(jnp.ones((n,), dtype=h.dtype), batch_sample_indices, num_segments=G)
    pooled = seg / jnp.maximum(cnt, 1.0)[:, None]
    z = jax.nn.relu(pooled @ hW1 + hb1)
    return z @ hW2 + hb2

if __name__ == "__main__":
    import jax
    _d = setup_inputs()
    print(jax.jit(kernel)(*tuple(_d.values())))

</pallas_src>

<mosaic_0001>
#map = affine_map<(d0, d1) -> (0, 0)>
#map1 = affine_map<(d0, d1) -> (0)>
#map2 = affine_map<(d0, d1) -> (0, 0, 0)>
module attributes {stable_mosaic.version = 14 : i64} {
  func.func @_sc_edge_body(%arg0: i32, %arg1: i32, %arg2: memref<10240x128xf32, #tpu.memory_space<hbm>>, %arg3: memref<80x128xf32, #tpu.memory_space<hbm>>, %arg4: memref<80x128xf32, #tpu.memory_space<hbm>>, %arg5: memref<1x128xf32, #tpu.memory_space<hbm>>, %arg6: memref<331776xi32, #tpu.memory_space<hbm>>, %arg7: memref<331776xi32, #tpu.memory_space<hbm>>, %arg8: memref<2x10240x128xf32, #tpu.memory_space<hbm>>, %arg9: memref<10240xf32, #tpu.memory_space<vmem>>, %arg10: memref<10240xf32, #tpu.memory_space<vmem>>, %arg11: memref<10240xf32, #tpu.memory_space<vmem>>, %arg12: memref<2x128xi32, #tpu.memory_space<vmem>>, %arg13: memref<2x128xi32, #tpu.memory_space<vmem>>, %arg14: memref<128x128xf32, #tpu.memory_space<vmem>>, %arg15: memref<128xf32, #tpu.memory_space<vmem>>, %arg16: memref<1x128xf32, #tpu.memory_space<vmem>>, %arg17: memref<!tpu.dma_semaphore, #tpu.memory_space<semaphore_mem>>, %arg18: memref<10240xf32, #tpu.memory_space<vmem_shared>>, %arg19: memref<10240x128xf32, #tpu.memory_space<vmem_shared>>) attributes {dimension_semantics = [#tpu.dimension_semantics<core_parallel>, #tpu.dimension_semantics<subcore_parallel>], iteration_bounds = array<i64: 2, 16>, scalar_prefetch = 0 : i64, scratch_operands = 11 : i64, tpu.core_type = #tpu.core_type<sc_vector_subcore>, window_params = [{transform_indices = #map}, {transform_indices = #map}, {transform_indices = #map}, {transform_indices = #map}, {transform_indices = #map1}, {transform_indices = #map1}, {transform_indices = #map2}]} {
    "tpu.region"() ({
      %run_scoped3A_90 = tpu.sem_alloc : memref<!tpu.dma_semaphore, #tpu.memory_space<semaphore_mem>>
      %dma_start3A = arith.constant 0 : i32
      %dma_start3A_91 = arith.constant 0 : i32
      %dma_start3A_92 = tpu.memref_slice %arg14[%dma_start3A, %dma_start3A_91] : memref<128x128xf32, #tpu.memory_space<vmem>> -> memref<80x128xf32, #tpu.memory_space<vmem>>
      %dma_start3A_93 = arith.constant 0 : i32
      %dma_start3A_94 = arith.constant 0 : i32
      %dma_start3A_95 = tpu.memref_slice %arg14[%dma_start3A_93, %dma_start3A_94] : memref<128x128xf32, #tpu.memory_space<vmem>> -> memref<80x128xf32, #tpu.memory_space<vmem>>
      tpu.enqueue_dma source(%arg3 : memref<80x128xf32, #tpu.memory_space<hbm>>) target(%dma_start3A_95 : memref<80x128xf32, #tpu.memory_space<vmem>>) target_semaphore(%run_scoped3A_90 : memref<!tpu.dma_semaphore, #tpu.memory_space<semaphore_mem>>)
      %dma_wait3A = arith.constant 0 : i32
      %dma_wait3A_96 = arith.constant 0 : i32
      %dma_wait3A_97 = tpu.memref_slice %arg14[%dma_wait3A, %dma_wait3A_96] : memref<128x128xf32, #tpu.memory_space<vmem>> -> memref<80x128xf32, #tpu.memory_space<vmem>>
      %dma_wait3A_98 = arith.constant 0 : i32
      %dma_wait3A_99 = arith.constant 0 : i32
      %dma_wait3A_100 = tpu.memref_slice %arg14[%dma_wait3A_98, %dma_wait3A_99] : memref<128x128xf32, #tpu.memory_space<vmem>> -> memref<80x128xf32, #tpu.memory_space<vmem>>
      tpu.wait_dma2 semaphore(%run_scoped3A_90 : memref<!tpu.dma_semaphore, #tpu.memory_space<semaphore_mem>>) src(%arg3 : memref<80x128xf32, #tpu.memory_space<hbm>>) dst(%dma_wait3A_100 : memref<80x128xf32, #tpu.memory_space<vmem>>)
      tpu.yield
    }) : () -> ()
    %scan3A = arith.constant 0 : i32
    %scan3A_0 = arith.constant 0 : i32
    %scan3A_1 = arith.constant 80 : i32
    %scan3A_2 = arith.addi %scan3A_0, %scan3A_1 : i32
    %scan3A_3 = arith.constant 1 : i32
    %scan3A_4 = scf.for %scan3A_90 = %scan3A_0 to %scan3A_2 step %scan3A_3 iter_args(%scan3A_91 = %scan3A) -> (i32)  : i32 {
      %get3A_92 = arith.index_cast %scan3A_90 : i32 to index
      %get3A_93 = arith.constant 0 : index
      %get3A_94 = tpu.vector_load %arg14[%get3A_92, %get3A_93] {strides = array<i32>} : memref<128x128xf32, #tpu.memory_space<vmem>>, vector<16xf32>,
      %mul3A_95 = arith.constant 128 : i32
      %mul3A_96 = arith.muli %scan3A_90, %mul3A_95 : i32
      %add3A_97 = arith.constant 0 : i32
      %add3A_98 = arith.addi %mul3A_96, %add3A_97 : i32
      %swap3A = arith.index_cast %add3A_98 : i32 to index
      %swap3A_99 = tpu.vector_load %arg9[%swap3A] {strides = array<i32>} : memref<10240xf32, #tpu.memory_space<vmem>>, vector<16xf32>,
      tpu.vector_store %arg9[%swap3A], %get3A_94 {strides = array<i32>} : memref<10240xf32, #tpu.memory_space<vmem>>, vector<16xf32>,
      %get3A_100 = arith.index_cast %scan3A_90 : i32 to index
      %get3A_101 = arith.constant 16 : index
      %get3A_102 = tpu.vector_load %arg14[%get3A_100, %get3A_101] {strides = array<i32>} : memref<128x128xf32, #tpu.memory_space<vmem>>, vector<16xf32>,
      %mul3A_103 = arith.constant 128 : i32
      %mul3A_104 = arith.muli %scan3A_90, %mul3A_103 : i32
      %add3A_105 = arith.constant 16 : i32
      %add3A_106 = arith.addi %mul3A_104, %add3A_105 : i32
      %swap3A_107 = arith.index_cast %add3A_106 : i32 to index
      %swap3A_108 = tpu.vector_load %arg9[%swap3A_107] {strides = array<i32>} : memref<10240xf32, #tpu.memory_space<vmem>>, vector<16xf32>,
      tpu.vector_store %arg9[%swap3A_107], %get3A_102 {strides = array<i32>} : memref<10240xf32, #tpu.memory_space<vmem>>, vector<16xf32>,
      %get3A_109 = arith.index_cast %scan3A_90 : i32 to index
      %get3A_110 = arith.constant 32 : index
      %get3A_111 = tpu.vector_load %arg14[%get3A_109, %get3A_110] {strides = array<i32>} : memref<128x128xf32, #tpu.memory_space<vmem>>, vector<16xf32>,
      %mul3A_112 = arith.constant 128 : i32
      %mul3A_113 = arith.muli %scan3A_90, %mul3A_112 : i32
      %add3A_114 = arith.constant 32 : i32
      %add3A_115 = arith.addi %mul3A_113, %add3A_114 : i32
      %swap3A_116 = arith.index_cast %add3A_115 : i32 to index
      %swap3A_117 = tpu.vector_load %arg9[%swap3A_116] {strides = array<i32>} : memref<10240xf32, #tpu.memory_space<vmem>>, vector<16xf32>,
      tpu.vector_store %arg9[%swap3A_116], %get3A_111 {strides = array<i32>} : memref<10240xf32, #tpu.memory_space<vmem>>, vector<16xf32>,
      %get3A_118 = arith.index_cast %scan3A_90 : i32 to index
      %get3A_119 = arith.constant 48 : index
      %get3A_120 = tpu.vector_load %arg14[%get3A_118, %get3A_119] {strides = array<i32>} : memref<128x128xf32, #tpu.memory_space<vmem>>, vector<16xf32>,
      %mul3A_121 = arith.constant 128 : i32
      %mul3A_122 = arith.muli %scan3A_90, %mul3A_121 : i32
      %add3A_123 = arith.constant 48 : i32
      %add3A_124 = arith.addi %mul3A_122, %add3A_123 : i32
      %swap3A_125 = arith.index_cast %add3A_124 : i32 to index
      %swap3A_126 = tpu.vector_load %arg9[%swap3A_125] {strides = array<i32>} : memref<10240xf32, #tpu.memory_space<vmem>>, vector<16xf32>,
      tpu.vector_store %arg9[%swap3A_125], %get3A_120 {strides = array<i32>} : memref<10240xf32, #tpu.memory_space<vmem>>, vector<16xf32>,
      %get3A_127 = arith.index_cast %scan3A_90 : i32 to index
      %get3A_128 = arith.constant 64 : index
      %get3A_129 = tpu.vector_load %arg14[%get3A_127, %get3A_128] {strides = array<i32>} : memref<128x128xf32, #tpu.memory_space<vmem>>, vector<16xf32>,
      %mul3A_130 = arith.constant 128 : i32
      %mul3A_131 = arith.muli %scan3A_90, %mul3A_130 : i32
      %add3A_132 = arith.constant 64 : i32
      %add3A_133 = arith.addi %mul3A_131, %add3A_132 : i32
      %swap3A_134 = arith.index_cast %add3A_133 : i32 to index
      %swap3A_135 = tpu.vector_load %arg9[%swap3A_134] {strides = array<i32>} : memref<10240xf32, #tpu.memory_space<vmem>>, vector<16xf32>,
      tpu.vector_store %arg9[%swap3A_134], %get3A_129 {strides = array<i32>} : memref<10240xf32, #tpu.memory_space<vmem>>, vector<16xf32>,
      %get3A_136 = arith.index_cast %scan3A_90 : i32 to index
      %get3A_137 = arith.constant 80 : index
      %get3A_138 = tpu.vector_load %arg14[%get3A_136, %get3A_137] {strides = array<i32>} : memref<128x128xf32, #tpu.memory_space<vmem>>, vector<16xf32>,
      %mul3A_139 = arith.constant 128 : i32
      %mul3A_140 = arith.muli %scan3A_90, %mul3A_139 : i32
      %add3A_141 = arith.constant 80 : i32
      %add3A_142 = arith.addi %mul3A_140, %add3A_141 : i32
      %swap3A_143 = arith.index_cast %add3A_142 : i32 to index
      %swap3A_144 = tpu.vector_load %arg9[%swap3A_143] {strides = array<i32>} : memref<10240xf32, #tpu.memory_space<vmem>>, vector<16xf32>,
      tpu.vector_store %arg9[%swap3A_143], %get3A_138 {strides = array<i32>} : memref<10240xf32, #tpu.memory_space<vmem>>, vector<16xf32>,
      %get3A_145 = arith.index_cast %scan3A_90 : i32 to index
      %get3A_146 = arith.constant 96 : index
      %get3A_147 = tpu.vector_load %arg14[%get3A_145, %get3A_146] {strides = array<i32>} : memref<128x128xf32, #tpu.memory_space<vmem>>, vector<16xf32>,
      %mul3A_148 = arith.constant 128 : i32
      %mul3A_149 = arith.muli %scan3A_90, %mul3A_148 : i32
      %add3A_150 = arith.constant 96 : i32
      %add3A_151 = arith.addi %mul3A_149, %add3A_150 : i32
      %swap3A_152 = arith.index_cast %add3A_151 : i32 to index
      %swap3A_153 = tpu.vector_load %arg9[%swap3A_152] {strides = array<i32>} : memref<10240xf32, #tpu.memory_space<vmem>>, vector<16xf32>,
      tpu.vector_store %arg9[%swap3A_152], %get3A_147 {strides = array<i32>} : memref<10240xf32, #tpu.memory_space<vmem>>, vector<16xf32>,
      %get3A_154 = arith.index_cast %scan3A_90 : i32 to index
      %get3A_155 = arith.constant 112 : index
      %get3A_156 = tpu.vector_load %arg14[%get3A_154, %get3A_155] {strides = array<i32>} : memref<128x128xf32, #tpu.memory_space<vmem>>, vector<16xf32>,
      %mul3A_157 = arith.constant 128 : i32
      %mul3A_158 = arith.muli %scan3A_90, %mul3A_157 : i32
      %add3A_159 = arith.constant 112 : i32
      %add3A_160 = arith.addi %mul3A_158, %add3A_159 : i32
      %swap3A_161 = arith.index_cast %add3A_160 : i32 to index
      %swap3A_162 = tpu.vector_load %arg9[%swap3A_161] {strides = array<i32>} : memref<10240xf32, #tpu.memory_space<vmem>>, vector<16xf32>,
      tpu.vector_store %arg9[%swap3A_161], %get3A_156 {strides = array<i32>} : memref<10240xf32, #tpu.memory_space<vmem>>, vector<16xf32>,
      %scan3A_163 = arith.constant 0 : i32
      scf.yield %scan3A_163 : i32
    }
    %scan3A_5 = arith.constant 80 : i32
    "tpu.region"() ({
      %run_scoped3A_90 = tpu.sem_alloc : memref<!tpu.dma_semaphore, #tpu.memory_space<semaphore_mem>>
      %dma_start3A = arith.constant 0 : i32
      %dma_start3A_91 = arith.constant 0 : i32
      %dma_start3A_92 = tpu.memref_slice %arg14[%dma_start3A, %dma_start3A_91] : memref<128x128xf32, #tpu.memory_space<vmem>> -> memref<80x128xf32, #tpu.memory_space<vmem>>
      %dma_start3A_93 = arith.constant 0 : i32
      %dma_start3A_94 = arith.constant 0 : i32
      %dma_start3A_95 = tpu.memref_slice %arg14[%dma_start3A_93, %dma_start3A_94] : memref<128x128xf32, #tpu.memory_space<vmem>> -> memref<80x128xf32, #tpu.memory_space<vmem>>
      tpu.enqueue_dma source(%arg4 : memref<80x128xf32, #tpu.memory_space<hbm>>) target(%dma_start3A_95 : memref<80x128xf32, #tpu.memory_space<vmem>>) target_semaphore(%run_scoped3A_90 : memref<!tpu.dma_semaphore, #tpu.memory_space<semaphore_mem>>)
      %dma_wait3A = arith.constant 0 : i32
      %dma_wait3A_96 = arith.constant 0 : i32
      %dma_wait3A_97 = tpu.memref_slice %arg14[%dma_wait3A, %dma_wait3A_96] : memref<128x128xf32, #tpu.memory_space<vmem>> -> memref<80x128xf32, #tpu.memory_space<vmem>>
      %dma_wait3A_98 = arith.constant 0 : i32
      %dma_wait3A_99 = arith.constant 0 : i32
      %dma_wait3A_100 = tpu.memref_slice %arg14[%dma_wait3A_98, %dma_wait3A_99] : memref<128x128xf32, #tpu.memory_space<vmem>> -> memref<80x128xf32, #tpu.memory_space<vmem>>
      tpu.wait_dma2 semaphore(%run_scoped3A_90 : memref<!tpu.dma_semaphore, #tpu.memory_space<semaphore_mem>>) src(%arg4 : memref<80x128xf32, #tpu.memory_space<hbm>>) dst(%dma_wait3A_100 : memref<80x128xf32, #tpu.memory_space<vmem>>)
      tpu.yield
    }) : () -> ()
    %scan3A_6 = arith.constant 0 : i32
    %scan3A_7 = arith.constant 0 : i32
    %scan3A_8 = arith.constant 80 : i32
    %scan3A_9 = arith.addi %scan3A_7, %scan3A_8 : i32
    %scan3A_10 = arith.constant 1 : i32
    %scan3A_11 = scf.for %scan3A_90 = %scan3A_7 to %scan3A_9 step %scan3A_10 iter_args(%scan3A_91 = %scan3A_6) -> (i32)  : i32 {
      %get3A_92 = arith.index_cast %scan3A_90 : i32 to index
      %get3A_93 = arith.constant 0 : index
      %get3A_94 = tpu.vector_load %arg14[%get3A_92, %get3A_93] {strides = array<i32>} : memref<128x128xf32, #tpu.memory_space<vmem>>, vector<16xf32>,
      %mul3A_95 = arith.constant 128 : i32
      %mul3A_96 = arith.muli %scan3A_90, %mul3A_95 : i32
      %add3A_97 = arith.constant 0 : i32
      %add3A_98 = arith.addi %mul3A_96, %add3A_97 : i32
      %swap3A = arith.index_cast %add3A_98 : i32 to index
      %swap3A_99 = tpu.vector_load %arg10[%swap3A] {strides = array<i32>} : memref<10240xf32, #tpu.memory_space<vmem>>, vector<16xf32>,
      tpu.vector_store %arg10[%swap3A], %get3A_94 {strides = array<i32>} : memref<10240xf32, #tpu.memory_space<vmem>>, vector<16xf32>,
      %get3A_100 = arith.index_cast %scan3A_90 : i32 to index
      %get3A_101 = arith.constant 16 : index
      %get3A_102 = tpu.vector_load %arg14[%get3A_100, %get3A_101] {strides = array<i32>} : memref<128x128xf32, #tpu.memory_space<vmem>>, vector<16xf32>,
      %mul3A_103 = arith.constant 128 : i32
      %mul3A_104 = arith.muli %scan3A_90, %mul3A_103 : i32
      %add3A_105 = arith.constant 16 : i32
      %add3A_106 = arith.addi %mul3A_104, %add3A_105 : i32
      %swap3A_107 = arith.index_cast %add3A_106 : i32 to index
      %swap3A_108 = tpu.vector_load %arg10[%swap3A_107] {strides = array<i32>} : memref<10240xf32, #tpu.memory_space<vmem>>, vector<16xf32>,
      tpu.vector_store %arg10[%swap3A_107], %get3A_102 {strides = array<i32>} : memref<10240xf32, #tpu.memory_space<vmem>>, vector<16xf32>,
      %get3A_109 = arith.index_cast %scan3A_90 : i32 to index
      %get3A_110 = arith.constant 32 : index
      %get3A_111 = tpu.vector_load %arg14[%get3A_109, %get3A_110] {strides = array<i32>} : memref<128x128xf32, #tpu.memory_space<vmem>>, vector<16xf32>,
      %mul3A_112 = arith.constant 128 : i32
      %mul3A_113 = arith.muli %scan3A_90, %mul3A_112 : i32
      %add3A_114 = arith.constant 32 : i32
      %add3A_115 = arith.addi %mul3A_113, %add3A_114 : i32
      %swap3A_116 = arith.index_cast %add3A_115 : i32 to index
      %swap3A_117 = tpu.vector_load %arg10[%swap3A_116] {strides = array<i32>} : memref<10240xf32, #tpu.memory_space<vmem>>, vector<16xf32>,
      tpu.vector_store %arg10[%swap3A_116], %get3A_111 {strides = array<i32>} : memref<10240xf32, #tpu.memory_space<vmem>>, vector<16xf32>,
      %get3A_118 = arith.index_cast %scan3A_90 : i32 to index
      %get3A_119 = arith.constant 48 : index
      %get3A_120 = tpu.vector_load %arg14[%get3A_118, %get3A_119] {strides = array<i32>} : memref<128x128xf32, #tpu.memory_space<vmem>>, vector<16xf32>,
      %mul3A_121 = arith.constant 128 : i32
      %mul3A_122 = arith.muli %scan3A_90, %mul3A_121 : i32
      %add3A_123 = arith.constant 48 : i32
      %add3A_124 = arith.addi %mul3A_122, %add3A_123 : i32
      %swap3A_125 = arith.index_cast %add3A_124 : i32 to index
      %swap3A_126 = tpu.vector_load %arg10[%swap3A_125] {strides = array<i32>} : memref<10240xf32, #tpu.memory_space<vmem>>, vector<16xf32>,
      tpu.vector_store %arg10[%swap3A_125], %get3A_120 {strides = array<i32>} : memref<10240xf32, #tpu.memory_space<vmem>>, vector<16xf32>,
      %get3A_127 = arith.index_cast %scan3A_90 : i32 to index
      %get3A_128 = arith.constant 64 : index
      %get3A_129 = tpu.vector_load %arg14[%get3A_127, %get3A_128] {strides = array<i32>} : memref<128x128xf32, #tpu.memory_space<vmem>>, vector<16xf32>,
      %mul3A_130 = arith.constant 128 : i32
      %mul3A_131 = arith.muli %scan3A_90, %mul3A_130 : i32
      %add3A_132 = arith.constant 64 : i32
      %add3A_133 = arith.addi %mul3A_131, %add3A_132 : i32
      %swap3A_134 = arith.index_cast %add3A_133 : i32 to index
      %swap3A_135 = tpu.vector_load %arg10[%swap3A_134] {strides = array<i32>} : memref<10240xf32, #tpu.memory_space<vmem>>, vector<16xf32>,
      tpu.vector_store %arg10[%swap3A_134], %get3A_129 {strides = array<i32>} : memref<10240xf32, #tpu.memory_space<vmem>>, vector<16xf32>,
      %get3A_136 = arith.index_cast %scan3A_90 : i32 to index
      %get3A_137 = arith.constant 80 : index
      %get3A_138 = tpu.vector_load %arg14[%get3A_136, %get3A_137] {strides = array<i32>} : memref<128x128xf32, #tpu.memory_space<vmem>>, vector<16xf32>,
      %mul3A_139 = arith.constant 128 : i32
      %mul3A_140 = arith.muli %scan3A_90, %mul3A_139 : i32
      %add3A_141 = arith.constant 80 : i32
      %add3A_142 = arith.addi %mul3A_140, %add3A_141 : i32
      %swap3A_143 = arith.index_cast %add3A_142 : i32 to index
      %swap3A_144 = tpu.vector_load %arg10[%swap3A_143] {strides = array<i32>} : memref<10240xf32, #tpu.memory_space<vmem>>, vector<16xf32>,
      tpu.vector_store %arg10[%swap3A_143], %get3A_138 {strides = array<i32>} : memref<10240xf32, #tpu.memory_space<vmem>>, vector<16xf32>,
      %get3A_145 = arith.index_cast %scan3A_90 : i32 to index
      %get3A_146 = arith.constant 96 : index
      %get3A_147 = tpu.vector_load %arg14[%get3A_145, %get3A_146] {strides = array<i32>} : memref<128x128xf32, #tpu.memory_space<vmem>>, vector<16xf32>,
      %mul3A_148 = arith.constant 128 : i32
      %mul3A_149 = arith.muli %scan3A_90, %mul3A_148 : i32
      %add3A_150 = arith.constant 96 : i32
      %add3A_151 = arith.addi %mul3A_149, %add3A_150 : i32
      %swap3A_152 = arith.index_cast %add3A_151 : i32 to index
      %swap3A_153 = tpu.vector_load %arg10[%swap3A_152] {strides = array<i32>} : memref<10240xf32, #tpu.memory_space<vmem>>, vector<16xf32>,
      tpu.vector_store %arg10[%swap3A_152], %get3A_147 {strides = array<i32>} : memref<10240xf32, #tpu.memory_space<vmem>>, vector<16xf32>,
      %get3A_154 = arith.index_cast %scan3A_90 : i32 to index
      %get3A_155 = arith.constant 112 : index
      %get3A_156 = tpu.vector_load %arg14[%get3A_154, %get3A_155] {strides = array<i32>} : memref<128x128xf32, #tpu.memory_space<vmem>>, vector<16xf32>,
      %mul3A_157 = arith.constant 128 : i32
      %mul3A_158 = arith.muli %scan3A_90, %mul3A_157 : i32
      %add3A_159 = arith.constant 112 : i32
      %add3A_160 = arith.addi %mul3A_158, %add3A_159 : i32
      %swap3A_161 = arith.index_cast %add3A_160 : i32 to index
      %swap3A_162 = tpu.vector_load %arg10[%swap3A_161] {strides = array<i32>} : memref<10240xf32, #tpu.memory_space<vmem>>, vector<16xf32>,
      tpu.vector_store %arg10[%swap3A_161], %get3A_156 {strides = array<i32>} : memref<10240xf32, #tpu.memory_space<vmem>>, vector<16xf32>,
      %scan3A_163 = arith.constant 0 : i32
      scf.yield %scan3A_163 : i32
    }
    %scan3A_12 = arith.constant 80 : i32
    "tpu.region"() ({
      %run_scoped3A_90 = tpu.sem_alloc : memref<!tpu.dma_semaphore, #tpu.memory_space<semaphore_mem>>
      tpu.enqueue_dma source(%arg5 : memref<1x128xf32, #tpu.memory_space<hbm>>) target(%arg16 : memref<1x128xf32, #tpu.memory_space<vmem>>) target_semaphore(%run_scoped3A_90 : memref<!tpu.dma_semaphore, #tpu.memory_space<semaphore_mem>>)
      tpu.wait_dma2 semaphore(%run_scoped3A_90 : memref<!tpu.dma_semaphore, #tpu.memory_space<semaphore_mem>>) src(%arg5 : memref<1x128xf32, #tpu.memory_space<hbm>>) dst(%arg16 : memref<1x128xf32, #tpu.memory_space<vmem>>)
      tpu.yield
    }) : () -> ()
    %get3A = arith.constant 0 : i32
    %get3A_13 = arith.index_cast %get3A : i32 to index
    %get3A_14 = arith.constant 0 : index
    %get3A_15 = tpu.vector_load %arg16[%get3A_13, %get3A_14] {strides = array<i32>} : memref<1x128xf32, #tpu.memory_space<vmem>>, vector<16xf32>,
    %scan3A_16 = arith.constant 0 : i32
    %scan3A_17 = arith.constant 0 : i32
    %scan3A_18 = arith.constant 1024 : i32
    %scan3A_19 = arith.addi %scan3A_17, %scan3A_18 : i32
    %scan3A_20 = arith.constant 1 : i32
    %scan3A_21 = scf.for %scan3A_90 = %scan3A_17 to %scan3A_19 step %scan3A_20 iter_args(%scan3A_91 = %scan3A_16) -> (i32)  : i32 {
      %broadcast_in_dim3A = arith.constant 0.000000e+00 : f32
      %broadcast_in_dim3A_92 = vector.broadcast %broadcast_in_dim3A : f32 to vector<16xf32>
      %mul3A_93 = arith.constant 16 : i32
      %mul3A_94 = arith.muli %scan3A_90, %mul3A_93 : i32
      %swap3A = arith.constant 0 : i32
      %swap3A_95 = arith.index_cast %swap3A : i32 to index
      %swap3A_96 = arith.index_cast %mul3A_94 : i32 to index
      %swap3A_97 = tpu.vector_load %arg14[%swap3A_95, %swap3A_96] {strides = array<i32>} : memref<128x128xf32, #tpu.memory_space<vmem>>, vector<16xf32>,
      tpu.vector_store %arg14[%swap3A_95, %swap3A_96], %broadcast_in_dim3A_92 {strides = array<i32>} : memref<128x128xf32, #tpu.memory_space<vmem>>, vector<16xf32>,
      %scan3A_98 = arith.constant 0 : i32
      scf.yield %scan3A_98 : i32
    }
    %scan3A_22 = arith.constant 1024 : i32
    %mul3A = arith.constant 640 : i32
    %mul3A_23 = arith.muli %arg1, %mul3A : i32
    %add3A = arith.constant 0 : i32
    %add3A_24 = arith.addi %mul3A_23, %add3A : i32
    %run_scoped3A = arith.constant 0 : i32
    "tpu.region"() ({
      %run_scoped3A_90 = tpu.sem_alloc : memref<!tpu.dma_semaphore, #tpu.memory_space<semaphore_mem>>
      %dma_start3A = arith.constant 0 : i32
      %dma_start3A_91 = tpu.memref_slice %arg14[%run_scoped3A, %dma_start3A] : memref<128x128xf32, #tpu.memory_space<vmem>> -> memref<1x128xf32, #tpu.memory_space<vmem>>
      %dma_start3A_92 = tpu.memref_squeeze %dma_start3A_91 : memref<1x128xf32, #tpu.memory_space<vmem>> -> memref<128xf32, #tpu.memory_space<vmem>>
      %dma_start3A_93 = tpu.memref_slice %arg18[%add3A_24] : memref<10240xf32, #tpu.memory_space<vmem_shared>> -> memref<128xf32, #tpu.memory_space<vmem_shared>>
      %dma_start3A_94 = tpu.memref_slice %arg18[%add3A_24] : memref<10240xf32, #tpu.memory_space<vmem_shared>> -> memref<128xf32, #tpu.memory_space<vmem_shared>>
      %dma_start3A_95 = arith.constant 0 : i32
      %dma_start3A_96 = tpu.memref_slice %arg14[%run_scoped3A, %dma_start3A_95] : memref<128x128xf32, #tpu.memory_space<vmem>> -> memref<1x128xf32, #tpu.memory_space<vmem>>
      %dma_start3A_97 = tpu.memref_squeeze %dma_start3A_96 : memref<1x128xf32, #tpu.memory_space<vmem>> -> memref<128xf32, #tpu.memory_space<vmem>>
      tpu.enqueue_dma source(%dma_start3A_97 : memref<128xf32, #tpu.memory_space<vmem>>) target(%dma_start3A_94 : memref<128xf32, #tpu.memory_space<vmem_shared>>) target_semaphore(%run_scoped3A_90 : memref<!tpu.dma_semaphore, #tpu.memory_space<semaphore_mem>>)
      %dma_wait3A = arith.constant 0 : i32
      %dma_wait3A_98 = tpu.memref_slice %arg14[%run_scoped3A, %dma_wait3A] : memref<128x128xf32, #tpu.memory_space<vmem>> -> memref<1x128xf32, #tpu.memory_space<vmem>>
      %dma_wait3A_99 = tpu.memref_squeeze %dma_wait3A_98 : memref<1x128xf32, #tpu.memory_space<vmem>> -> memref<128xf32, #tpu.memory_space<vmem>>
      %dma_wait3A_100 = tpu.memref_slice %arg18[%add3A_24] : memref<10240xf32, #tpu.memory_space<vmem_shared>> -> memref<128xf32, #tpu.memory_space<vmem_shared>>
      %dma_wait3A_101 = tpu.memref_slice %arg18[%add3A_24] : memref<10240xf32, #tpu.memory_space<vmem_shared>> -> memref<128xf32, #tpu.memory_space<vmem_shared>>
      %dma_wait3A_102 = arith.constant 0 : i32
      %dma_wait3A_103 = tpu.memref_slice %arg14[%run_scoped3A, %dma_wait3A_102] : memref<128x128xf32, #tpu.memory_space<vmem>> -> memref<1x128xf32, #tpu.memory_space<vmem>>
      %dma_wait3A_104 = tpu.memref_squeeze %dma_wait3A_103 : memref<1x128xf32, #tpu.memory_space<vmem>> -> memref<128xf32, #tpu.memory_space<vmem>>
      tpu.wait_dma2 semaphore(%run_scoped3A_90 : memref<!tpu.dma_semaphore, #tpu.memory_space<semaphore_mem>>) src(%dma_wait3A_104 : memref<128xf32, #tpu.memory_space<vmem>>) dst(%dma_wait3A_101 : memref<128xf32, #tpu.memory_space<vmem_shared>>)
      tpu.yield
    }) : () -> ()
    %mul3A_25 = arith.constant 640 : i32
    %mul3A_26 = arith.muli %arg1, %mul3A_25 : i32
    %add3A_27 = arith.constant 0 : i32
    %add3A_28 = arith.addi %mul3A_26, %add3A_27 : i32
    "tpu.region"() ({
      %run_scoped3A_90 = tpu.sem_alloc : memref<!tpu.dma_semaphore, #tpu.memory_space<semaphore_mem>>
      %dma_start3A = arith.constant 0 : i32
      %dma_start3A_91 = tpu.memref_slice %arg19[%add3A_28, %dma_start3A] : memref<10240x128xf32, #tpu.memory_space<vmem_shared>> -> memref<128x128xf32, #tpu.memory_space<vmem_shared>>
      %dma_start3A_92 = arith.constant 0 : i32
      %dma_start3A_93 = tpu.memref_slice %arg19[%add3A_28, %dma_start3A_92] : memref<10240x128xf32, #tpu.memory_space<vmem_shared>> -> memref<128x128xf32, #tpu.memory_space<vmem_shared>>
      tpu.enqueue_dma source(%arg14 : memref<128x128xf32, #tpu.memory_space<vmem>>) target(%dma_start3A_93 : memref<128x128xf32, #tpu.memory_space<vmem_shared>>) target_semaphore(%run_scoped3A_90 : memref<!tpu.dma_semaphore, #tpu.memory_space<semaphore_mem>>)
      %dma_wait3A = arith.constant 0 : i32
      %dma_wait3A_94 = tpu.memref_slice %arg19[%add3A_28, %dma_wait3A] : memref<10240x128xf32, #tpu.memory_space<vmem_shared>> -> memref<128x128xf32, #tpu.memory_space<vmem_shared>>
      %dma_wait3A_95 = arith.constant 0 : i32
      %dma_wait3A_96 = tpu.memref_slice %arg19[%add3A_28, %dma_wait3A_95] : memref<10240x128xf32, #tpu.memory_space<vmem_shared>> -> memref<128x128xf32, #tpu.memory_space<vmem_shared>>
      tpu.wait_dma2 semaphore(%run_scoped3A_90 : memref<!tpu.dma_semaphore, #tpu.memory_space<semaphore_mem>>) src(%arg14 : memref<128x128xf32, #tpu.memory_space<vmem>>) dst(%dma_wait3A_96 : memref<128x128xf32, #tpu.memory_space<vmem_shared>>)
      tpu.yield
    }) : () -> ()
    %mul3A_29 = arith.constant 640 : i32
    %mul3A_30 = arith.muli %arg1, %mul3A_29 : i32
    %add3A_31 = arith.constant 128 : i32
    %add3A_32 = arith.addi %mul3A_30, %add3A_31 : i32
    %run_scoped3A_33 = arith.constant 0 : i32
    "tpu.region"() ({
      %run_scoped3A_90 = tpu.sem_alloc : memref<!tpu.dma_semaphore, #tpu.memory_space<semaphore_mem>>
      %dma_start3A = arith.constant 0 : i32
      %dma_start3A_91 = tpu.memref_slice %arg14[%run_scoped3A_33, %dma_start3A] : memref<128x128xf32, #tpu.memory_space<vmem>> -> memref<1x128xf32, #tpu.memory_space<vmem>>
      %dma_start3A_92 = tpu.memref_squeeze %dma_start3A_91 : memref<1x128xf32, #tpu.memory_space<vmem>> -> memref<128xf32, #tpu.memory_space<vmem>>
      %dma_start3A_93 = tpu.memref_slice %arg18[%add3A_32] : memref<10240xf32, #tpu.memory_space<vmem_shared>> -> memref<128xf32, #tpu.memory_space<vmem_shared>>
      %dma_start3A_94 = tpu.memref_slice %arg18[%add3A_32] : memref<10240xf32, #tpu.memory_space<vmem_shared>> -> memref<128xf32, #tpu.memory_space<vmem_shared>>
      %dma_start3A_95 = arith.constant 0 : i32
      %dma_start3A_96 = tpu.memref_slice %arg14[%run_scoped3A_33, %dma_start3A_95] : memref<128x128xf32, #tpu.memory_space<vmem>> -> memref<1x128xf32, #tpu.memory_space<vmem>>
      %dma_start3A_97 = tpu.memref_squeeze %dma_start3A_96 : memref<1x128xf32, #tpu.memory_space<vmem>> -> memref<128xf32, #tpu.memory_space<vmem>>
      tpu.enqueue_dma source(%dma_start3A_97 : memref<128xf32, #tpu.memory_space<vmem>>) target(%dma_start3A_94 : memref<128xf32, #tpu.memory_space<vmem_shared>>) target_semaphore(%run_scoped3A_90 : memref<!tpu.dma_semaphore, #tpu.memory_space<semaphore_mem>>)
      %dma_wait3A = arith.constant 0 : i32
      %dma_wait3A_98 = tpu.memref_slice %arg14[%run_scoped3A_33, %dma_wait3A] : memref<128x128xf32, #tpu.memory_space<vmem>> -> memref<1x128xf32, #tpu.memory_space<vmem>>
      %dma_wait3A_99 = tpu.memref_squeeze %dma_wait3A_98 : memref<1x128xf32, #tpu.memory_space<vmem>> -> memref<128xf32, #tpu.memory_space<vmem>>
      %dma_wait3A_100 = tpu.memref_slice %arg18[%add3A_32] : memref<10240xf32, #tpu.memory_space<vmem_shared>> -> memref<128xf32, #tpu.memory_space<vmem_shared>>
      %dma_wait3A_101 = tpu.memref_slice %arg18[%add3A_32] : memref<10240xf32, #tpu.memory_space<vmem_shared>> -> memref<128xf32, #tpu.memory_space<vmem_shared>>
      %dma_wait3A_102 = arith.constant 0 : i32
      %dma_wait3A_103 = tpu.memref_slice %arg14[%run_scoped3A_33, %dma_wait3A_102] : memref<128x128xf32, #tpu.memory_space<vmem>> -> memref<1x128xf32, #tpu.memory_space<vmem>>
      %dma_wait3A_104 = tpu.memref_squeeze %dma_wait3A_103 : memref<1x128xf32, #tpu.memory_space<vmem>> -> memref<128xf32, #tpu.memory_space<vmem>>
      tpu.wait_dma2 semaphore(%run_scoped3A_90 : memref<!tpu.dma_semaphore, #tpu.memory_space<semaphore_mem>>) src(%dma_wait3A_104 : memref<128xf32, #tpu.memory_space<vmem>>) dst(%dma_wait3A_101 : memref<128xf32, #tpu.memory_space<vmem_shared>>)
      tpu.yield
    }) : () -> ()
    %mul3A_34 = arith.constant 640 : i32
    %mul3A_35 = arith.muli %arg1, %mul3A_34 : i32
    %add3A_36 = arith.constant 128 : i32
    %add3A_37 = arith.addi %mul3A_35, %add3A_36 : i32
    "tpu.region"() ({
      %run_scoped3A_90 = tpu.sem_alloc : memref<!tpu.dma_semaphore, #tpu.memory_space<semaphore_mem>>
      %dma_start3A = arith.constant 0 : i32
      %dma_start3A_91 = tpu.memref_slice %arg19[%add3A_37, %dma_start3A] : memref<10240x128xf32, #tpu.memory_space<vmem_shared>> -> memref<128x128xf32, #tpu.memory_space<vmem_shared>>
      %dma_start3A_92 = arith.constant 0 : i32
      %dma_start3A_93 = tpu.memref_slice %arg19[%add3A_37, %dma_start3A_92] : memref<10240x128xf32, #tpu.memory_space<vmem_shared>> -> memref<128x128xf32, #tpu.memory_space<vmem_shared>>
      tpu.enqueue_dma source(%arg14 : memref<128x128xf32, #tpu.memory_space<vmem>>) target(%dma_start3A_93 : memref<128x128xf32, #tpu.memory_space<vmem_shared>>) target_semaphore(%run_scoped3A_90 : memref<!tpu.dma_semaphore, #tpu.memory_space<semaphore_mem>>)
      %dma_wait3A = arith.constant 0 : i32
      %dma_wait3A_94 = tpu.memref_slice %arg19[%add3A_37, %dma_wait3A] : memref<10240x128xf32, #tpu.memory_space<vmem_shared>> -> memref<128x128xf32, #tpu.memory_space<vmem_shared>>
      %dma_wait3A_95 = arith.constant 0 : i32
      %dma_wait3A_96 = tpu.memref_slice %arg19[%add3A_37, %dma_wait3A_95] : memref<10240x128xf32, #tpu.memory_space<vmem_shared>> -> memref<128x128xf32, #tpu.memory_space<vmem_shared>>
      tpu.wait_dma2 semaphore(%run_scoped3A_90 : memref<!tpu.dma_semaphore, #tpu.memory_space<semaphore_mem>>) src(%arg14 : memref<128x128xf32, #tpu.memory_space<vmem>>) dst(%dma_wait3A_96 : memref<128x128xf32, #tpu.memory_space<vmem_shared>>)
      tpu.yield
    }) : () -> ()
    %mul3A_38 = arith.constant 640 : i32
    %mul3A_39 = arith.muli %arg1, %mul3A_38 : i32
    %add3A_40 = arith.constant 256 : i32
    %add3A_41 = arith.addi %mul3A_39, %add3A_40 : i32
    %run_scoped3A_42 = arith.constant 0 : i32
    "tpu.region"() ({
      %run_scoped3A_90 = tpu.sem_alloc : memref<!tpu.dma_semaphore, #tpu.memory_space<semaphore_mem>>
      %dma_start3A = arith.constant 0 : i32
      %dma_start3A_91 = tpu.memref_slice %arg14[%run_scoped3A_42, %dma_start3A] : memref<128x128xf32, #tpu.memory_space<vmem>> -> memref<1x128xf32, #tpu.memory_space<vmem>>
      %dma_start3A_92 = tpu.memref_squeeze %dma_start3A_91 : memref<1x128xf32, #tpu.memory_space<vmem>> -> memref<128xf32, #tpu.memory_space<vmem>>
      %dma_start3A_93 = tpu.memref_slice %arg18[%add3A_41] : memref<10240xf32, #tpu.memory_space<vmem_shared>> -> memref<128xf32, #tpu.memory_space<vmem_shared>>
      %dma_start3A_94 = tpu.memref_slice %arg18[%add3A_41] : memref<10240xf32, #tpu.memory_space<vmem_shared>> -> memref<128xf32, #tpu.memory_space<vmem_shared>>
      %dma_start3A_95 = arith.constant 0 : i32
      %dma_start3A_96 = tpu.memref_slice %arg14[%run_scoped3A_42, %dma_start3A_95] : memref<128x128xf32, #tpu.memory_space<vmem>> -> memref<1x128xf32, #tpu.memory_space<vmem>>
      %dma_start3A_97 = tpu.memref_squeeze %dma_start3A_96 : memref<1x128xf32, #tpu.memory_space<vmem>> -> memref<128xf32, #tpu.memory_space<vmem>>
      tpu.enqueue_dma source(%dma_start3A_97 : memref<128xf32, #tpu.memory_space<vmem>>) target(%dma_start3A_94 : memref<128xf32, #tpu.memory_space<vmem_shared>>) target_semaphore(%run_scoped3A_90 : memref<!tpu.dma_semaphore, #tpu.memory_space<semaphore_mem>>)
      %dma_wait3A = arith.constant 0 : i32
      %dma_wait3A_98 = tpu.memref_slice %arg14[%run_scoped3A_42, %dma_wait3A] : memref<128x128xf32, #tpu.memory_space<vmem>> -> memref<1x128xf32, #tpu.memory_space<vmem>>
      %dma_wait3A_99 = tpu.memref_squeeze %dma_wait3A_98 : memref<1x128xf32, #tpu.memory_space<vmem>> -> memref<128xf32, #tpu.memory_space<vmem>>
      %dma_wait3A_100 = tpu.memref_slice %arg18[%add3A_41] : memref<10240xf32, #tpu.memory_space<vmem_shared>> -> memref<128xf32, #tpu.memory_space<vmem_shared>>
      %dma_wait3A_101 = tpu.memref_slice %arg18[%add3A_41] : memref<10240xf32, #tpu.memory_space<vmem_shared>> -> memref<128xf32, #tpu.memory_space<vmem_shared>>
      %dma_wait3A_102 = arith.constant 0 : i32
      %dma_wait3A_103 = tpu.memref_slice %arg14[%run_scoped3A_42, %dma_wait3A_102] : memref<128x128xf32, #tpu.memory_space<vmem>> -> memref<1x128xf32, #tpu.memory_space<vmem>>
      %dma_wait3A_104 = tpu.memref_squeeze %dma_wait3A_103 : memref<1x128xf32, #tpu.memory_space<vmem>> -> memref<128xf32, #tpu.memory_space<vmem>>
      tpu.wait_dma2 semaphore(%run_scoped3A_90 : memref<!tpu.dma_semaphore, #tpu.memory_space<semaphore_mem>>) src(%dma_wait3A_104 : memref<128xf32, #tpu.memory_space<vmem>>) dst(%dma_wait3A_101 : memref<128xf32, #tpu.memory_space<vmem_shared>>)
      tpu.yield
    }) : () -> ()
    %mul3A_43 = arith.constant 640 : i32
    %mul3A_44 = arith.muli %arg1, %mul3A_43 : i32
    %add3A_45 = arith.constant 256 : i32
    %add3A_46 = arith.addi %mul3A_44, %add3A_45 : i32
    "tpu.region"() ({
      %run_scoped3A_90 = tpu.sem_alloc : memref<!tpu.dma_semaphore, #tpu.memory_space<semaphore_mem>>
      %dma_start3A = arith.constant 0 : i32
      %dma_start3A_91 = tpu.memref_slice %arg19[%add3A_46, %dma_start3A] : memref<10240x128xf32, #tpu.memory_space<vmem_shared>> -> memref<128x128xf32, #tpu.memory_space<vmem_shared>>
      %dma_start3A_92 = arith.constant 0 : i32
      %dma_start3A_93 = tpu.memref_slice %arg19[%add3A_46, %dma_start3A_92] : memref<10240x128xf32, #tpu.memory_space<vmem_shared>> -> memref<128x128xf32, #tpu.memory_space<vmem_shared>>
      tpu.enqueue_dma source(%arg14 : memref<128x128xf32, #tpu.memory_space<vmem>>) target(%dma_start3A_93 : memref<128x128xf32, #tpu.memory_space<vmem_shared>>) target_semaphore(%run_scoped3A_90 : memref<!tpu.dma_semaphore, #tpu.memory_space<semaphore_mem>>)
      %dma_wait3A = arith.constant 0 : i32
      %dma_wait3A_94 = tpu.memref_slice %arg19[%add3A_46, %dma_wait3A] : memref<10240x128xf32, #tpu.memory_space<vmem_shared>> -> memref<128x128xf32, #tpu.memory_space<vmem_shared>>
      %dma_wait3A_95 = arith.constant 0 : i32
      %dma_wait3A_96 = tpu.memref_slice %arg19[%add3A_46, %dma_wait3A_95] : memref<10240x128xf32, #tpu.memory_space<vmem_shared>> -> memref<128x128xf32, #tpu.memory_space<vmem_shared>>
      tpu.wait_dma2 semaphore(%run_scoped3A_90 : memref<!tpu.dma_semaphore, #tpu.memory_space<semaphore_mem>>) src(%arg14 : memref<128x128xf32, #tpu.memory_space<vmem>>) dst(%dma_wait3A_96 : memref<128x128xf32, #tpu.memory_space<vmem_shared>>)
      tpu.yield
    }) : () -> ()
    %mul3A_47 = arith.constant 640 : i32
    %mul3A_48 = arith.muli %arg1, %mul3A_47 : i32
    %add3A_49 = arith.constant 384 : i32
    %add3A_50 = arith.addi %mul3A_48, %add3A_49 : i32
    %run_scoped3A_51 = arith.constant 0 : i32
    "tpu.region"() ({
      %run_scoped3A_90 = tpu.sem_alloc : memref<!tpu.dma_semaphore, #tpu.memory_space<semaphore_mem>>
      %dma_start3A = arith.constant 0 : i32
      %dma_start3A_91 = tpu.memref_slice %arg14[%run_scoped3A_51, %dma_start3A] : memref<128x128xf32, #tpu.memory_space<vmem>> -> memref<1x128xf32, #tpu.memory_space<vmem>>
      %dma_start3A_92 = tpu.memref_squeeze %dma_start3A_91 : memref<1x128xf32, #tpu.memory_space<vmem>> -> memref<128xf32, #tpu.memory_space<vmem>>
      %dma_start3A_93 = tpu.memref_slice %arg18[%add3A_50] : memref<10240xf32, #tpu.memory_space<vmem_shared>> -> memref<128xf32, #tpu.memory_space<vmem_shared>>
      %dma_start3A_94 = tpu.memref_slice %arg18[%add3A_50] : memref<10240xf32, #tpu.memory_space<vmem_shared>> -> memref<128xf32, #tpu.memory_space<vmem_shared>>
      %dma_start3A_95 = arith.constant 0 : i32
      %dma_start3A_96 = tpu.memref_slice %arg14[%run_scoped3A_51, %dma_start3A_95] : memref<128x128xf32, #tpu.memory_space<vmem>> -> memref<1x128xf32, #tpu.memory_space<vmem>>
      %dma_start3A_97 = tpu.memref_squeeze %dma_start3A_96 : memref<1x128xf32, #tpu.memory_space<vmem>> -> memref<128xf32, #tpu.memory_space<vmem>>
      tpu.enqueue_dma source(%dma_start3A_97 : memref<128xf32, #tpu.memory_space<vmem>>) target(%dma_start3A_94 : memref<128xf32, #tpu.memory_space<vmem_shared>>) target_semaphore(%run_scoped3A_90 : memref<!tpu.dma_semaphore, #tpu.memory_space<semaphore_mem>>)
      %dma_wait3A = arith.constant 0 : i32
      %dma_wait3A_98 = tpu.memref_slice %arg14[%run_scoped3A_51, %dma_wait3A] : memref<128x128xf32, #tpu.memory_space<vmem>> -> memref<1x128xf32, #tpu.memory_space<vmem>>
      %dma_wait3A_99 = tpu.memref_squeeze %dma_wait3A_98 : memref<1x128xf32, #tpu.memory_space<vmem>> -> memref<128xf32, #tpu.memory_space<vmem>>
      %dma_wait3A_100 = tpu.memref_slice %arg18[%add3A_50] : memref<10240xf32, #tpu.memory_space<vmem_shared>> -> memref<128xf32, #tpu.memory_space<vmem_shared>>
      %dma_wait3A_101 = tpu.memref_slice %arg18[%add3A_50] : memref<10240xf32, #tpu.memory_space<vmem_shared>> -> memref<128xf32, #tpu.memory_space<vmem_shared>>
      %dma_wait3A_102 = arith.constant 0 : i32
      %dma_wait3A_103 = tpu.memref_slice %arg14[%run_scoped3A_51, %dma_wait3A_102] : memref<128x128xf32, #tpu.memory_space<vmem>> -> memref<1x128xf32, #tpu.memory_space<vmem>>
      %dma_wait3A_104 = tpu.memref_squeeze %dma_wait3A_103 : memref<1x128xf32, #tpu.memory_space<vmem>> -> memref<128xf32, #tpu.memory_space<vmem>>
      tpu.wait_dma2 semaphore(%run_scoped3A_90 : memref<!tpu.dma_semaphore, #tpu.memory_space<semaphore_mem>>) src(%dma_wait3A_104 : memref<128xf32, #tpu.memory_space<vmem>>) dst(%dma_wait3A_101 : memref<128xf32, #tpu.memory_space<vmem_shared>>)
      tpu.yield
    }) : () -> ()
    %mul3A_52 = arith.constant 640 : i32
    %mul3A_53 = arith.muli %arg1, %mul3A_52 : i32
    %add3A_54 = arith.constant 384 : i32
    %add3A_55 = arith.addi %mul3A_53, %add3A_54 : i32
    "tpu.region"() ({
      %run_scoped3A_90 = tpu.sem_alloc : memref<!tpu.dma_semaphore, #tpu.memory_space<semaphore_mem>>
      %dma_start3A = arith.constant 0 : i32
      %dma_start3A_91 = tpu.memref_slice %arg19[%add3A_55, %dma_start3A] : memref<10240x128xf32, #tpu.memory_space<vmem_shared>> -> memref<128x128xf32, #tpu.memory_space<vmem_shared>>
      %dma_start3A_92 = arith.constant 0 : i32
      %dma_start3A_93 = tpu.memref_slice %arg19[%add3A_55, %dma_start3A_92] : memref<10240x128xf32, #tpu.memory_space<vmem_shared>> -> memref<128x128xf32, #tpu.memory_space<vmem_shared>>
      tpu.enqueue_dma source(%arg14 : memref<128x128xf32, #tpu.memory_space<vmem>>) target(%dma_start3A_93 : memref<128x128xf32, #tpu.memory_space<vmem_shared>>) target_semaphore(%run_scoped3A_90 : memref<!tpu.dma_semaphore, #tpu.memory_space<semaphore_mem>>)
      %dma_wait3A = arith.constant 0 : i32
      %dma_wait3A_94 = tpu.memref_slice %arg19[%add3A_55, %dma_wait3A] : memref<10240x128xf32, #tpu.memory_space<vmem_shared>> -> memref<128x128xf32, #tpu.memory_space<vmem_shared>>
      %dma_wait3A_95 = arith.constant 0 : i32
      %dma_wait3A_96 = tpu.memref_slice %arg19[%add3A_55, %dma_wait3A_95] : memref<10240x128xf32, #tpu.memory_space<vmem_shared>> -> memref<128x128xf32, #tpu.memory_space<vmem_shared>>
      tpu.wait_dma2 semaphore(%run_scoped3A_90 : memref<!tpu.dma_semaphore, #tpu.memory_space<semaphore_mem>>) src(%arg14 : memref<128x128xf32, #tpu.memory_space<vmem>>) dst(%dma_wait3A_96 : memref<128x128xf32, #tpu.memory_space<vmem_shared>>)
      tpu.yield
    }) : () -> ()
    %mul3A_56 = arith.constant 640 : i32
    %mul3A_57 = arith.muli %arg1, %mul3A_56 : i32
    %add3A_58 = arith.constant 512 : i32
    %add3A_59 = arith.addi %mul3A_57, %add3A_58 : i32
    %run_scoped3A_60 = arith.constant 0 : i32
    "tpu.region"() ({
      %run_scoped3A_90 = tpu.sem_alloc : memref<!tpu.dma_semaphore, #tpu.memory_space<semaphore_mem>>
      %dma_start3A = arith.constant 0 : i32
      %dma_start3A_91 = tpu.memref_slice %arg14[%run_scoped3A_60, %dma_start3A] : memref<128x128xf32, #tpu.memory_space<vmem>> -> memref<1x128xf32, #tpu.memory_space<vmem>>
      %dma_start3A_92 = tpu.memref_squeeze %dma_start3A_91 : memref<1x128xf32, #tpu.memory_space<vmem>> -> memref<128xf32, #tpu.memory_space<vmem>>
      %dma_start3A_93 = tpu.memref_slice %arg18[%add3A_59] : memref<10240xf32, #tpu.memory_space<vmem_shared>> -> memref<128xf32, #tpu.memory_space<vmem_shared>>
      %dma_start3A_94 = tpu.memref_slice %arg18[%add3A_59] : memref<10240xf32, #tpu.memory_space<vmem_shared>> -> memref<128xf32, #tpu.memory_space<vmem_shared>>
      %dma_start3A_95 = arith.constant 0 : i32
      %dma_start3A_96 = tpu.memref_slice %arg14[%run_scoped3A_60, %dma_start3A_95] : memref<128x128xf32, #tpu.memory_space<vmem>> -> memref<1x128xf32, #tpu.memory_space<vmem>>
      %dma_start3A_97 = tpu.memref_squeeze %dma_start3A_96 : memref<1x128xf32, #tpu.memory_space<vmem>> -> memref<128xf32, #tpu.memory_space<vmem>>
      tpu.enqueue_dma source(%dma_start3A_97 : memref<128xf32, #tpu.memory_space<vmem>>) target(%dma_start3A_94 : memref<128xf32, #tpu.memory_space<vmem_shared>>) target_semaphore(%run_scoped3A_90 : memref<!tpu.dma_semaphore, #tpu.memory_space<semaphore_mem>>)
      %dma_wait3A = arith.constant 0 : i32
      %dma_wait3A_98 = tpu.memref_slice %arg14[%run_scoped3A_60, %dma_wait3A] : memref<128x128xf32, #tpu.memory_space<vmem>> -> memref<1x128xf32, #tpu.memory_space<vmem>>
      %dma_wait3A_99 = tpu.memref_squeeze %dma_wait3A_98 : memref<1x128xf32, #tpu.memory_space<vmem>> -> memref<128xf32, #tpu.memory_space<vmem>>
      %dma_wait3A_100 = tpu.memref_slice %arg18[%add3A_59] : memref<10240xf32, #tpu.memory_space<vmem_shared>> -> memref<128xf32, #tpu.memory_space<vmem_shared>>
      %dma_wait3A_101 = tpu.memref_slice %arg18[%add3A_59] : memref<10240xf32, #tpu.memory_space<vmem_shared>> -> memref<128xf32, #tpu.memory_space<vmem_shared>>
      %dma_wait3A_102 = arith.constant 0 : i32
      %dma_wait3A_103 = tpu.memref_slice %arg14[%run_scoped3A_60, %dma_wait3A_102] : memref<128x128xf32, #tpu.memory_space<vmem>> -> memref<1x128xf32, #tpu.memory_space<vmem>>
      %dma_wait3A_104 = tpu.memref_squeeze %dma_wait3A_103 : memref<1x128xf32, #tpu.memory_space<vmem>> -> memref<128xf32, #tpu.memory_space<vmem>>
      tpu.wait_dma2 semaphore(%run_scoped3A_90 : memref<!tpu.dma_semaphore, #tpu.memory_space<semaphore_mem>>) src(%dma_wait3A_104 : memref<128xf32, #tpu.memory_space<vmem>>) dst(%dma_wait3A_101 : memref<128xf32, #tpu.memory_space<vmem_shared>>)
      tpu.yield
    }) : () -> ()
    %mul3A_61 = arith.constant 640 : i32
    %mul3A_62 = arith.muli %arg1, %mul3A_61 : i32
    %add3A_63 = arith.constant 512 : i32
    %add3A_64 = arith.addi %mul3A_62, %add3A_63 : i32
    "tpu.region"() ({
      %run_scoped3A_90 = tpu.sem_alloc : memref<!tpu.dma_semaphore, #tpu.memory_space<semaphore_mem>>
      %dma_start3A = arith.constant 0 : i32
      %dma_start3A_91 = tpu.memref_slice %arg19[%add3A_64, %dma_start3A] : memref<10240x128xf32, #tpu.memory_space<vmem_shared>> -> memref<128x128xf32, #tpu.memory_space<vmem_shared>>
      %dma_start3A_92 = arith.constant 0 : i32
      %dma_start3A_93 = tpu.memref_slice %arg19[%add3A_64, %dma_start3A_92] : memref<10240x128xf32, #tpu.memory_space<vmem_shared>> -> memref<128x128xf32, #tpu.memory_space<vmem_shared>>
      tpu.enqueue_dma source(%arg14 : memref<128x128xf32, #tpu.memory_space<vmem>>) target(%dma_start3A_93 : memref<128x128xf32, #tpu.memory_space<vmem_shared>>) target_semaphore(%run_scoped3A_90 : memref<!tpu.dma_semaphore, #tpu.memory_space<semaphore_mem>>)
      %dma_wait3A = arith.constant 0 : i32
      %dma_wait3A_94 = tpu.memref_slice %arg19[%add3A_64, %dma_wait3A] : memref<10240x128xf32, #tpu.memory_space<vmem_shared>> -> memref<128x128xf32, #tpu.memory_space<vmem_shared>>
      %dma_wait3A_95 = arith.constant 0 : i32
      %dma_wait3A_96 = tpu.memref_slice %arg19[%add3A_64, %dma_wait3A_95] : memref<10240x128xf32, #tpu.memory_space<vmem_shared>> -> memref<128x128xf32, #tpu.memory_space<vmem_shared>>
      tpu.wait_dma2 semaphore(%run_scoped3A_90 : memref<!tpu.dma_semaphore, #tpu.memory_space<semaphore_mem>>) src(%arg14 : memref<128x128xf32, #tpu.memory_space<vmem>>) dst(%dma_wait3A_96 : memref<128x128xf32, #tpu.memory_space<vmem_shared>>)
      tpu.yield
    }) : () -> ()
    %barrier3A = arith.constant 0 : index
    tpu.barrier barrier_id(%barrier3A)
    %mul3A_65 = arith.constant 20736 : i32
    %mul3A_66 = arith.muli %arg1, %mul3A_65 : i32
    %scan3A_67 = arith.constant 0 : i32
    %scan3A_68 = arith.constant 0 : i32
    %scan3A_69 = arith.constant 162 : i32
    %scan3A_70 = arith.addi %scan3A_68, %scan3A_69 : i32
    %scan3A_71 = arith.constant 1 : i32
    %scan3A_72 = scf.for %scan3A_90 = %scan3A_68 to %scan3A_70 step %scan3A_71 iter_args(%scan3A_91 = %scan3A_67) -> (i32)  : i32 {
      %mul3A_92 = arith.constant 128 : i32
      %mul3A_93 = arith.muli %scan3A_90, %mul3A_92 : i32
      %add3A_94 = arith.addi %mul3A_66, %mul3A_93 : i32
      %run_scoped3A_95 = arith.constant 0 : i32
      "tpu.region"() ({
        %run_scoped3A_106 = tpu.sem_alloc : memref<!tpu.dma_semaphore, #tpu.memory_space<semaphore_mem>>
        %dma_start3A = arith.constant 0 : i32
        %dma_start3A_107 = tpu.memref_slice %arg12[%run_scoped3A_95, %dma_start3A] : memref<2x128xi32, #tpu.memory_space<vmem>> -> memref<1x128xi32, #tpu.memory_space<vmem>>
        %dma_start3A_108 = tpu.memref_squeeze %dma_start3A_107 : memref<1x128xi32, #tpu.memory_space<vmem>> -> memref<128xi32, #tpu.memory_space<vmem>>
        %dma_start3A_109 = tpu.memref_slice %arg6[%add3A_94] : memref<331776xi32, #tpu.memory_space<hbm>> -> memref<128xi32, #tpu.memory_space<hbm>>
        %dma_start3A_110 = arith.constant 0 : i32
        %dma_start3A_111 = tpu.memref_slice %arg12[%run_scoped3A_95, %dma_start3A_110] : memref<2x128xi32, #tpu.memory_space<vmem>> -> memref<1x128xi32, #tpu.memory_space<vmem>>
        %dma_start3A_112 = tpu.memref_squeeze %dma_start3A_111 : memref<1x128xi32, #tpu.memory_space<vmem>> -> memref<128xi32, #tpu.memory_space<vmem>>
        %dma_start3A_113 = tpu.memref_slice %arg6[%add3A_94] : memref<331776xi32, #tpu.memory_space<hbm>> -> memref<128xi32, #tpu.memory_space<hbm>>
        tpu.enqueue_dma source(%dma_start3A_113 : memref<128xi32, #tpu.memory_space<hbm>>) target(%dma_start3A_112 : memref<128xi32, #tpu.memory_space<vmem>>) target_semaphore(%run_scoped3A_106 : memref<!tpu.dma_semaphore, #tpu.memory_space<semaphore_mem>>)
        %dma_wait3A = arith.constant 0 : i32
        %dma_wait3A_114 = tpu.memref_slice %arg12[%run_scoped3A_95, %dma_wait3A] : memref<2x128xi32, #tpu.memory_space<vmem>> -> memref<1x128xi32, #tpu.memory_space<vmem>>
        %dma_wait3A_115 = tpu.memref_squeeze %dma_wait3A_114 : memref<1x128xi32, #tpu.memory_space<vmem>> -> memref<128xi32, #tpu.memory_space<vmem>>
        %dma_wait3A_116 = tpu.memref_slice %arg6[%add3A_94] : memref<331776xi32, #tpu.memory_space<hbm>> -> memref<128xi32, #tpu.memory_space<hbm>>
        %dma_wait3A_117 = arith.constant 0 : i32
        %dma_wait3A_118 = tpu.memref_slice %arg12[%run_scoped3A_95, %dma_wait3A_117] : memref<2x128xi32, #tpu.memory_space<vmem>> -> memref<1x128xi32, #tpu.memory_space<vmem>>
        %dma_wait3A_119 = tpu.memref_squeeze %dma_wait3A_118 : memref<1x128xi32, #tpu.memory_space<vmem>> -> memref<128xi32, #tpu.memory_space<vmem>>
        %dma_wait3A_120 = tpu.memref_slice %arg6[%add3A_94] : memref<331776xi32, #tpu.memory_space<hbm>> -> memref<128xi32, #tpu.memory_space<hbm>>
        tpu.wait_dma2 semaphore(%run_scoped3A_106 : memref<!tpu.dma_semaphore, #tpu.memory_space<semaphore_mem>>) src(%dma_wait3A_120 : memref<128xi32, #tpu.memory_space<hbm>>) dst(%dma_wait3A_119 : memref<128xi32, #tpu.memory_space<vmem>>)
        tpu.yield
      }) : () -> ()
      %run_scoped3A_96 = arith.constant 0 : i32
      "tpu.region"() ({
        %run_scoped3A_106 = tpu.sem_alloc : memref<!tpu.dma_semaphore, #tpu.memory_space<semaphore_mem>>
        %dma_start3A = arith.constant 0 : i32
        %dma_start3A_107 = tpu.memref_slice %arg13[%run_scoped3A_96, %dma_start3A] : memref<2x128xi32, #tpu.memory_space<vmem>> -> memref<1x128xi32, #tpu.memory_space<vmem>>
        %dma_start3A_108 = tpu.memref_squeeze %dma_start3A_107 : memref<1x128xi32, #tpu.memory_space<vmem>> -> memref<128xi32, #tpu.memory_space<vmem>>
        %dma_start3A_109 = tpu.memref_slice %arg7[%add3A_94] : memref<331776xi32, #tpu.memory_space<hbm>> -> memref<128xi32, #tpu.memory_space<hbm>>
        %dma_start3A_110 = arith.constant 0 : i32
        %dma_start3A_111 = tpu.memref_slice %arg13[%run_scoped3A_96, %dma_start3A_110] : memref<2x128xi32, #tpu.memory_space<vmem>> -> memref<1x128xi32, #tpu.memory_space<vmem>>
        %dma_start3A_112 = tpu.memref_squeeze %dma_start3A_111 : memref<1x128xi32, #tpu.memory_space<vmem>> -> memref<128xi32, #tpu.memory_space<vmem>>
        %dma_start3A_113 = tpu.memref_slice %arg7[%add3A_94] : memref<331776xi32, #tpu.memory_space<hbm>> -> memref<128xi32, #tpu.memory_space<hbm>>
        tpu.enqueue_dma source(%dma_start3A_113 : memref<128xi32, #tpu.memory_space<hbm>>) target(%dma_start3A_112 : memref<128xi32, #tpu.memory_space<vmem>>) target_semaphore(%run_scoped3A_106 : memref<!tpu.dma_semaphore, #tpu.memory_space<semaphore_mem>>)
        %dma_wait3A = arith.constant 0 : i32
        %dma_wait3A_114 = tpu.memref_slice %arg13[%run_scoped3A_96, %dma_wait3A] : memref<2x128xi32, #tpu.memory_space<vmem>> -> memref<1x128xi32, #tpu.memory_space<vmem>>
        %dma_wait3A_115 = tpu.memref_squeeze %dma_wait3A_114 : memref<1x128xi32, #tpu.memory_space<vmem>> -> memref<128xi32, #tpu.memory_space<vmem>>
        %dma_wait3A_116 = tpu.memref_slice %arg7[%add3A_94] : memref<331776xi32, #tpu.memory_space<hbm>> -> memref<128xi32, #tpu.memory_space<hbm>>
        %dma_wait3A_117 = arith.constant 0 : i32
        %dma_wait3A_118 = tpu.memref_slice %arg13[%run_scoped3A_96, %dma_wait3A_117] : memref<2x128xi32, #tpu.memory_space<vmem>> -> memref<1x128xi32, #tpu.memory_space<vmem>>
        %dma_wait3A_119 = tpu.memref_squeeze %dma_wait3A_118 : memref<1x128xi32, #tpu.memory_space<vmem>> -> memref<128xi32, #tpu.memory_space<vmem>>
        %dma_wait3A_120 = tpu.memref_slice %arg7[%add3A_94] : memref<331776xi32, #tpu.memory_space<hbm>> -> memref<128xi32, #tpu.memory_space<hbm>>
        tpu.wait_dma2 semaphore(%run_scoped3A_106 : memref<!tpu.dma_semaphore, #tpu.memory_space<semaphore_mem>>) src(%dma_wait3A_120 : memref<128xi32, #tpu.memory_space<hbm>>) dst(%dma_wait3A_119 : memref<128xi32, #tpu.memory_space<vmem>>)
        tpu.yield
      }) : () -> ()
      %scan3A_97 = arith.constant 0 : i32
      %scan3A_98 = arith.constant 0 : i32
      %scan3A_99 = arith.constant 8 : i32
      %scan3A_100 = arith.addi %scan3A_98, %scan3A_99 : i32
      %scan3A_101 = arith.constant 1 : i32
      %scan3A_102 = scf.for %scan3A_106 = %scan3A_98 to %scan3A_100 step %scan3A_101 iter_args(%scan3A_107 = %scan3A_97) -> (i32)  : i32 {
        %mul3A_108 = arith.constant 16 : i32
        %mul3A_109 = arith.muli %scan3A_106, %mul3A_108 : i32
        %get3A_110 = arith.constant 0 : i32
        %get3A_111 = arith.index_cast %get3A_110 : i32 to index
        %get3A_112 = arith.index_cast %mul3A_109 : i32 to index
        %get3A_113 = tpu.vector_load %arg12[%get3A_111, %get3A_112] {strides = array<i32>} : memref<2x128xi32, #tpu.memory_space<vmem>>, vector<16xi32>,
        %mul3A_114 = arith.constant 16 : i32
        %mul3A_115 = arith.muli %scan3A_106, %mul3A_114 : i32
        %get3A_116 = arith.constant 0 : i32
        %get3A_117 = arith.index_cast %get3A_116 : i32 to index
        %get3A_118 = arith.index_cast %mul3A_115 : i32 to index
        %get3A_119 = tpu.vector_load %arg13[%get3A_117, %get3A_118] {strides = array<i32>} : memref<2x128xi32, #tpu.memory_space<vmem>>, vector<16xi32>,
        %gather3A = tpu.vector_load_idx %arg9[%get3A_113] : memref<10240xf32, #tpu.memory_space<vmem>>[vector<16xi32>], vector<16xf32>,
        %gather3A_120 = tpu.vector_load_idx %arg10[%get3A_119] : memref<10240xf32, #tpu.memory_space<vmem>>[vector<16xi32>], vector<16xf32>,
        %add3A_121 = arith.addf %gather3A, %gather3A_120 : vector<16xf32>
        %gt3A = arith.constant 0.000000e+00 : f32
        %gt3A_122 = vector.broadcast %gt3A : f32 to vector<16xf32>
        %gt3A_123 = arith.cmpf ogt, %add3A_121, %gt3A_122 : vector<16xf32>
        %mul3A_124 = arith.constant 2.000000e-01 : f32
        %mul3A_125 = vector.broadcast %mul3A_124 : f32 to vector<16xf32>
        %mul3A_126 = arith.mulf %mul3A_125, %add3A_121 : vector<16xf32>
        %select_n3A = arith.select %gt3A_123, %add3A_121, %mul3A_126 : vector<16xi1>, vector<16xf32>
        %add3A_127 = arith.addf %get3A_15, %gather3A_120 : vector<16xf32>
        %gt3A_128 = arith.constant 0.000000e+00 : f32
        %gt3A_129 = vector.broadcast %gt3A_128 : f32 to vector<16xf32>
        %gt3A_130 = arith.cmpf ogt, %add3A_127, %gt3A_129 : vector<16xf32>
        %mul3A_131 = arith.constant 2.000000e-01 : f32
        %mul3A_132 = vector.broadcast %mul3A_131 : f32 to vector<16xf32>
        %mul3A_133 = arith.mulf %mul3A_132, %add3A_127 : vector<16xf32>
        %select_n3A_134 = arith.select %gt3A_130, %add3A_127, %mul3A_133 : vector<16xi1>, vector<16xf32>
        %sub3A = arith.subf %select_n3A, %select_n3A_134 : vector<16xf32>
        %exp3A = math.exp %sub3A : vector<16xf32>
        %mul3A_135 = arith.constant 16 : i32
        %mul3A_136 = arith.muli %scan3A_106, %mul3A_135 : i32
        %swap3A = arith.index_cast %mul3A_136 : i32 to index
        %swap3A_137 = tpu.vector_load %arg15[%swap3A] {strides = array<i32>} : memref<128xf32, #tpu.memory_space<vmem>>, vector<16xf32>,
        tpu.vector_store %arg15[%swap3A], %exp3A {strides = array<i32>} : memref<128xf32, #tpu.memory_space<vmem>>, vector<16xf32>,
        %scan3A_138 = arith.constant 0 : i32
        scf.yield %scan3A_138 : i32
      }
      %scan3A_103 = arith.constant 8 : i32
      %run_scoped3A_104 = arith.constant 0 : i32
      "tpu.region"() ({
        %run_scoped3A_106 = tpu.sem_alloc : memref<!tpu.dma_semaphore, #tpu.memory_space<semaphore_mem>>
        %dma_start3A = arith.constant 0 : i32
        %dma_start3A_107 = tpu.memref_slice %arg13[%run_scoped3A_104, %dma_start3A] : memref<2x128xi32, #tpu.memory_space<vmem>> -> memref<1x128xi32, #tpu.memory_space<vmem>>
        %dma_start3A_108 = tpu.memref_squeeze %dma_start3A_107 : memref<1x128xi32, #tpu.memory_space<vmem>> -> memref<128xi32, #tpu.memory_space<vmem>>
        %dma_start3A_109 = arith.constant 0 : i32
        %dma_start3A_110 = tpu.memref_slice %arg18[%dma_start3A_109] : memref<10240xf32, #tpu.memory_space<vmem_shared>> -> memref<10240xf32, #tpu.memory_space<vmem_shared>>
        tpu.enqueue_indirect_dma source(%arg15 : memref<128xf32, #tpu.memory_space<vmem>>) target(%dma_start3A_110 : memref<10240xf32, #tpu.memory_space<vmem_shared>>) offsets(%dma_start3A_108 : memref<128xi32, #tpu.memory_space<vmem>>) semaphore(%run_scoped3A_106 : memref<!tpu.dma_semaphore, #tpu.memory_space<semaphore_mem>>) {add = true}
        %dma_wait3A = arith.constant 0 : i32
        %dma_wait3A_111 = tpu.memref_slice %arg13[%run_scoped3A_104, %dma_wait3A] : memref<2x128xi32, #tpu.memory_space<vmem>> -> memref<1x128xi32, #tpu.memory_space<vmem>>
        %dma_wait3A_112 = tpu.memref_squeeze %dma_wait3A_111 : memref<1x128xi32, #tpu.memory_space<vmem>> -> memref<128xi32, #tpu.memory_space<vmem>>
        %dma_wait3A_113 = arith.constant 0 : i32
        %dma_wait3A_114 = tpu.memref_slice %arg18[%dma_wait3A_113] : memref<10240xf32, #tpu.memory_space<vmem_shared>> -> memref<10240xf32, #tpu.memory_space<vmem_shared>>
        tpu.wait_indirect_dma semaphore(%run_scoped3A_106 : memref<!tpu.dma_semaphore, #tpu.memory_space<semaphore_mem>>) src(%arg15 : memref<128xf32, #tpu.memory_space<vmem>>) dst(%dma_wait3A_114 : memref<10240xf32, #tpu.memory_space<vmem_shared>>)
        tpu.yield
      }) : () -> ()
      %scan3A_105 = arith.constant 0 : i32
      scf.yield %scan3A_105 : i32
    }
    %scan3A_73 = arith.constant 162 : i32
    %barrier3A_74 = arith.constant 0 : index
    tpu.barrier barrier_id(%barrier3A_74)
    "tpu.region"() ({
      %run_scoped3A_90 = tpu.sem_alloc : memref<!tpu.dma_semaphore, #tpu.memory_space<semaphore_mem>>
      tpu.enqueue_dma source(%arg18 : memref<10240xf32, #tpu.memory_space<vmem_shared>>) target(%arg11 : memref<10240xf32, #tpu.memory_space<vmem>>) target_semaphore(%run_scoped3A_90 : memref<!tpu.dma_semaphore, #tpu.memory_space<semaphore_mem>>)
      tpu.wait_dma2 semaphore(%run_scoped3A_90 : memref<!tpu.dma_semaphore, #tpu.memory_space<semaphore_mem>>) src(%arg18 : memref<10240xf32, #tpu.memory_space<vmem_shared>>) dst(%arg11 : memref<10240xf32, #tpu.memory_space<vmem>>)
      tpu.yield
    }) : () -> ()
    %mul3A_75 = arith.constant 10368 : i32
    %mul3A_76 = arith.muli %arg0, %mul3A_75 : i32
    %add3A_77 = arith.addi %mul3A_66, %mul3A_76 : i32
    %scan3A_78 = arith.constant 0 : i32
    %scan3A_79 = arith.constant 0 : i32
    %scan3A_80 = arith.constant 81 : i32
    %scan3A_81 = arith.addi %scan3A_79, %scan3A_80 : i32
    %scan3A_82 = arith.constant 1 : i32
    %scan3A_83 = scf.for %scan3A_90 = %scan3A_79 to %scan3A_81 step %scan3A_82 iter_args(%scan3A_91 = %scan3A_78) -> (i32)  : i32 {
      %mul3A_92 = arith.constant 128 : i32
      %mul3A_93 = arith.muli %scan3A_90, %mul3A_92 : i32
      %add3A_94 = arith.addi %add3A_77, %mul3A_93 : i32
      %run_scoped3A_95 = arith.constant 1 : i32
      "tpu.region"() ({
        %run_scoped3A_125 = tpu.sem_alloc : memref<!tpu.dma_semaphore, #tpu.memory_space<semaphore_mem>>
        %dma_start3A_126 = arith.constant 0 : i32
        %dma_start3A_127 = tpu.memref_slice %arg12[%run_scoped3A_95, %dma_start3A_126] : memref<2x128xi32, #tpu.memory_space<vmem>> -> memref<1x128xi32, #tpu.memory_space<vmem>>
        %dma_start3A_128 = tpu.memref_squeeze %dma_start3A_127 : memref<1x128xi32, #tpu.memory_space<vmem>> -> memref<128xi32, #tpu.memory_space<vmem>>
        %dma_start3A_129 = tpu.memref_slice %arg6[%add3A_94] : memref<331776xi32, #tpu.memory_space<hbm>> -> memref<128xi32, #tpu.memory_space<hbm>>
        %dma_start3A_130 = arith.constant 0 : i32
        %dma_start3A_131 = tpu.memref_slice %arg12[%run_scoped3A_95, %dma_start3A_130] : memref<2x128xi32, #tpu.memory_space<vmem>> -> memref<1x128xi32, #tpu.memory_space<vmem>>
        %dma_start3A_132 = tpu.memref_squeeze %dma_start3A_131 : memref<1x128xi32, #tpu.memory_space<vmem>> -> memref<128xi32, #tpu.memory_space<vmem>>
        %dma_start3A_133 = tpu.memref_slice %arg6[%add3A_94] : memref<331776xi32, #tpu.memory_space<hbm>> -> memref<128xi32, #tpu.memory_space<hbm>>
        tpu.enqueue_dma source(%dma_start3A_133 : memref<128xi32, #tpu.memory_space<hbm>>) target(%dma_start3A_132 : memref<128xi32, #tpu.memory_space<vmem>>) target_semaphore(%run_scoped3A_125 : memref<!tpu.dma_semaphore, #tpu.memory_space<semaphore_mem>>)
        %dma_wait3A_134 = arith.constant 0 : i32
        %dma_wait3A_135 = tpu.memref_slice %arg12[%run_scoped3A_95, %dma_wait3A_134] : memref<2x128xi32, #tpu.memory_space<vmem>> -> memref<1x128xi32, #tpu.memory_space<vmem>>
        %dma_wait3A_136 = tpu.memref_squeeze %dma_wait3A_135 : memref<1x128xi32, #tpu.memory_space<vmem>> -> memref<128xi32, #tpu.memory_space<vmem>>
        %dma_wait3A_137 = tpu.memref_slice %arg6[%add3A_94] : memref<331776xi32, #tpu.memory_space<hbm>> -> memref<128xi32, #tpu.memory_space<hbm>>
        %dma_wait3A_138 = arith.constant 0 : i32
        %dma_wait3A_139 = tpu.memref_slice %arg12[%run_scoped3A_95, %dma_wait3A_138] : memref<2x128xi32, #tpu.memory_space<vmem>> -> memref<1x128xi32, #tpu.memory_space<vmem>>
        %dma_wait3A_140 = tpu.memref_squeeze %dma_wait3A_139 : memref<1x128xi32, #tpu.memory_space<vmem>> -> memref<128xi32, #tpu.memory_space<vmem>>
        %dma_wait3A_141 = tpu.memref_slice %arg6[%add3A_94] : memref<331776xi32, #tpu.memory_space<hbm>> -> memref<128xi32, #tpu.memory_space<hbm>>
        tpu.wait_dma2 semaphore(%run_scoped3A_125 : memref<!tpu.dma_semaphore, #tpu.memory_space<semaphore_mem>>) src(%dma_wait3A_141 : memref<128xi32, #tpu.memory_space<hbm>>) dst(%dma_wait3A_140 : memref<128xi32, #tpu.memory_space<vmem>>)
        tpu.yield
      }) : () -> ()
      %run_scoped3A_96 = arith.constant 1 : i32
      "tpu.region"() ({
        %run_scoped3A_125 = tpu.sem_alloc : memref<!tpu.dma_semaphore, #tpu.memory_space<semaphore_mem>>
        %dma_start3A_126 = arith.constant 0 : i32
        %dma_start3A_127 = tpu.memref_slice %arg13[%run_scoped3A_96, %dma_start3A_126] : memref<2x128xi32, #tpu.memory_space<vmem>> -> memref<1x128xi32, #tpu.memory_space<vmem>>
        %dma_start3A_128 = tpu.memref_squeeze %dma_start3A_127 : memref<1x128xi32, #tpu.memory_space<vmem>> -> memref<128xi32, #tpu.memory_space<vmem>>
        %dma_start3A_129 = tpu.memref_slice %arg7[%add3A_94] : memref<331776xi32, #tpu.memory_space<hbm>> -> memref<128xi32, #tpu.memory_space<hbm>>
        %dma_start3A_130 = arith.constant 0 : i32
        %dma_start3A_131 = tpu.memref_slice %arg13[%run_scoped3A_96, %dma_start3A_130] : memref<2x128xi32, #tpu.memory_space<vmem>> -> memref<1x128xi32, #tpu.memory_space<vmem>>
        %dma_start3A_132 = tpu.memref_squeeze %dma_start3A_131 : memref<1x128xi32, #tpu.memory_space<vmem>> -> memref<128xi32, #tpu.memory_space<vmem>>
        %dma_start3A_133 = tpu.memref_slice %arg7[%add3A_94] : memref<331776xi32, #tpu.memory_space<hbm>> -> memref<128xi32, #tpu.memory_space<hbm>>
        tpu.enqueue_dma source(%dma_start3A_133 : memref<128xi32, #tpu.memory_space<hbm>>) target(%dma_start3A_132 : memref<128xi32, #tpu.memory_space<vmem>>) target_semaphore(%run_scoped3A_125 : memref<!tpu.dma_semaphore, #tpu.memory_space<semaphore_mem>>)
        %dma_wait3A_134 = arith.constant 0 : i32
        %dma_wait3A_135 = tpu.memref_slice %arg13[%run_scoped3A_96, %dma_wait3A_134] : memref<2x128xi32, #tpu.memory_space<vmem>> -> memref<1x128xi32, #tpu.memory_space<vmem>>
        %dma_wait3A_136 = tpu.memref_squeeze %dma_wait3A_135 : memref<1x128xi32, #tpu.memory_space<vmem>> -> memref<128xi32, #tpu.memory_space<vmem>>
        %dma_wait3A_137 = tpu.memref_slice %arg7[%add3A_94] : memref<331776xi32, #tpu.memory_space<hbm>> -> memref<128xi32, #tpu.memory_space<hbm>>
        %dma_wait3A_138 = arith.constant 0 : i32
        %dma_wait3A_139 = tpu.memref_slice %arg13[%run_scoped3A_96, %dma_wait3A_138] : memref<2x128xi32, #tpu.memory_space<vmem>> -> memref<1x128xi32, #tpu.memory_space<vmem>>
        %dma_wait3A_140 = tpu.memref_squeeze %dma_wait3A_139 : memref<1x128xi32, #tpu.memory_space<vmem>> -> memref<128xi32, #tpu.memory_space<vmem>>
        %dma_wait3A_141 = tpu.memref_slice %arg7[%add3A_94] : memref<331776xi32, #tpu.memory_space<hbm>> -> memref<128xi32, #tpu.memory_space<hbm>>
        tpu.wait_dma2 semaphore(%run_scoped3A_125 : memref<!tpu.dma_semaphore, #tpu.memory_space<semaphore_mem>>) src(%dma_wait3A_141 : memref<128xi32, #tpu.memory_space<hbm>>) dst(%dma_wait3A_140 : memref<128xi32, #tpu.memory_space<vmem>>)
        tpu.yield
      }) : () -> ()
      %scan3A_97 = arith.constant 0 : i32
      %scan3A_98 = arith.constant 0 : i32
      %scan3A_99 = arith.constant 8 : i32
      %scan3A_100 = arith.addi %scan3A_98, %scan3A_99 : i32
      %scan3A_101 = arith.constant 1 : i32
      %scan3A_102 = scf.for %scan3A_125 = %scan3A_98 to %scan3A_100 step %scan3A_101 iter_args(%scan3A_126 = %scan3A_97) -> (i32)  : i32 {
        %mul3A_127 = arith.constant 16 : i32
        %mul3A_128 = arith.muli %scan3A_125, %mul3A_127 : i32
        %get3A_129 = arith.constant 1 : i32
        %get3A_130 = arith.index_cast %get3A_129 : i32 to index
        %get3A_131 = arith.index_cast %mul3A_128 : i32 to index
        %get3A_132 = tpu.vector_load %arg12[%get3A_130, %get3A_131] {strides = array<i32>} : memref<2x128xi32, #tpu.memory_space<vmem>>, vector<16xi32>,
        %mul3A_133 = arith.constant 16 : i32
        %mul3A_134 = arith.muli %scan3A_125, %mul3A_133 : i32
        %get3A_135 = arith.constant 1 : i32
        %get3A_136 = arith.index_cast %get3A_135 : i32 to index
        %get3A_137 = arith.index_cast %mul3A_134 : i32 to index
        %get3A_138 = tpu.vector_load %arg13[%get3A_136, %get3A_137] {strides = array<i32>} : memref<2x128xi32, #tpu.memory_space<vmem>>, vector<16xi32>,
        %gather3A = tpu.vector_load_idx %arg9[%get3A_132] : memref<10240xf32, #tpu.memory_space<vmem>>[vector<16xi32>], vector<16xf32>,
        %gather3A_139 = tpu.vector_load_idx %arg10[%get3A_138] : memref<10240xf32, #tpu.memory_space<vmem>>[vector<16xi32>], vector<16xf32>,
        %add3A_140 = arith.addf %gather3A, %gather3A_139 : vector<16xf32>
        %gt3A = arith.constant 0.000000e+00 : f32
        %gt3A_141 = vector.broadcast %gt3A : f32 to vector<16xf32>
        %gt3A_142 = arith.cmpf ogt, %add3A_140, %gt3A_141 : vector<16xf32>
        %mul3A_143 = arith.constant 2.000000e-01 : f32
        %mul3A_144 = vector.broadcast %mul3A_143 : f32 to vector<16xf32>
        %mul3A_145 = arith.mulf %mul3A_144, %add3A_140 : vector<16xf32>
        %select_n3A = arith.select %gt3A_142, %add3A_140, %mul3A_145 : vector<16xi1>, vector<16xf32>
        %add3A_146 = arith.addf %get3A_15, %gather3A_139 : vector<16xf32>
        %gt3A_147 = arith.constant 0.000000e+00 : f32
        %gt3A_148 = vector.broadcast %gt3A_147 : f32 to vector<16xf32>
        %gt3A_149 = arith.cmpf ogt, %add3A_146, %gt3A_148 : vector<16xf32>
        %mul3A_150 = arith.constant 2.000000e-01 : f32
        %mul3A_151 = vector.broadcast %mul3A_150 : f32 to vector<16xf32>
        %mul3A_152 = arith.mulf %mul3A_151, %add3A_146 : vector<16xf32>
        %select_n3A_153 = arith.select %gt3A_149, %add3A_146, %mul3A_152 : vector<16xi1>, vector<16xf32>
        %sub3A = arith.subf %select_n3A, %select_n3A_153 : vector<16xf32>
        %exp3A = math.exp %sub3A : vector<16xf32>
        %gather3A_154 = tpu.vector_load_idx %arg11[%get3A_138] : memref<10240xf32, #tpu.memory_space<vmem>>[vector<16xi32>], vector<16xf32>,
        %add3A_155 = arith.constant 1.000000e-16 : f32
        %add3A_156 = vector.broadcast %add3A_155 : f32 to vector<16xf32>
        %add3A_157 = arith.addf %gather3A_154, %add3A_156 : vector<16xf32>
        %div3A = arith.divf %exp3A, %add3A_157 : vector<16xf32>
        %mul3A_158 = arith.constant 16 : i32
        %mul3A_159 = arith.muli %scan3A_125, %mul3A_158 : i32
        %swap3A = arith.index_cast %mul3A_159 : i32 to index
        %swap3A_160 = tpu.vector_load %arg15[%swap3A] {strides = array<i32>} : memref<128xf32, #tpu.memory_space<vmem>>, vector<16xf32>,
        tpu.vector_store %arg15[%swap3A], %div3A {strides = array<i32>} : memref<128xf32, #tpu.memory_space<vmem>>, vector<16xf32>,
        %scan3A_161 = arith.constant 0 : i32
        scf.yield %scan3A_161 : i32
      }
      %scan3A_103 = arith.constant 8 : i32
      %dma_start3A = arith.constant 1 : i32
      %dma_start3A_104 = arith.constant 0 : i32
      %dma_start3A_105 = tpu.memref_slice %arg12[%dma_start3A, %dma_start3A_104] : memref<2x128xi32, #tpu.memory_space<vmem>> -> memref<1x128xi32, #tpu.memory_space<vmem>>
      %dma_start3A_106 = tpu.memref_squeeze %dma_start3A_105 : memref<1x128xi32, #tpu.memory_space<vmem>> -> memref<128xi32, #tpu.memory_space<vmem>>
      %dma_start3A_107 = arith.constant 0 : i32
      %dma_start3A_108 = arith.constant 0 : i32
      %dma_start3A_109 = tpu.memref_slice %arg2[%dma_start3A_107, %dma_start3A_108] : memref<10240x128xf32, #tpu.memory_space<hbm>> -> memref<10240x128xf32, #tpu.memory_space<hbm>>
      tpu.enqueue_indirect_dma source(%dma_start3A_109 : memref<10240x128xf32, #tpu.memory_space<hbm>>) target(%arg14 : memref<128x128xf32, #tpu.memory_space<vmem>>) offsets(%dma_start3A_106 : memref<128xi32, #tpu.memory_space<vmem>>) semaphore(%arg17 : memref<!tpu.dma_semaphore, #tpu.memory_space<semaphore_mem>>)
      %dma_wait3A = arith.constant 1 : i32
      %dma_wait3A_110 = arith.constant 0 : i32
      %dma_wait3A_111 = tpu.memref_slice %arg12[%dma_wait3A, %dma_wait3A_110] : memref<2x128xi32, #tpu.memory_space<vmem>> -> memref<1x128xi32, #tpu.memory_space<vmem>>
      %dma_wait3A_112 = tpu.memref_squeeze %dma_wait3A_111 : memref<1x128xi32, #tpu.memory_space<vmem>> -> memref<128xi32, #tpu.memory_space<vmem>>
      %dma_wait3A_113 = arith.constant 0 : i32
      %dma_wait3A_114 = arith.constant 0 : i32
      %dma_wait3A_115 = tpu.memref_slice %arg2[%dma_wait3A_113, %dma_wait3A_114] : memref<10240x128xf32, #tpu.memory_space<hbm>> -> memref<10240x128xf32, #tpu.memory_space<hbm>>
      tpu.wait_indirect_dma semaphore(%arg17 : memref<!tpu.dma_semaphore, #tpu.memory_space<semaphore_mem>>) src(%dma_wait3A_115 : memref<10240x128xf32, #tpu.memory_space<hbm>>) dst(%arg14 : memref<128x128xf32, #tpu.memory_space<vmem>>)
      %scan3A_116 = arith.constant 0 : i32
      %scan3A_117 = arith.constant 0 : i32
      %scan3A_118 = arith.constant 128 : i32
      %scan3A_119 = arith.addi %scan3A_117, %scan3A_118 : i32
      %scan3A_120 = arith.constant 1 : i32
      %scan3A_121 = scf.for %scan3A_125 = %scan3A_117 to %scan3A_119 step %scan3A_120 iter_args(%scan3A_126 = %scan3A_116) -> (i32)  : i32 {
        %broadcast_in_dim3A = vector.broadcast %scan3A_125 : i32 to vector<16xi32>
        %gather3A = tpu.vector_load_idx %arg15[%broadcast_in_dim3A] : memref<128xf32, #tpu.memory_space<vmem>>[vector<16xi32>], vector<16xf32>,
        %get3A_127 = arith.index_cast %scan3A_125 : i32 to index
        %get3A_128 = arith.constant 0 : index
        %get3A_129 = tpu.vector_load %arg14[%get3A_127, %get3A_128] {strides = array<i32>} : memref<128x128xf32, #tpu.memory_space<vmem>>, vector<16xf32>,
        %mul3A_130 = arith.mulf %get3A_129, %gather3A : vector<16xf32>
        %swap3A = arith.index_cast %scan3A_125 : i32 to index
        %swap3A_131 = arith.constant 0 : index
        %swap3A_132 = tpu.vector_load %arg14[%swap3A, %swap3A_131] {strides = array<i32>} : memref<128x128xf32, #tpu.memory_space<vmem>>, vector<16xf32>,
        tpu.vector_store %arg14[%swap3A, %swap3A_131], %mul3A_130 {strides = array<i32>} : memref<128x128xf32, #tpu.memory_space<vmem>>, vector<16xf32>,
        %get3A_133 = arith.index_cast %scan3A_125 : i32 to index
        %get3A_134 = arith.constant 16 : index
        %get3A_135 = tpu.vector_load %arg14[%get3A_133, %get3A_134] {strides = array<i32>} : memref<128x128xf32, #tpu.memory_space<vmem>>, vector<16xf32>,
        %mul3A_136 = arith.mulf %get3A_135, %gather3A : vector<16xf32>
        %swap3A_137 = arith.index_cast %scan3A_125 : i32 to index
        %swap3A_138 = arith.constant 16 : index
        %swap3A_139 = tpu.vector_load %arg14[%swap3A_137, %swap3A_138] {strides = array<i32>} : memref<128x128xf32, #tpu.memory_space<vmem>>, vector<16xf32>,
        tpu.vector_store %arg14[%swap3A_137, %swap3A_138], %mul3A_136 {strides = array<i32>} : memref<128x128xf32, #tpu.memory_space<vmem>>, vector<16xf32>,
        %get3A_140 = arith.index_cast %scan3A_125 : i32 to index
        %get3A_141 = arith.constant 32 : index
        %get3A_142 = tpu.vector_load %arg14[%get3A_140, %get3A_141] {strides = array<i32>} : memref<128x128xf32, #tpu.memory_space<vmem>>, vector<16xf32>,
        %mul3A_143 = arith.mulf %get3A_142, %gather3A : vector<16xf32>
        %swap3A_144 = arith.index_cast %scan3A_125 : i32 to index
        %swap3A_145 = arith.constant 32 : index
        %swap3A_146 = tpu.vector_load %arg14[%swap3A_144, %swap3A_145] {strides = array<i32>} : memref<128x128xf32, #tpu.memory_space<vmem>>, vector<16xf32>,
        tpu.vector_store %arg14[%swap3A_144, %swap3A_145], %mul3A_143 {strides = array<i32>} : memref<128x128xf32, #tpu.memory_space<vmem>>, vector<16xf32>,
        %get3A_147 = arith.index_cast %scan3A_125 : i32 to index
        %get3A_148 = arith.constant 48 : index
        %get3A_149 = tpu.vector_load %arg14[%get3A_147, %get3A_148] {strides = array<i32>} : memref<128x128xf32, #tpu.memory_space<vmem>>, vector<16xf32>,
        %mul3A_150 = arith.mulf %get3A_149, %gather3A : vector<16xf32>
        %swap3A_151 = arith.index_cast %scan3A_125 : i32 to index
        %swap3A_152 = arith.constant 48 : index
        %swap3A_153 = tpu.vector_load %arg14[%swap3A_151, %swap3A_152] {strides = array<i32>} : memref<128x128xf32, #tpu.memory_space<vmem>>, vector<16xf32>,
        tpu.vector_store %arg14[%swap3A_151, %swap3A_152], %mul3A_150 {strides = array<i32>} : memref<128x128xf32, #tpu.memory_space<vmem>>, vector<16xf32>,
        %get3A_154 = arith.index_cast %scan3A_125 : i32 to index
        %get3A_155 = arith.constant 64 : index
        %get3A_156 = tpu.vector_load %arg14[%get3A_154, %get3A_155] {strides = array<i32>} : memref<128x128xf32, #tpu.memory_space<vmem>>, vector<16xf32>,
        %mul3A_157 = arith.mulf %get3A_156, %gather3A : vector<16xf32>
        %swap3A_158 = arith.index_cast %scan3A_125 : i32 to index
        %swap3A_159 = arith.constant 64 : index
        %swap3A_160 = tpu.vector_load %arg14[%swap3A_158, %swap3A_159] {strides = array<i32>} : memref<128x128xf32, #tpu.memory_space<vmem>>, vector<16xf32>,
        tpu.vector_store %arg14[%swap3A_158, %swap3A_159], %mul3A_157 {strides = array<i32>} : memref<128x128xf32, #tpu.memory_space<vmem>>, vector<16xf32>,
        %get3A_161 = arith.index_cast %scan3A_125 : i32 to index
        %get3A_162 = arith.constant 80 : index
        %get3A_163 = tpu.vector_load %arg14[%get3A_161, %get3A_162] {strides = array<i32>} : memref<128x128xf32, #tpu.memory_space<vmem>>, vector<16xf32>,
        %mul3A_164 = arith.mulf %get3A_163, %gather3A : vector<16xf32>
        %swap3A_165 = arith.index_cast %scan3A_125 : i32 to index
        %swap3A_166 = arith.constant 80 : index
        %swap3A_167 = tpu.vector_load %arg14[%swap3A_165, %swap3A_166] {strides = array<i32>} : memref<128x128xf32, #tpu.memory_space<vmem>>, vector<16xf32>,
        tpu.vector_store %arg14[%swap3A_165, %swap3A_166], %mul3A_164 {strides = array<i32>} : memref<128x128xf32, #tpu.memory_space<vmem>>, vector<16xf32>,
        %get3A_168 = arith.index_cast %scan3A_125 : i32 to index
        %get3A_169 = arith.constant 96 : index
        %get3A_170 = tpu.vector_load %arg14[%get3A_168, %get3A_169] {strides = array<i32>} : memref<128x128xf32, #tpu.memory_space<vmem>>, vector<16xf32>,
        %mul3A_171 = arith.mulf %get3A_170, %gather3A : vector<16xf32>
        %swap3A_172 = arith.index_cast %scan3A_125 : i32 to index
        %swap3A_173 = arith.constant 96 : index
        %swap3A_174 = tpu.vector_load %arg14[%swap3A_172, %swap3A_173] {strides = array<i32>} : memref<128x128xf32, #tpu.memory_space<vmem>>, vector<16xf32>,
        tpu.vector_store %arg14[%swap3A_172, %swap3A_173], %mul3A_171 {strides = array<i32>} : memref<128x128xf32, #tpu.memory_space<vmem>>, vector<16xf32>,
        %get3A_175 = arith.index_cast %scan3A_125 : i32 to index
        %get3A_176 = arith.constant 112 : index
        %get3A_177 = tpu.vector_load %arg14[%get3A_175, %get3A_176] {strides = array<i32>} : memref<128x128xf32, #tpu.memory_space<vmem>>, vector<16xf32>,
        %mul3A_178 = arith.mulf %get3A_177, %gather3A : vector<16xf32>
        %swap3A_179 = arith.index_cast %scan3A_125 : i32 to index
        %swap3A_180 = arith.constant 112 : index
        %swap3A_181 = tpu.vector_load %arg14[%swap3A_179, %swap3A_180] {strides = array<i32>} : memref<128x128xf32, #tpu.memory_space<vmem>>, vector<16xf32>,
        tpu.vector_store %arg14[%swap3A_179, %swap3A_180], %mul3A_178 {strides = array<i32>} : memref<128x128xf32, #tpu.memory_space<vmem>>, vector<16xf32>,
        %scan3A_182 = arith.constant 0 : i32
        scf.yield %scan3A_182 : i32
      }
      %scan3A_122 = arith.constant 128 : i32
      %run_scoped3A_123 = arith.constant 1 : i32
      "tpu.region"() ({
        %run_scoped3A_125 = tpu.sem_alloc : memref<!tpu.dma_semaphore, #tpu.memory_space<semaphore_mem>>
        %dma_start3A_126 = arith.constant 0 : i32
        %dma_start3A_127 = tpu.memref_slice %arg13[%run_scoped3A_123, %dma_start3A_126] : memref<2x128xi32, #tpu.memory_space<vmem>> -> memref<1x128xi32, #tpu.memory_space<vmem>>
        %dma_start3A_128 = tpu.memref_squeeze %dma_start3A_127 : memref<1x128xi32, #tpu.memory_space<vmem>> -> memref<128xi32, #tpu.memory_space<vmem>>
        %dma_start3A_129 = arith.constant 0 : i32
        %dma_start3A_130 = arith.constant 0 : i32
        %dma_start3A_131 = tpu.memref_slice %arg19[%dma_start3A_129, %dma_start3A_130] : memref<10240x128xf32, #tpu.memory_space<vmem_shared>> -> memref<10240x128xf32, #tpu.memory_space<vmem_shared>>
        tpu.enqueue_indirect_dma source(%arg14 : memref<128x128xf32, #tpu.memory_space<vmem>>) target(%dma_start3A_131 : memref<10240x128xf32, #tpu.memory_space<vmem_shared>>) offsets(%dma_start3A_128 : memref<128xi32, #tpu.memory_space<vmem>>) semaphore(%run_scoped3A_125 : memref<!tpu.dma_semaphore, #tpu.memory_space<semaphore_mem>>) {add = true}
        %dma_wait3A_132 = arith.constant 0 : i32
        %dma_wait3A_133 = tpu.memref_slice %arg13[%run_scoped3A_123, %dma_wait3A_132] : memref<2x128xi32, #tpu.memory_space<vmem>> -> memref<1x128xi32, #tpu.memory_space<vmem>>
        %dma_wait3A_134 = tpu.memref_squeeze %dma_wait3A_133 : memref<1x128xi32, #tpu.memory_space<vmem>> -> memref<128xi32, #tpu.memory_space<vmem>>
        %dma_wait3A_135 = arith.constant 0 : i32
        %dma_wait3A_136 = arith.constant 0 : i32
        %dma_wait3A_137 = tpu.memref_slice %arg19[%dma_wait3A_135, %dma_wait3A_136] : memref<10240x128xf32, #tpu.memory_space<vmem_shared>> -> memref<10240x128xf32, #tpu.memory_space<vmem_shared>>
        tpu.wait_indirect_dma semaphore(%run_scoped3A_125 : memref<!tpu.dma_semaphore, #tpu.memory_space<semaphore_mem>>) src(%arg14 : memref<128x128xf32, #tpu.memory_space<vmem>>) dst(%dma_wait3A_137 : memref<10240x128xf32, #tpu.memory_space<vmem_shared>>)
        tpu.yield
      }) : () -> ()
      %scan3A_124 = arith.constant 0 : i32
      scf.yield %scan3A_124 : i32
    }
    %scan3A_84 = arith.constant 81 : i32
    %barrier3A_85 = arith.constant 0 : index
    tpu.barrier barrier_id(%barrier3A_85)
    %mul3A_86 = arith.constant 640 : i32
    %mul3A_87 = arith.muli %arg1, %mul3A_86 : i32
    %mul3A_88 = arith.constant 640 : i32
    %mul3A_89 = arith.muli %arg1, %mul3A_88 : i32
    "tpu.region"() ({
      %run_scoped3A_90 = tpu.sem_alloc : memref<!tpu.dma_semaphore, #tpu.memory_space<semaphore_mem>>
      %dma_start3A = arith.constant 0 : i32
      %dma_start3A_91 = tpu.memref_slice %arg8[%arg0, %mul3A_89, %dma_start3A] : memref<2x10240x128xf32, #tpu.memory_space<hbm>> -> memref<1x640x128xf32, #tpu.memory_space<hbm>>
      %dma_start3A_92 = tpu.memref_squeeze %dma_start3A_91 : memref<1x640x128xf32, #tpu.memory_space<hbm>> -> memref<640x128xf32, #tpu.memory_space<hbm>>
      %dma_start3A_93 = arith.constant 0 : i32
      %dma_start3A_94 = tpu.memref_slice %arg19[%mul3A_87, %dma_start3A_93] : memref<10240x128xf32, #tpu.memory_space<vmem_shared>> -> memref<640x128xf32, #tpu.memory_space<vmem_shared>>
      tpu.enqueue_dma source(%dma_start3A_94 : memref<640x128xf32, #tpu.memory_space<vmem_shared>>) target(%dma_start3A_92 : memref<640x128xf32, #tpu.memory_space<hbm>>) target_semaphore(%run_scoped3A_90 : memref<!tpu.dma_semaphore, #tpu.memory_space<semaphore_mem>>)
      %dma_wait3A = arith.constant 0 : i32
      %dma_wait3A_95 = tpu.memref_slice %arg8[%arg0, %mul3A_89, %dma_wait3A] : memref<2x10240x128xf32, #tpu.memory_space<hbm>> -> memref<1x640x128xf32, #tpu.memory_space<hbm>>
      %dma_wait3A_96 = tpu.memref_squeeze %dma_wait3A_95 : memref<1x640x128xf32, #tpu.memory_space<hbm>> -> memref<640x128xf32, #tpu.memory_space<hbm>>
      %dma_wait3A_97 = arith.constant 0 : i32
      %dma_wait3A_98 = tpu.memref_slice %arg19[%mul3A_87, %dma_wait3A_97] : memref<10240x128xf32, #tpu.memory_space<vmem_shared>> -> memref<640x128xf32, #tpu.memory_space<vmem_shared>>
      tpu.wait_dma2 semaphore(%run_scoped3A_90 : memref<!tpu.dma_semaphore, #tpu.memory_space<semaphore_mem>>) src(%dma_wait3A_98 : memref<640x128xf32, #tpu.memory_space<vmem_shared>>) dst(%dma_wait3A_96 : memref<640x128xf32, #tpu.memory_space<hbm>>)
      tpu.yield
    }) : () -> ()
    return
  }
}

#map = affine_map<(d0, d1) -> (0, 0)>
#map1 = affine_map<(d0, d1) -> (0)>
#map2 = affine_map<(d0, d1) -> (0, 0, 0)>
module attributes {stable_mosaic.version = 14 : i64} {
  func.func @_sc_edge_body(%arg0: i32, %arg1: i32, %arg2: memref<10240x128xf32, #tpu.memory_space<hbm>>, %arg3: memref<80x128xf32, #tpu.memory_space<hbm>>, %arg4: memref<80x128xf32, #tpu.memory_space<hbm>>, %arg5: memref<1x128xf32, #tpu.memory_space<hbm>>, %arg6: memref<331776xi32, #tpu.memory_space<hbm>>, %arg7: memref<331776xi32, #tpu.memory_space<hbm>>, %arg8: memref<2x10240x128xf32, #tpu.memory_space<hbm>>, %arg9: memref<10240xf32, #tpu.memory_space<vmem>>, %arg10: memref<10240xf32, #tpu.memory_space<vmem>>, %arg11: memref<10240xf32, #tpu.memory_space<vmem>>, %arg12: memref<2x128xi32, #tpu.memory_space<vmem>>, %arg13: memref<2x128xi32, #tpu.memory_space<vmem>>, %arg14: memref<128x128xf32, #tpu.memory_space<vmem>>, %arg15: memref<128xf32, #tpu.memory_space<vmem>>, %arg16: memref<1x128xf32, #tpu.memory_space<vmem>>, %arg17: memref<!tpu.dma_semaphore, #tpu.memory_space<semaphore_mem>>, %arg18: memref<10240xf32, #tpu.memory_space<vmem_shared>>, %arg19: memref<10240x128xf32, #tpu.memory_space<vmem_shared>>) attributes {dimension_semantics = [#tpu.dimension_semantics<core_parallel>, #tpu.dimension_semantics<subcore_parallel>], iteration_bounds = array<i64: 2, 16>, scalar_prefetch = 0 : i64, scratch_operands = 11 : i64, tpu.core_type = #tpu.core_type<sc_vector_subcore>, window_params = [{transform_indices = #map}, {transform_indices = #map}, {transform_indices = #map}, {transform_indices = #map}, {transform_indices = #map1}, {transform_indices = #map1}, {transform_indices = #map2}]} {
    "tpu.region"() ({
      %run_scoped3A_90 = tpu.sem_alloc : memref<!tpu.dma_semaphore, #tpu.memory_space<semaphore_mem>>
      %dma_start3A = arith.constant 0 : i32
      %dma_start3A_91 = arith.constant 0 : i32
      %dma_start3A_92 = tpu.memref_slice %arg14[%dma_start3A, %dma_start3A_91] : memref<128x128xf32, #tpu.memory_space<vmem>> -> memref<80x128xf32, #tpu.memory_space<vmem>>
      %dma_start3A_93 = arith.constant 0 : i32
      %dma_start3A_94 = arith.constant 0 : i32
      %dma_start3A_95 = tpu.memref_slice %arg14[%dma_start3A_93, %dma_start3A_94] : memref<128x128xf32, #tpu.memory_space<vmem>> -> memref<80x128xf32, #tpu.memory_space<vmem>>
      tpu.enqueue_dma source(%arg3 : memref<80x128xf32, #tpu.memory_space<hbm>>) target(%dma_start3A_95 : memref<80x128xf32, #tpu.memory_space<vmem>>) target_semaphore(%run_scoped3A_90 : memref<!tpu.dma_semaphore, #tpu.memory_space<semaphore_mem>>)
      %dma_wait3A = arith.constant 0 : i32
      %dma_wait3A_96 = arith.constant 0 : i32
      %dma_wait3A_97 = tpu.memref_slice %arg14[%dma_wait3A, %dma_wait3A_96] : memref<128x128xf32, #tpu.memory_space<vmem>> -> memref<80x128xf32, #tpu.memory_space<vmem>>
      %dma_wait3A_98 = arith.constant 0 : i32
      %dma_wait3A_99 = arith.constant 0 : i32
      %dma_wait3A_100 = tpu.memref_slice %arg14[%dma_wait3A_98, %dma_wait3A_99] : memref<128x128xf32, #tpu.memory_space<vmem>> -> memref<80x128xf32, #tpu.memory_space<vmem>>
      tpu.wait_dma2 semaphore(%run_scoped3A_90 : memref<!tpu.dma_semaphore, #tpu.memory_space<semaphore_mem>>) src(%arg3 : memref<80x128xf32, #tpu.memory_space<hbm>>) dst(%dma_wait3A_100 : memref<80x128xf32, #tpu.memory_space<vmem>>)
      tpu.yield
    }) : () -> ()
    %scan3A = arith.constant 0 : i32
    %scan3A_0 = arith.constant 0 : i32
    %scan3A_1 = arith.constant 80 : i32
    %scan3A_2 = arith.addi %scan3A_0, %scan3A_1 : i32
    %scan3A_3 = arith.constant 1 : i32
    %scan3A_4 = scf.for %scan3A_90 = %scan3A_0 to %scan3A_2 step %scan3A_3 iter_args(%scan3A_91 = %scan3A) -> (i32)  : i32 {
      %get3A_92 = arith.index_cast %scan3A_90 : i32 to index
      %get3A_93 = arith.constant 0 : index
      %get3A_94 = tpu.vector_load %arg14[%get3A_92, %get3A_93] {strides = array<i32>} : memref<128x128xf32, #tpu.memory_space<vmem>>, vector<16xf32>,
      %mul3A_95 = arith.constant 128 : i32
      %mul3A_96 = arith.muli %scan3A_90, %mul3A_95 : i32
      %add3A_97 = arith.constant 0 : i32
      %add3A_98 = arith.addi %mul3A_96, %add3A_97 : i32
      %swap3A = arith.index_cast %add3A_98 : i32 to index
      %swap3A_99 = tpu.vector_load %arg9[%swap3A] {strides = array<i32>} : memref<10240xf32, #tpu.memory_space<vmem>>, vector<16xf32>,
      tpu.vector_store %arg9[%swap3A], %get3A_94 {strides = array<i32>} : memref<10240xf32, #tpu.memory_space<vmem>>, vector<16xf32>,
      %get3A_100 = arith.index_cast %scan3A_90 : i32 to index
      %get3A_101 = arith.constant 16 : index
      %get3A_102 = tpu.vector_load %arg14[%get3A_100, %get3A_101] {strides = array<i32>} : memref<128x128xf32, #tpu.memory_space<vmem>>, vector<16xf32>,
      %mul3A_103 = arith.constant 128 : i32
      %mul3A_104 = arith.muli %scan3A_90, %mul3A_103 : i32
      %add3A_105 = arith.constant 16 : i32
      %add3A_106 = arith.addi %mul3A_104, %add3A_105 : i32
      %swap3A_107 = arith.index_cast %add3A_106 : i32 to index
      %swap3A_108 = tpu.vector_load %arg9[%swap3A_107] {strides = array<i32>} : memref<10240xf32, #tpu.memory_space<vmem>>, vector<16xf32>,
      tpu.vector_store %arg9[%swap3A_107], %get3A_102 {strides = array<i32>} : memref<10240xf32, #tpu.memory_space<vmem>>, vector<16xf32>,
      %get3A_109 = arith.index_cast %scan3A_90 : i32 to index
      %get3A_110 = arith.constant 32 : index
      %get3A_111 = tpu.vector_load %arg14[%get3A_109, %get3A_110] {strides = array<i32>} : memref<128x128xf32, #tpu.memory_space<vmem>>, vector<16xf32>,
      %mul3A_112 = arith.constant 128 : i32
      %mul3A_113 = arith.muli %scan3A_90, %mul3A_112 : i32
      %add3A_114 = arith.constant 32 : i32
      %add3A_115 = arith.addi %mul3A_113, %add3A_114 : i32
      %swap3A_116 = arith.index_cast %add3A_115 : i32 to index
      %swap3A_117 = tpu.vector_load %arg9[%swap3A_116] {strides = array<i32>} : memref<10240xf32, #tpu.memory_space<vmem>>, vector<16xf32>,
      tpu.vector_store %arg9[%swap3A_116], %get3A_111 {strides = array<i32>} : memref<10240xf32, #tpu.memory_space<vmem>>, vector<16xf32>,
      %get3A_118 = arith.index_cast %scan3A_90 : i32 to index
      %get3A_119 = arith.constant 48 : index
      %get3A_120 = tpu.vector_load %arg14[%get3A_118, %get3A_119] {strides = array<i32>} : memref<128x128xf32, #tpu.memory_space<vmem>>, vector<16xf32>,
      %mul3A_121 = arith.constant 128 : i32
      %mul3A_122 = arith.muli %scan3A_90, %mul3A_121 : i32
      %add3A_123 = arith.constant 48 : i32
      %add3A_124 = arith.addi %mul3A_122, %add3A_123 : i32
      %swap3A_125 = arith.index_cast %add3A_124 : i32 to index
      %swap3A_126 = tpu.vector_load %arg9[%swap3A_125] {strides = array<i32>} : memref<10240xf32, #tpu.memory_space<vmem>>, vector<16xf32>,
      tpu.vector_store %arg9[%swap3A_125], %get3A_120 {strides = array<i32>} : memref<10240xf32, #tpu.memory_space<vmem>>, vector<16xf32>,
      %get3A_127 = arith.index_cast %scan3A_90 : i32 to index
      %get3A_128 = arith.constant 64 : index
      %get3A_129 = tpu.vector_load %arg14[%get3A_127, %get3A_128] {strides = array<i32>} : memref<128x128xf32, #tpu.memory_space<vmem>>, vector<16xf32>,
      %mul3A_130 = arith.constant 128 : i32
      %mul3A_131 = arith.muli %scan3A_90, %mul3A_130 : i32
      %add3A_132 = arith.constant 64 : i32
      %add3A_133 = arith.addi %mul3A_131, %add3A_132 : i32
      %swap3A_134 = arith.index_cast %add3A_133 : i32 to index
      %swap3A_135 = tpu.vector_load %arg9[%swap3A_134] {strides = array<i32>} : memref<10240xf32, #tpu.memory_space<vmem>>, vector<16xf32>,
      tpu.vector_store %arg9[%swap3A_134], %get3A_129 {strides = array<i32>} : memref<10240xf32, #tpu.memory_space<vmem>>, vector<16xf32>,
      %get3A_136 = arith.index_cast %scan3A_90 : i32 to index
      %get3A_137 = arith.constant 80 : index
      %get3A_138 = tpu.vector_load %arg14[%get3A_136, %get3A_137] {strides = array<i32>} : memref<128x128xf32, #tpu.memory_space<vmem>>, vector<16xf32>,
      %mul3A_139 = arith.constant 128 : i32
      %mul3A_140 = arith.muli %scan3A_90, %mul3A_139 : i32
      %add3A_141 = arith.constant 80 : i32
      %add3A_142 = arith.addi %mul3A_140, %add3A_141 : i32
      %swap3A_143 = arith.index_cast %add3A_142 : i32 to index
      %swap3A_144 = tpu.vector_load %arg9[%swap3A_143] {strides = array<i32>} : memref<10240xf32, #tpu.memory_space<vmem>>, vector<16xf32>,
      tpu.vector_store %arg9[%swap3A_143], %get3A_138 {strides = array<i32>} : memref<10240xf32, #tpu.memory_space<vmem>>, vector<16xf32>,
      %get3A_145 = arith.index_cast %scan3A_90 : i32 to index
      %get3A_146 = arith.constant 96 : index
      %get3A_147 = tpu.vector_load %arg14[%get3A_145, %get3A_146] {strides = array<i32>} : memref<128x128xf32, #tpu.memory_space<vmem>>, vector<16xf32>,
      %mul3A_148 = arith.constant 128 : i32
      %mul3A_149 = arith.muli %scan3A_90, %mul3A_148 : i32
      %add3A_150 = arith.constant 96 : i32
      %add3A_151 = arith.addi %mul3A_149, %add3A_150 : i32
      %swap3A_152 = arith.index_cast %add3A_151 : i32 to index
      %swap3A_153 = tpu.vector_load %arg9[%swap3A_152] {strides = array<i32>} : memref<10240xf32, #tpu.memory_space<vmem>>, vector<16xf32>,
      tpu.vector_store %arg9[%swap3A_152], %get3A_147 {strides = array<i32>} : memref<10240xf32, #tpu.memory_space<vmem>>, vector<16xf32>,
      %get3A_154 = arith.index_cast %scan3A_90 : i32 to index
      %get3A_155 = arith.constant 112 : index
      %get3A_156 = tpu.vector_load %arg14[%get3A_154, %get3A_155] {strides = array<i32>} : memref<128x128xf32, #tpu.memory_space<vmem>>, vector<16xf32>,
      %mul3A_157 = arith.constant 128 : i32
      %mul3A_158 = arith.muli %scan3A_90, %mul3A_157 : i32
      %add3A_159 = arith.constant 112 : i32
      %add3A_160 = arith.addi %mul3A_158, %add3A_159 : i32
      %swap3A_161 = arith.index_cast %add3A_160 : i32 to index
      %swap3A_162 = tpu.vector_load %arg9[%swap3A_161] {strides = array<i32>} : memref<10240xf32, #tpu.memory_space<vmem>>, vector<16xf32>,
      tpu.vector_store %arg9[%swap3A_161], %get3A_156 {strides = array<i32>} : memref<10240xf32, #tpu.memory_space<vmem>>, vector<16xf32>,
      %scan3A_163 = arith.constant 0 : i32
      scf.yield %scan3A_163 : i32
    }
    %scan3A_5 = arith.constant 80 : i32
    "tpu.region"() ({
      %run_scoped3A_90 = tpu.sem_alloc : memref<!tpu.dma_semaphore, #tpu.memory_space<semaphore_mem>>
      %dma_start3A = arith.constant 0 : i32
      %dma_start3A_91 = arith.constant 0 : i32
      %dma_start3A_92 = tpu.memref_slice %arg14[%dma_start3A, %dma_start3A_91] : memref<128x128xf32, #tpu.memory_space<vmem>> -> memref<80x128xf32, #tpu.memory_space<vmem>>
      %dma_start3A_93 = arith.constant 0 : i32
      %dma_start3A_94 = arith.constant 0 : i32
      %dma_start3A_95 = tpu.memref_slice %arg14[%dma_start3A_93, %dma_start3A_94] : memref<128x128xf32, #tpu.memory_space<vmem>> -> memref<80x128xf32, #tpu.memory_space<vmem>>
      tpu.enqueue_dma source(%arg4 : memref<80x128xf32, #tpu.memory_space<hbm>>) target(%dma_start3A_95 : memref<80x128xf32, #tpu.memory_space<vmem>>) target_semaphore(%run_scoped3A_90 : memref<!tpu.dma_semaphore, #tpu.memory_space<semaphore_mem>>)
      %dma_wait3A = arith.constant 0 : i32
      %dma_wait3A_96 = arith.constant 0 : i32
      %dma_wait3A_97 = tpu.memref_slice %arg14[%dma_wait3A, %dma_wait3A_96] : memref<128x128xf32, #tpu.memory_space<vmem>> -> memref<80x128xf32, #tpu.memory_space<vmem>>
      %dma_wait3A_98 = arith.constant 0 : i32
      %dma_wait3A_99 = arith.constant 0 : i32
      %dma_wait3A_100 = tpu.memref_slice %arg14[%dma_wait3A_98, %dma_wait3A_99] : memref<128x128xf32, #tpu.memory_space<vmem>> -> memref<80x128xf32, #tpu.memory_space<vmem>>
      tpu.wait_dma2 semaphore(%run_scoped3A_90 : memref<!tpu.dma_semaphore, #tpu.memory_space<semaphore_mem>>) src(%arg4 : memref<80x128xf32, #tpu.memory_space<hbm>>) dst(%dma_wait3A_100 : memref<80x128xf32, #tpu.memory_space<vmem>>)
      tpu.yield
    }) : () -> ()
    %scan3A_6 = arith.constant 0 : i32
    %scan3A_7 = arith.constant 0 : i32
    %scan3A_8 = arith.constant 80 : i32
    %scan3A_9 = arith.addi %scan3A_7, %scan3A_8 : i32
    %scan3A_10 = arith.constant 1 : i32
    %scan3A_11 = scf.for %scan3A_90 = %scan3A_7 to %scan3A_9 step %scan3A_10 iter_args(%scan3A_91 = %scan3A_6) -> (i32)  : i32 {
      %get3A_92 = arith.index_cast %scan3A_90 : i32 to index
      %get3A_93 = arith.constant 0 : index
      %get3A_94 = tpu.vector_load %arg14[%get3A_92, %get3A_93] {strides = array<i32>} : memref<128x128xf32, #tpu.memory_space<vmem>>, vector<16xf32>,
      %mul3A_95 = arith.constant 128 : i32
      %mul3A_96 = arith.muli %scan3A_90, %mul3A_95 : i32
      %add3A_97 = arith.constant 0 : i32
      %add3A_98 = arith.addi %mul3A_96, %add3A_97 : i32
      %swap3A = arith.index_cast %add3A_98 : i32 to index
      %swap3A_99 = tpu.vector_load %arg10[%swap3A] {strides = array<i32>} : memref<10240xf32, #tpu.memory_space<vmem>>, vector<16xf32>,
      tpu.vector_store %arg10[%swap3A], %get3A_94 {strides = array<i32>} : memref<10240xf32, #tpu.memory_space<vmem>>, vector<16xf32>,
      %get3A_100 = arith.index_cast %scan3A_90 : i32 to index
      %get3A_101 = arith.constant 16 : index
      %get3A_102 = tpu.vector_load %arg14[%get3A_100, %get3A_101] {strides = array<i32>} : memref<128x128xf32, #tpu.memory_space<vmem>>, vector<16xf32>,
      %mul3A_103 = arith.constant 128 : i32
      %mul3A_104 = arith.muli %scan3A_90, %mul3A_103 : i32
      %add3A_105 = arith.constant 16 : i32
      %add3A_106 = arith.addi %mul3A_104, %add3A_105 : i32
      %swap3A_107 = arith.index_cast %add3A_106 : i32 to index
      %swap3A_108 = tpu.vector_load %arg10[%swap3A_107] {strides = array<i32>} : memref<10240xf32, #tpu.memory_space<vmem>>, vector<16xf32>,
      tpu.vector_store %arg10[%swap3A_107], %get3A_102 {strides = array<i32>} : memref<10240xf32, #tpu.memory_space<vmem>>, vector<16xf32>,
      %get3A_109 = arith.index_cast %scan3A_90 : i32 to index
      %get3A_110 = arith.constant 32 : index
      %get3A_111 = tpu.vector_load %arg14[%get3A_109, %get3A_110] {strides = array<i32>} : memref<128x128xf32, #tpu.memory_space<vmem>>, vector<16xf32>,
      %mul3A_112 = arith.constant 128 : i32
      %mul3A_113 = arith.muli %scan3A_90, %mul3A_112 : i32
      %add3A_114 = arith.constant 32 : i32
      %add3A_115 = arith.addi %mul3A_113, %add3A_114 : i32
      %swap3A_116 = arith.index_cast %add3A_115 : i32 to index
      %swap3A_117 = tpu.vector_load %arg10[%swap3A_116] {strides = array<i32>} : memref<10240xf32, #tpu.memory_space<vmem>>, vector<16xf32>,
      tpu.vector_store %arg10[%swap3A_116], %get3A_111 {strides = array<i32>} : memref<10240xf32, #tpu.memory_space<vmem>>, vector<16xf32>,
      %get3A_118 = arith.index_cast %scan3A_90 : i32 to index
      %get3A_119 = arith.constant 48 : index
      %get3A_120 = tpu.vector_load %arg14[%get3A_118, %get3A_119] {strides = array<i32>} : memref<128x128xf32, #tpu.memory_space<vmem>>, vector<16xf32>,
      %mul3A_121 = arith.constant 128 : i32
      %mul3A_122 = arith.muli %scan3A_90, %mul3A_121 : i32
      %add3A_123 = arith.constant 48 : i32
      %add3A_124 = arith.addi %mul3A_122, %add3A_123 : i32
      %swap3A_125 = arith.index_cast %add3A_124 : i32 to index
      %swap3A_126 = tpu.vector_load %arg10[%swap3A_125] {strides = array<i32>} : memref<10240xf32, #tpu.memory_space<vmem>>, vector<16xf32>,
      tpu.vector_store %arg10[%swap3A_125], %get3A_120 {strides = array<i32>} : memref<10240xf32, #tpu.memory_space<vmem>>, vector<16xf32>,
      %get3A_127 = arith.index_cast %scan3A_90 : i32 to index
      %get3A_128 = arith.constant 64 : index
      %get3A_129 = tpu.vector_load %arg14[%get3A_127, %get3A_128] {strides = array<i32>} : memref<128x128xf32, #tpu.memory_space<vmem>>, vector<16xf32>,
      %mul3A_130 = arith.constant 128 : i32
      %mul3A_131 = arith.muli %scan3A_90, %mul3A_130 : i32
      %add3A_132 = arith.constant 64 : i32
      %add3A_133 = arith.addi %mul3A_131, %add3A_132 : i32
      %swap3A_134 = arith.index_cast %add3A_133 : i32 to index
      %swap3A_135 = tpu.vector_load %arg10[%swap3A_134] {strides = array<i32>} : memref<10240xf32, #tpu.memory_space<vmem>>, vector<16xf32>,
      tpu.vector_store %arg10[%swap3A_134], %get3A_129 {strides = array<i32>} : memref<10240xf32, #tpu.memory_space<vmem>>, vector<16xf32>,
      %get3A_136 = arith.index_cast %scan3A_90 : i32 to index
      %get3A_137 = arith.constant 80 : index
      %get3A_138 = tpu.vector_load %arg14[%get3A_136, %get3A_137] {strides = array<i32>} : memref<128x128xf32, #tpu.memory_space<vmem>>, vector<16xf32>,
      %mul3A_139 = arith.constant 128 : i32
      %mul3A_140 = arith.muli %scan3A_90, %mul3A_139 : i32
      %add3A_141 = arith.constant 80 : i32
      %add3A_142 = arith.addi %mul3A_140, %add3A_141 : i32
      %swap3A_143 = arith.index_cast %add3A_142 : i32 to index
      %swap3A_144 = tpu.vector_load %arg10[%swap3A_143] {strides = array<i32>} : memref<10240xf32, #tpu.memory_space<vmem>>, vector<16xf32>,
      tpu.vector_store %arg10[%swap3A_143], %get3A_138 {strides = array<i32>} : memref<10240xf32, #tpu.memory_space<vmem>>, vector<16xf32>,
      %get3A_145 = arith.index_cast %scan3A_90 : i32 to index
      %get3A_146 = arith.constant 96 : index
      %get3A_147 = tpu.vector_load %arg14[%get3A_145, %get3A_146] {strides = array<i32>} : memref<128x128xf32, #tpu.memory_space<vmem>>, vector<16xf32>,
      %mul3A_148 = arith.constant 128 : i32
      %mul3A_149 = arith.muli %scan3A_90, %mul3A_148 : i32
      %add3A_150 = arith.constant 96 : i32
      %add3A_151 = arith.addi %mul3A_149, %add3A_150 : i32
      %swap3A_152 = arith.index_cast %add3A_151 : i32 to index
      %swap3A_153 = tpu.vector_load %arg10[%swap3A_152] {strides = array<i32>} : memref<10240xf32, #tpu.memory_space<vmem>>, vector<16xf32>,
      tpu.vector_store %arg10[%swap3A_152], %get3A_147 {strides = array<i32>} : memref<10240xf32, #tpu.memory_space<vmem>>, vector<16xf32>,
      %get3A_154 = arith.index_cast %scan3A_90 : i32 to index
      %get3A_155 = arith.constant 112 : index
      %get3A_156 = tpu.vector_load %arg14[%get3A_154, %get3A_155] {strides = array<i32>} : memref<128x128xf32, #tpu.memory_space<vmem>>, vector<16xf32>,
      %mul3A_157 = arith.constant 128 : i32
      %mul3A_158 = arith.muli %scan3A_90, %mul3A_157 : i32
      %add3A_159 = arith.constant 112 : i32
      %add3A_160 = arith.addi %mul3A_158, %add3A_159 : i32
      %swap3A_161 = arith.index_cast %add3A_160 : i32 to index
      %swap3A_162 = tpu.vector_load %arg10[%swap3A_161] {strides = array<i32>} : memref<10240xf32, #tpu.memory_space<vmem>>, vector<16xf32>,
      tpu.vector_store %arg10[%swap3A_161], %get3A_156 {strides = array<i32>} : memref<10240xf32, #tpu.memory_space<vmem>>, vector<16xf32>,
      %scan3A_163 = arith.constant 0 : i32
      scf.yield %scan3A_163 : i32
    }
    %scan3A_12 = arith.constant 80 : i32
    "tpu.region"() ({
      %run_scoped3A_90 = tpu.sem_alloc : memref<!tpu.dma_semaphore, #tpu.memory_space<semaphore_mem>>
      tpu.enqueue_dma source(%arg5 : memref<1x128xf32, #tpu.memory_space<hbm>>) target(%arg16 : memref<1x128xf32, #tpu.memory_space<vmem>>) target_semaphore(%run_scoped3A_90 : memref<!tpu.dma_semaphore, #tpu.memory_space<semaphore_mem>>)
      tpu.wait_dma2 semaphore(%run_scoped3A_90 : memref<!tpu.dma_semaphore, #tpu.memory_space<semaphore_mem>>) src(%arg5 : memref<1x128xf32, #tpu.memory_space<hbm>>) dst(%arg16 : memref<1x128xf32, #tpu.memory_space<vmem>>)
      tpu.yield
    }) : () -> ()
    %get3A = arith.constant 0 : i32
    %get3A_13 = arith.index_cast %get3A : i32 to index
    %get3A_14 = arith.constant 0 : index
    %get3A_15 = tpu.vector_load %arg16[%get3A_13, %get3A_14] {strides = array<i32>} : memref<1x128xf32, #tpu.memory_space<vmem>>, vector<16xf32>,
    %scan3A_16 = arith.constant 0 : i32
    %scan3A_17 = arith.constant 0 : i32
    %scan3A_18 = arith.constant 1024 : i32
    %scan3A_19 = arith.addi %scan3A_17, %scan3A_18 : i32
    %scan3A_20 = arith.constant 1 : i32
    %scan3A_21 = scf.for %scan3A_90 = %scan3A_17 to %scan3A_19 step %scan3A_20 iter_args(%scan3A_91 = %scan3A_16) -> (i32)  : i32 {
      %broadcast_in_dim3A = arith.constant 0.000000e+00 : f32
      %broadcast_in_dim3A_92 = vector.broadcast %broadcast_in_dim3A : f32 to vector<16xf32>
      %mul3A_93 = arith.constant 16 : i32
      %mul3A_94 = arith.muli %scan3A_90, %mul3A_93 : i32
      %swap3A = arith.constant 0 : i32
      %swap3A_95 = arith.index_cast %swap3A : i32 to index
      %swap3A_96 = arith.index_cast %mul3A_94 : i32 to index
      %swap3A_97 = tpu.vector_load %arg14[%swap3A_95, %swap3A_96] {strides = array<i32>} : memref<128x128xf32, #tpu.memory_space<vmem>>, vector<16xf32>,
      tpu.vector_store %arg14[%swap3A_95, %swap3A_96], %broadcast_in_dim3A_92 {strides = array<i32>} : memref<128x128xf32, #tpu.memory_space<vmem>>, vector<16xf32>,
      %scan3A_98 = arith.constant 0 : i32
      scf.yield %scan3A_98 : i32
    }
    %scan3A_22 = arith.constant 1024 : i32
    %mul3A = arith.constant 640 : i32
    %mul3A_23 = arith.muli %arg1, %mul3A : i32
    %add3A = arith.constant 0 : i32
    %add3A_24 = arith.addi %mul3A_23, %add3A : i32
    %run_scoped3A = arith.constant 0 : i32
    "tpu.region"() ({
      %run_scoped3A_90 = tpu.sem_alloc : memref<!tpu.dma_semaphore, #tpu.memory_space<semaphore_mem>>
      %dma_start3A = arith.constant 0 : i32
      %dma_start3A_91 = tpu.memref_slice %arg14[%run_scoped3A, %dma_start3A] : memref<128x128xf32, #tpu.memory_space<vmem>> -> memref<1x128xf32, #tpu.memory_space<vmem>>
      %dma_start3A_92 = tpu.memref_squeeze %dma_start3A_91 : memref<1x128xf32, #tpu.memory_space<vmem>> -> memref<128xf32, #tpu.memory_space<vmem>>
      %dma_start3A_93 = tpu.memref_slice %arg18[%add3A_24] : memref<10240xf32, #tpu.memory_space<vmem_shared>> -> memref<128xf32, #tpu.memory_space<vmem_shared>>
      %dma_start3A_94 = tpu.memref_slice %arg18[%add3A_24] : memref<10240xf32, #tpu.memory_space<vmem_shared>> -> memref<128xf32, #tpu.memory_space<vmem_shared>>
      %dma_start3A_95 = arith.constant 0 : i32
      %dma_start3A_96 = tpu.memref_slice %arg14[%run_scoped3A, %dma_start3A_95] : memref<128x128xf32, #tpu.memory_space<vmem>> -> memref<1x128xf32, #tpu.memory_space<vmem>>
      %dma_start3A_97 = tpu.memref_squeeze %dma_start3A_96 : memref<1x128xf32, #tpu.memory_space<vmem>> -> memref<128xf32, #tpu.memory_space<vmem>>
      tpu.enqueue_dma source(%dma_start3A_97 : memref<128xf32, #tpu.memory_space<vmem>>) target(%dma_start3A_94 : memref<128xf32, #tpu.memory_space<vmem_shared>>) target_semaphore(%run_scoped3A_90 : memref<!tpu.dma_semaphore, #tpu.memory_space<semaphore_mem>>)
      %dma_wait3A = arith.constant 0 : i32
      %dma_wait3A_98 = tpu.memref_slice %arg14[%run_scoped3A, %dma_wait3A] : memref<128x128xf32, #tpu.memory_space<vmem>> -> memref<1x128xf32, #tpu.memory_space<vmem>>
      %dma_wait3A_99 = tpu.memref_squeeze %dma_wait3A_98 : memref<1x128xf32, #tpu.memory_space<vmem>> -> memref<128xf32, #tpu.memory_space<vmem>>
      %dma_wait3A_100 = tpu.memref_slice %arg18[%add3A_24] : memref<10240xf32, #tpu.memory_space<vmem_shared>> -> memref<128xf32, #tpu.memory_space<vmem_shared>>
      %dma_wait3A_101 = tpu.memref_slice %arg18[%add3A_24] : memref<10240xf32, #tpu.memory_space<vmem_shared>> -> memref<128xf32, #tpu.memory_space<vmem_shared>>
      %dma_wait3A_102 = arith.constant 0 : i32
      %dma_wait3A_103 = tpu.memref_slice %arg14[%run_scoped3A, %dma_wait3A_102] : memref<128x128xf32, #tpu.memory_space<vmem>> -> memref<1x128xf32, #tpu.memory_space<vmem>>
      %dma_wait3A_104 = tpu.memref_squeeze %dma_wait3A_103 : memref<1x128xf32, #tpu.memory_space<vmem>> -> memref<128xf32, #tpu.memory_space<vmem>>
      tpu.wait_dma2 semaphore(%run_scoped3A_90 : memref<!tpu.dma_semaphore, #tpu.memory_space<semaphore_mem>>) src(%dma_wait3A_104 : memref<128xf32, #tpu.memory_space<vmem>>) dst(%dma_wait3A_101 : memref<128xf32, #tpu.memory_space<vmem_shared>>)
      tpu.yield
    }) : () -> ()
    %mul3A_25 = arith.constant 640 : i32
    %mul3A_26 = arith.muli %arg1, %mul3A_25 : i32
    %add3A_27 = arith.constant 0 : i32
    %add3A_28 = arith.addi %mul3A_26, %add3A_27 : i32
    "tpu.region"() ({
      %run_scoped3A_90 = tpu.sem_alloc : memref<!tpu.dma_semaphore, #tpu.memory_space<semaphore_mem>>
      %dma_start3A = arith.constant 0 : i32
      %dma_start3A_91 = tpu.memref_slice %arg19[%add3A_28, %dma_start3A] : memref<10240x128xf32, #tpu.memory_space<vmem_shared>> -> memref<128x128xf32, #tpu.memory_space<vmem_shared>>
      %dma_start3A_92 = arith.constant 0 : i32
      %dma_start3A_93 = tpu.memref_slice %arg19[%add3A_28, %dma_start3A_92] : memref<10240x128xf32, #tpu.memory_space<vmem_shared>> -> memref<128x128xf32, #tpu.memory_space<vmem_shared>>
      tpu.enqueue_dma source(%arg14 : memref<128x128xf32, #tpu.memory_space<vmem>>) target(%dma_start3A_93 : memref<128x128xf32, #tpu.memory_space<vmem_shared>>) target_semaphore(%run_scoped3A_90 : memref<!tpu.dma_semaphore, #tpu.memory_space<semaphore_mem>>)
      %dma_wait3A = arith.constant 0 : i32
      %dma_wait3A_94 = tpu.memref_slice %arg19[%add3A_28, %dma_wait3A] : memref<10240x128xf32, #tpu.memory_space<vmem_shared>> -> memref<128x128xf32, #tpu.memory_space<vmem_shared>>
      %dma_wait3A_95 = arith.constant 0 : i32
      %dma_wait3A_96 = tpu.memref_slice %arg19[%add3A_28, %dma_wait3A_95] : memref<10240x128xf32, #tpu.memory_space<vmem_shared>> -> memref<128x128xf32, #tpu.memory_space<vmem_shared>>
      tpu.wait_dma2 semaphore(%run_scoped3A_90 : memref<!tpu.dma_semaphore, #tpu.memory_space<semaphore_mem>>) src(%arg14 : memref<128x128xf32, #tpu.memory_space<vmem>>) dst(%dma_wait3A_96 : memref<128x128xf32, #tpu.memory_space<vmem_shared>>)
      tpu.yield
    }) : () -> ()
    %mul3A_29 = arith.constant 640 : i32
    %mul3A_30 = arith.muli %arg1, %mul3A_29 : i32
    %add3A_31 = arith.constant 128 : i32
    %add3A_32 = arith.addi %mul3A_30, %add3A_31 : i32
    %run_scoped3A_33 = arith.constant 0 : i32
    "tpu.region"() ({
      %run_scoped3A_90 = tpu.sem_alloc : memref<!tpu.dma_semaphore, #tpu.memory_space<semaphore_mem>>
      %dma_start3A = arith.constant 0 : i32
      %dma_start3A_91 = tpu.memref_slice %arg14[%run_scoped3A_33, %dma_start3A] : memref<128x128xf32, #tpu.memory_space<vmem>> -> memref<1x128xf32, #tpu.memory_space<vmem>>
      %dma_start3A_92 = tpu.memref_squeeze %dma_start3A_91 : memref<1x128xf32, #tpu.memory_space<vmem>> -> memref<128xf32, #tpu.memory_space<vmem>>
      %dma_start3A_93 = tpu.memref_slice %arg18[%add3A_32] : memref<10240xf32, #tpu.memory_space<vmem_shared>> -> memref<128xf32, #tpu.memory_space<vmem_shared>>
      %dma_start3A_94 = tpu.memref_slice %arg18[%add3A_32] : memref<10240xf32, #tpu.memory_space<vmem_shared>> -> memref<128xf32, #tpu.memory_space<vmem_shared>>
      %dma_start3A_95 = arith.constant 0 : i32
      %dma_start3A_96 = tpu.memref_slice %arg14[%run_scoped3A_33, %dma_start3A_95] : memref<128x128xf32, #tpu.memory_space<vmem>> -> memref<1x128xf32, #tpu.memory_space<vmem>>
      %dma_start3A_97 = tpu.memref_squeeze %dma_start3A_96 : memref<1x128xf32, #tpu.memory_space<vmem>> -> memref<128xf32, #tpu.memory_space<vmem>>
      tpu.enqueue_dma source(%dma_start3A_97 : memref<128xf32, #tpu.memory_space<vmem>>) target(%dma_start3A_94 : memref<128xf32, #tpu.memory_space<vmem_shared>>) target_semaphore(%run_scoped3A_90 : memref<!tpu.dma_semaphore, #tpu.memory_space<semaphore_mem>>)
      %dma_wait3A = arith.constant 0 : i32
      %dma_wait3A_98 = tpu.memref_slice %arg14[%run_scoped3A_33, %dma_wait3A] : memref<128x128xf32, #tpu.memory_space<vmem>> -> memref<1x128xf32, #tpu.memory_space<vmem>>
      %dma_wait3A_99 = tpu.memref_squeeze %dma_wait3A_98 : memref<1x128xf32, #tpu.memory_space<vmem>> -> memref<128xf32, #tpu.memory_space<vmem>>
      %dma_wait3A_100 = tpu.memref_slice %arg18[%add3A_32] : memref<10240xf32, #tpu.memory_space<vmem_shared>> -> memref<128xf32, #tpu.memory_space<vmem_shared>>
      %dma_wait3A_101 = tpu.memref_slice %arg18[%add3A_32] : memref<10240xf32, #tpu.memory_space<vmem_shared>> -> memref<128xf32, #tpu.memory_space<vmem_shared>>
      %dma_wait3A_102 = arith.constant 0 : i32
      %dma_wait3A_103 = tpu.memref_slice %arg14[%run_scoped3A_33, %dma_wait3A_102] : memref<128x128xf32, #tpu.memory_space<vmem>> -> memref<1x128xf32, #tpu.memory_space<vmem>>
      %dma_wait3A_104 = tpu.memref_squeeze %dma_wait3A_103 : memref<1x128xf32, #tpu.memory_space<vmem>> -> memref<128xf32, #tpu.memory_space<vmem>>
      tpu.wait_dma2 semaphore(%run_scoped3A_90 : memref<!tpu.dma_semaphore, #tpu.memory_space<semaphore_mem>>) src(%dma_wait3A_104 : memref<128xf32, #tpu.memory_space<vmem>>) dst(%dma_wait3A_101 : memref<128xf32, #tpu.memory_space<vmem_shared>>)
      tpu.yield
    }) : () -> ()
    %mul3A_34 = arith.constant 640 : i32
    %mul3A_35 = arith.muli %arg1, %mul3A_34 : i32
    %add3A_36 = arith.constant 128 : i32
    %add3A_37 = arith.addi %mul3A_35, %add3A_36 : i32
    "tpu.region"() ({
      %run_scoped3A_90 = tpu.sem_alloc : memref<!tpu.dma_semaphore, #tpu.memory_space<semaphore_mem>>
      %dma_start3A = arith.constant 0 : i32
      %dma_start3A_91 = tpu.memref_slice %arg19[%add3A_37, %dma_start3A] : memref<10240x128xf32, #tpu.memory_space<vmem_shared>> -> memref<128x128xf32, #tpu.memory_space<vmem_shared>>
      %dma_start3A_92 = arith.constant 0 : i32
      %dma_start3A_93 = tpu.memref_slice %arg19[%add3A_37, %dma_start3A_92] : memref<10240x128xf32, #tpu.memory_space<vmem_shared>> -> memref<128x128xf32, #tpu.memory_space<vmem_shared>>
      tpu.enqueue_dma source(%arg14 : memref<128x128xf32, #tpu.memory_space<vmem>>) target(%dma_start3A_93 : memref<128x128xf32, #tpu.memory_space<vmem_shared>>) target_semaphore(%run_scoped3A_90 : memref<!tpu.dma_semaphore, #tpu.memory_space<semaphore_mem>>)
      %dma_wait3A = arith.constant 0 : i32
      %dma_wait3A_94 = tpu.memref_slice %arg19[%add3A_37, %dma_wait3A] : memref<10240x128xf32, #tpu.memory_space<vmem_shared>> -> memref<128x128xf32, #tpu.memory_space<vmem_shared>>
      %dma_wait3A_95 = arith.constant 0 : i32
      %dma_wait3A_96 = tpu.memref_slice %arg19[%add3A_37, %dma_wait3A_95] : memref<10240x128xf32, #tpu.memory_space<vmem_shared>> -> memref<128x128xf32, #tpu.memory_space<vmem_shared>>
      tpu.wait_dma2 semaphore(%run_scoped3A_90 : memref<!tpu.dma_semaphore, #tpu.memory_space<semaphore_mem>>) src(%arg14 : memref<128x128xf32, #tpu.memory_space<vmem>>) dst(%dma_wait3A_96 : memref<128x128xf32, #tpu.memory_space<vmem_shared>>)
      tpu.yield
    }) : () -> ()
    %mul3A_38 = arith.constant 640 : i32
    %mul3A_39 = arith.muli %arg1, %mul3A_38 : i32
    %add3A_40 = arith.constant 256 : i32
    %add3A_41 = arith.addi %mul3A_39, %add3A_40 : i32
    %run_scoped3A_42 = arith.constant 0 : i32
    "tpu.region"() ({
      %run_scoped3A_90 = tpu.sem_alloc : memref<!tpu.dma_semaphore, #tpu.memory_space<semaphore_mem>>
      %dma_start3A = arith.constant 0 : i32
      %dma_start3A_91 = tpu.memref_slice %arg14[%run_scoped3A_42, %dma_start3A] : memref<128x128xf32, #tpu.memory_space<vmem>> -> memref<1x128xf32, #tpu.memory_space<vmem>>
      %dma_start3A_92 = tpu.memref_squeeze %dma_start3A_91 : memref<1x128xf32, #tpu.memory_space<vmem>> -> memref<128xf32, #tpu.memory_space<vmem>>
      %dma_start3A_93 = tpu.memref_slice %arg18[%add3A_41] : memref<10240xf32, #tpu.memory_space<vmem_shared>> -> memref<128xf32, #tpu.memory_space<vmem_shared>>
      %dma_start3A_94 = tpu.memref_slice %arg18[%add3A_41] : memref<10240xf32, #tpu.memory_space<vmem_shared>> -> memref<128xf32, #tpu.memory_space<vmem_shared>>
      %dma_start3A_95 = arith.constant 0 : i32
      %dma_start3A_96 = tpu.memref_slice %arg14[%run_scoped3A_42, %dma_start3A_95] : memref<128x128xf32, #tpu.memory_space<vmem>> -> memref<1x128xf32, #tpu.memory_space<vmem>>
      %dma_start3A_97 = tpu.memref_squeeze %dma_start3A_96 : memref<1x128xf32, #tpu.memory_space<vmem>> -> memref<128xf32, #tpu.memory_space<vmem>>
      tpu.enqueue_dma source(%dma_start3A_97 : memref<128xf32, #tpu.memory_space<vmem>>) target(%dma_start3A_94 : memref<128xf32, #tpu.memory_space<vmem_shared>>) target_semaphore(%run_scoped3A_90 : memref<!tpu.dma_semaphore, #tpu.memory_space<semaphore_mem>>)
      %dma_wait3A = arith.constant 0 : i32
      %dma_wait3A_98 = tpu.memref_slice %arg14[%run_scoped3A_42, %dma_wait3A] : memref<128x128xf32, #tpu.memory_space<vmem>> -> memref<1x128xf32, #tpu.memory_space<vmem>>
      %dma_wait3A_99 = tpu.memref_squeeze %dma_wait3A_98 : memref<1x128xf32, #tpu.memory_space<vmem>> -> memref<128xf32, #tpu.memory_space<vmem>>
      %dma_wait3A_100 = tpu.memref_slice %arg18[%add3A_41] : memref<10240xf32, #tpu.memory_space<vmem_shared>> -> memref<128xf32, #tpu.memory_space<vmem_shared>>
      %dma_wait3A_101 = tpu.memref_slice %arg18[%add3A_41] : memref<10240xf32, #tpu.memory_space<vmem_shared>> -> memref<128xf32, #tpu.memory_space<vmem_shared>>
      %dma_wait3A_102 = arith.constant 0 : i32
      %dma_wait3A_103 = tpu.memref_slice %arg14[%run_scoped3A_42, %dma_wait3A_102] : memref<128x128xf32, #tpu.memory_space<vmem>> -> memref<1x128xf32, #tpu.memory_space<vmem>>
      %dma_wait3A_104 = tpu.memref_squeeze %dma_wait3A_103 : memref<1x128xf32, #tpu.memory_space<vmem>> -> memref<128xf32, #tpu.memory_space<vmem>>
      tpu.wait_dma2 semaphore(%run_scoped3A_90 : memref<!tpu.dma_semaphore, #tpu.memory_space<semaphore_mem>>) src(%dma_wait3A_104 : memref<128xf32, #tpu.memory_space<vmem>>) dst(%dma_wait3A_101 : memref<128xf32, #tpu.memory_space<vmem_shared>>)
      tpu.yield
    }) : () -> ()
    %mul3A_43 = arith.constant 640 : i32
    %mul3A_44 = arith.muli %arg1, %mul3A_43 : i32
    %add3A_45 = arith.constant 256 : i32
    %add3A_46 = arith.addi %mul3A_44, %add3A_45 : i32
    "tpu.region"() ({
      %run_scoped3A_90 = tpu.sem_alloc : memref<!tpu.dma_semaphore, #tpu.memory_space<semaphore_mem>>
      %dma_start3A = arith.constant 0 : i32
      %dma_start3A_91 = tpu.memref_slice %arg19[%add3A_46, %dma_start3A] : memref<10240x128xf32, #tpu.memory_space<vmem_shared>> -> memref<128x128xf32, #tpu.memory_space<vmem_shared>>
      %dma_start3A_92 = arith.constant 0 : i32
      %dma_start3A_93 = tpu.memref_slice %arg19[%add3A_46, %dma_start3A_92] : memref<10240x128xf32, #tpu.memory_space<vmem_shared>> -> memref<128x128xf32, #tpu.memory_space<vmem_shared>>
      tpu.enqueue_dma source(%arg14 : memref<128x128xf32, #tpu.memory_space<vmem>>) target(%dma_start3A_93 : memref<128x128xf32, #tpu.memory_space<vmem_shared>>) target_semaphore(%run_scoped3A_90 : memref<!tpu.dma_semaphore, #tpu.memory_space<semaphore_mem>>)
      %dma_wait3A = arith.constant 0 : i32
      %dma_wait3A_94 = tpu.memref_slice %arg19[%add3A_46, %dma_wait3A] : memref<10240x128xf32, #tpu.memory_space<vmem_shared>> -> memref<128x128xf32, #tpu.memory_space<vmem_shared>>
      %dma_wait3A_95 = arith.constant 0 : i32
      %dma_wait3A_96 = tpu.memref_slice %arg19[%add3A_46, %dma_wait3A_95] : memref<10240x128xf32, #tpu.memory_space<vmem_shared>> -> memref<128x128xf32, #tpu.memory_space<vmem_shared>>
      tpu.wait_dma2 semaphore(%run_scoped3A_90 : memref<!tpu.dma_semaphore, #tpu.memory_space<semaphore_mem>>) src(%arg14 : memref<128x128xf32, #tpu.memory_space<vmem>>) dst(%dma_wait3A_96 : memref<128x128xf32, #tpu.memory_space<vmem_shared>>)
      tpu.yield
    }) : () -> ()
    %mul3A_47 = arith.constant 640 : i32
    %mul3A_48 = arith.muli %arg1, %mul3A_47 : i32
    %add3A_49 = arith.constant 384 : i32
    %add3A_50 = arith.addi %mul3A_48, %add3A_49 : i32
    %run_scoped3A_51 = arith.constant 0 : i32
    "tpu.region"() ({
      %run_scoped3A_90 = tpu.sem_alloc : memref<!tpu.dma_semaphore, #tpu.memory_space<semaphore_mem>>
      %dma_start3A = arith.constant 0 : i32
      %dma_start3A_91 = tpu.memref_slice %arg14[%run_scoped3A_51, %dma_start3A] : memref<128x128xf32, #tpu.memory_space<vmem>> -> memref<1x128xf32, #tpu.memory_space<vmem>>
      %dma_start3A_92 = tpu.memref_squeeze %dma_start3A_91 : memref<1x128xf32, #tpu.memory_space<vmem>> -> memref<128xf32, #tpu.memory_space<vmem>>
      %dma_start3A_93 = tpu.memref_slice %arg18[%add3A_50] : memref<10240xf32, #tpu.memory_space<vmem_shared>> -> memref<128xf32, #tpu.memory_space<vmem_shared>>
      %dma_start3A_94 = tpu.memref_slice %arg18[%add3A_50] : memref<10240xf32, #tpu.memory_space<vmem_shared>> -> memref<128xf32, #tpu.memory_space<vmem_shared>>
      %dma_start3A_95 = arith.constant 0 : i32
      %dma_start3A_96 = tpu.memref_slice %arg14[%run_scoped3A_51, %dma_start3A_95] : memref<128x128xf32, #tpu.memory_space<vmem>> -> memref<1x128xf32, #tpu.memory_space<vmem>>
      %dma_start3A_97 = tpu.memref_squeeze %dma_start3A_96 : memref<1x128xf32, #tpu.memory_space<vmem>> -> memref<128xf32, #tpu.memory_space<vmem>>
      tpu.enqueue_dma source(%dma_start3A_97 : memref<128xf32, #tpu.memory_space<vmem>>) target(%dma_start3A_94 : memref<128xf32, #tpu.memory_space<vmem_shared>>) target_semaphore(%run_scoped3A_90 : memref<!tpu.dma_semaphore, #tpu.memory_space<semaphore_mem>>)
      %dma_wait3A = arith.constant 0 : i32
      %dma_wait3A_98 = tpu.memref_slice %arg14[%run_scoped3A_51, %dma_wait3A] : memref<128x128xf32, #tpu.memory_space<vmem>> -> memref<1x128xf32, #tpu.memory_space<vmem>>
      %dma_wait3A_99 = tpu.memref_squeeze %dma_wait3A_98 : memref<1x128xf32, #tpu.memory_space<vmem>> -> memref<128xf32, #tpu.memory_space<vmem>>
      %dma_wait3A_100 = tpu.memref_slice %arg18[%add3A_50] : memref<10240xf32, #tpu.memory_space<vmem_shared>> -> memref<128xf32, #tpu.memory_space<vmem_shared>>
      %dma_wait3A_101 = tpu.memref_slice %arg18[%add3A_50] : memref<10240xf32, #tpu.memory_space<vmem_shared>> -> memref<128xf32, #tpu.memory_space<vmem_shared>>
      %dma_wait3A_102 = arith.constant 0 : i32
      %dma_wait3A_103 = tpu.memref_slice %arg14[%run_scoped3A_51, %dma_wait3A_102] : memref<128x128xf32, #tpu.memory_space<vmem>> -> memref<1x128xf32, #tpu.memory_space<vmem>>
      %dma_wait3A_104 = tpu.memref_squeeze %dma_wait3A_103 : memref<1x128xf32, #tpu.memory_space<vmem>> -> memref<128xf32, #tpu.memory_space<vmem>>
      tpu.wait_dma2 semaphore(%run_scoped3A_90 : memref<!tpu.dma_semaphore, #tpu.memory_space<semaphore_mem>>) src(%dma_wait3A_104 : memref<128xf32, #tpu.memory_space<vmem>>) dst(%dma_wait3A_101 : memref<128xf32, #tpu.memory_space<vmem_shared>>)
      tpu.yield
    }) : () -> ()
    %mul3A_52 = arith.constant 640 : i32
    %mul3A_53 = arith.muli %arg1, %mul3A_52 : i32
    %add3A_54 = arith.constant 384 : i32
    %add3A_55 = arith.addi %mul3A_53, %add3A_54 : i32
    "tpu.region"() ({
      %run_scoped3A_90 = tpu.sem_alloc : memref<!tpu.dma_semaphore, #tpu.memory_space<semaphore_mem>>
      %dma_start3A = arith.constant 0 : i32
      %dma_start3A_91 = tpu.memref_slice %arg19[%add3A_55, %dma_start3A] : memref<10240x128xf32, #tpu.memory_space<vmem_shared>> -> memref<128x128xf32, #tpu.memory_space<vmem_shared>>
      %dma_start3A_92 = arith.constant 0 : i32
      %dma_start3A_93 = tpu.memref_slice %arg19[%add3A_55, %dma_start3A_92] : memref<10240x128xf32, #tpu.memory_space<vmem_shared>> -> memref<128x128xf32, #tpu.memory_space<vmem_shared>>
      tpu.enqueue_dma source(%arg14 : memref<128x128xf32, #tpu.memory_space<vmem>>) target(%dma_start3A_93 : memref<128x128xf32, #tpu.memory_space<vmem_shared>>) target_semaphore(%run_scoped3A_90 : memref<!tpu.dma_semaphore, #tpu.memory_space<semaphore_mem>>)
      %dma_wait3A = arith.constant 0 : i32
      %dma_wait3A_94 = tpu.memref_slice %arg19[%add3A_55, %dma_wait3A] : memref<10240x128xf32, #tpu.memory_space<vmem_shared>> -> memref<128x128xf32, #tpu.memory_space<vmem_shared>>
      %dma_wait3A_95 = arith.constant 0 : i32
      %dma_wait3A_96 = tpu.memref_slice %arg19[%add3A_55, %dma_wait3A_95] : memref<10240x128xf32, #tpu.memory_space<vmem_shared>> -> memref<128x128xf32, #tpu.memory_space<vmem_shared>>
      tpu.wait_dma2 semaphore(%run_scoped3A_90 : memref<!tpu.dma_semaphore, #tpu.memory_space<semaphore_mem>>) src(%arg14 : memref<128x128xf32, #tpu.memory_space<vmem>>) dst(%dma_wait3A_96 : memref<128x128xf32, #tpu.memory_space<vmem_shared>>)
      tpu.yield
    }) : () -> ()
    %mul3A_56 = arith.constant 640 : i32
    %mul3A_57 = arith.muli %arg1, %mul3A_56 : i32
    %add3A_58 = arith.constant 512 : i32
    %add3A_59 = arith.addi %mul3A_57, %add3A_58 : i32
    %run_scoped3A_60 = arith.constant 0 : i32
    "tpu.region"() ({
      %run_scoped3A_90 = tpu.sem_alloc : memref<!tpu.dma_semaphore, #tpu.memory_space<semaphore_mem>>
      %dma_start3A = arith.constant 0 : i32
      %dma_start3A_91 = tpu.memref_slice %arg14[%run_scoped3A_60, %dma_start3A] : memref<128x128xf32, #tpu.memory_space<vmem>> -> memref<1x128xf32, #tpu.memory_space<vmem>>
      %dma_start3A_92 = tpu.memref_squeeze %dma_start3A_91 : memref<1x128xf32, #tpu.memory_space<vmem>> -> memref<128xf32, #tpu.memory_space<vmem>>
      %dma_start3A_93 = tpu.memref_slice %arg18[%add3A_59] : memref<10240xf32, #tpu.memory_space<vmem_shared>> -> memref<128xf32, #tpu.memory_space<vmem_shared>>
      %dma_start3A_94 = tpu.memref_slice %arg18[%add3A_59] : memref<10240xf32, #tpu.memory_space<vmem_shared>> -> memref<128xf32, #tpu.memory_space<vmem_shared>>
      %dma_start3A_95 = arith.constant 0 : i32
      %dma_start3A_96 = tpu.memref_slice %arg14[%run_scoped3A_60, %dma_start3A_95] : memref<128x128xf32, #tpu.memory_space<vmem>> -> memref<1x128xf32, #tpu.memory_space<vmem>>
      %dma_start3A_97 = tpu.memref_squeeze %dma_start3A_96 : memref<1x128xf32, #tpu.memory_space<vmem>> -> memref<128xf32, #tpu.memory_space<vmem>>
      tpu.enqueue_dma source(%dma_start3A_97 : memref<128xf32, #tpu.memory_space<vmem>>) target(%dma_start3A_94 : memref<128xf32, #tpu.memory_space<vmem_shared>>) target_semaphore(%run_scoped3A_90 : memref<!tpu.dma_semaphore, #tpu.memory_space<semaphore_mem>>)
      %dma_wait3A = arith.constant 0 : i32
      %dma_wait3A_98 = tpu.memref_slice %arg14[%run_scoped3A_60, %dma_wait3A] : memref<128x128xf32, #tpu.memory_space<vmem>> -> memref<1x128xf32, #tpu.memory_space<vmem>>
      %dma_wait3A_99 = tpu.memref_squeeze %dma_wait3A_98 : memref<1x128xf32, #tpu.memory_space<vmem>> -> memref<128xf32, #tpu.memory_space<vmem>>
      %dma_wait3A_100 = tpu.memref_slice %arg18[%add3A_59] : memref<10240xf32, #tpu.memory_space<vmem_shared>> -> memref<128xf32, #tpu.memory_space<vmem_shared>>
      %dma_wait3A_101 = tpu.memref_slice %arg18[%add3A_59] : memref<10240xf32, #tpu.memory_space<vmem_shared>> -> memref<128xf32, #tpu.memory_space<vmem_shared>>
      %dma_wait3A_102 = arith.constant 0 : i32
      %dma_wait3A_103 = tpu.memref_slice %arg14[%run_scoped3A_60, %dma_wait3A_102] : memref<128x128xf32, #tpu.memory_space<vmem>> -> memref<1x128xf32, #tpu.memory_space<vmem>>
      %dma_wait3A_104 = tpu.memref_squeeze %dma_wait3A_103 : memref<1x128xf32, #tpu.memory_space<vmem>> -> memref<128xf32, #tpu.memory_space<vmem>>
      tpu.wait_dma2 semaphore(%run_scoped3A_90 : memref<!tpu.dma_semaphore, #tpu.memory_space<semaphore_mem>>) src(%dma_wait3A_104 : memref<128xf32, #tpu.memory_space<vmem>>) dst(%dma_wait3A_101 : memref<128xf32, #tpu.memory_space<vmem_shared>>)
      tpu.yield
    }) : () -> ()
    %mul3A_61 = arith.constant 640 : i32
    %mul3A_62 = arith.muli %arg1, %mul3A_61 : i32
    %add3A_63 = arith.constant 512 : i32
    %add3A_64 = arith.addi %mul3A_62, %add3A_63 : i32
    "tpu.region"() ({
      %run_scoped3A_90 = tpu.sem_alloc : memref<!tpu.dma_semaphore, #tpu.memory_space<semaphore_mem>>
      %dma_start3A = arith.constant 0 : i32
      %dma_start3A_91 = tpu.memref_slice %arg19[%add3A_64, %dma_start3A] : memref<10240x128xf32, #tpu.memory_space<vmem_shared>> -> memref<128x128xf32, #tpu.memory_space<vmem_shared>>
      %dma_start3A_92 = arith.constant 0 : i32
      %dma_start3A_93 = tpu.memref_slice %arg19[%add3A_64, %dma_start3A_92] : memref<10240x128xf32, #tpu.memory_space<vmem_shared>> -> memref<128x128xf32, #tpu.memory_space<vmem_shared>>
      tpu.enqueue_dma source(%arg14 : memref<128x128xf32, #tpu.memory_space<vmem>>) target(%dma_start3A_93 : memref<128x128xf32, #tpu.memory_space<vmem_shared>>) target_semaphore(%run_scoped3A_90 : memref<!tpu.dma_semaphore, #tpu.memory_space<semaphore_mem>>)
      %dma_wait3A = arith.constant 0 : i32
      %dma_wait3A_94 = tpu.memref_slice %arg19[%add3A_64, %dma_wait3A] : memref<10240x128xf32, #tpu.memory_space<vmem_shared>> -> memref<128x128xf32, #tpu.memory_space<vmem_shared>>
      %dma_wait3A_95 = arith.constant 0 : i32
      %dma_wait3A_96 = tpu.memref_slice %arg19[%add3A_64, %dma_wait3A_95] : memref<10240x128xf32, #tpu.memory_space<vmem_shared>> -> memref<128x128xf32, #tpu.memory_space<vmem_shared>>
      tpu.wait_dma2 semaphore(%run_scoped3A_90 : memref<!tpu.dma_semaphore, #tpu.memory_space<semaphore_mem>>) src(%arg14 : memref<128x128xf32, #tpu.memory_space<vmem>>) dst(%dma_wait3A_96 : memref<128x128xf32, #tpu.memory_space<vmem_shared>>)
      tpu.yield
    }) : () -> ()
    %barrier3A = arith.constant 0 : index
    tpu.barrier barrier_id(%barrier3A)
    %mul3A_65 = arith.constant 20736 : i32
    %mul3A_66 = arith.muli %arg1, %mul3A_65 : i32
    %scan3A_67 = arith.constant 0 : i32
    %scan3A_68 = arith.constant 0 : i32
    %scan3A_69 = arith.constant 162 : i32
    %scan3A_70 = arith.addi %scan3A_68, %scan3A_69 : i32
    %scan3A_71 = arith.constant 1 : i32
    %scan3A_72 = scf.for %scan3A_90 = %scan3A_68 to %scan3A_70 step %scan3A_71 iter_args(%scan3A_91 = %scan3A_67) -> (i32)  : i32 {
      %mul3A_92 = arith.constant 128 : i32
      %mul3A_93 = arith.muli %scan3A_90, %mul3A_92 : i32
      %add3A_94 = arith.addi %mul3A_66, %mul3A_93 : i32
      %run_scoped3A_95 = arith.constant 0 : i32
      "tpu.region"() ({
        %run_scoped3A_106 = tpu.sem_alloc : memref<!tpu.dma_semaphore, #tpu.memory_space<semaphore_mem>>
        %dma_start3A = arith.constant 0 : i32
        %dma_start3A_107 = tpu.memref_slice %arg12[%run_scoped3A_95, %dma_start3A] : memref<2x128xi32, #tpu.memory_space<vmem>> -> memref<1x128xi32, #tpu.memory_space<vmem>>
        %dma_start3A_108 = tpu.memref_squeeze %dma_start3A_107 : memref<1x128xi32, #tpu.memory_space<vmem>> -> memref<128xi32, #tpu.memory_space<vmem>>
        %dma_start3A_109 = tpu.memref_slice %arg6[%add3A_94] : memref<331776xi32, #tpu.memory_space<hbm>> -> memref<128xi32, #tpu.memory_space<hbm>>
        %dma_start3A_110 = arith.constant 0 : i32
        %dma_start3A_111 = tpu.memref_slice %arg12[%run_scoped3A_95, %dma_start3A_110] : memref<2x128xi32, #tpu.memory_space<vmem>> -> memref<1x128xi32, #tpu.memory_space<vmem>>
        %dma_start3A_112 = tpu.memref_squeeze %dma_start3A_111 : memref<1x128xi32, #tpu.memory_space<vmem>> -> memref<128xi32, #tpu.memory_space<vmem>>
        %dma_start3A_113 = tpu.memref_slice %arg6[%add3A_94] : memref<331776xi32, #tpu.memory_space<hbm>> -> memref<128xi32, #tpu.memory_space<hbm>>
        tpu.enqueue_dma source(%dma_start3A_113 : memref<128xi32, #tpu.memory_space<hbm>>) target(%dma_start3A_112 : memref<128xi32, #tpu.memory_space<vmem>>) target_semaphore(%run_scoped3A_106 : memref<!tpu.dma_semaphore, #tpu.memory_space<semaphore_mem>>)
        %dma_wait3A = arith.constant 0 : i32
        %dma_wait3A_114 = tpu.memref_slice %arg12[%run_scoped3A_95, %dma_wait3A] : memref<2x128xi32, #tpu.memory_space<vmem>> -> memref<1x128xi32, #tpu.memory_space<vmem>>
        %dma_wait3A_115 = tpu.memref_squeeze %dma_wait3A_114 : memref<1x128xi32, #tpu.memory_space<vmem>> -> memref<128xi32, #tpu.memory_space<vmem>>
        %dma_wait3A_116 = tpu.memref_slice %arg6[%add3A_94] : memref<331776xi32, #tpu.memory_space<hbm>> -> memref<128xi32, #tpu.memory_space<hbm>>
        %dma_wait3A_117 = arith.constant 0 : i32
        %dma_wait3A_118 = tpu.memref_slice %arg12[%run_scoped3A_95, %dma_wait3A_117] : memref<2x128xi32, #tpu.memory_space<vmem>> -> memref<1x128xi32, #tpu.memory_space<vmem>>
        %dma_wait3A_119 = tpu.memref_squeeze %dma_wait3A_118 : memref<1x128xi32, #tpu.memory_space<vmem>> -> memref<128xi32, #tpu.memory_space<vmem>>
        %dma_wait3A_120 = tpu.memref_slice %arg6[%add3A_94] : memref<331776xi32, #tpu.memory_space<hbm>> -> memref<128xi32, #tpu.memory_space<hbm>>
        tpu.wait_dma2 semaphore(%run_scoped3A_106 : memref<!tpu.dma_semaphore, #tpu.memory_space<semaphore_mem>>) src(%dma_wait3A_120 : memref<128xi32, #tpu.memory_space<hbm>>) dst(%dma_wait3A_119 : memref<128xi32, #tpu.memory_space<vmem>>)
        tpu.yield
      }) : () -> ()
      %run_scoped3A_96 = arith.constant 0 : i32
      "tpu.region"() ({
        %run_scoped3A_106 = tpu.sem_alloc : memref<!tpu.dma_semaphore, #tpu.memory_space<semaphore_mem>>
        %dma_start3A = arith.constant 0 : i32
        %dma_start3A_107 = tpu.memref_slice %arg13[%run_scoped3A_96, %dma_start3A] : memref<2x128xi32, #tpu.memory_space<vmem>> -> memref<1x128xi32, #tpu.memory_space<vmem>>
        %dma_start3A_108 = tpu.memref_squeeze %dma_start3A_107 : memref<1x128xi32, #tpu.memory_space<vmem>> -> memref<128xi32, #tpu.memory_space<vmem>>
        %dma_start3A_109 = tpu.memref_slice %arg7[%add3A_94] : memref<331776xi32, #tpu.memory_space<hbm>> -> memref<128xi32, #tpu.memory_space<hbm>>
        %dma_start3A_110 = arith.constant 0 : i32
        %dma_start3A_111 = tpu.memref_slice %arg13[%run_scoped3A_96, %dma_start3A_110] : memref<2x128xi32, #tpu.memory_space<vmem>> -> memref<1x128xi32, #tpu.memory_space<vmem>>
        %dma_start3A_112 = tpu.memref_squeeze %dma_start3A_111 : memref<1x128xi32, #tpu.memory_space<vmem>> -> memref<128xi32, #tpu.memory_space<vmem>>
        %dma_start3A_113 = tpu.memref_slice %arg7[%add3A_94] : memref<331776xi32, #tpu.memory_space<hbm>> -> memref<128xi32, #tpu.memory_space<hbm>>
        tpu.enqueue_dma source(%dma_start3A_113 : memref<128xi32, #tpu.memory_space<hbm>>) target(%dma_start3A_112 : memref<128xi32, #tpu.memory_space<vmem>>) target_semaphore(%run_scoped3A_106 : memref<!tpu.dma_semaphore, #tpu.memory_space<semaphore_mem>>)
        %dma_wait3A = arith.constant 0 : i32
        %dma_wait3A_114 = tpu.memref_slice %arg13[%run_scoped3A_96, %dma_wait3A] : memref<2x128xi32, #tpu.memory_space<vmem>> -> memref<1x128xi32, #tpu.memory_space<vmem>>
        %dma_wait3A_115 = tpu.memref_squeeze %dma_wait3A_114 : memref<1x128xi32, #tpu.memory_space<vmem>> -> memref<128xi32, #tpu.memory_space<vmem>>
        %dma_wait3A_116 = tpu.memref_slice %arg7[%add3A_94] : memref<331776xi32, #tpu.memory_space<hbm>> -> memref<128xi32, #tpu.memory_space<hbm>>
        %dma_wait3A_117 = arith.constant 0 : i32
        %dma_wait3A_118 = tpu.memref_slice %arg13[%run_scoped3A_96, %dma_wait3A_117] : memref<2x128xi32, #tpu.memory_space<vmem>> -> memref<1x128xi32, #tpu.memory_space<vmem>>
        %dma_wait3A_119 = tpu.memref_squeeze %dma_wait3A_118 : memref<1x128xi32, #tpu.memory_space<vmem>> -> memref<128xi32, #tpu.memory_space<vmem>>
        %dma_wait3A_120 = tpu.memref_slice %arg7[%add3A_94] : memref<331776xi32, #tpu.memory_space<hbm>> -> memref<128xi32, #tpu.memory_space<hbm>>
        tpu.wait_dma2 semaphore(%run_scoped3A_106 : memref<!tpu.dma_semaphore, #tpu.memory_space<semaphore_mem>>) src(%dma_wait3A_120 : memref<128xi32, #tpu.memory_space<hbm>>) dst(%dma_wait3A_119 : memref<128xi32, #tpu.memory_space<vmem>>)
        tpu.yield
      }) : () -> ()
      %scan3A_97 = arith.constant 0 : i32
      %scan3A_98 = arith.constant 0 : i32
      %scan3A_99 = arith.constant 8 : i32
      %scan3A_100 = arith.addi %scan3A_98, %scan3A_99 : i32
      %scan3A_101 = arith.constant 1 : i32
      %scan3A_102 = scf.for %scan3A_106 = %scan3A_98 to %scan3A_100 step %scan3A_101 iter_args(%scan3A_107 = %scan3A_97) -> (i32)  : i32 {
        %mul3A_108 = arith.constant 16 : i32
        %mul3A_109 = arith.muli %scan3A_106, %mul3A_108 : i32
        %get3A_110 = arith.constant 0 : i32
        %get3A_111 = arith.index_cast %get3A_110 : i32 to index
        %get3A_112 = arith.index_cast %mul3A_109 : i32 to index
        %get3A_113 = tpu.vector_load %arg12[%get3A_111, %get3A_112] {strides = array<i32>} : memref<2x128xi32, #tpu.memory_space<vmem>>, vector<16xi32>,
        %mul3A_114 = arith.constant 16 : i32
        %mul3A_115 = arith.muli %scan3A_106, %mul3A_114 : i32
        %get3A_116 = arith.constant 0 : i32
        %get3A_117 = arith.index_cast %get3A_116 : i32 to index
        %get3A_118 = arith.index_cast %mul3A_115 : i32 to index
        %get3A_119 = tpu.vector_load %arg13[%get3A_117, %get3A_118] {strides = array<i32>} : memref<2x128xi32, #tpu.memory_space<vmem>>, vector<16xi32>,
        %gather3A = tpu.vector_load_idx %arg9[%get3A_113] : memref<10240xf32, #tpu.memory_space<vmem>>[vector<16xi32>], vector<16xf32>,
        %gather3A_120 = tpu.vector_load_idx %arg10[%get3A_119] : memref<10240xf32, #tpu.memory_space<vmem>>[vector<16xi32>], vector<16xf32>,
        %add3A_121 = arith.addf %gather3A, %gather3A_120 : vector<16xf32>
        %gt3A = arith.constant 0.000000e+00 : f32
        %gt3A_122 = vector.broadcast %gt3A : f32 to vector<16xf32>
        %gt3A_123 = arith.cmpf ogt, %add3A_121, %gt3A_122 : vector<16xf32>
        %mul3A_124 = arith.constant 2.000000e-01 : f32
        %mul3A_125 = vector.broadcast %mul3A_124 : f32 to vector<16xf32>
        %mul3A_126 = arith.mulf %mul3A_125, %add3A_121 : vector<16xf32>
        %select_n3A = arith.select %gt3A_123, %add3A_121, %mul3A_126 : vector<16xi1>, vector<16xf32>
        %add3A_127 = arith.addf %get3A_15, %gather3A_120 : vector<16xf32>
        %gt3A_128 = arith.constant 0.000000e+00 : f32
        %gt3A_129 = vector.broadcast %gt3A_128 : f32 to vector<16xf32>
        %gt3A_130 = arith.cmpf ogt, %add3A_127, %gt3A_129 : vector<16xf32>
        %mul3A_131 = arith.constant 2.000000e-01 : f32
        %mul3A_132 = vector.broadcast %mul3A_131 : f32 to vector<16xf32>
        %mul3A_133 = arith.mulf %mul3A_132, %add3A_127 : vector<16xf32>
        %select_n3A_134 = arith.select %gt3A_130, %add3A_127, %mul3A_133 : vector<16xi1>, vector<16xf32>
        %sub3A = arith.subf %select_n3A, %select_n3A_134 : vector<16xf32>
        %exp3A = math.exp %sub3A : vector<16xf32>
        %mul3A_135 = arith.constant 16 : i32
        %mul3A_136 = arith.muli %scan3A_106, %mul3A_135 : i32
        %swap3A = arith.index_cast %mul3A_136 : i32 to index
        %swap3A_137 = tpu.vector_load %arg15[%swap3A] {strides = array<i32>} : memref<128xf32, #tpu.memory_space<vmem>>, vector<16xf32>,
        tpu.vector_store %arg15[%swap3A], %exp3A {strides = array<i32>} : memref<128xf32, #tpu.memory_space<vmem>>, vector<16xf32>,
        %scan3A_138 = arith.constant 0 : i32
        scf.yield %scan3A_138 : i32
      }
      %scan3A_103 = arith.constant 8 : i32
      %run_scoped3A_104 = arith.constant 0 : i32
      "tpu.region"() ({
        %run_scoped3A_106 = tpu.sem_alloc : memref<!tpu.dma_semaphore, #tpu.memory_space<semaphore_mem>>
        %dma_start3A = arith.constant 0 : i32
        %dma_start3A_107 = tpu.memref_slice %arg13[%run_scoped3A_104, %dma_start3A] : memref<2x128xi32, #tpu.memory_space<vmem>> -> memref<1x128xi32, #tpu.memory_space<vmem>>
        %dma_start3A_108 = tpu.memref_squeeze %dma_start3A_107 : memref<1x128xi32, #tpu.memory_space<vmem>> -> memref<128xi32, #tpu.memory_space<vmem>>
        %dma_start3A_109 = arith.constant 0 : i32
        %dma_start3A_110 = tpu.memref_slice %arg18[%dma_start3A_109] : memref<10240xf32, #tpu.memory_space<vmem_shared>> -> memref<10240xf32, #tpu.memory_space<vmem_shared>>
        tpu.enqueue_indirect_dma source(%arg15 : memref<128xf32, #tpu.memory_space<vmem>>) target(%dma_start3A_110 : memref<10240xf32, #tpu.memory_space<vmem_shared>>) offsets(%dma_start3A_108 : memref<128xi32, #tpu.memory_space<vmem>>) semaphore(%run_scoped3A_106 : memref<!tpu.dma_semaphore, #tpu.memory_space<semaphore_mem>>) {add = true}
        %dma_wait3A = arith.constant 0 : i32
        %dma_wait3A_111 = tpu.memref_slice %arg13[%run_scoped3A_104, %dma_wait3A] : memref<2x128xi32, #tpu.memory_space<vmem>> -> memref<1x128xi32, #tpu.memory_space<vmem>>
        %dma_wait3A_112 = tpu.memref_squeeze %dma_wait3A_111 : memref<1x128xi32, #tpu.memory_space<vmem>> -> memref<128xi32, #tpu.memory_space<vmem>>
        %dma_wait3A_113 = arith.constant 0 : i32
        %dma_wait3A_114 = tpu.memref_slice %arg18[%dma_wait3A_113] : memref<10240xf32, #tpu.memory_space<vmem_shared>> -> memref<10240xf32, #tpu.memory_space<vmem_shared>>
        tpu.wait_indirect_dma semaphore(%run_scoped3A_106 : memref<!tpu.dma_semaphore, #tpu.memory_space<semaphore_mem>>) src(%arg15 : memref<128xf32, #tpu.memory_space<vmem>>) dst(%dma_wait3A_114 : memref<10240xf32, #tpu.memory_space<vmem_shared>>)
        tpu.yield
      }) : () -> ()
      %scan3A_105 = arith.constant 0 : i32
      scf.yield %scan3A_105 : i32
    }
    %scan3A_73 = arith.constant 162 : i32
    %barrier3A_74 = arith.constant 0 : index
    tpu.barrier barrier_id(%barrier3A_74)
    "tpu.region"() ({
      %run_scoped3A_90 = tpu.sem_alloc : memref<!tpu.dma_semaphore, #tpu.memory_space<semaphore_mem>>
      tpu.enqueue_dma source(%arg18 : memref<10240xf32, #tpu.memory_space<vmem_shared>>) target(%arg11 : memref<10240xf32, #tpu.memory_space<vmem>>) target_semaphore(%run_scoped3A_90 : memref<!tpu.dma_semaphore, #tpu.memory_space<semaphore_mem>>)
      tpu.wait_dma2 semaphore(%run_scoped3A_90 : memref<!tpu.dma_semaphore, #tpu.memory_space<semaphore_mem>>) src(%arg18 : memref<10240xf32, #tpu.memory_space<vmem_shared>>) dst(%arg11 : memref<10240xf32, #tpu.memory_space<vmem>>)
      tpu.yield
    }) : () -> ()
    %mul3A_75 = arith.constant 10368 : i32
    %mul3A_76 = arith.muli %arg0, %mul3A_75 : i32
    %add3A_77 = arith.addi %mul3A_66, %mul3A_76 : i32
    %scan3A_78 = arith.constant 0 : i32
    %scan3A_79 = arith.constant 0 : i32
    %scan3A_80 = arith.constant 81 : i32
    %scan3A_81 = arith.addi %scan3A_79, %scan3A_80 : i32
    %scan3A_82 = arith.constant 1 : i32
    %scan3A_83 = scf.for %scan3A_90 = %scan3A_79 to %scan3A_81 step %scan3A_82 iter_args(%scan3A_91 = %scan3A_78) -> (i32)  : i32 {
      %mul3A_92 = arith.constant 128 : i32
      %mul3A_93 = arith.muli %scan3A_90, %mul3A_92 : i32
      %add3A_94 = arith.addi %add3A_77, %mul3A_93 : i32
      %run_scoped3A_95 = arith.constant 1 : i32
      "tpu.region"() ({
        %run_scoped3A_125 = tpu.sem_alloc : memref<!tpu.dma_semaphore, #tpu.memory_space<semaphore_mem>>
        %dma_start3A_126 = arith.constant 0 : i32
        %dma_start3A_127 = tpu.memref_slice %arg12[%run_scoped3A_95, %dma_start3A_126] : memref<2x128xi32, #tpu.memory_space<vmem>> -> memref<1x128xi32, #tpu.memory_space<vmem>>
        %dma_start3A_128 = tpu.memref_squeeze %dma_start3A_127 : memref<1x128xi32, #tpu.memory_space<vmem>> -> memref<128xi32, #tpu.memory_space<vmem>>
        %dma_start3A_129 = tpu.memref_slice %arg6[%add3A_94] : memref<331776xi32, #tpu.memory_space<hbm>> -> memref<128xi32, #tpu.memory_space<hbm>>
        %dma_start3A_130 = arith.constant 0 : i32
        %dma_start3A_131 = tpu.memref_slice %arg12[%run_scoped3A_95, %dma_start3A_130] : memref<2x128xi32, #tpu.memory_space<vmem>> -> memref<1x128xi32, #tpu.memory_space<vmem>>
        %dma_start3A_132 = tpu.memref_squeeze %dma_start3A_131 : memref<1x128xi32, #tpu.memory_space<vmem>> -> memref<128xi32, #tpu.memory_space<vmem>>
        %dma_start3A_133 = tpu.memref_slice %arg6[%add3A_94] : memref<331776xi32, #tpu.memory_space<hbm>> -> memref<128xi32, #tpu.memory_space<hbm>>
        tpu.enqueue_dma source(%dma_start3A_133 : memref<128xi32, #tpu.memory_space<hbm>>) target(%dma_start3A_132 : memref<128xi32, #tpu.memory_space<vmem>>) target_semaphore(%run_scoped3A_125 : memref<!tpu.dma_semaphore, #tpu.memory_space<semaphore_mem>>)
        %dma_wait3A_134 = arith.constant 0 : i32
        %dma_wait3A_135 = tpu.memref_slice %arg12[%run_scoped3A_95, %dma_wait3A_134] : memref<2x128xi32, #tpu.memory_space<vmem>> -> memref<1x128xi32, #tpu.memory_space<vmem>>
        %dma_wait3A_136 = tpu.memref_squeeze %dma_wait3A_135 : memref<1x128xi32, #tpu.memory_space<vmem>> -> memref<128xi32, #tpu.memory_space<vmem>>
        %dma_wait3A_137 = tpu.memref_slice %arg6[%add3A_94] : memref<331776xi32, #tpu.memory_space<hbm>> -> memref<128xi32, #tpu.memory_space<hbm>>
        %dma_wait3A_138 = arith.constant 0 : i32
        %dma_wait3A_139 = tpu.memref_slice %arg12[%run_scoped3A_95, %dma_wait3A_138] : memref<2x128xi32, #tpu.memory_space<vmem>> -> memref<1x128xi32, #tpu.memory_space<vmem>>
        %dma_wait3A_140 = tpu.memref_squeeze %dma_wait3A_139 : memref<1x128xi32, #tpu.memory_space<vmem>> -> memref<128xi32, #tpu.memory_space<vmem>>
        %dma_wait3A_141 = tpu.memref_slice %arg6[%add3A_94] : memref<331776xi32, #tpu.memory_space<hbm>> -> memref<128xi32, #tpu.memory_space<hbm>>
        tpu.wait_dma2 semaphore(%run_scoped3A_125 : memref<!tpu.dma_semaphore, #tpu.memory_space<semaphore_mem>>) src(%dma_wait3A_141 : memref<128xi32, #tpu.memory_space<hbm>>) dst(%dma_wait3A_140 : memref<128xi32, #tpu.memory_space<vmem>>)
        tpu.yield
      }) : () -> ()
      %run_scoped3A_96 = arith.constant 1 : i32
      "tpu.region"() ({
        %run_scoped3A_125 = tpu.sem_alloc : memref<!tpu.dma_semaphore, #tpu.memory_space<semaphore_mem>>
        %dma_start3A_126 = arith.constant 0 : i32
        %dma_start3A_127 = tpu.memref_slice %arg13[%run_scoped3A_96, %dma_start3A_126] : memref<2x128xi32, #tpu.memory_space<vmem>> -> memref<1x128xi32, #tpu.memory_space<vmem>>
        %dma_start3A_128 = tpu.memref_squeeze %dma_start3A_127 : memref<1x128xi32, #tpu.memory_space<vmem>> -> memref<128xi32, #tpu.memory_space<vmem>>
        %dma_start3A_129 = tpu.memref_slice %arg7[%add3A_94] : memref<331776xi32, #tpu.memory_space<hbm>> -> memref<128xi32, #tpu.memory_space<hbm>>
        %dma_start3A_130 = arith.constant 0 : i32
        %dma_start3A_131 = tpu.memref_slice %arg13[%run_scoped3A_96, %dma_start3A_130] : memref<2x128xi32, #tpu.memory_space<vmem>> -> memref<1x128xi32, #tpu.memory_space<vmem>>
        %dma_start3A_132 = tpu.memref_squeeze %dma_start3A_131 : memref<1x128xi32, #tpu.memory_space<vmem>> -> memref<128xi32, #tpu.memory_space<vmem>>
        %dma_start3A_133 = tpu.memref_slice %arg7[%add3A_94] : memref<331776xi32, #tpu.memory_space<hbm>> -> memref<128xi32, #tpu.memory_space<hbm>>
        tpu.enqueue_dma source(%dma_start3A_133 : memref<128xi32, #tpu.memory_space<hbm>>) target(%dma_start3A_132 : memref<128xi32, #tpu.memory_space<vmem>>) target_semaphore(%run_scoped3A_125 : memref<!tpu.dma_semaphore, #tpu.memory_space<semaphore_mem>>)
        %dma_wait3A_134 = arith.constant 0 : i32
        %dma_wait3A_135 = tpu.memref_slice %arg13[%run_scoped3A_96, %dma_wait3A_134] : memref<2x128xi32, #tpu.memory_space<vmem>> -> memref<1x128xi32, #tpu.memory_space<vmem>>
        %dma_wait3A_136 = tpu.memref_squeeze %dma_wait3A_135 : memref<1x128xi32, #tpu.memory_space<vmem>> -> memref<128xi32, #tpu.memory_space<vmem>>
        %dma_wait3A_137 = tpu.memref_slice %arg7[%add3A_94] : memref<331776xi32, #tpu.memory_space<hbm>> -> memref<128xi32, #tpu.memory_space<hbm>>
        %dma_wait3A_138 = arith.constant 0 : i32
        %dma_wait3A_139 = tpu.memref_slice %arg13[%run_scoped3A_96, %dma_wait3A_138] : memref<2x128xi32, #tpu.memory_space<vmem>> -> memref<1x128xi32, #tpu.memory_space<vmem>>
        %dma_wait3A_140 = tpu.memref_squeeze %dma_wait3A_139 : memref<1x128xi32, #tpu.memory_space<vmem>> -> memref<128xi32, #tpu.memory_space<vmem>>
        %dma_wait3A_141 = tpu.memref_slice %arg7[%add3A_94] : memref<331776xi32, #tpu.memory_space<hbm>> -> memref<128xi32, #tpu.memory_space<hbm>>
        tpu.wait_dma2 semaphore(%run_scoped3A_125 : memref<!tpu.dma_semaphore, #tpu.memory_space<semaphore_mem>>) src(%dma_wait3A_141 : memref<128xi32, #tpu.memory_space<hbm>>) dst(%dma_wait3A_140 : memref<128xi32, #tpu.memory_space<vmem>>)
        tpu.yield
      }) : () -> ()
      %scan3A_97 = arith.constant 0 : i32
      %scan3A_98 = arith.constant 0 : i32
      %scan3A_99 = arith.constant 8 : i32
      %scan3A_100 = arith.addi %scan3A_98, %scan3A_99 : i32
      %scan3A_101 = arith.constant 1 : i32
      %scan3A_102 = scf.for %scan3A_125 = %scan3A_98 to %scan3A_100 step %scan3A_101 iter_args(%scan3A_126 = %scan3A_97) -> (i32)  : i32 {
        %mul3A_127 = arith.constant 16 : i32
        %mul3A_128 = arith.muli %scan3A_125, %mul3A_127 : i32
        %get3A_129 = arith.constant 1 : i32
        %get3A_130 = arith.index_cast %get3A_129 : i32 to index
        %get3A_131 = arith.index_cast %mul3A_128 : i32 to index
        %get3A_132 = tpu.vector_load %arg12[%get3A_130, %get3A_131] {strides = array<i32>} : memref<2x128xi32, #tpu.memory_space<vmem>>, vector<16xi32>,
        %mul3A_133 = arith.constant 16 : i32
        %mul3A_134 = arith.muli %scan3A_125, %mul3A_133 : i32
        %get3A_135 = arith.constant 1 : i32
        %get3A_136 = arith.index_cast %get3A_135 : i32 to index
        %get3A_137 = arith.index_cast %mul3A_134 : i32 to index
        %get3A_138 = tpu.vector_load %arg13[%get3A_136, %get3A_137] {strides = array<i32>} : memref<2x128xi32, #tpu.memory_space<vmem>>, vector<16xi32>,
        %gather3A = tpu.vector_load_idx %arg9[%get3A_132] : memref<10240xf32, #tpu.memory_space<vmem>>[vector<16xi32>], vector<16xf32>,
        %gather3A_139 = tpu.vector_load_idx %arg10[%get3A_138] : memref<10240xf32, #tpu.memory_space<vmem>>[vector<16xi32>], vector<16xf32>,
        %add3A_140 = arith.addf %gather3A, %gather3A_139 : vector<16xf32>
        %gt3A = arith.constant 0.000000e+00 : f32
        %gt3A_141 = vector.broadcast %gt3A : f32 to vector<16xf32>
        %gt3A_142 = arith.cmpf ogt, %add3A_140, %gt3A_141 : vector<16xf32>
        %mul3A_143 = arith.constant 2.000000e-01 : f32
        %mul3A_144 = vector.broadcast %mul3A_143 : f32 to vector<16xf32>
        %mul3A_145 = arith.mulf %mul3A_144, %add3A_140 : vector<16xf32>
        %select_n3A = arith.select %gt3A_142, %add3A_140, %mul3A_145 : vector<16xi1>, vector<16xf32>
        %add3A_146 = arith.addf %get3A_15, %gather3A_139 : vector<16xf32>
        %gt3A_147 = arith.constant 0.000000e+00 : f32
        %gt3A_148 = vector.broadcast %gt3A_147 : f32 to vector<16xf32>
        %gt3A_149 = arith.cmpf ogt, %add3A_146, %gt3A_148 : vector<16xf32>
        %mul3A_150 = arith.constant 2.000000e-01 : f32
        %mul3A_151 = vector.broadcast %mul3A_150 : f32 to vector<16xf32>
        %mul3A_152 = arith.mulf %mul3A_151, %add3A_146 : vector<16xf32>
        %select_n3A_153 = arith.select %gt3A_149, %add3A_146, %mul3A_152 : vector<16xi1>, vector<16xf32>
        %sub3A = arith.subf %select_n3A, %select_n3A_153 : vector<16xf32>
        %exp3A = math.exp %sub3A : vector<16xf32>
        %gather3A_154 = tpu.vector_load_idx %arg11[%get3A_138] : memref<10240xf32, #tpu.memory_space<vmem>>[vector<16xi32>], vector<16xf32>,
        %add3A_155 = arith.constant 1.000000e-16 : f32
        %add3A_156 = vector.broadcast %add3A_155 : f32 to vector<16xf32>
        %add3A_157 = arith.addf %gather3A_154, %add3A_156 : vector<16xf32>
        %div3A = arith.divf %exp3A, %add3A_157 : vector<16xf32>
        %mul3A_158 = arith.constant 16 : i32
        %mul3A_159 = arith.muli %scan3A_125, %mul3A_158 : i32
        %swap3A = arith.index_cast %mul3A_159 : i32 to index
        %swap3A_160 = tpu.vector_load %arg15[%swap3A] {strides = array<i32>} : memref<128xf32, #tpu.memory_space<vmem>>, vector<16xf32>,
        tpu.vector_store %arg15[%swap3A], %div3A {strides = array<i32>} : memref<128xf32, #tpu.memory_space<vmem>>, vector<16xf32>,
        %scan3A_161 = arith.constant 0 : i32
        scf.yield %scan3A_161 : i32
      }
      %scan3A_103 = arith.constant 8 : i32
      %dma_start3A = arith.constant 1 : i32
      %dma_start3A_104 = arith.constant 0 : i32
      %dma_start3A_105 = tpu.memref_slice %arg12[%dma_start3A, %dma_start3A_104] : memref<2x128xi32, #tpu.memory_space<vmem>> -> memref<1x128xi32, #tpu.memory_space<vmem>>
      %dma_start3A_106 = tpu.memref_squeeze %dma_start3A_105 : memref<1x128xi32, #tpu.memory_space<vmem>> -> memref<128xi32, #tpu.memory_space<vmem>>
      %dma_start3A_107 = arith.constant 0 : i32
      %dma_start3A_108 = arith.constant 0 : i32
      %dma_start3A_109 = tpu.memref_slice %arg2[%dma_start3A_107, %dma_start3A_108] : memref<10240x128xf32, #tpu.memory_space<hbm>> -> memref<10240x128xf32, #tpu.memory_space<hbm>>
      tpu.enqueue_indirect_dma source(%dma_start3A_109 : memref<10240x128xf32, #tpu.memory_space<hbm>>) target(%arg14 : memref<128x128xf32, #tpu.memory_space<vmem>>) offsets(%dma_start3A_106 : memref<128xi32, #tpu.memory_space<vmem>>) semaphore(%arg17 : memref<!tpu.dma_semaphore, #tpu.memory_space<semaphore_mem>>)
      %dma_wait3A = arith.constant 1 : i32
      %dma_wait3A_110 = arith.constant 0 : i32
      %dma_wait3A_111 = tpu.memref_slice %arg12[%dma_wait3A, %dma_wait3A_110] : memref<2x128xi32, #tpu.memory_space<vmem>> -> memref<1x128xi32, #tpu.memory_space<vmem>>
      %dma_wait3A_112 = tpu.memref_squeeze %dma_wait3A_111 : memref<1x128xi32, #tpu.memory_space<vmem>> -> memref<128xi32, #tpu.memory_space<vmem>>
      %dma_wait3A_113 = arith.constant 0 : i32
      %dma_wait3A_114 = arith.constant 0 : i32
      %dma_wait3A_115 = tpu.memref_slice %arg2[%dma_wait3A_113, %dma_wait3A_114] : memref<10240x128xf32, #tpu.memory_space<hbm>> -> memref<10240x128xf32, #tpu.memory_space<hbm>>
      tpu.wait_indirect_dma semaphore(%arg17 : memref<!tpu.dma_semaphore, #tpu.memory_space<semaphore_mem>>) src(%dma_wait3A_115 : memref<10240x128xf32, #tpu.memory_space<hbm>>) dst(%arg14 : memref<128x128xf32, #tpu.memory_space<vmem>>)
      %scan3A_116 = arith.constant 0 : i32
      %scan3A_117 = arith.constant 0 : i32
      %scan3A_118 = arith.constant 128 : i32
      %scan3A_119 = arith.addi %scan3A_117, %scan3A_118 : i32
      %scan3A_120 = arith.constant 1 : i32
      %scan3A_121 = scf.for %scan3A_125 = %scan3A_117 to %scan3A_119 step %scan3A_120 iter_args(%scan3A_126 = %scan3A_116) -> (i32)  : i32 {
        %broadcast_in_dim3A = vector.broadcast %scan3A_125 : i32 to vector<16xi32>
        %gather3A = tpu.vector_load_idx %arg15[%broadcast_in_dim3A] : memref<128xf32, #tpu.memory_space<vmem>>[vector<16xi32>], vector<16xf32>,
        %get3A_127 = arith.index_cast %scan3A_125 : i32 to index
        %get3A_128 = arith.constant 0 : index
        %get3A_129 = tpu.vector_load %arg14[%get3A_127, %get3A_128] {strides = array<i32>} : memref<128x128xf32, #tpu.memory_space<vmem>>, vector<16xf32>,
        %mul3A_130 = arith.mulf %get3A_129, %gather3A : vector<16xf32>
        %swap3A = arith.index_cast %scan3A_125 : i32 to index
        %swap3A_131 = arith.constant 0 : index
        %swap3A_132 = tpu.vector_load %arg14[%swap3A, %swap3A_131] {strides = array<i32>} : memref<128x128xf32, #tpu.memory_space<vmem>>, vector<16xf32>,
        tpu.vector_store %arg14[%swap3A, %swap3A_131], %mul3A_130 {strides = array<i32>} : memref<128x128xf32, #tpu.memory_space<vmem>>, vector<16xf32>,
        %get3A_133 = arith.index_cast %scan3A_125 : i32 to index
        %get3A_134 = arith.constant 16 : index
        %get3A_135 = tpu.vector_load %arg14[%get3A_133, %get3A_134] {strides = array<i32>} : memref<128x128xf32, #tpu.memory_space<vmem>>, vector<16xf32>,
        %mul3A_136 = arith.mulf %get3A_135, %gather3A : vector<16xf32>
        %swap3A_137 = arith.index_cast %scan3A_125 : i32 to index
        %swap3A_138 = arith.constant 16 : index
        %swap3A_139 = tpu.vector_load %arg14[%swap3A_137, %swap3A_138] {strides = array<i32>} : memref<128x128xf32, #tpu.memory_space<vmem>>, vector<16xf32>,
        tpu.vector_store %arg14[%swap3A_137, %swap3A_138], %mul3A_136 {strides = array<i32>} : memref<128x128xf32, #tpu.memory_space<vmem>>, vector<16xf32>,
        %get3A_140 = arith.index_cast %scan3A_125 : i32 to index
        %get3A_141 = arith.constant 32 : index
        %get3A_142 = tpu.vector_load %arg14[%get3A_140, %get3A_141] {strides = array<i32>} : memref<128x128xf32, #tpu.memory_space<vmem>>, vector<16xf32>,
        %mul3A_143 = arith.mulf %get3A_142, %gather3A : vector<16xf32>
        %swap3A_144 = arith.index_cast %scan3A_125 : i32 to index
        %swap3A_145 = arith.constant 32 : index
        %swap3A_146 = tpu.vector_load %arg14[%swap3A_144, %swap3A_145] {strides = array<i32>} : memref<128x128xf32, #tpu.memory_space<vmem>>, vector<16xf32>,
        tpu.vector_store %arg14[%swap3A_144, %swap3A_145], %mul3A_143 {strides = array<i32>} : memref<128x128xf32, #tpu.memory_space<vmem>>, vector<16xf32>,
        %get3A_147 = arith.index_cast %scan3A_125 : i32 to index
        %get3A_148 = arith.constant 48 : index
        %get3A_149 = tpu.vector_load %arg14[%get3A_147, %get3A_148] {strides = array<i32>} : memref<128x128xf32, #tpu.memory_space<vmem>>, vector<16xf32>,
        %mul3A_150 = arith.mulf %get3A_149, %gather3A : vector<16xf32>
        %swap3A_151 = arith.index_cast %scan3A_125 : i32 to index
        %swap3A_152 = arith.constant 48 : index
        %swap3A_153 = tpu.vector_load %arg14[%swap3A_151, %swap3A_152] {strides = array<i32>} : memref<128x128xf32, #tpu.memory_space<vmem>>, vector<16xf32>,
        tpu.vector_store %arg14[%swap3A_151, %swap3A_152], %mul3A_150 {strides = array<i32>} : memref<128x128xf32, #tpu.memory_space<vmem>>, vector<16xf32>,
        %get3A_154 = arith.index_cast %scan3A_125 : i32 to index
        %get3A_155 = arith.constant 64 : index
        %get3A_156 = tpu.vector_load %arg14[%get3A_154, %get3A_155] {strides = array<i32>} : memref<128x128xf32, #tpu.memory_space<vmem>>, vector<16xf32>,
        %mul3A_157 = arith.mulf %get3A_156, %gather3A : vector<16xf32>
        %swap3A_158 = arith.index_cast %scan3A_125 : i32 to index
        %swap3A_159 = arith.constant 64 : index
        %swap3A_160 = tpu.vector_load %arg14[%swap3A_158, %swap3A_159] {strides = array<i32>} : memref<128x128xf32, #tpu.memory_space<vmem>>, vector<16xf32>,
        tpu.vector_store %arg14[%swap3A_158, %swap3A_159], %mul3A_157 {strides = array<i32>} : memref<128x128xf32, #tpu.memory_space<vmem>>, vector<16xf32>,
        %get3A_161 = arith.index_cast %scan3A_125 : i32 to index
        %get3A_162 = arith.constant 80 : index
        %get3A_163 = tpu.vector_load %arg14[%get3A_161, %get3A_162] {strides = array<i32>} : memref<128x128xf32, #tpu.memory_space<vmem>>, vector<16xf32>,
        %mul3A_164 = arith.mulf %get3A_163, %gather3A : vector<16xf32>
        %swap3A_165 = arith.index_cast %scan3A_125 : i32 to index
        %swap3A_166 = arith.constant 80 : index
        %swap3A_167 = tpu.vector_load %arg14[%swap3A_165, %swap3A_166] {strides = array<i32>} : memref<128x128xf32, #tpu.memory_space<vmem>>, vector<16xf32>,
        tpu.vector_store %arg14[%swap3A_165, %swap3A_166], %mul3A_164 {strides = array<i32>} : memref<128x128xf32, #tpu.memory_space<vmem>>, vector<16xf32>,
        %get3A_168 = arith.index_cast %scan3A_125 : i32 to index
        %get3A_169 = arith.constant 96 : index
        %get3A_170 = tpu.vector_load %arg14[%get3A_168, %get3A_169] {strides = array<i32>} : memref<128x128xf32, #tpu.memory_space<vmem>>, vector<16xf32>,
        %mul3A_171 = arith.mulf %get3A_170, %gather3A : vector<16xf32>
        %swap3A_172 = arith.index_cast %scan3A_125 : i32 to index
        %swap3A_173 = arith.constant 96 : index
        %swap3A_174 = tpu.vector_load %arg14[%swap3A_172, %swap3A_173] {strides = array<i32>} : memref<128x128xf32, #tpu.memory_space<vmem>>, vector<16xf32>,
        tpu.vector_store %arg14[%swap3A_172, %swap3A_173], %mul3A_171 {strides = array<i32>} : memref<128x128xf32, #tpu.memory_space<vmem>>, vector<16xf32>,
        %get3A_175 = arith.index_cast %scan3A_125 : i32 to index
        %get3A_176 = arith.constant 112 : index
        %get3A_177 = tpu.vector_load %arg14[%get3A_175, %get3A_176] {strides = array<i32>} : memref<128x128xf32, #tpu.memory_space<vmem>>, vector<16xf32>,
        %mul3A_178 = arith.mulf %get3A_177, %gather3A : vector<16xf32>
        %swap3A_179 = arith.index_cast %scan3A_125 : i32 to index
        %swap3A_180 = arith.constant 112 : index
        %swap3A_181 = tpu.vector_load %arg14[%swap3A_179, %swap3A_180] {strides = array<i32>} : memref<128x128xf32, #tpu.memory_space<vmem>>, vector<16xf32>,
        tpu.vector_store %arg14[%swap3A_179, %swap3A_180], %mul3A_178 {strides = array<i32>} : memref<128x128xf32, #tpu.memory_space<vmem>>, vector<16xf32>,
        %scan3A_182 = arith.constant 0 : i32
        scf.yield %scan3A_182 : i32
      }
      %scan3A_122 = arith.constant 128 : i32
      %run_scoped3A_123 = arith.constant 1 : i32
      "tpu.region"() ({
        %run_scoped3A_125 = tpu.sem_alloc : memref<!tpu.dma_semaphore, #tpu.memory_space<semaphore_mem>>
        %dma_start3A_126 = arith.constant 0 : i32
        %dma_start3A_127 = tpu.memref_slice %arg13[%run_scoped3A_123, %dma_start3A_126] : memref<2x128xi32, #tpu.memory_space<vmem>> -> memref<1x128xi32, #tpu.memory_space<vmem>>
        %dma_start3A_128 = tpu.memref_squeeze %dma_start3A_127 : memref<1x128xi32, #tpu.memory_space<vmem>> -> memref<128xi32, #tpu.memory_space<vmem>>
        %dma_start3A_129 = arith.constant 0 : i32
        %dma_start3A_130 = arith.constant 0 : i32
        %dma_start3A_131 = tpu.memref_slice %arg19[%dma_start3A_129, %dma_start3A_130] : memref<10240x128xf32, #tpu.memory_space<vmem_shared>> -> memref<10240x128xf32, #tpu.memory_space<vmem_shared>>
        tpu.enqueue_indirect_dma source(%arg14 : memref<128x128xf32, #tpu.memory_space<vmem>>) target(%dma_start3A_131 : memref<10240x128xf32, #tpu.memory_space<vmem_shared>>) offsets(%dma_start3A_128 : memref<128xi32, #tpu.memory_space<vmem>>) semaphore(%run_scoped3A_125 : memref<!tpu.dma_semaphore, #tpu.memory_space<semaphore_mem>>) {add = true}
        %dma_wait3A_132 = arith.constant 0 : i32
        %dma_wait3A_133 = tpu.memref_slice %arg13[%run_scoped3A_123, %dma_wait3A_132] : memref<2x128xi32, #tpu.memory_space<vmem>> -> memref<1x128xi32, #tpu.memory_space<vmem>>
        %dma_wait3A_134 = tpu.memref_squeeze %dma_wait3A_133 : memref<1x128xi32, #tpu.memory_space<vmem>> -> memref<128xi32, #tpu.memory_space<vmem>>
        %dma_wait3A_135 = arith.constant 0 : i32
        %dma_wait3A_136 = arith.constant 0 : i32
        %dma_wait3A_137 = tpu.memref_slice %arg19[%dma_wait3A_135, %dma_wait3A_136] : memref<10240x128xf32, #tpu.memory_space<vmem_shared>> -> memref<10240x128xf32, #tpu.memory_space<vmem_shared>>
        tpu.wait_indirect_dma semaphore(%run_scoped3A_125 : memref<!tpu.dma_semaphore, #tpu.memory_space<semaphore_mem>>) src(%arg14 : memref<128x128xf32, #tpu.memory_space<vmem>>) dst(%dma_wait3A_137 : memref<10240x128xf32, #tpu.memory_space<vmem_shared>>)
        tpu.yield
      }) : () -> ()
      %scan3A_124 = arith.constant 0 : i32
      scf.yield %scan3A_124 : i32
    }
    %scan3A_84 = arith.constant 81 : i32
    %barrier3A_85 = arith.constant 0 : index
    tpu.barrier barrier_id(%barrier3A_85)
    %mul3A_86 = arith.constant 640 : i32
    %mul3A_87 = arith.muli %arg1, %mul3A_86 : i32
    %mul3A_88 = arith.constant 640 : i32
    %mul3A_89 = arith.muli %arg1, %mul3A_88 : i32
    "tpu.region"() ({
      %run_scoped3A_90 = tpu.sem_alloc : memref<!tpu.dma_semaphore, #tpu.memory_space<semaphore_mem>>
      %dma_start3A = arith.constant 0 : i32
      %dma_start3A_91 = tpu.memref_slice %arg8[%arg0, %mul3A_89, %dma_start3A] : memref<2x10240x128xf32, #tpu.memory_space<hbm>> -> memref<1x640x128xf32, #tpu.memory_space<hbm>>
      %dma_start3A_92 = tpu.memref_squeeze %dma_start3A_91 : memref<1x640x128xf32, #tpu.memory_space<hbm>> -> memref<640x128xf32, #tpu.memory_space<hbm>>
      %dma_start3A_93 = arith.constant 0 : i32
      %dma_start3A_94 = tpu.memref_slice %arg19[%mul3A_87, %dma_start3A_93] : memref<10240x128xf32, #tpu.memory_space<vmem_shared>> -> memref<640x128xf32, #tpu.memory_space<vmem_shared>>
      tpu.enqueue_dma source(%dma_start3A_94 : memref<640x128xf32, #tpu.memory_space<vmem_shared>>) target(%dma_start3A_92 : memref<640x128xf32, #tpu.memory_space<hbm>>) target_semaphore(%run_scoped3A_90 : memref<!tpu.dma_semaphore, #tpu.memory_space<semaphore_mem>>)
      %dma_wait3A = arith.constant 0 : i32
      %dma_wait3A_95 = tpu.memref_slice %arg8[%arg0, %mul3A_89, %dma_wait3A] : memref<2x10240x128xf32, #tpu.memory_space<hbm>> -> memref<1x640x128xf32, #tpu.memory_space<hbm>>
      %dma_wait3A_96 = tpu.memref_squeeze %dma_wait3A_95 : memref<1x640x128xf32, #tpu.memory_space<hbm>> -> memref<640x128xf32, #tpu.memory_space<hbm>>
      %dma_wait3A_97 = arith.constant 0 : i32
      %dma_wait3A_98 = tpu.memref_slice %arg19[%mul3A_87, %dma_wait3A_97] : memref<10240x128xf32, #tpu.memory_space<vmem_shared>> -> memref<640x128xf32, #tpu.memory_space<vmem_shared>>
      tpu.wait_dma2 semaphore(%run_scoped3A_90 : memref<!tpu.dma_semaphore, #tpu.memory_space<semaphore_mem>>) src(%dma_wait3A_98 : memref<640x128xf32, #tpu.memory_space<vmem_shared>>) dst(%dma_wait3A_96 : memref<640x128xf32, #tpu.memory_space<hbm>>)
      tpu.yield
    }) : () -> ()
    return
  }
}

#map = affine_map<(d0, d1) -> (0, 0)>
#map1 = affine_map<(d0, d1) -> (0)>
#map2 = affine_map<(d0, d1) -> (0, 0, 0)>
module attributes {stable_mosaic.version = 14 : i64} {
  func.func @_sc_edge_body(%arg0: i32, %arg1: i32, %arg2: memref<10240x128xf32, #tpu.memory_space<hbm>>, %arg3: memref<80x128xf32, #tpu.memory_space<hbm>>, %arg4: memref<80x128xf32, #tpu.memory_space<hbm>>, %arg5: memref<1x128xf32, #tpu.memory_space<hbm>>, %arg6: memref<331776xi32, #tpu.memory_space<hbm>>, %arg7: memref<331776xi32, #tpu.memory_space<hbm>>, %arg8: memref<2x10240x128xf32, #tpu.memory_space<hbm>>, %arg9: memref<10240xf32, #tpu.memory_space<vmem>>, %arg10: memref<10240xf32, #tpu.memory_space<vmem>>, %arg11: memref<10240xf32, #tpu.memory_space<vmem>>, %arg12: memref<2x128xi32, #tpu.memory_space<vmem>>, %arg13: memref<2x128xi32, #tpu.memory_space<vmem>>, %arg14: memref<128x128xf32, #tpu.memory_space<vmem>>, %arg15: memref<128xf32, #tpu.memory_space<vmem>>, %arg16: memref<1x128xf32, #tpu.memory_space<vmem>>, %arg17: memref<!tpu.dma_semaphore, #tpu.memory_space<semaphore_mem>>, %arg18: memref<10240xf32, #tpu.memory_space<vmem_shared>>, %arg19: memref<10240x128xf32, #tpu.memory_space<vmem_shared>>) attributes {dimension_semantics = [#tpu.dimension_semantics<core_parallel>, #tpu.dimension_semantics<subcore_parallel>], iteration_bounds = array<i64: 2, 16>, scalar_prefetch = 0 : i64, scratch_operands = 11 : i64, tpu.core_type = #tpu.core_type<sc_vector_subcore>, window_params = [{transform_indices = #map}, {transform_indices = #map}, {transform_indices = #map}, {transform_indices = #map}, {transform_indices = #map1}, {transform_indices = #map1}, {transform_indices = #map2}]} {
    "tpu.region"() ({
      %run_scoped3A_90 = tpu.sem_alloc : memref<!tpu.dma_semaphore, #tpu.memory_space<semaphore_mem>>
      %dma_start3A = arith.constant 0 : i32
      %dma_start3A_91 = arith.constant 0 : i32
      %dma_start3A_92 = tpu.memref_slice %arg14[%dma_start3A, %dma_start3A_91] : memref<128x128xf32, #tpu.memory_space<vmem>> -> memref<80x128xf32, #tpu.memory_space<vmem>>
      %dma_start3A_93 = arith.constant 0 : i32
      %dma_start3A_94 = arith.constant 0 : i32
      %dma_start3A_95 = tpu.memref_slice %arg14[%dma_start3A_93, %dma_start3A_94] : memref<128x128xf32, #tpu.memory_space<vmem>> -> memref<80x128xf32, #tpu.memory_space<vmem>>
      tpu.enqueue_dma source(%arg3 : memref<80x128xf32, #tpu.memory_space<hbm>>) target(%dma_start3A_95 : memref<80x128xf32, #tpu.memory_space<vmem>>) target_semaphore(%run_scoped3A_90 : memref<!tpu.dma_semaphore, #tpu.memory_space<semaphore_mem>>)
      %dma_wait3A = arith.constant 0 : i32
      %dma_wait3A_96 = arith.constant 0 : i32
      %dma_wait3A_97 = tpu.memref_slice %arg14[%dma_wait3A, %dma_wait3A_96] : memref<128x128xf32, #tpu.memory_space<vmem>> -> memref<80x128xf32, #tpu.memory_space<vmem>>
      %dma_wait3A_98 = arith.constant 0 : i32
      %dma_wait3A_99 = arith.constant 0 : i32
      %dma_wait3A_100 = tpu.memref_slice %arg14[%dma_wait3A_98, %dma_wait3A_99] : memref<128x128xf32, #tpu.memory_space<vmem>> -> memref<80x128xf32, #tpu.memory_space<vmem>>
      tpu.wait_dma2 semaphore(%run_scoped3A_90 : memref<!tpu.dma_semaphore, #tpu.memory_space<semaphore_mem>>) src(%arg3 : memref<80x128xf32, #tpu.memory_space<hbm>>) dst(%dma_wait3A_100 : memref<80x128xf32, #tpu.memory_space<vmem>>)
      tpu.yield
    }) : () -> ()
    %scan3A = arith.constant 0 : i32
    %scan3A_0 = arith.constant 0 : i32
    %scan3A_1 = arith.constant 80 : i32
    %scan3A_2 = arith.addi %scan3A_0, %scan3A_1 : i32
    %scan3A_3 = arith.constant 1 : i32
    %scan3A_4 = scf.for %scan3A_90 = %scan3A_0 to %scan3A_2 step %scan3A_3 iter_args(%scan3A_91 = %scan3A) -> (i32)  : i32 {
      %get3A_92 = arith.index_cast %scan3A_90 : i32 to index
      %get3A_93 = arith.constant 0 : index
      %get3A_94 = tpu.vector_load %arg14[%get3A_92, %get3A_93] {strides = array<i32>} : memref<128x128xf32, #tpu.memory_space<vmem>>, vector<16xf32>,
      %mul3A_95 = arith.constant 128 : i32
      %mul3A_96 = arith.muli %scan3A_90, %mul3A_95 : i32
      %add3A_97 = arith.constant 0 : i32
      %add3A_98 = arith.addi %mul3A_96, %add3A_97 : i32
      %swap3A = arith.index_cast %add3A_98 : i32 to index
      %swap3A_99 = tpu.vector_load %arg9[%swap3A] {strides = array<i32>} : memref<10240xf32, #tpu.memory_space<vmem>>, vector<16xf32>,
      tpu.vector_store %arg9[%swap3A], %get3A_94 {strides = array<i32>} : memref<10240xf32, #tpu.memory_space<vmem>>, vector<16xf32>,
      %get3A_100 = arith.index_cast %scan3A_90 : i32 to index
      %get3A_101 = arith.constant 16 : index
      %get3A_102 = tpu.vector_load %arg14[%get3A_100, %get3A_101] {strides = array<i32>} : memref<128x128xf32, #tpu.memory_space<vmem>>, vector<16xf32>,
      %mul3A_103 = arith.constant 128 : i32
      %mul3A_104 = arith.muli %scan3A_90, %mul3A_103 : i32
      %add3A_105 = arith.constant 16 : i32
      %add3A_106 = arith.addi %mul3A_104, %add3A_105 : i32
      %swap3A_107 = arith.index_cast %add3A_106 : i32 to index
      %swap3A_108 = tpu.vector_load %arg9[%swap3A_107] {strides = array<i32>} : memref<10240xf32, #tpu.memory_space<vmem>>, vector<16xf32>,
      tpu.vector_store %arg9[%swap3A_107], %get3A_102 {strides = array<i32>} : memref<10240xf32, #tpu.memory_space<vmem>>, vector<16xf32>,
      %get3A_109 = arith.index_cast %scan3A_90 : i32 to index
      %get3A_110 = arith.constant 32 : index
      %get3A_111 = tpu.vector_load %arg14[%get3A_109, %get3A_110] {strides = array<i32>} : memref<128x128xf32, #tpu.memory_space<vmem>>, vector<16xf32>,
      %mul3A_112 = arith.constant 128 : i32
      %mul3A_113 = arith.muli %scan3A_90, %mul3A_112 : i32
      %add3A_114 = arith.constant 32 : i32
      %add3A_115 = arith.addi %mul3A_113, %add3A_114 : i32
      %swap3A_116 = arith.index_cast %add3A_115 : i32 to index
      %swap3A_117 = tpu.vector_load %arg9[%swap3A_116] {strides = array<i32>} : memref<10240xf32, #tpu.memory_space<vmem>>, vector<16xf32>,
      tpu.vector_store %arg9[%swap3A_116], %get3A_111 {strides = array<i32>} : memref<10240xf32, #tpu.memory_space<vmem>>, vector<16xf32>,
      %get3A_118 = arith.index_cast %scan3A_90 : i32 to index
      %get3A_119 = arith.constant 48 : index
      %get3A_120 = tpu.vector_load %arg14[%get3A_118, %get3A_119] {strides = array<i32>} : memref<128x128xf32, #tpu.memory_space<vmem>>, vector<16xf32>,
      %mul3A_121 = arith.constant 128 : i32
      %mul3A_122 = arith.muli %scan3A_90, %mul3A_121 : i32
      %add3A_123 = arith.constant 48 : i32
      %add3A_124 = arith.addi %mul3A_122, %add3A_123 : i32
      %swap3A_125 = arith.index_cast %add3A_124 : i32 to index
      %swap3A_126 = tpu.vector_load %arg9[%swap3A_125] {strides = array<i32>} : memref<10240xf32, #tpu.memory_space<vmem>>, vector<16xf32>,
      tpu.vector_store %arg9[%swap3A_125], %get3A_120 {strides = array<i32>} : memref<10240xf32, #tpu.memory_space<vmem>>, vector<16xf32>,
      %get3A_127 = arith.index_cast %scan3A_90 : i32 to index
      %get3A_128 = arith.constant 64 : index
      %get3A_129 = tpu.vector_load %arg14[%get3A_127, %get3A_128] {strides = array<i32>} : memref<128x128xf32, #tpu.memory_space<vmem>>, vector<16xf32>,
      %mul3A_130 = arith.constant 128 : i32
      %mul3A_131 = arith.muli %scan3A_90, %mul3A_130 : i32
      %add3A_132 = arith.constant 64 : i32
      %add3A_133 = arith.addi %mul3A_131, %add3A_132 : i32
      %swap3A_134 = arith.index_cast %add3A_133 : i32 to index
      %swap3A_135 = tpu.vector_load %arg9[%swap3A_134] {strides = array<i32>} : memref<10240xf32, #tpu.memory_space<vmem>>, vector<16xf32>,
      tpu.vector_store %arg9[%swap3A_134], %get3A_129 {strides = array<i32>} : memref<10240xf32, #tpu.memory_space<vmem>>, vector<16xf32>,
      %get3A_136 = arith.index_cast %scan3A_90 : i32 to index
      %get3A_137 = arith.constant 80 : index
      %get3A_138 = tpu.vector_load %arg14[%get3A_136, %get3A_137] {strides = array<i32>} : memref<128x128xf32, #tpu.memory_space<vmem>>, vector<16xf32>,
      %mul3A_139 = arith.constant 128 : i32
      %mul3A_140 = arith.muli %scan3A_90, %mul3A_139 : i32
      %add3A_141 = arith.constant 80 : i32
      %add3A_142 = arith.addi %mul3A_140, %add3A_141 : i32
      %swap3A_143 = arith.index_cast %add3A_142 : i32 to index
      %swap3A_144 = tpu.vector_load %arg9[%swap3A_143] {strides = array<i32>} : memref<10240xf32, #tpu.memory_space<vmem>>, vector<16xf32>,
      tpu.vector_store %arg9[%swap3A_143], %get3A_138 {strides = array<i32>} : memref<10240xf32, #tpu.memory_space<vmem>>, vector<16xf32>,
      %get3A_145 = arith.index_cast %scan3A_90 : i32 to index
      %get3A_146 = arith.constant 96 : index
      %get3A_147 = tpu.vector_load %arg14[%get3A_145, %get3A_146] {strides = array<i32>} : memref<128x128xf32, #tpu.memory_space<vmem>>, vector<16xf32>,
      %mul3A_148 = arith.constant 128 : i32
      %mul3A_149 = arith.muli %scan3A_90, %mul3A_148 : i32
      %add3A_150 = arith.constant 96 : i32
      %add3A_151 = arith.addi %mul3A_149, %add3A_150 : i32
      %swap3A_152 = arith.index_cast %add3A_151 : i32 to index
      %swap3A_153 = tpu.vector_load %arg9[%swap3A_152] {strides = array<i32>} : memref<10240xf32, #tpu.memory_space<vmem>>, vector<16xf32>,
      tpu.vector_store %arg9[%swap3A_152], %get3A_147 {strides = array<i32>} : memref<10240xf32, #tpu.memory_space<vmem>>, vector<16xf32>,
      %get3A_154 = arith.index_cast %scan3A_90 : i32 to index
      %get3A_155 = arith.constant 112 : index
      %get3A_156 = tpu.vector_load %arg14[%get3A_154, %get3A_155] {strides = array<i32>} : memref<128x128xf32, #tpu.memory_space<vmem>>, vector<16xf32>,
      %mul3A_157 = arith.constant 128 : i32
      %mul3A_158 = arith.muli %scan3A_90, %mul3A_157 : i32
      %add3A_159 = arith.constant 112 : i32
      %add3A_160 = arith.addi %mul3A_158, %add3A_159 : i32
      %swap3A_161 = arith.index_cast %add3A_160 : i32 to index
      %swap3A_162 = tpu.vector_load %arg9[%swap3A_161] {strides = array<i32>} : memref<10240xf32, #tpu.memory_space<vmem>>, vector<16xf32>,
      tpu.vector_store %arg9[%swap3A_161], %get3A_156 {strides = array<i32>} : memref<10240xf32, #tpu.memory_space<vmem>>, vector<16xf32>,
      %scan3A_163 = arith.constant 0 : i32
      scf.yield %scan3A_163 : i32
    }
    %scan3A_5 = arith.constant 80 : i32
    "tpu.region"() ({
      %run_scoped3A_90 = tpu.sem_alloc : memref<!tpu.dma_semaphore, #tpu.memory_space<semaphore_mem>>
      %dma_start3A = arith.constant 0 : i32
      %dma_start3A_91 = arith.constant 0 : i32
      %dma_start3A_92 = tpu.memref_slice %arg14[%dma_start3A, %dma_start3A_91] : memref<128x128xf32, #tpu.memory_space<vmem>> -> memref<80x128xf32, #tpu.memory_space<vmem>>
      %dma_start3A_93 = arith.constant 0 : i32
      %dma_start3A_94 = arith.constant 0 : i32
      %dma_start3A_95 = tpu.memref_slice %arg14[%dma_start3A_93, %dma_start3A_94] : memref<128x128xf32, #tpu.memory_space<vmem>> -> memref<80x128xf32, #tpu.memory_space<vmem>>
      tpu.enqueue_dma source(%arg4 : memref<80x128xf32, #tpu.memory_space<hbm>>) target(%dma_start3A_95 : memref<80x128xf32, #tpu.memory_space<vmem>>) target_semaphore(%run_scoped3A_90 : memref<!tpu.dma_semaphore, #tpu.memory_space<semaphore_mem>>)
      %dma_wait3A = arith.constant 0 : i32
      %dma_wait3A_96 = arith.constant 0 : i32
      %dma_wait3A_97 = tpu.memref_slice %arg14[%dma_wait3A, %dma_wait3A_96] : memref<128x128xf32, #tpu.memory_space<vmem>> -> memref<80x128xf32, #tpu.memory_space<vmem>>
      %dma_wait3A_98 = arith.constant 0 : i32
      %dma_wait3A_99 = arith.constant 0 : i32
      %dma_wait3A_100 = tpu.memref_slice %arg14[%dma_wait3A_98, %dma_wait3A_99] : memref<128x128xf32, #tpu.memory_space<vmem>> -> memref<80x128xf32, #tpu.memory_space<vmem>>
      tpu.wait_dma2 semaphore(%run_scoped3A_90 : memref<!tpu.dma_semaphore, #tpu.memory_space<semaphore_mem>>) src(%arg4 : memref<80x128xf32, #tpu.memory_space<hbm>>) dst(%dma_wait3A_100 : memref<80x128xf32, #tpu.memory_space<vmem>>)
      tpu.yield
    }) : () -> ()
    %scan3A_6 = arith.constant 0 : i32
    %scan3A_7 = arith.constant 0 : i32
    %scan3A_8 = arith.constant 80 : i32
    %scan3A_9 = arith.addi %scan3A_7, %scan3A_8 : i32
    %scan3A_10 = arith.constant 1 : i32
    %scan3A_11 = scf.for %scan3A_90 = %scan3A_7 to %scan3A_9 step %scan3A_10 iter_args(%scan3A_91 = %scan3A_6) -> (i32)  : i32 {
      %get3A_92 = arith.index_cast %scan3A_90 : i32 to index
      %get3A_93 = arith.constant 0 : index
      %get3A_94 = tpu.vector_load %arg14[%get3A_92, %get3A_93] {strides = array<i32>} : memref<128x128xf32, #tpu.memory_space<vmem>>, vector<16xf32>,
      %mul3A_95 = arith.constant 128 : i32
      %mul3A_96 = arith.muli %scan3A_90, %mul3A_95 : i32
      %add3A_97 = arith.constant 0 : i32
      %add3A_98 = arith.addi %mul3A_96, %add3A_97 : i32
      %swap3A = arith.index_cast %add3A_98 : i32 to index
      %swap3A_99 = tpu.vector_load %arg10[%swap3A] {strides = array<i32>} : memref<10240xf32, #tpu.memory_space<vmem>>, vector<16xf32>,
      tpu.vector_store %arg10[%swap3A], %get3A_94 {strides = array<i32>} : memref<10240xf32, #tpu.memory_space<vmem>>, vector<16xf32>,
      %get3A_100 = arith.index_cast %scan3A_90 : i32 to index
      %get3A_101 = arith.constant 16 : index
      %get3A_102 = tpu.vector_load %arg14[%get3A_100, %get3A_101] {strides = array<i32>} : memref<128x128xf32, #tpu.memory_space<vmem>>, vector<16xf32>,
      %mul3A_103 = arith.constant 128 : i32
      %mul3A_104 = arith.muli %scan3A_90, %mul3A_103 : i32
      %add3A_105 = arith.constant 16 : i32
      %add3A_106 = arith.addi %mul3A_104, %add3A_105 : i32
      %swap3A_107 = arith.index_cast %add3A_106 : i32 to index
      %swap3A_108 = tpu.vector_load %arg10[%swap3A_107] {strides = array<i32>} : memref<10240xf32, #tpu.memory_space<vmem>>, vector<16xf32>,
      tpu.vector_store %arg10[%swap3A_107], %get3A_102 {strides = array<i32>} : memref<10240xf32, #tpu.memory_space<vmem>>, vector<16xf32>,
      %get3A_109 = arith.index_cast %scan3A_90 : i32 to index
      %get3A_110 = arith.constant 32 : index
      %get3A_111 = tpu.vector_load %arg14[%get3A_109, %get3A_110] {strides = array<i32>} : memref<128x128xf32, #tpu.memory_space<vmem>>, vector<16xf32>,
      %mul3A_112 = arith.constant 128 : i32
      %mul3A_113 = arith.muli %scan3A_90, %mul3A_112 : i32
      %add3A_114 = arith.constant 32 : i32
      %add3A_115 = arith.addi %mul3A_113, %add3A_114 : i32
      %swap3A_116 = arith.index_cast %add3A_115 : i32 to index
      %swap3A_117 = tpu.vector_load %arg10[%swap3A_116] {strides = array<i32>} : memref<10240xf32, #tpu.memory_space<vmem>>, vector<16xf32>,
      tpu.vector_store %arg10[%swap3A_116], %get3A_111 {strides = array<i32>} : memref<10240xf32, #tpu.memory_space<vmem>>, vector<16xf32>,
      %get3A_118 = arith.index_cast %scan3A_90 : i32 to index
      %get3A_119 = arith.constant 48 : index
      %get3A_120 = tpu.vector_load %arg14[%get3A_118, %get3A_119] {strides = array<i32>} : memref<128x128xf32, #tpu.memory_space<vmem>>, vector<16xf32>,
      %mul3A_121 = arith.constant 128 : i32
      %mul3A_122 = arith.muli %scan3A_90, %mul3A_121 : i32
      %add3A_123 = arith.constant 48 : i32
      %add3A_124 = arith.addi %mul3A_122, %add3A_123 : i32
      %swap3A_125 = arith.index_cast %add3A_124 : i32 to index
      %swap3A_126 = tpu.vector_load %arg10[%swap3A_125] {strides = array<i32>} : memref<10240xf32, #tpu.memory_space<vmem>>, vector<16xf32>,
      tpu.vector_store %arg10[%swap3A_125], %get3A_120 {strides = array<i32>} : memref<10240xf32, #tpu.memory_space<vmem>>, vector<16xf32>,
      %get3A_127 = arith.index_cast %scan3A_90 : i32 to index
      %get3A_128 = arith.constant 64 : index
      %get3A_129 = tpu.vector_load %arg14[%get3A_127, %get3A_128] {strides = array<i32>} : memref<128x128xf32, #tpu.memory_space<vmem>>, vector<16xf32>,
      %mul3A_130 = arith.constant 128 : i32
      %mul3A_131 = arith.muli %scan3A_90, %mul3A_130 : i32
      %add3A_132 = arith.constant 64 : i32
      %add3A_133 = arith.addi %mul3A_131, %add3A_132 : i32
      %swap3A_134 = arith.index_cast %add3A_133 : i32 to index
      %swap3A_135 = tpu.vector_load %arg10[%swap3A_134] {strides = array<i32>} : memref<10240xf32, #tpu.memory_space<vmem>>, vector<16xf32>,
      tpu.vector_store %arg10[%swap3A_134], %get3A_129 {strides = array<i32>} : memref<10240xf32, #tpu.memory_space<vmem>>, vector<16xf32>,
      %get3A_136 = arith.index_cast %scan3A_90 : i32 to index
      %get3A_137 = arith.constant 80 : index
      %get3A_138 = tpu.vector_load %arg14[%get3A_136, %get3A_137] {strides = array<i32>} : memref<128x128xf32, #tpu.memory_space<vmem>>, vector<16xf32>,
      %mul3A_139 = arith.constant 128 : i32
      %mul3A_140 = arith.muli %scan3A_90, %mul3A_139 : i32
      %add3A_141 = arith.constant 80 : i32
      %add3A_142 = arith.addi %mul3A_140, %add3A_141 : i32
      %swap3A_143 = arith.index_cast %add3A_142 : i32 to index
      %swap3A_144 = tpu.vector_load %arg10[%swap3A_143] {strides = array<i32>} : memref<10240xf32, #tpu.memory_space<vmem>>, vector<16xf32>,
      tpu.vector_store %arg10[%swap3A_143], %get3A_138 {strides = array<i32>} : memref<10240xf32, #tpu.memory_space<vmem>>, vector<16xf32>,
      %get3A_145 = arith.index_cast %scan3A_90 : i32 to index
      %get3A_146 = arith.constant 96 : index
      %get3A_147 = tpu.vector_load %arg14[%get3A_145, %get3A_146] {strides = array<i32>} : memref<128x128xf32, #tpu.memory_space<vmem>>, vector<16xf32>,
      %mul3A_148 = arith.constant 128 : i32
      %mul3A_149 = arith.muli %scan3A_90, %mul3A_148 : i32
      %add3A_150 = arith.constant 96 : i32
      %add3A_151 = arith.addi %mul3A_149, %add3A_150 : i32
      %swap3A_152 = arith.index_cast %add3A_151 : i32 to index
      %swap3A_153 = tpu.vector_load %arg10[%swap3A_152] {strides = array<i32>} : memref<10240xf32, #tpu.memory_space<vmem>>, vector<16xf32>,
      tpu.vector_store %arg10[%swap3A_152], %get3A_147 {strides = array<i32>} : memref<10240xf32, #tpu.memory_space<vmem>>, vector<16xf32>,
      %get3A_154 = arith.index_cast %scan3A_90 : i32 to index
      %get3A_155 = arith.constant 112 : index
      %get3A_156 = tpu.vector_load %arg14[%get3A_154, %get3A_155] {strides = array<i32>} : memref<128x128xf32, #tpu.memory_space<vmem>>, vector<16xf32>,
      %mul3A_157 = arith.constant 128 : i32
      %mul3A_158 = arith.muli %scan3A_90, %mul3A_157 : i32
      %add3A_159 = arith.constant 112 : i32
      %add3A_160 = arith.addi %mul3A_158, %add3A_159 : i32
      %swap3A_161 = arith.index_cast %add3A_160 : i32 to index
      %swap3A_162 = tpu.vector_load %arg10[%swap3A_161] {strides = array<i32>} : memref<10240xf32, #tpu.memory_space<vmem>>, vector<16xf32>,
      tpu.vector_store %arg10[%swap3A_161], %get3A_156 {strides = array<i32>} : memref<10240xf32, #tpu.memory_space<vmem>>, vector<16xf32>,
      %scan3A_163 = arith.constant 0 : i32
      scf.yield %scan3A_163 : i32
    }
    %scan3A_12 = arith.constant 80 : i32
    "tpu.region"() ({
      %run_scoped3A_90 = tpu.sem_alloc : memref<!tpu.dma_semaphore, #tpu.memory_space<semaphore_mem>>
      tpu.enqueue_dma source(%arg5 : memref<1x128xf32, #tpu.memory_space<hbm>>) target(%arg16 : memref<1x128xf32, #tpu.memory_space<vmem>>) target_semaphore(%run_scoped3A_90 : memref<!tpu.dma_semaphore, #tpu.memory_space<semaphore_mem>>)
      tpu.wait_dma2 semaphore(%run_scoped3A_90 : memref<!tpu.dma_semaphore, #tpu.memory_space<semaphore_mem>>) src(%arg5 : memref<1x128xf32, #tpu.memory_space<hbm>>) dst(%arg16 : memref<1x128xf32, #tpu.memory_space<vmem>>)
      tpu.yield
    }) : () -> ()
    %get3A = arith.constant 0 : i32
    %get3A_13 = arith.index_cast %get3A : i32 to index
    %get3A_14 = arith.constant 0 : index
    %get3A_15 = tpu.vector_load %arg16[%get3A_13, %get3A_14] {strides = array<i32>} : memref<1x128xf32, #tpu.memory_space<vmem>>, vector<16xf32>,
    %scan3A_16 = arith.constant 0 : i32
    %scan3A_17 = arith.constant 0 : i32
    %scan3A_18 = arith.constant 1024 : i32
    %scan3A_19 = arith.addi %scan3A_17, %scan3A_18 : i32
    %scan3A_20 = arith.constant 1 : i32
    %scan3A_21 = scf.for %scan3A_90 = %scan3A_17 to %scan3A_19 step %scan3A_20 iter_args(%scan3A_91 = %scan3A_16) -> (i32)  : i32 {
      %broadcast_in_dim3A = arith.constant 0.000000e+00 : f32
      %broadcast_in_dim3A_92 = vector.broadcast %broadcast_in_dim3A : f32 to vector<16xf32>
      %mul3A_93 = arith.constant 16 : i32
      %mul3A_94 = arith.muli %scan3A_90, %mul3A_93 : i32
      %swap3A = arith.constant 0 : i32
      %swap3A_95 = arith.index_cast %swap3A : i32 to index
      %swap3A_96 = arith.index_cast %mul3A_94 : i32 to index
      %swap3A_97 = tpu.vector_load %arg14[%swap3A_95, %swap3A_96] {strides = array<i32>} : memref<128x128xf32, #tpu.memory_space<vmem>>, vector<16xf32>,
      tpu.vector_store %arg14[%swap3A_95, %swap3A_96], %broadcast_in_dim3A_92 {strides = array<i32>} : memref<128x128xf32, #tpu.memory_space<vmem>>, vector<16xf32>,
      %scan3A_98 = arith.constant 0 : i32
      scf.yield %scan3A_98 : i32
    }
    %scan3A_22 = arith.constant 1024 : i32
    %mul3A = arith.constant 640 : i32
    %mul3A_23 = arith.muli %arg1, %mul3A : i32
    %add3A = arith.constant 0 : i32
    %add3A_24 = arith.addi %mul3A_23, %add3A : i32
    %run_scoped3A = arith.constant 0 : i32
    "tpu.region"() ({
      %run_scoped3A_90 = tpu.sem_alloc : memref<!tpu.dma_semaphore, #tpu.memory_space<semaphore_mem>>
      %dma_start3A = arith.constant 0 : i32
      %dma_start3A_91 = tpu.memref_slice %arg14[%run_scoped3A, %dma_start3A] : memref<128x128xf32, #tpu.memory_space<vmem>> -> memref<1x128xf32, #tpu.memory_space<vmem>>
      %dma_start3A_92 = tpu.memref_squeeze %dma_start3A_91 : memref<1x128xf32, #tpu.memory_space<vmem>> -> memref<128xf32, #tpu.memory_space<vmem>>
      %dma_start3A_93 = tpu.memref_slice %arg18[%add3A_24] : memref<10240xf32, #tpu.memory_space<vmem_shared>> -> memref<128xf32, #tpu.memory_space<vmem_shared>>
      %dma_start3A_94 = tpu.memref_slice %arg18[%add3A_24] : memref<10240xf32, #tpu.memory_space<vmem_shared>> -> memref<128xf32, #tpu.memory_space<vmem_shared>>
      %dma_start3A_95 = arith.constant 0 : i32
      %dma_start3A_96 = tpu.memref_slice %arg14[%run_scoped3A, %dma_start3A_95] : memref<128x128xf32, #tpu.memory_space<vmem>> -> memref<1x128xf32, #tpu.memory_space<vmem>>
      %dma_start3A_97 = tpu.memref_squeeze %dma_start3A_96 : memref<1x128xf32, #tpu.memory_space<vmem>> -> memref<128xf32, #tpu.memory_space<vmem>>
      tpu.enqueue_dma source(%dma_start3A_97 : memref<128xf32, #tpu.memory_space<vmem>>) target(%dma_start3A_94 : memref<128xf32, #tpu.memory_space<vmem_shared>>) target_semaphore(%run_scoped3A_90 : memref<!tpu.dma_semaphore, #tpu.memory_space<semaphore_mem>>)
      %dma_wait3A = arith.constant 0 : i32
      %dma_wait3A_98 = tpu.memref_slice %arg14[%run_scoped3A, %dma_wait3A] : memref<128x128xf32, #tpu.memory_space<vmem>> -> memref<1x128xf32, #tpu.memory_space<vmem>>
      %dma_wait3A_99 = tpu.memref_squeeze %dma_wait3A_98 : memref<1x128xf32, #tpu.memory_space<vmem>> -> memref<128xf32, #tpu.memory_space<vmem>>
      %dma_wait3A_100 = tpu.memref_slice %arg18[%add3A_24] : memref<10240xf32, #tpu.memory_space<vmem_shared>> -> memref<128xf32, #tpu.memory_space<vmem_shared>>
      %dma_wait3A_101 = tpu.memref_slice %arg18[%add3A_24] : memref<10240xf32, #tpu.memory_space<vmem_shared>> -> memref<128xf32, #tpu.memory_space<vmem_shared>>
      %dma_wait3A_102 = arith.constant 0 : i32
      %dma_wait3A_103 = tpu.memref_slice %arg14[%run_scoped3A, %dma_wait3A_102] : memref<128x128xf32, #tpu.memory_space<vmem>> -> memref<1x128xf32, #tpu.memory_space<vmem>>
      %dma_wait3A_104 = tpu.memref_squeeze %dma_wait3A_103 : memref<1x128xf32, #tpu.memory_space<vmem>> -> memref<128xf32, #tpu.memory_space<vmem>>
      tpu.wait_dma2 semaphore(%run_scoped3A_90 : memref<!tpu.dma_semaphore, #tpu.memory_space<semaphore_mem>>) src(%dma_wait3A_104 : memref<128xf32, #tpu.memory_space<vmem>>) dst(%dma_wait3A_101 : memref<128xf32, #tpu.memory_space<vmem_shared>>)
      tpu.yield
    }) : () -> ()
    %mul3A_25 = arith.constant 640 : i32
    %mul3A_26 = arith.muli %arg1, %mul3A_25 : i32
    %add3A_27 = arith.constant 0 : i32
    %add3A_28 = arith.addi %mul3A_26, %add3A_27 : i32
    "tpu.region"() ({
      %run_scoped3A_90 = tpu.sem_alloc : memref<!tpu.dma_semaphore, #tpu.memory_space<semaphore_mem>>
      %dma_start3A = arith.constant 0 : i32
      %dma_start3A_91 = tpu.memref_slice %arg19[%add3A_28, %dma_start3A] : memref<10240x128xf32, #tpu.memory_space<vmem_shared>> -> memref<128x128xf32, #tpu.memory_space<vmem_shared>>
      %dma_start3A_92 = arith.constant 0 : i32
      %dma_start3A_93 = tpu.memref_slice %arg19[%add3A_28, %dma_start3A_92] : memref<10240x128xf32, #tpu.memory_space<vmem_shared>> -> memref<128x128xf32, #tpu.memory_space<vmem_shared>>
      tpu.enqueue_dma source(%arg14 : memref<128x128xf32, #tpu.memory_space<vmem>>) target(%dma_start3A_93 : memref<128x128xf32, #tpu.memory_space<vmem_shared>>) target_semaphore(%run_scoped3A_90 : memref<!tpu.dma_semaphore, #tpu.memory_space<semaphore_mem>>)
      %dma_wait3A = arith.constant 0 : i32
      %dma_wait3A_94 = tpu.memref_slice %arg19[%add3A_28, %dma_wait3A] : memref<10240x128xf32, #tpu.memory_space<vmem_shared>> -> memref<128x128xf32, #tpu.memory_space<vmem_shared>>
      %dma_wait3A_95 = arith.constant 0 : i32
      %dma_wait3A_96 = tpu.memref_slice %arg19[%add3A_28, %dma_wait3A_95] : memref<10240x128xf32, #tpu.memory_space<vmem_shared>> -> memref<128x128xf32, #tpu.memory_space<vmem_shared>>
      tpu.wait_dma2 semaphore(%run_scoped3A_90 : memref<!tpu.dma_semaphore, #tpu.memory_space<semaphore_mem>>) src(%arg14 : memref<128x128xf32, #tpu.memory_space<vmem>>) dst(%dma_wait3A_96 : memref<128x128xf32, #tpu.memory_space<vmem_shared>>)
      tpu.yield
    }) : () -> ()
    %mul3A_29 = arith.constant 640 : i32
    %mul3A_30 = arith.muli %arg1, %mul3A_29 : i32
    %add3A_31 = arith.constant 128 : i32
    %add3A_32 = arith.addi %mul3A_30, %add3A_31 : i32
    %run_scoped3A_33 = arith.constant 0 : i32
    "tpu.region"() ({
      %run_scoped3A_90 = tpu.sem_alloc : memref<!tpu.dma_semaphore, #tpu.memory_space<semaphore_mem>>
      %dma_start3A = arith.constant 0 : i32
      %dma_start3A_91 = tpu.memref_slice %arg14[%run_scoped3A_33, %dma_start3A] : memref<128x128xf32, #tpu.memory_space<vmem>> -> memref<1x128xf32, #tpu.memory_space<vmem>>
      %dma_start3A_92 = tpu.memref_squeeze %dma_start3A_91 : memref<1x128xf32, #tpu.memory_space<vmem>> -> memref<128xf32, #tpu.memory_space<vmem>>
      %dma_start3A_93 = tpu.memref_slice %arg18[%add3A_32] : memref<10240xf32, #tpu.memory_space<vmem_shared>> -> memref<128xf32, #tpu.memory_space<vmem_shared>>
      %dma_start3A_94 = tpu.memref_slice %arg18[%add3A_32] : memref<10240xf32, #tpu.memory_space<vmem_shared>> -> memref<128xf32, #tpu.memory_space<vmem_shared>>
      %dma_start3A_95 = arith.constant 0 : i32
      %dma_start3A_96 = tpu.memref_slice %arg14[%run_scoped3A_33, %dma_start3A_95] : memref<128x128xf32, #tpu.memory_space<vmem>> -> memref<1x128xf32, #tpu.memory_space<vmem>>
      %dma_start3A_97 = tpu.memref_squeeze %dma_start3A_96 : memref<1x128xf32, #tpu.memory_space<vmem>> -> memref<128xf32, #tpu.memory_space<vmem>>
      tpu.enqueue_dma source(%dma_start3A_97 : memref<128xf32, #tpu.memory_space<vmem>>) target(%dma_start3A_94 : memref<128xf32, #tpu.memory_space<vmem_shared>>) target_semaphore(%run_scoped3A_90 : memref<!tpu.dma_semaphore, #tpu.memory_space<semaphore_mem>>)
      %dma_wait3A = arith.constant 0 : i32
      %dma_wait3A_98 = tpu.memref_slice %arg14[%run_scoped3A_33, %dma_wait3A] : memref<128x128xf32, #tpu.memory_space<vmem>> -> memref<1x128xf32, #tpu.memory_space<vmem>>
      %dma_wait3A_99 = tpu.memref_squeeze %dma_wait3A_98 : memref<1x128xf32, #tpu.memory_space<vmem>> -> memref<128xf32, #tpu.memory_space<vmem>>
      %dma_wait3A_100 = tpu.memref_slice %arg18[%add3A_32] : memref<10240xf32, #tpu.memory_space<vmem_shared>> -> memref<128xf32, #tpu.memory_space<vmem_shared>>
      %dma_wait3A_101 = tpu.memref_slice %arg18[%add3A_32] : memref<10240xf32, #tpu.memory_space<vmem_shared>> -> memref<128xf32, #tpu.memory_space<vmem_shared>>
      %dma_wait3A_102 = arith.constant 0 : i32
      %dma_wait3A_103 = tpu.memref_slice %arg14[%run_scoped3A_33, %dma_wait3A_102] : memref<128x128xf32, #tpu.memory_space<vmem>> -> memref<1x128xf32, #tpu.memory_space<vmem>>
      %dma_wait3A_104 = tpu.memref_squeeze %dma_wait3A_103 : memref<1x128xf32, #tpu.memory_space<vmem>> -> memref<128xf32, #tpu.memory_space<vmem>>
      tpu.wait_dma2 semaphore(%run_scoped3A_90 : memref<!tpu.dma_semaphore, #tpu.memory_space<semaphore_mem>>) src(%dma_wait3A_104 : memref<128xf32, #tpu.memory_space<vmem>>) dst(%dma_wait3A_101 : memref<128xf32, #tpu.memory_space<vmem_shared>>)
      tpu.yield
    }) : () -> ()
    %mul3A_34 = arith.constant 640 : i32
    %mul3A_35 = arith.muli %arg1, %mul3A_34 : i32
    %add3A_36 = arith.constant 128 : i32
    %add3A_37 = arith.addi %mul3A_35, %add3A_36 : i32
    "tpu.region"() ({
      %run_scoped3A_90 = tpu.sem_alloc : memref<!tpu.dma_semaphore, #tpu.memory_space<semaphore_mem>>
      %dma_start3A = arith.constant 0 : i32
      %dma_start3A_91 = tpu.memref_slice %arg19[%add3A_37, %dma_start3A] : memref<10240x128xf32, #tpu.memory_space<vmem_shared>> -> memref<128x128xf32, #tpu.memory_space<vmem_shared>>
      %dma_start3A_92 = arith.constant 0 : i32
      %dma_start3A_93 = tpu.memref_slice %arg19[%add3A_37, %dma_start3A_92] : memref<10240x128xf32, #tpu.memory_space<vmem_shared>> -> memref<128x128xf32, #tpu.memory_space<vmem_shared>>
      tpu.enqueue_dma source(%arg14 : memref<128x128xf32, #tpu.memory_space<vmem>>) target(%dma_start3A_93 : memref<128x128xf32, #tpu.memory_space<vmem_shared>>) target_semaphore(%run_scoped3A_90 : memref<!tpu.dma_semaphore, #tpu.memory_space<semaphore_mem>>)
      %dma_wait3A = arith.constant 0 : i32
      %dma_wait3A_94 = tpu.memref_slice %arg19[%add3A_37, %dma_wait3A] : memref<10240x128xf32, #tpu.memory_space<vmem_shared>> -> memref<128x128xf32, #tpu.memory_space<vmem_shared>>
      %dma_wait3A_95 = arith.constant 0 : i32
      %dma_wait3A_96 = tpu.memref_slice %arg19[%add3A_37, %dma_wait3A_95] : memref<10240x128xf32, #tpu.memory_space<vmem_shared>> -> memref<128x128xf32, #tpu.memory_space<vmem_shared>>
      tpu.wait_dma2 semaphore(%run_scoped3A_90 : memref<!tpu.dma_semaphore, #tpu.memory_space<semaphore_mem>>) src(%arg14 : memref<128x128xf32, #tpu.memory_space<vmem>>) dst(%dma_wait3A_96 : memref<128x128xf32, #tpu.memory_space<vmem_shared>>)
      tpu.yield
    }) : () -> ()
    %mul3A_38 = arith.constant 640 : i32
    %mul3A_39 = arith.muli %arg1, %mul3A_38 : i32
    %add3A_40 = arith.constant 256 : i32
    %add3A_41 = arith.addi %mul3A_39, %add3A_40 : i32
    %run_scoped3A_42 = arith.constant 0 : i32
    "tpu.region"() ({
      %run_scoped3A_90 = tpu.sem_alloc : memref<!tpu.dma_semaphore, #tpu.memory_space<semaphore_mem>>
      %dma_start3A = arith.constant 0 : i32
      %dma_start3A_91 = tpu.memref_slice %arg14[%run_scoped3A_42, %dma_start3A] : memref<128x128xf32, #tpu.memory_space<vmem>> -> memref<1x128xf32, #tpu.memory_space<vmem>>
      %dma_start3A_92 = tpu.memref_squeeze %dma_start3A_91 : memref<1x128xf32, #tpu.memory_space<vmem>> -> memref<128xf32, #tpu.memory_space<vmem>>
      %dma_start3A_93 = tpu.memref_slice %arg18[%add3A_41] : memref<10240xf32, #tpu.memory_space<vmem_shared>> -> memref<128xf32, #tpu.memory_space<vmem_shared>>
      %dma_start3A_94 = tpu.memref_slice %arg18[%add3A_41] : memref<10240xf32, #tpu.memory_space<vmem_shared>> -> memref<128xf32, #tpu.memory_space<vmem_shared>>
      %dma_start3A_95 = arith.constant 0 : i32
      %dma_start3A_96 = tpu.memref_slice %arg14[%run_scoped3A_42, %dma_start3A_95] : memref<128x128xf32, #tpu.memory_space<vmem>> -> memref<1x128xf32, #tpu.memory_space<vmem>>
      %dma_start3A_97 = tpu.memref_squeeze %dma_start3A_96 : memref<1x128xf32, #tpu.memory_space<vmem>> -> memref<128xf32, #tpu.memory_space<vmem>>
      tpu.enqueue_dma source(%dma_start3A_97 : memref<128xf32, #tpu.memory_space<vmem>>) target(%dma_start3A_94 : memref<128xf32, #tpu.memory_space<vmem_shared>>) target_semaphore(%run_scoped3A_90 : memref<!tpu.dma_semaphore, #tpu.memory_space<semaphore_mem>>)
      %dma_wait3A = arith.constant 0 : i32
      %dma_wait3A_98 = tpu.memref_slice %arg14[%run_scoped3A_42, %dma_wait3A] : memref<128x128xf32, #tpu.memory_space<vmem>> -> memref<1x128xf32, #tpu.memory_space<vmem>>
      %dma_wait3A_99 = tpu.memref_squeeze %dma_wait3A_98 : memref<1x128xf32, #tpu.memory_space<vmem>> -> memref<128xf32, #tpu.memory_space<vmem>>
      %dma_wait3A_100 = tpu.memref_slice %arg18[%add3A_41] : memref<10240xf32, #tpu.memory_space<vmem_shared>> -> memref<128xf32, #tpu.memory_space<vmem_shared>>
      %dma_wait3A_101 = tpu.memref_slice %arg18[%add3A_41] : memref<10240xf32, #tpu.memory_space<vmem_shared>> -> memref<128xf32, #tpu.memory_space<vmem_shared>>
      %dma_wait3A_102 = arith.constant 0 : i32
      %dma_wait3A_103 = tpu.memref_slice %arg14[%run_scoped3A_42, %dma_wait3A_102] : memref<128x128xf32, #tpu.memory_space<vmem>> -> memref<1x128xf32, #tpu.memory_space<vmem>>
      %dma_wait3A_104 = tpu.memref_squeeze %dma_wait3A_103 : memref<1x128xf32, #tpu.memory_space<vmem>> -> memref<128xf32, #tpu.memory_space<vmem>>
      tpu.wait_dma2 semaphore(%run_scoped3A_90 : memref<!tpu.dma_semaphore, #tpu.memory_space<semaphore_mem>>) src(%dma_wait3A_104 : memref<128xf32, #tpu.memory_space<vmem>>) dst(%dma_wait3A_101 : memref<128xf32, #tpu.memory_space<vmem_shared>>)
      tpu.yield
    }) : () -> ()
    %mul3A_43 = arith.constant 640 : i32
    %mul3A_44 = arith.muli %arg1, %mul3A_43 : i32
    %add3A_45 = arith.constant 256 : i32
    %add3A_46 = arith.addi %mul3A_44, %add3A_45 : i32
    "tpu.region"() ({
      %run_scoped3A_90 = tpu.sem_alloc : memref<!tpu.dma_semaphore, #tpu.memory_space<semaphore_mem>>
      %dma_start3A = arith.constant 0 : i32
      %dma_start3A_91 = tpu.memref_slice %arg19[%add3A_46, %dma_start3A] : memref<10240x128xf32, #tpu.memory_space<vmem_shared>> -> memref<128x128xf32, #tpu.memory_space<vmem_shared>>
      %dma_start3A_92 = arith.constant 0 : i32
      %dma_start3A_93 = tpu.memref_slice %arg19[%add3A_46, %dma_start3A_92] : memref<10240x128xf32, #tpu.memory_space<vmem_shared>> -> memref<128x128xf32, #tpu.memory_space<vmem_shared>>
      tpu.enqueue_dma source(%arg14 : memref<128x128xf32, #tpu.memory_space<vmem>>) target(%dma_start3A_93 : memref<128x128xf32, #tpu.memory_space<vmem_shared>>) target_semaphore(%run_scoped3A_90 : memref<!tpu.dma_semaphore, #tpu.memory_space<semaphore_mem>>)
      %dma_wait3A = arith.constant 0 : i32
      %dma_wait3A_94 = tpu.memref_slice %arg19[%add3A_46, %dma_wait3A] : memref<10240x128xf32, #tpu.memory_space<vmem_shared>> -> memref<128x128xf32, #tpu.memory_space<vmem_shared>>
      %dma_wait3A_95 = arith.constant 0 : i32
      %dma_wait3A_96 = tpu.memref_slice %arg19[%add3A_46, %dma_wait3A_95] : memref<10240x128xf32, #tpu.memory_space<vmem_shared>> -> memref<128x128xf32, #tpu.memory_space<vmem_shared>>
      tpu.wait_dma2 semaphore(%run_scoped3A_90 : memref<!tpu.dma_semaphore, #tpu.memory_space<semaphore_mem>>) src(%arg14 : memref<128x128xf32, #tpu.memory_space<vmem>>) dst(%dma_wait3A_96 : memref<128x128xf32, #tpu.memory_space<vmem_shared>>)
      tpu.yield
    }) : () -> ()
    %mul3A_47 = arith.constant 640 : i32
    %mul3A_48 = arith.muli %arg1, %mul3A_47 : i32
    %add3A_49 = arith.constant 384 : i32
    %add3A_50 = arith.addi %mul3A_48, %add3A_49 : i32
    %run_scoped3A_51 = arith.constant 0 : i32
    "tpu.region"() ({
      %run_scoped3A_90 = tpu.sem_alloc : memref<!tpu.dma_semaphore, #tpu.memory_space<semaphore_mem>>
      %dma_start3A = arith.constant 0 : i32
      %dma_start3A_91 = tpu.memref_slice %arg14[%run_scoped3A_51, %dma_start3A] : memref<128x128xf32, #tpu.memory_space<vmem>> -> memref<1x128xf32, #tpu.memory_space<vmem>>
      %dma_start3A_92 = tpu.memref_squeeze %dma_start3A_91 : memref<1x128xf32, #tpu.memory_space<vmem>> -> memref<128xf32, #tpu.memory_space<vmem>>
      %dma_start3A_93 = tpu.memref_slice %arg18[%add3A_50] : memref<10240xf32, #tpu.memory_space<vmem_shared>> -> memref<128xf32, #tpu.memory_space<vmem_shared>>
      %dma_start3A_94 = tpu.memref_slice %arg18[%add3A_50] : memref<10240xf32, #tpu.memory_space<vmem_shared>> -> memref<128xf32, #tpu.memory_space<vmem_shared>>
      %dma_start3A_95 = arith.constant 0 : i32
      %dma_start3A_96 = tpu.memref_slice %arg14[%run_scoped3A_51, %dma_start3A_95] : memref<128x128xf32, #tpu.memory_space<vmem>> -> memref<1x128xf32, #tpu.memory_space<vmem>>
      %dma_start3A_97 = tpu.memref_squeeze %dma_start3A_96 : memref<1x128xf32, #tpu.memory_space<vmem>> -> memref<128xf32, #tpu.memory_space<vmem>>
      tpu.enqueue_dma source(%dma_start3A_97 : memref<128xf32, #tpu.memory_space<vmem>>) target(%dma_start3A_94 : memref<128xf32, #tpu.memory_space<vmem_shared>>) target_semaphore(%run_scoped3A_90 : memref<!tpu.dma_semaphore, #tpu.memory_space<semaphore_mem>>)
      %dma_wait3A = arith.constant 0 : i32
      %dma_wait3A_98 = tpu.memref_slice %arg14[%run_scoped3A_51, %dma_wait3A] : memref<128x128xf32, #tpu.memory_space<vmem>> -> memref<1x128xf32, #tpu.memory_space<vmem>>
      %dma_wait3A_99 = tpu.memref_squeeze %dma_wait3A_98 : memref<1x128xf32, #tpu.memory_space<vmem>> -> memref<128xf32, #tpu.memory_space<vmem>>
      %dma_wait3A_100 = tpu.memref_slice %arg18[%add3A_50] : memref<10240xf32, #tpu.memory_space<vmem_shared>> -> memref<128xf32, #tpu.memory_space<vmem_shared>>
      %dma_wait3A_101 = tpu.memref_slice %arg18[%add3A_50] : memref<10240xf32, #tpu.memory_space<vmem_shared>> -> memref<128xf32, #tpu.memory_space<vmem_shared>>
      %dma_wait3A_102 = arith.constant 0 : i32
      %dma_wait3A_103 = tpu.memref_slice %arg14[%run_scoped3A_51, %dma_wait3A_102] : memref<128x128xf32, #tpu.memory_space<vmem>> -> memref<1x128xf32, #tpu.memory_space<vmem>>
      %dma_wait3A_104 = tpu.memref_squeeze %dma_wait3A_103 : memref<1x128xf32, #tpu.memory_space<vmem>> -> memref<128xf32, #tpu.memory_space<vmem>>
      tpu.wait_dma2 semaphore(%run_scoped3A_90 : memref<!tpu.dma_semaphore, #tpu.memory_space<semaphore_mem>>) src(%dma_wait3A_104 : memref<128xf32, #tpu.memory_space<vmem>>) dst(%dma_wait3A_101 : memref<128xf32, #tpu.memory_space<vmem_shared>>)
      tpu.yield
    }) : () -> ()
    %mul3A_52 = arith.constant 640 : i32
    %mul3A_53 = arith.muli %arg1, %mul3A_52 : i32
    %add3A_54 = arith.constant 384 : i32
    %add3A_55 = arith.addi %mul3A_53, %add3A_54 : i32
    "tpu.region"() ({
      %run_scoped3A_90 = tpu.sem_alloc : memref<!tpu.dma_semaphore, #tpu.memory_space<semaphore_mem>>
      %dma_start3A = arith.constant 0 : i32
      %dma_start3A_91 = tpu.memref_slice %arg19[%add3A_55, %dma_start3A] : memref<10240x128xf32, #tpu.memory_space<vmem_shared>> -> memref<128x128xf32, #tpu.memory_space<vmem_shared>>
      %dma_start3A_92 = arith.constant 0 : i32
      %dma_start3A_93 = tpu.memref_slice %arg19[%add3A_55, %dma_start3A_92] : memref<10240x128xf32, #tpu.memory_space<vmem_shared>> -> memref<128x128xf32, #tpu.memory_space<vmem_shared>>
      tpu.enqueue_dma source(%arg14 : memref<128x128xf32, #tpu.memory_space<vmem>>) target(%dma_start3A_93 : memref<128x128xf32, #tpu.memory_space<vmem_shared>>) target_semaphore(%run_scoped3A_90 : memref<!tpu.dma_semaphore, #tpu.memory_space<semaphore_mem>>)
      %dma_wait3A = arith.constant 0 : i32
      %dma_wait3A_94 = tpu.memref_slice %arg19[%add3A_55, %dma_wait3A] : memref<10240x128xf32, #tpu.memory_space<vmem_shared>> -> memref<128x128xf32, #tpu.memory_space<vmem_shared>>
      %dma_wait3A_95 = arith.constant 0 : i32
      %dma_wait3A_96 = tpu.memref_slice %arg19[%add3A_55, %dma_wait3A_95] : memref<10240x128xf32, #tpu.memory_space<vmem_shared>> -> memref<128x128xf32, #tpu.memory_space<vmem_shared>>
      tpu.wait_dma2 semaphore(%run_scoped3A_90 : memref<!tpu.dma_semaphore, #tpu.memory_space<semaphore_mem>>) src(%arg14 : memref<128x128xf32, #tpu.memory_space<vmem>>) dst(%dma_wait3A_96 : memref<128x128xf32, #tpu.memory_space<vmem_shared>>)
      tpu.yield
    }) : () -> ()
    %mul3A_56 = arith.constant 640 : i32
    %mul3A_57 = arith.muli %arg1, %mul3A_56 : i32
    %add3A_58 = arith.constant 512 : i32
    %add3A_59 = arith.addi %mul3A_57, %add3A_58 : i32
    %run_scoped3A_60 = arith.constant 0 : i32
    "tpu.region"() ({
      %run_scoped3A_90 = tpu.sem_alloc : memref<!tpu.dma_semaphore, #tpu.memory_space<semaphore_mem>>
      %dma_start3A = arith.constant 0 : i32
      %dma_start3A_91 = tpu.memref_slice %arg14[%run_scoped3A_60, %dma_start3A] : memref<128x128xf32, #tpu.memory_space<vmem>> -> memref<1x128xf32, #tpu.memory_space<vmem>>
      %dma_start3A_92 = tpu.memref_squeeze %dma_start3A_91 : memref<1x128xf32, #tpu.memory_space<vmem>> -> memref<128xf32, #tpu.memory_space<vmem>>
      %dma_start3A_93 = tpu.memref_slice %arg18[%add3A_59] : memref<10240xf32, #tpu.memory_space<vmem_shared>> -> memref<128xf32, #tpu.memory_space<vmem_shared>>
      %dma_start3A_94 = tpu.memref_slice %arg18[%add3A_59] : memref<10240xf32, #tpu.memory_space<vmem_shared>> -> memref<128xf32, #tpu.memory_space<vmem_shared>>
      %dma_start3A_95 = arith.constant 0 : i32
      %dma_start3A_96 = tpu.memref_slice %arg14[%run_scoped3A_60, %dma_start3A_95] : memref<128x128xf32, #tpu.memory_space<vmem>> -> memref<1x128xf32, #tpu.memory_space<vmem>>
      %dma_start3A_97 = tpu.memref_squeeze %dma_start3A_96 : memref<1x128xf32, #tpu.memory_space<vmem>> -> memref<128xf32, #tpu.memory_space<vmem>>
      tpu.enqueue_dma source(%dma_start3A_97 : memref<128xf32, #tpu.memory_space<vmem>>) target(%dma_start3A_94 : memref<128xf32, #tpu.memory_space<vmem_shared>>) target_semaphore(%run_scoped3A_90 : memref<!tpu.dma_semaphore, #tpu.memory_space<semaphore_mem>>)
      %dma_wait3A = arith.constant 0 : i32
      %dma_wait3A_98 = tpu.memref_slice %arg14[%run_scoped3A_60, %dma_wait3A] : memref<128x128xf32, #tpu.memory_space<vmem>> -> memref<1x128xf32, #tpu.memory_space<vmem>>
      %dma_wait3A_99 = tpu.memref_squeeze %dma_wait3A_98 : memref<1x128xf32, #tpu.memory_space<vmem>> -> memref<128xf32, #tpu.memory_space<vmem>>
      %dma_wait3A_100 = tpu.memref_slice %arg18[%add3A_59] : memref<10240xf32, #tpu.memory_space<vmem_shared>> -> memref<128xf32, #tpu.memory_space<vmem_shared>>
      %dma_wait3A_101 = tpu.memref_slice %arg18[%add3A_59] : memref<10240xf32, #tpu.memory_space<vmem_shared>> -> memref<128xf32, #tpu.memory_space<vmem_shared>>
      %dma_wait3A_102 = arith.constant 0 : i32
      %dma_wait3A_103 = tpu.memref_slice %arg14[%run_scoped3A_60, %dma_wait3A_102] : memref<128x128xf32, #tpu.memory_space<vmem>> -> memref<1x128xf32, #tpu.memory_space<vmem>>
      %dma_wait3A_104 = tpu.memref_squeeze %dma_wait3A_103 : memref<1x128xf32, #tpu.memory_space<vmem>> -> memref<128xf32, #tpu.memory_space<vmem>>
      tpu.wait_dma2 semaphore(%run_scoped3A_90 : memref<!tpu.dma_semaphore, #tpu.memory_space<semaphore_mem>>) src(%dma_wait3A_104 : memref<128xf32, #tpu.memory_space<vmem>>) dst(%dma_wait3A_101 : memref<128xf32, #tpu.memory_space<vmem_shared>>)
      tpu.yield
    }) : () -> ()
    %mul3A_61 = arith.constant 640 : i32
    %mul3A_62 = arith.muli %arg1, %mul3A_61 : i32
    %add3A_63 = arith.constant 512 : i32
    %add3A_64 = arith.addi %mul3A_62, %add3A_63 : i32
    "tpu.region"() ({
      %run_scoped3A_90 = tpu.sem_alloc : memref<!tpu.dma_semaphore, #tpu.memory_space<semaphore_mem>>
      %dma_start3A = arith.constant 0 : i32
      %dma_start3A_91 = tpu.memref_slice %arg19[%add3A_64, %dma_start3A] : memref<10240x128xf32, #tpu.memory_space<vmem_shared>> -> memref<128x128xf32, #tpu.memory_space<vmem_shared>>
      %dma_start3A_92 = arith.constant 0 : i32
      %dma_start3A_93 = tpu.memref_slice %arg19[%add3A_64, %dma_start3A_92] : memref<10240x128xf32, #tpu.memory_space<vmem_shared>> -> memref<128x128xf32, #tpu.memory_space<vmem_shared>>
      tpu.enqueue_dma source(%arg14 : memref<128x128xf32, #tpu.memory_space<vmem>>) target(%dma_start3A_93 : memref<128x128xf32, #tpu.memory_space<vmem_shared>>) target_semaphore(%run_scoped3A_90 : memref<!tpu.dma_semaphore, #tpu.memory_space<semaphore_mem>>)
      %dma_wait3A = arith.constant 0 : i32
      %dma_wait3A_94 = tpu.memref_slice %arg19[%add3A_64, %dma_wait3A] : memref<10240x128xf32, #tpu.memory_space<vmem_shared>> -> memref<128x128xf32, #tpu.memory_space<vmem_shared>>
      %dma_wait3A_95 = arith.constant 0 : i32
      %dma_wait3A_96 = tpu.memref_slice %arg19[%add3A_64, %dma_wait3A_95] : memref<10240x128xf32, #tpu.memory_space<vmem_shared>> -> memref<128x128xf32, #tpu.memory_space<vmem_shared>>
      tpu.wait_dma2 semaphore(%run_scoped3A_90 : memref<!tpu.dma_semaphore, #tpu.memory_space<semaphore_mem>>) src(%arg14 : memref<128x128xf32, #tpu.memory_space<vmem>>) dst(%dma_wait3A_96 : memref<128x128xf32, #tpu.memory_space<vmem_shared>>)
      tpu.yield
    }) : () -> ()
    %barrier3A = arith.constant 0 : index
    tpu.barrier barrier_id(%barrier3A)
    %mul3A_65 = arith.constant 20736 : i32
    %mul3A_66 = arith.muli %arg1, %mul3A_65 : i32
    %scan3A_67 = arith.constant 0 : i32
    %scan3A_68 = arith.constant 0 : i32
    %scan3A_69 = arith.constant 162 : i32
    %scan3A_70 = arith.addi %scan3A_68, %scan3A_69 : i32
    %scan3A_71 = arith.constant 1 : i32
    %scan3A_72 = scf.for %scan3A_90 = %scan3A_68 to %scan3A_70 step %scan3A_71 iter_args(%scan3A_91 = %scan3A_67) -> (i32)  : i32 {
      %mul3A_92 = arith.constant 128 : i32
      %mul3A_93 = arith.muli %scan3A_90, %mul3A_92 : i32
      %add3A_94 = arith.addi %mul3A_66, %mul3A_93 : i32
      %run_scoped3A_95 = arith.constant 0 : i32
      "tpu.region"() ({
        %run_scoped3A_106 = tpu.sem_alloc : memref<!tpu.dma_semaphore, #tpu.memory_space<semaphore_mem>>
        %dma_start3A = arith.constant 0 : i32
        %dma_start3A_107 = tpu.memref_slice %arg12[%run_scoped3A_95, %dma_start3A] : memref<2x128xi32, #tpu.memory_space<vmem>> -> memref<1x128xi32, #tpu.memory_space<vmem>>
        %dma_start3A_108 = tpu.memref_squeeze %dma_start3A_107 : memref<1x128xi32, #tpu.memory_space<vmem>> -> memref<128xi32, #tpu.memory_space<vmem>>
        %dma_start3A_109 = tpu.memref_slice %arg6[%add3A_94] : memref<331776xi32, #tpu.memory_space<hbm>> -> memref<128xi32, #tpu.memory_space<hbm>>
        %dma_start3A_110 = arith.constant 0 : i32
        %dma_start3A_111 = tpu.memref_slice %arg12[%run_scoped3A_95, %dma_start3A_110] : memref<2x128xi32, #tpu.memory_space<vmem>> -> memref<1x128xi32, #tpu.memory_space<vmem>>
        %dma_start3A_112 = tpu.memref_squeeze %dma_start3A_111 : memref<1x128xi32, #tpu.memory_space<vmem>> -> memref<128xi32, #tpu.memory_space<vmem>>
        %dma_start3A_113 = tpu.memref_slice %arg6[%add3A_94] : memref<331776xi32, #tpu.memory_space<hbm>> -> memref<128xi32, #tpu.memory_space<hbm>>
        tpu.enqueue_dma source(%dma_start3A_113 : memref<128xi32, #tpu.memory_space<hbm>>) target(%dma_start3A_112 : memref<128xi32, #tpu.memory_space<vmem>>) target_semaphore(%run_scoped3A_106 : memref<!tpu.dma_semaphore, #tpu.memory_space<semaphore_mem>>)
        %dma_wait3A = arith.constant 0 : i32
        %dma_wait3A_114 = tpu.memref_slice %arg12[%run_scoped3A_95, %dma_wait3A] : memref<2x128xi32, #tpu.memory_space<vmem>> -> memref<1x128xi32, #tpu.memory_space<vmem>>
        %dma_wait3A_115 = tpu.memref_squeeze %dma_wait3A_114 : memref<1x128xi32, #tpu.memory_space<vmem>> -> memref<128xi32, #tpu.memory_space<vmem>>
        %dma_wait3A_116 = tpu.memref_slice %arg6[%add3A_94] : memref<331776xi32, #tpu.memory_space<hbm>> -> memref<128xi32, #tpu.memory_space<hbm>>
        %dma_wait3A_117 = arith.constant 0 : i32
        %dma_wait3A_118 = tpu.memref_slice %arg12[%run_scoped3A_95, %dma_wait3A_117] : memref<2x128xi32, #tpu.memory_space<vmem>> -> memref<1x128xi32, #tpu.memory_space<vmem>>
        %dma_wait3A_119 = tpu.memref_squeeze %dma_wait3A_118 : memref<1x128xi32, #tpu.memory_space<vmem>> -> memref<128xi32, #tpu.memory_space<vmem>>
        %dma_wait3A_120 = tpu.memref_slice %arg6[%add3A_94] : memref<331776xi32, #tpu.memory_space<hbm>> -> memref<128xi32, #tpu.memory_space<hbm>>
        tpu.wait_dma2 semaphore(%run_scoped3A_106 : memref<!tpu.dma_semaphore, #tpu.memory_space<semaphore_mem>>) src(%dma_wait3A_120 : memref<128xi32, #tpu.memory_space<hbm>>) dst(%dma_wait3A_119 : memref<128xi32, #tpu.memory_space<vmem>>)
        tpu.yield
      }) : () -> ()
      %run_scoped3A_96 = arith.constant 0 : i32
      "tpu.region"() ({
        %run_scoped3A_106 = tpu.sem_alloc : memref<!tpu.dma_semaphore, #tpu.memory_space<semaphore_mem>>
        %dma_start3A = arith.constant 0 : i32
        %dma_start3A_107 = tpu.memref_slice %arg13[%run_scoped3A_96, %dma_start3A] : memref<2x128xi32, #tpu.memory_space<vmem>> -> memref<1x128xi32, #tpu.memory_space<vmem>>
        %dma_start3A_108 = tpu.memref_squeeze %dma_start3A_107 : memref<1x128xi32, #tpu.memory_space<vmem>> -> memref<128xi32, #tpu.memory_space<vmem>>
        %dma_start3A_109 = tpu.memref_slice %arg7[%add3A_94] : memref<331776xi32, #tpu.memory_space<hbm>> -> memref<128xi32, #tpu.memory_space<hbm>>
        %dma_start3A_110 = arith.constant 0 : i32
        %dma_start3A_111 = tpu.memref_slice %arg13[%run_scoped3A_96, %dma_start3A_110] : memref<2x128xi32, #tpu.memory_space<vmem>> -> memref<1x128xi32, #tpu.memory_space<vmem>>
        %dma_start3A_112 = tpu.memref_squeeze %dma_start3A_111 : memref<1x128xi32, #tpu.memory_space<vmem>> -> memref<128xi32, #tpu.memory_space<vmem>>
        %dma_start3A_113 = tpu.memref_slice %arg7[%add3A_94] : memref<331776xi32, #tpu.memory_space<hbm>> -> memref<128xi32, #tpu.memory_space<hbm>>
        tpu.enqueue_dma source(%dma_start3A_113 : memref<128xi32, #tpu.memory_space<hbm>>) target(%dma_start3A_112 : memref<128xi32, #tpu.memory_space<vmem>>) target_semaphore(%run_scoped3A_106 : memref<!tpu.dma_semaphore, #tpu.memory_space<semaphore_mem>>)
        %dma_wait3A = arith.constant 0 : i32
        %dma_wait3A_114 = tpu.memref_slice %arg13[%run_scoped3A_96, %dma_wait3A] : memref<2x128xi32, #tpu.memory_space<vmem>> -> memref<1x128xi32, #tpu.memory_space<vmem>>
        %dma_wait3A_115 = tpu.memref_squeeze %dma_wait3A_114 : memref<1x128xi32, #tpu.memory_space<vmem>> -> memref<128xi32, #tpu.memory_space<vmem>>
        %dma_wait3A_116 = tpu.memref_slice %arg7[%add3A_94] : memref<331776xi32, #tpu.memory_space<hbm>> -> memref<128xi32, #tpu.memory_space<hbm>>
        %dma_wait3A_117 = arith.constant 0 : i32
        %dma_wait3A_118 = tpu.memref_slice %arg13[%run_scoped3A_96, %dma_wait3A_117] : memref<2x128xi32, #tpu.memory_space<vmem>> -> memref<1x128xi32, #tpu.memory_space<vmem>>
        %dma_wait3A_119 = tpu.memref_squeeze %dma_wait3A_118 : memref<1x128xi32, #tpu.memory_space<vmem>> -> memref<128xi32, #tpu.memory_space<vmem>>
        %dma_wait3A_120 = tpu.memref_slice %arg7[%add3A_94] : memref<331776xi32, #tpu.memory_space<hbm>> -> memref<128xi32, #tpu.memory_space<hbm>>
        tpu.wait_dma2 semaphore(%run_scoped3A_106 : memref<!tpu.dma_semaphore, #tpu.memory_space<semaphore_mem>>) src(%dma_wait3A_120 : memref<128xi32, #tpu.memory_space<hbm>>) dst(%dma_wait3A_119 : memref<128xi32, #tpu.memory_space<vmem>>)
        tpu.yield
      }) : () -> ()
      %scan3A_97 = arith.constant 0 : i32
      %scan3A_98 = arith.constant 0 : i32
      %scan3A_99 = arith.constant 8 : i32
      %scan3A_100 = arith.addi %scan3A_98, %scan3A_99 : i32
      %scan3A_101 = arith.constant 1 : i32
      %scan3A_102 = scf.for %scan3A_106 = %scan3A_98 to %scan3A_100 step %scan3A_101 iter_args(%scan3A_107 = %scan3A_97) -> (i32)  : i32 {
        %mul3A_108 = arith.constant 16 : i32
        %mul3A_109 = arith.muli %scan3A_106, %mul3A_108 : i32
        %get3A_110 = arith.constant 0 : i32
        %get3A_111 = arith.index_cast %get3A_110 : i32 to index
        %get3A_112 = arith.index_cast %mul3A_109 : i32 to index
        %get3A_113 = tpu.vector_load %arg12[%get3A_111, %get3A_112] {strides = array<i32>} : memref<2x128xi32, #tpu.memory_space<vmem>>, vector<16xi32>,
        %mul3A_114 = arith.constant 16 : i32
        %mul3A_115 = arith.muli %scan3A_106, %mul3A_114 : i32
        %get3A_116 = arith.constant 0 : i32
        %get3A_117 = arith.index_cast %get3A_116 : i32 to index
        %get3A_118 = arith.index_cast %mul3A_115 : i32 to index
        %get3A_119 = tpu.vector_load %arg13[%get3A_117, %get3A_118] {strides = array<i32>} : memref<2x128xi32, #tpu.memory_space<vmem>>, vector<16xi32>,
        %gather3A = tpu.vector_load_idx %arg9[%get3A_113] : memref<10240xf32, #tpu.memory_space<vmem>>[vector<16xi32>], vector<16xf32>,
        %gather3A_120 = tpu.vector_load_idx %arg10[%get3A_119] : memref<10240xf32, #tpu.memory_space<vmem>>[vector<16xi32>], vector<16xf32>,
        %add3A_121 = arith.addf %gather3A, %gather3A_120 : vector<16xf32>
        %gt3A = arith.constant 0.000000e+00 : f32
        %gt3A_122 = vector.broadcast %gt3A : f32 to vector<16xf32>
        %gt3A_123 = arith.cmpf ogt, %add3A_121, %gt3A_122 : vector<16xf32>
        %mul3A_124 = arith.constant 2.000000e-01 : f32
        %mul3A_125 = vector.broadcast %mul3A_124 : f32 to vector<16xf32>
        %mul3A_126 = arith.mulf %mul3A_125, %add3A_121 : vector<16xf32>
        %select_n3A = arith.select %gt3A_123, %add3A_121, %mul3A_126 : vector<16xi1>, vector<16xf32>
        %add3A_127 = arith.addf %get3A_15, %gather3A_120 : vector<16xf32>
        %gt3A_128 = arith.constant 0.000000e+00 : f32
        %gt3A_129 = vector.broadcast %gt3A_128 : f32 to vector<16xf32>
        %gt3A_130 = arith.cmpf ogt, %add3A_127, %gt3A_129 : vector<16xf32>
        %mul3A_131 = arith.constant 2.000000e-01 : f32
        %mul3A_132 = vector.broadcast %mul3A_131 : f32 to vector<16xf32>
        %mul3A_133 = arith.mulf %mul3A_132, %add3A_127 : vector<16xf32>
        %select_n3A_134 = arith.select %gt3A_130, %add3A_127, %mul3A_133 : vector<16xi1>, vector<16xf32>
        %sub3A = arith.subf %select_n3A, %select_n3A_134 : vector<16xf32>
        %exp3A = math.exp %sub3A : vector<16xf32>
        %mul3A_135 = arith.constant 16 : i32
        %mul3A_136 = arith.muli %scan3A_106, %mul3A_135 : i32
        %swap3A = arith.index_cast %mul3A_136 : i32 to index
        %swap3A_137 = tpu.vector_load %arg15[%swap3A] {strides = array<i32>} : memref<128xf32, #tpu.memory_space<vmem>>, vector<16xf32>,
        tpu.vector_store %arg15[%swap3A], %exp3A {strides = array<i32>} : memref<128xf32, #tpu.memory_space<vmem>>, vector<16xf32>,
        %scan3A_138 = arith.constant 0 : i32
        scf.yield %scan3A_138 : i32
      }
      %scan3A_103 = arith.constant 8 : i32
      %run_scoped3A_104 = arith.constant 0 : i32
      "tpu.region"() ({
        %run_scoped3A_106 = tpu.sem_alloc : memref<!tpu.dma_semaphore, #tpu.memory_space<semaphore_mem>>
        %dma_start3A = arith.constant 0 : i32
        %dma_start3A_107 = tpu.memref_slice %arg13[%run_scoped3A_104, %dma_start3A] : memref<2x128xi32, #tpu.memory_space<vmem>> -> memref<1x128xi32, #tpu.memory_space<vmem>>
        %dma_start3A_108 = tpu.memref_squeeze %dma_start3A_107 : memref<1x128xi32, #tpu.memory_space<vmem>> -> memref<128xi32, #tpu.memory_space<vmem>>
        %dma_start3A_109 = arith.constant 0 : i32
        %dma_start3A_110 = tpu.memref_slice %arg18[%dma_start3A_109] : memref<10240xf32, #tpu.memory_space<vmem_shared>> -> memref<10240xf32, #tpu.memory_space<vmem_shared>>
        tpu.enqueue_indirect_dma source(%arg15 : memref<128xf32, #tpu.memory_space<vmem>>) target(%dma_start3A_110 : memref<10240xf32, #tpu.memory_space<vmem_shared>>) offsets(%dma_start3A_108 : memref<128xi32, #tpu.memory_space<vmem>>) semaphore(%run_scoped3A_106 : memref<!tpu.dma_semaphore, #tpu.memory_space<semaphore_mem>>) {add = true}
        %dma_wait3A = arith.constant 0 : i32
        %dma_wait3A_111 = tpu.memref_slice %arg13[%run_scoped3A_104, %dma_wait3A] : memref<2x128xi32, #tpu.memory_space<vmem>> -> memref<1x128xi32, #tpu.memory_space<vmem>>
        %dma_wait3A_112 = tpu.memref_squeeze %dma_wait3A_111 : memref<1x128xi32, #tpu.memory_space<vmem>> -> memref<128xi32, #tpu.memory_space<vmem>>
        %dma_wait3A_113 = arith.constant 0 : i32
        %dma_wait3A_114 = tpu.memref_slice %arg18[%dma_wait3A_113] : memref<10240xf32, #tpu.memory_space<vmem_shared>> -> memref<10240xf32, #tpu.memory_space<vmem_shared>>
        tpu.wait_indirect_dma semaphore(%run_scoped3A_106 : memref<!tpu.dma_semaphore, #tpu.memory_space<semaphore_mem>>) src(%arg15 : memref<128xf32, #tpu.memory_space<vmem>>) dst(%dma_wait3A_114 : memref<10240xf32, #tpu.memory_space<vmem_shared>>)
        tpu.yield
      }) : () -> ()
      %scan3A_105 = arith.constant 0 : i32
      scf.yield %scan3A_105 : i32
    }
    %scan3A_73 = arith.constant 162 : i32
    %barrier3A_74 = arith.constant 0 : index
    tpu.barrier barrier_id(%barrier3A_74)
    "tpu.region"() ({
      %run_scoped3A_90 = tpu.sem_alloc : memref<!tpu.dma_semaphore, #tpu.memory_space<semaphore_mem>>
      tpu.enqueue_dma source(%arg18 : memref<10240xf32, #tpu.memory_space<vmem_shared>>) target(%arg11 : memref<10240xf32, #tpu.memory_space<vmem>>) target_semaphore(%run_scoped3A_90 : memref<!tpu.dma_semaphore, #tpu.memory_space<semaphore_mem>>)
      tpu.wait_dma2 semaphore(%run_scoped3A_90 : memref<!tpu.dma_semaphore, #tpu.memory_space<semaphore_mem>>) src(%arg18 : memref<10240xf32, #tpu.memory_space<vmem_shared>>) dst(%arg11 : memref<10240xf32, #tpu.memory_space<vmem>>)
      tpu.yield
    }) : () -> ()
    %mul3A_75 = arith.constant 10368 : i32
    %mul3A_76 = arith.muli %arg0, %mul3A_75 : i32
    %add3A_77 = arith.addi %mul3A_66, %mul3A_76 : i32
    %scan3A_78 = arith.constant 0 : i32
    %scan3A_79 = arith.constant 0 : i32
    %scan3A_80 = arith.constant 81 : i32
    %scan3A_81 = arith.addi %scan3A_79, %scan3A_80 : i32
    %scan3A_82 = arith.constant 1 : i32
    %scan3A_83 = scf.for %scan3A_90 = %scan3A_79 to %scan3A_81 step %scan3A_82 iter_args(%scan3A_91 = %scan3A_78) -> (i32)  : i32 {
      %mul3A_92 = arith.constant 128 : i32
      %mul3A_93 = arith.muli %scan3A_90, %mul3A_92 : i32
      %add3A_94 = arith.addi %add3A_77, %mul3A_93 : i32
      %run_scoped3A_95 = arith.constant 1 : i32
      "tpu.region"() ({
        %run_scoped3A_125 = tpu.sem_alloc : memref<!tpu.dma_semaphore, #tpu.memory_space<semaphore_mem>>
        %dma_start3A_126 = arith.constant 0 : i32
        %dma_start3A_127 = tpu.memref_slice %arg12[%run_scoped3A_95, %dma_start3A_126] : memref<2x128xi32, #tpu.memory_space<vmem>> -> memref<1x128xi32, #tpu.memory_space<vmem>>
        %dma_start3A_128 = tpu.memref_squeeze %dma_start3A_127 : memref<1x128xi32, #tpu.memory_space<vmem>> -> memref<128xi32, #tpu.memory_space<vmem>>
        %dma_start3A_129 = tpu.memref_slice %arg6[%add3A_94] : memref<331776xi32, #tpu.memory_space<hbm>> -> memref<128xi32, #tpu.memory_space<hbm>>
        %dma_start3A_130 = arith.constant 0 : i32
        %dma_start3A_131 = tpu.memref_slice %arg12[%run_scoped3A_95, %dma_start3A_130] : memref<2x128xi32, #tpu.memory_space<vmem>> -> memref<1x128xi32, #tpu.memory_space<vmem>>
        %dma_start3A_132 = tpu.memref_squeeze %dma_start3A_131 : memref<1x128xi32, #tpu.memory_space<vmem>> -> memref<128xi32, #tpu.memory_space<vmem>>
        %dma_start3A_133 = tpu.memref_slice %arg6[%add3A_94] : memref<331776xi32, #tpu.memory_space<hbm>> -> memref<128xi32, #tpu.memory_space<hbm>>
        tpu.enqueue_dma source(%dma_start3A_133 : memref<128xi32, #tpu.memory_space<hbm>>) target(%dma_start3A_132 : memref<128xi32, #tpu.memory_space<vmem>>) target_semaphore(%run_scoped3A_125 : memref<!tpu.dma_semaphore, #tpu.memory_space<semaphore_mem>>)
        %dma_wait3A_134 = arith.constant 0 : i32
        %dma_wait3A_135 = tpu.memref_slice %arg12[%run_scoped3A_95, %dma_wait3A_134] : memref<2x128xi32, #tpu.memory_space<vmem>> -> memref<1x128xi32, #tpu.memory_space<vmem>>
        %dma_wait3A_136 = tpu.memref_squeeze %dma_wait3A_135 : memref<1x128xi32, #tpu.memory_space<vmem>> -> memref<128xi32, #tpu.memory_space<vmem>>
        %dma_wait3A_137 = tpu.memref_slice %arg6[%add3A_94] : memref<331776xi32, #tpu.memory_space<hbm>> -> memref<128xi32, #tpu.memory_space<hbm>>
        %dma_wait3A_138 = arith.constant 0 : i32
        %dma_wait3A_139 = tpu.memref_slice %arg12[%run_scoped3A_95, %dma_wait3A_138] : memref<2x128xi32, #tpu.memory_space<vmem>> -> memref<1x128xi32, #tpu.memory_space<vmem>>
        %dma_wait3A_140 = tpu.memref_squeeze %dma_wait3A_139 : memref<1x128xi32, #tpu.memory_space<vmem>> -> memref<128xi32, #tpu.memory_space<vmem>>
        %dma_wait3A_141 = tpu.memref_slice %arg6[%add3A_94] : memref<331776xi32, #tpu.memory_space<hbm>> -> memref<128xi32, #tpu.memory_space<hbm>>
        tpu.wait_dma2 semaphore(%run_scoped3A_125 : memref<!tpu.dma_semaphore, #tpu.memory_space<semaphore_mem>>) src(%dma_wait3A_141 : memref<128xi32, #tpu.memory_space<hbm>>) dst(%dma_wait3A_140 : memref<128xi32, #tpu.memory_space<vmem>>)
        tpu.yield
      }) : () -> ()
      %run_scoped3A_96 = arith.constant 1 : i32
      "tpu.region"() ({
        %run_scoped3A_125 = tpu.sem_alloc : memref<!tpu.dma_semaphore, #tpu.memory_space<semaphore_mem>>
        %dma_start3A_126 = arith.constant 0 : i32
        %dma_start3A_127 = tpu.memref_slice %arg13[%run_scoped3A_96, %dma_start3A_126] : memref<2x128xi32, #tpu.memory_space<vmem>> -> memref<1x128xi32, #tpu.memory_space<vmem>>
        %dma_start3A_128 = tpu.memref_squeeze %dma_start3A_127 : memref<1x128xi32, #tpu.memory_space<vmem>> -> memref<128xi32, #tpu.memory_space<vmem>>
        %dma_start3A_129 = tpu.memref_slice %arg7[%add3A_94] : memref<331776xi32, #tpu.memory_space<hbm>> -> memref<128xi32, #tpu.memory_space<hbm>>
        %dma_start3A_130 = arith.constant 0 : i32
        %dma_start3A_131 = tpu.memref_slice %arg13[%run_scoped3A_96, %dma_start3A_130] : memref<2x128xi32, #tpu.memory_space<vmem>> -> memref<1x128xi32, #tpu.memory_space<vmem>>
        %dma_start3A_132 = tpu.memref_squeeze %dma_start3A_131 : memref<1x128xi32, #tpu.memory_space<vmem>> -> memref<128xi32, #tpu.memory_space<vmem>>
        %dma_start3A_133 = tpu.memref_slice %arg7[%add3A_94] : memref<331776xi32, #tpu.memory_space<hbm>> -> memref<128xi32, #tpu.memory_space<hbm>>
        tpu.enqueue_dma source(%dma_start3A_133 : memref<128xi32, #tpu.memory_space<hbm>>) target(%dma_start3A_132 : memref<128xi32, #tpu.memory_space<vmem>>) target_semaphore(%run_scoped3A_125 : memref<!tpu.dma_semaphore, #tpu.memory_space<semaphore_mem>>)
        %dma_wait3A_134 = arith.constant 0 : i32
        %dma_wait3A_135 = tpu.memref_slice %arg13[%run_scoped3A_96, %dma_wait3A_134] : memref<2x128xi32, #tpu.memory_space<vmem>> -> memref<1x128xi32, #tpu.memory_space<vmem>>
        %dma_wait3A_136 = tpu.memref_squeeze %dma_wait3A_135 : memref<1x128xi32, #tpu.memory_space<vmem>> -> memref<128xi32, #tpu.memory_space<vmem>>
        %dma_wait3A_137 = tpu.memref_slice %arg7[%add3A_94] : memref<331776xi32, #tpu.memory_space<hbm>> -> memref<128xi32, #tpu.memory_space<hbm>>
        %dma_wait3A_138 = arith.constant 0 : i32
        %dma_wait3A_139 = tpu.memref_slice %arg13[%run_scoped3A_96, %dma_wait3A_138] : memref<2x128xi32, #tpu.memory_space<vmem>> -> memref<1x128xi32, #tpu.memory_space<vmem>>
        %dma_wait3A_140 = tpu.memref_squeeze %dma_wait3A_139 : memref<1x128xi32, #tpu.memory_space<vmem>> -> memref<128xi32, #tpu.memory_space<vmem>>
        %dma_wait3A_141 = tpu.memref_slice %arg7[%add3A_94] : memref<331776xi32, #tpu.memory_space<hbm>> -> memref<128xi32, #tpu.memory_space<hbm>>
        tpu.wait_dma2 semaphore(%run_scoped3A_125 : memref<!tpu.dma_semaphore, #tpu.memory_space<semaphore_mem>>) src(%dma_wait3A_141 : memref<128xi32, #tpu.memory_space<hbm>>) dst(%dma_wait3A_140 : memref<128xi32, #tpu.memory_space<vmem>>)
        tpu.yield
      }) : () -> ()
      %scan3A_97 = arith.constant 0 : i32
      %scan3A_98 = arith.constant 0 : i32
      %scan3A_99 = arith.constant 8 : i32
      %scan3A_100 = arith.addi %scan3A_98, %scan3A_99 : i32
      %scan3A_101 = arith.constant 1 : i32
      %scan3A_102 = scf.for %scan3A_125 = %scan3A_98 to %scan3A_100 step %scan3A_101 iter_args(%scan3A_126 = %scan3A_97) -> (i32)  : i32 {
        %mul3A_127 = arith.constant 16 : i32
        %mul3A_128 = arith.muli %scan3A_125, %mul3A_127 : i32
        %get3A_129 = arith.constant 1 : i32
        %get3A_130 = arith.index_cast %get3A_129 : i32 to index
        %get3A_131 = arith.index_cast %mul3A_128 : i32 to index
        %get3A_132 = tpu.vector_load %arg12[%get3A_130, %get3A_131] {strides = array<i32>} : memref<2x128xi32, #tpu.memory_space<vmem>>, vector<16xi32>,
        %mul3A_133 = arith.constant 16 : i32
        %mul3A_134 = arith.muli %scan3A_125, %mul3A_133 : i32
        %get3A_135 = arith.constant 1 : i32
        %get3A_136 = arith.index_cast %get3A_135 : i32 to index
        %get3A_137 = arith.index_cast %mul3A_134 : i32 to index
        %get3A_138 = tpu.vector_load %arg13[%get3A_136, %get3A_137] {strides = array<i32>} : memref<2x128xi32, #tpu.memory_space<vmem>>, vector<16xi32>,
        %gather3A = tpu.vector_load_idx %arg9[%get3A_132] : memref<10240xf32, #tpu.memory_space<vmem>>[vector<16xi32>], vector<16xf32>,
        %gather3A_139 = tpu.vector_load_idx %arg10[%get3A_138] : memref<10240xf32, #tpu.memory_space<vmem>>[vector<16xi32>], vector<16xf32>,
        %add3A_140 = arith.addf %gather3A, %gather3A_139 : vector<16xf32>
        %gt3A = arith.constant 0.000000e+00 : f32
        %gt3A_141 = vector.broadcast %gt3A : f32 to vector<16xf32>
        %gt3A_142 = arith.cmpf ogt, %add3A_140, %gt3A_141 : vector<16xf32>
        %mul3A_143 = arith.constant 2.000000e-01 : f32
        %mul3A_144 = vector.broadcast %mul3A_143 : f32 to vector<16xf32>
        %mul3A_145 = arith.mulf %mul3A_144, %add3A_140 : vector<16xf32>
        %select_n3A = arith.select %gt3A_142, %add3A_140, %mul3A_145 : vector<16xi1>, vector<16xf32>
        %add3A_146 = arith.addf %get3A_15, %gather3A_139 : vector<16xf32>
        %gt3A_147 = arith.constant 0.000000e+00 : f32
        %gt3A_148 = vector.broadcast %gt3A_147 : f32 to vector<16xf32>
        %gt3A_149 = arith.cmpf ogt, %add3A_146, %gt3A_148 : vector<16xf32>
        %mul3A_150 = arith.constant 2.000000e-01 : f32
        %mul3A_151 = vector.broadcast %mul3A_150 : f32 to vector<16xf32>
        %mul3A_152 = arith.mulf %mul3A_151, %add3A_146 : vector<16xf32>
        %select_n3A_153 = arith.select %gt3A_149, %add3A_146, %mul3A_152 : vector<16xi1>, vector<16xf32>
        %sub3A = arith.subf %select_n3A, %select_n3A_153 : vector<16xf32>
        %exp3A = math.exp %sub3A : vector<16xf32>
        %gather3A_154 = tpu.vector_load_idx %arg11[%get3A_138] : memref<10240xf32, #tpu.memory_space<vmem>>[vector<16xi32>], vector<16xf32>,
        %add3A_155 = arith.constant 1.000000e-16 : f32
        %add3A_156 = vector.broadcast %add3A_155 : f32 to vector<16xf32>
        %add3A_157 = arith.addf %gather3A_154, %add3A_156 : vector<16xf32>
        %div3A = arith.divf %exp3A, %add3A_157 : vector<16xf32>
        %mul3A_158 = arith.constant 16 : i32
        %mul3A_159 = arith.muli %scan3A_125, %mul3A_158 : i32
        %swap3A = arith.index_cast %mul3A_159 : i32 to index
        %swap3A_160 = tpu.vector_load %arg15[%swap3A] {strides = array<i32>} : memref<128xf32, #tpu.memory_space<vmem>>, vector<16xf32>,
        tpu.vector_store %arg15[%swap3A], %div3A {strides = array<i32>} : memref<128xf32, #tpu.memory_space<vmem>>, vector<16xf32>,
        %scan3A_161 = arith.constant 0 : i32
        scf.yield %scan3A_161 : i32
      }
      %scan3A_103 = arith.constant 8 : i32
      %dma_start3A = arith.constant 1 : i32
      %dma_start3A_104 = arith.constant 0 : i32
      %dma_start3A_105 = tpu.memref_slice %arg12[%dma_start3A, %dma_start3A_104] : memref<2x128xi32, #tpu.memory_space<vmem>> -> memref<1x128xi32, #tpu.memory_space<vmem>>
      %dma_start3A_106 = tpu.memref_squeeze %dma_start3A_105 : memref<1x128xi32, #tpu.memory_space<vmem>> -> memref<128xi32, #tpu.memory_space<vmem>>
      %dma_start3A_107 = arith.constant 0 : i32
      %dma_start3A_108 = arith.constant 0 : i32
      %dma_start3A_109 = tpu.memref_slice %arg2[%dma_start3A_107, %dma_start3A_108] : memref<10240x128xf32, #tpu.memory_space<hbm>> -> memref<10240x128xf32, #tpu.memory_space<hbm>>
      tpu.enqueue_indirect_dma source(%dma_start3A_109 : memref<10240x128xf32, #tpu.memory_space<hbm>>) target(%arg14 : memref<128x128xf32, #tpu.memory_space<vmem>>) offsets(%dma_start3A_106 : memref<128xi32, #tpu.memory_space<vmem>>) semaphore(%arg17 : memref<!tpu.dma_semaphore, #tpu.memory_space<semaphore_mem>>)
      %dma_wait3A = arith.constant 1 : i32
      %dma_wait3A_110 = arith.constant 0 : i32
      %dma_wait3A_111 = tpu.memref_slice %arg12[%dma_wait3A, %dma_wait3A_110] : memref<2x128xi32, #tpu.memory_space<vmem>> -> memref<1x128xi32, #tpu.memory_space<vmem>>
      %dma_wait3A_112 = tpu.memref_squeeze %dma_wait3A_111 : memref<1x128xi32, #tpu.memory_space<vmem>> -> memref<128xi32, #tpu.memory_space<vmem>>
      %dma_wait3A_113 = arith.constant 0 : i32
      %dma_wait3A_114 = arith.constant 0 : i32
      %dma_wait3A_115 = tpu.memref_slice %arg2[%dma_wait3A_113, %dma_wait3A_114] : memref<10240x128xf32, #tpu.memory_space<hbm>> -> memref<10240x128xf32, #tpu.memory_space<hbm>>
      tpu.wait_indirect_dma semaphore(%arg17 : memref<!tpu.dma_semaphore, #tpu.memory_space<semaphore_mem>>) src(%dma_wait3A_115 : memref<10240x128xf32, #tpu.memory_space<hbm>>) dst(%arg14 : memref<128x128xf32, #tpu.memory_space<vmem>>)
      %scan3A_116 = arith.constant 0 : i32
      %scan3A_117 = arith.constant 0 : i32
      %scan3A_118 = arith.constant 128 : i32
      %scan3A_119 = arith.addi %scan3A_117, %scan3A_118 : i32
      %scan3A_120 = arith.constant 1 : i32
      %scan3A_121 = scf.for %scan3A_125 = %scan3A_117 to %scan3A_119 step %scan3A_120 iter_args(%scan3A_126 = %scan3A_116) -> (i32)  : i32 {
        %broadcast_in_dim3A = vector.broadcast %scan3A_125 : i32 to vector<16xi32>
        %gather3A = tpu.vector_load_idx %arg15[%broadcast_in_dim3A] : memref<128xf32, #tpu.memory_space<vmem>>[vector<16xi32>], vector<16xf32>,
        %get3A_127 = arith.index_cast %scan3A_125 : i32 to index
        %get3A_128 = arith.constant 0 : index
        %get3A_129 = tpu.vector_load %arg14[%get3A_127, %get3A_128] {strides = array<i32>} : memref<128x128xf32, #tpu.memory_space<vmem>>, vector<16xf32>,
        %mul3A_130 = arith.mulf %get3A_129, %gather3A : vector<16xf32>
        %swap3A = arith.index_cast %scan3A_125 : i32 to index
        %swap3A_131 = arith.constant 0 : index
        %swap3A_132 = tpu.vector_load %arg14[%swap3A, %swap3A_131] {strides = array<i32>} : memref<128x128xf32, #tpu.memory_space<vmem>>, vector<16xf32>,
        tpu.vector_store %arg14[%swap3A, %swap3A_131], %mul3A_130 {strides = array<i32>} : memref<128x128xf32, #tpu.memory_space<vmem>>, vector<16xf32>,
        %get3A_133 = arith.index_cast %scan3A_125 : i32 to index
        %get3A_134 = arith.constant 16 : index
        %get3A_135 = tpu.vector_load %arg14[%get3A_133, %get3A_134] {strides = array<i32>} : memref<128x128xf32, #tpu.memory_space<vmem>>, vector<16xf32>,
        %mul3A_136 = arith.mulf %get3A_135, %gather3A : vector<16xf32>
        %swap3A_137 = arith.index_cast %scan3A_125 : i32 to index
        %swap3A_138 = arith.constant 16 : index
        %swap3A_139 = tpu.vector_load %arg14[%swap3A_137, %swap3A_138] {strides = array<i32>} : memref<128x128xf32, #tpu.memory_space<vmem>>, vector<16xf32>,
        tpu.vector_store %arg14[%swap3A_137, %swap3A_138], %mul3A_136 {strides = array<i32>} : memref<128x128xf32, #tpu.memory_space<vmem>>, vector<16xf32>,
        %get3A_140 = arith.index_cast %scan3A_125 : i32 to index
        %get3A_141 = arith.constant 32 : index
        %get3A_142 = tpu.vector_load %arg14[%get3A_140, %get3A_141] {strides = array<i32>} : memref<128x128xf32, #tpu.memory_space<vmem>>, vector<16xf32>,
        %mul3A_143 = arith.mulf %get3A_142, %gather3A : vector<16xf32>
        %swap3A_144 = arith.index_cast %scan3A_125 : i32 to index
        %swap3A_145 = arith.constant 32 : index
        %swap3A_146 = tpu.vector_load %arg14[%swap3A_144, %swap3A_145] {strides = array<i32>} : memref<128x128xf32, #tpu.memory_space<vmem>>, vector<16xf32>,
        tpu.vector_store %arg14[%swap3A_144, %swap3A_145], %mul3A_143 {strides = array<i32>} : memref<128x128xf32, #tpu.memory_space<vmem>>, vector<16xf32>,
        %get3A_147 = arith.index_cast %scan3A_125 : i32 to index
        %get3A_148 = arith.constant 48 : index
        %get3A_149 = tpu.vector_load %arg14[%get3A_147, %get3A_148] {strides = array<i32>} : memref<128x128xf32, #tpu.memory_space<vmem>>, vector<16xf32>,
        %mul3A_150 = arith.mulf %get3A_149, %gather3A : vector<16xf32>
        %swap3A_151 = arith.index_cast %scan3A_125 : i32 to index
        %swap3A_152 = arith.constant 48 : index
        %swap3A_153 = tpu.vector_load %arg14[%swap3A_151, %swap3A_152] {strides = array<i32>} : memref<128x128xf32, #tpu.memory_space<vmem>>, vector<16xf32>,
        tpu.vector_store %arg14[%swap3A_151, %swap3A_152], %mul3A_150 {strides = array<i32>} : memref<128x128xf32, #tpu.memory_space<vmem>>, vector<16xf32>,
        %get3A_154 = arith.index_cast %scan3A_125 : i32 to index
        %get3A_155 = arith.constant 64 : index
        %get3A_156 = tpu.vector_load %arg14[%get3A_154, %get3A_155] {strides = array<i32>} : memref<128x128xf32, #tpu.memory_space<vmem>>, vector<16xf32>,
        %mul3A_157 = arith.mulf %get3A_156, %gather3A : vector<16xf32>
        %swap3A_158 = arith.index_cast %scan3A_125 : i32 to index
        %swap3A_159 = arith.constant 64 : index
        %swap3A_160 = tpu.vector_load %arg14[%swap3A_158, %swap3A_159] {strides = array<i32>} : memref<128x128xf32, #tpu.memory_space<vmem>>, vector<16xf32>,
        tpu.vector_store %arg14[%swap3A_158, %swap3A_159], %mul3A_157 {strides = array<i32>} : memref<128x128xf32, #tpu.memory_space<vmem>>, vector<16xf32>,
        %get3A_161 = arith.index_cast %scan3A_125 : i32 to index
        %get3A_162 = arith.constant 80 : index
        %get3A_163 = tpu.vector_load %arg14[%get3A_161, %get3A_162] {strides = array<i32>} : memref<128x128xf32, #tpu.memory_space<vmem>>, vector<16xf32>,
        %mul3A_164 = arith.mulf %get3A_163, %gather3A : vector<16xf32>
        %swap3A_165 = arith.index_cast %scan3A_125 : i32 to index
        %swap3A_166 = arith.constant 80 : index
        %swap3A_167 = tpu.vector_load %arg14[%swap3A_165, %swap3A_166] {strides = array<i32>} : memref<128x128xf32, #tpu.memory_space<vmem>>, vector<16xf32>,
        tpu.vector_store %arg14[%swap3A_165, %swap3A_166], %mul3A_164 {strides = array<i32>} : memref<128x128xf32, #tpu.memory_space<vmem>>, vector<16xf32>,
        %get3A_168 = arith.index_cast %scan3A_125 : i32 to index
        %get3A_169 = arith.constant 96 : index
        %get3A_170 = tpu.vector_load %arg14[%get3A_168, %get3A_169] {strides = array<i32>} : memref<128x128xf32, #tpu.memory_space<vmem>>, vector<16xf32>,
        %mul3A_171 = arith.mulf %get3A_170, %gather3A : vector<16xf32>
        %swap3A_172 = arith.index_cast %scan3A_125 : i32 to index
        %swap3A_173 = arith.constant 96 : index
        %swap3A_174 = tpu.vector_load %arg14[%swap3A_172, %swap3A_173] {strides = array<i32>} : memref<128x128xf32, #tpu.memory_space<vmem>>, vector<16xf32>,
        tpu.vector_store %arg14[%swap3A_172, %swap3A_173], %mul3A_171 {strides = array<i32>} : memref<128x128xf32, #tpu.memory_space<vmem>>, vector<16xf32>,
        %get3A_175 = arith.index_cast %scan3A_125 : i32 to index
        %get3A_176 = arith.constant 112 : index
        %get3A_177 = tpu.vector_load %arg14[%get3A_175, %get3A_176] {strides = array<i32>} : memref<128x128xf32, #tpu.memory_space<vmem>>, vector<16xf32>,
        %mul3A_178 = arith.mulf %get3A_177, %gather3A : vector<16xf32>
        %swap3A_179 = arith.index_cast %scan3A_125 : i32 to index
        %swap3A_180 = arith.constant 112 : index
        %swap3A_181 = tpu.vector_load %arg14[%swap3A_179, %swap3A_180] {strides = array<i32>} : memref<128x128xf32, #tpu.memory_space<vmem>>, vector<16xf32>,
        tpu.vector_store %arg14[%swap3A_179, %swap3A_180], %mul3A_178 {strides = array<i32>} : memref<128x128xf32, #tpu.memory_space<vmem>>, vector<16xf32>,
        %scan3A_182 = arith.constant 0 : i32
        scf.yield %scan3A_182 : i32
      }
      %scan3A_122 = arith.constant 128 : i32
      %run_scoped3A_123 = arith.constant 1 : i32
      "tpu.region"() ({
        %run_scoped3A_125 = tpu.sem_alloc : memref<!tpu.dma_semaphore, #tpu.memory_space<semaphore_mem>>
        %dma_start3A_126 = arith.constant 0 : i32
        %dma_start3A_127 = tpu.memref_slice %arg13[%run_scoped3A_123, %dma_start3A_126] : memref<2x128xi32, #tpu.memory_space<vmem>> -> memref<1x128xi32, #tpu.memory_space<vmem>>
        %dma_start3A_128 = tpu.memref_squeeze %dma_start3A_127 : memref<1x128xi32, #tpu.memory_space<vmem>> -> memref<128xi32, #tpu.memory_space<vmem>>
        %dma_start3A_129 = arith.constant 0 : i32
        %dma_start3A_130 = arith.constant 0 : i32
        %dma_start3A_131 = tpu.memref_slice %arg19[%dma_start3A_129, %dma_start3A_130] : memref<10240x128xf32, #tpu.memory_space<vmem_shared>> -> memref<10240x128xf32, #tpu.memory_space<vmem_shared>>
        tpu.enqueue_indirect_dma source(%arg14 : memref<128x128xf32, #tpu.memory_space<vmem>>) target(%dma_start3A_131 : memref<10240x128xf32, #tpu.memory_space<vmem_shared>>) offsets(%dma_start3A_128 : memref<128xi32, #tpu.memory_space<vmem>>) semaphore(%run_scoped3A_125 : memref<!tpu.dma_semaphore, #tpu.memory_space<semaphore_mem>>) {add = true}
        %dma_wait3A_132 = arith.constant 0 : i32
        %dma_wait3A_133 = tpu.memref_slice %arg13[%run_scoped3A_123, %dma_wait3A_132] : memref<2x128xi32, #tpu.memory_space<vmem>> -> memref<1x128xi32, #tpu.memory_space<vmem>>
        %dma_wait3A_134 = tpu.memref_squeeze %dma_wait3A_133 : memref<1x128xi32, #tpu.memory_space<vmem>> -> memref<128xi32, #tpu.memory_space<vmem>>
        %dma_wait3A_135 = arith.constant 0 : i32
        %dma_wait3A_136 = arith.constant 0 : i32
        %dma_wait3A_137 = tpu.memref_slice %arg19[%dma_wait3A_135, %dma_wait3A_136] : memref<10240x128xf32, #tpu.memory_space<vmem_shared>> -> memref<10240x128xf32, #tpu.memory_space<vmem_shared>>
        tpu.wait_indirect_dma semaphore(%run_scoped3A_125 : memref<!tpu.dma_semaphore, #tpu.memory_space<semaphore_mem>>) src(%arg14 : memref<128x128xf32, #tpu.memory_space<vmem>>) dst(%dma_wait3A_137 : memref<10240x128xf32, #tpu.memory_space<vmem_shared>>)
        tpu.yield
      }) : () -> ()
      %scan3A_124 = arith.constant 0 : i32
      scf.yield %scan3A_124 : i32
    }
    %scan3A_84 = arith.constant 81 : i32
    %barrier3A_85 = arith.constant 0 : index
    tpu.barrier barrier_id(%barrier3A_85)
    %mul3A_86 = arith.constant 640 : i32
    %mul3A_87 = arith.muli %arg1, %mul3A_86 : i32
    %mul3A_88 = arith.constant 640 : i32
    %mul3A_89 = arith.muli %arg1, %mul3A_88 : i32
    "tpu.region"() ({
      %run_scoped3A_90 = tpu.sem_alloc : memref<!tpu.dma_semaphore, #tpu.memory_space<semaphore_mem>>
      %dma_start3A = arith.constant 0 : i32
      %dma_start3A_91 = tpu.memref_slice %arg8[%arg0, %mul3A_89, %dma_start3A] : memref<2x10240x128xf32, #tpu.memory_space<hbm>> -> memref<1x640x128xf32, #tpu.memory_space<hbm>>
      %dma_start3A_92 = tpu.memref_squeeze %dma_start3A_91 : memref<1x640x128xf32, #tpu.memory_space<hbm>> -> memref<640x128xf32, #tpu.memory_space<hbm>>
      %dma_start3A_93 = arith.constant 0 : i32
      %dma_start3A_94 = tpu.memref_slice %arg19[%mul3A_87, %dma_start3A_93] : memref<10240x128xf32, #tpu.memory_space<vmem_shared>> -> memref<640x128xf32, #tpu.memory_space<vmem_shared>>
      tpu.enqueue_dma source(%dma_start3A_94 : memref<640x128xf32, #tpu.memory_space<vmem_shared>>) target(%dma_start3A_92 : memref<640x128xf32, #tpu.memory_space<hbm>>) target_semaphore(%run_scoped3A_90 : memref<!tpu.dma_semaphore, #tpu.memory_space<semaphore_mem>>)
      %dma_wait3A = arith.constant 0 : i32
      %dma_wait3A_95 = tpu.memref_slice %arg8[%arg0, %mul3A_89, %dma_wait3A] : memref<2x10240x128xf32, #tpu.memory_space<hbm>> -> memref<1x640x128xf32, #tpu.memory_space<hbm>>
      %dma_wait3A_96 = tpu.memref_squeeze %dma_wait3A_95 : memref<1x640x128xf32, #tpu.memory_space<hbm>> -> memref<640x128xf32, #tpu.memory_space<hbm>>
      %dma_wait3A_97 = arith.constant 0 : i32
      %dma_wait3A_98 = tpu.memref_slice %arg19[%mul3A_87, %dma_wait3A_97] : memref<10240x128xf32, #tpu.memory_space<vmem_shared>> -> memref<640x128xf32, #tpu.memory_space<vmem_shared>>
      tpu.wait_dma2 semaphore(%run_scoped3A_90 : memref<!tpu.dma_semaphore, #tpu.memory_space<semaphore_mem>>) src(%dma_wait3A_98 : memref<640x128xf32, #tpu.memory_space<vmem_shared>>) dst(%dma_wait3A_96 : memref<640x128xf32, #tpu.memory_space<hbm>>)
      tpu.yield
    }) : () -> ()
    return
  }
}

module attributes {stable_mosaic.version = 14 : i64} {
  func.func @_dense_body_first(%arg0: i32, %arg1: memref<1024x128xf32, #tpu.memory_space<vmem>>, %arg2: memref<128x128xf32, #tpu.memory_space<vmem>>, %arg3: memref<1x128xf32, #tpu.memory_space<vmem>>, %arg4: memref<1x128xf32, #tpu.memory_space<vmem>>, %arg5: memref<1024x128xf32, #tpu.memory_space<vmem>>, %arg6: memref<8x128xf32, #tpu.memory_space<vmem>>, %arg7: memref<8x128xf32, #tpu.memory_space<vmem>>, %arg8: memref<1x128xf32, #tpu.memory_space<vmem>>, %arg9: memref<1x1xf32, #tpu.memory_space<smem>>) attributes {dimension_semantics = [#tpu.dimension_semantics<arbitrary>], iteration_bounds = array<i64: 10>, scalar_prefetch = 0 : i64, scratch_operands = 1 : i64, tpu.core_type = #tpu.core_type<tc>, window_params = [{transform_indices = @transform_0, window_bounds = array<i64: 1024, 128>}, {pipeline_mode = #tpu.pipeline_mode<synchronous>, transform_indices = @transform_1, window_bounds = array<i64: 128, 128>}, {pipeline_mode = #tpu.pipeline_mode<synchronous>, transform_indices = @transform_2, window_bounds = array<i64: 1, 128>}, {pipeline_mode = #tpu.pipeline_mode<synchronous>, transform_indices = @transform_3, window_bounds = array<i64: 1, 128>}, {transform_indices = @transform_4, window_bounds = array<i64: 1024, 128>}, {transform_indices = @transform_5, window_bounds = array<i64: 8, 128>}, {transform_indices = @transform_6, window_bounds = array<i64: 8, 128>}, {pipeline_mode = #tpu.pipeline_mode<synchronous>, transform_indices = @transform_7, window_bounds = array<i64: 1, 128>}]} {
    %get3A = arith.constant 0 : index
    %get3A_0 = arith.constant 0 : index
    %get3A_1 = vector.load %arg1[%get3A, %get3A_0] : memref<1024x128xf32, #tpu.memory_space<vmem>>, vector<1024x128xf32>
    %get3A_2 = arith.constant 0 : index
    %get3A_3 = arith.constant 0 : index
    %get3A_4 = vector.load %arg2[%get3A_2, %get3A_3] : memref<128x128xf32, #tpu.memory_space<vmem>>, vector<128x128xf32>
    %dot_general3A = arith.constant dense<0.000000e+00> : vector<1024x128xf32>
    %dot_general3A_5 = tpu.matmul %get3A_1, %get3A_4, %dot_general3A {dimension_numbers = #tpu.dot_dimension_numbers<[1], [0], [0], [1], [0, 0, 1, 1], [], []>, transpose_lhs_hint = false} : vector<1024x128xf32>, vector<128x128xf32>, vector<1024x128xf32> -> vector<1024x128xf32>
    %swap3A = arith.constant 0 : index
    %swap3A_6 = arith.constant 0 : index
    %swap3A_7 = vector.load %arg5[%swap3A, %swap3A_6] : memref<1024x128xf32, #tpu.memory_space<vmem>>, vector<1024x128xf32>
    tpu.vector_store %arg5[%swap3A, %swap3A_6], %dot_general3A_5 {strides = array<i32>} : memref<1024x128xf32, #tpu.memory_space<vmem>>, vector<1024x128xf32>,
    %reshape3A = vector.shape_cast %dot_general3A_5 : vector<1024x128xf32> to vector<8x128x128xf32>
    %get3A_8 = arith.constant 0 : index
    %get3A_9 = arith.constant 0 : index
    %get3A_10 = vector.load %arg3[%get3A_8, %get3A_9] : memref<1x128xf32, #tpu.memory_space<vmem>>, vector<1x128xf32>
    %reshape3A_11 = vector.shape_cast %get3A_10 : vector<1x128xf32> to vector<128xf32>
    %get3A_12 = arith.constant 0 : index
    %get3A_13 = arith.constant 0 : index
    %get3A_14 = vector.load %arg4[%get3A_12, %get3A_13] : memref<1x128xf32, #tpu.memory_space<vmem>>, vector<1x128xf32>
    %reshape3A_15 = vector.shape_cast %get3A_14 : vector<1x128xf32> to vector<128xf32>
    %broadcast_in_dim3A = vector.shape_cast %reshape3A_11 : vector<128xf32> to vector<1x1x128xf32>
    %mul3A = vector.broadcast %broadcast_in_dim3A : vector<1x1x128xf32> to vector<8x128x128xf32>
    %mul3A_16 = arith.mulf %reshape3A, %mul3A : vector<8x128x128xf32>
    %reduce_sum3A = arith.constant dense<0.000000e+00> : vector<8x128xf32>
    %reduce_sum3A_17 = vector.multi_reduction <add>, %mul3A_16, %reduce_sum3A [2] : vector<8x128x128xf32> to vector<8x128xf32>
    %broadcast_in_dim3A_18 = vector.shape_cast %reshape3A_15 : vector<128xf32> to vector<1x1x128xf32>
    %mul3A_19 = vector.broadcast %broadcast_in_dim3A_18 : vector<1x1x128xf32> to vector<8x128x128xf32>
    %mul3A_20 = arith.mulf %reshape3A, %mul3A_19 : vector<8x128x128xf32>
    %reduce_sum3A_21 = arith.constant dense<0.000000e+00> : vector<8x128xf32>
    %reduce_sum3A_22 = vector.multi_reduction <add>, %mul3A_20, %reduce_sum3A_21 [2] : vector<8x128x128xf32> to vector<8x128xf32>
    %swap3A_23 = arith.constant 0 : index
    %swap3A_24 = arith.constant 0 : index
    %swap3A_25 = vector.load %arg6[%swap3A_23, %swap3A_24] : memref<8x128xf32, #tpu.memory_space<vmem>>, vector<8x128xf32>
    tpu.vector_store %arg6[%swap3A_23, %swap3A_24], %reduce_sum3A_17 {strides = array<i32>} : memref<8x128xf32, #tpu.memory_space<vmem>>, vector<8x128xf32>,
    %swap3A_26 = arith.constant 0 : index
    %swap3A_27 = arith.constant 0 : index
    %swap3A_28 = vector.load %arg7[%swap3A_26, %swap3A_27] : memref<8x128xf32, #tpu.memory_space<vmem>>, vector<8x128xf32>
    tpu.vector_store %arg7[%swap3A_26, %swap3A_27], %reduce_sum3A_22 {strides = array<i32>} : memref<8x128xf32, #tpu.memory_space<vmem>>, vector<8x128xf32>,
    %reduce_max3A = vector.shape_cast %reduce_sum3A_17 : vector<8x128xf32> to vector<1x8x128xf32>
    %reduce_max3A_29 = arith.constant dense<0xFF800000> : vector<1xf32>
    %reduce_max3A_30 = vector.multi_reduction <maximumf>, %reduce_max3A, %reduce_max3A_29 [1, 2] : vector<1x8x128xf32> to vector<1xf32>
    %reduce_max3A_31 = vector.shape_cast %reduce_max3A_30 : vector<1xf32> to vector<1x1x1xf32>
    %reduce_max3A_32 = vector.extract %reduce_max3A_31[0, 0, 0] : f32 from vector<1x1x1xf32>
    %eq3A = arith.constant 0 : i32
    %eq3A_33 = arith.cmpi eq, %arg0, %eq3A : i32
    %convert_element_type3A = arith.extui %eq3A_33 : i1 to i32
    %cond3A = arith.constant 0 : i32
    %cond3A_34 = arith.cmpi ne, %convert_element_type3A, %cond3A : i32
    scf.if %cond3A_34 {
      %swap3A_46 = arith.constant 0 : index
      %swap3A_47 = arith.constant 0 : index
      %swap3A_48 = memref.load %arg9[%swap3A_46, %swap3A_47] : memref<1x1xf32, #tpu.memory_space<smem>>
      memref.store %reduce_max3A_32, %arg9[%swap3A_46, %swap3A_47] : memref<1x1xf32, #tpu.memory_space<smem>>
    } else {
    }
    %get3A_35 = arith.constant 0 : index
    %get3A_36 = arith.constant 0 : index
    %get3A_37 = memref.load %arg9[%get3A_35, %get3A_36] : memref<1x1xf32, #tpu.memory_space<smem>>
    %max3A = arith.maximumf %get3A_37, %reduce_max3A_32 : f32
    %swap3A_38 = arith.constant 0 : index
    %swap3A_39 = arith.constant 0 : index
    %swap3A_40 = memref.load %arg9[%swap3A_38, %swap3A_39] : memref<1x1xf32, #tpu.memory_space<smem>>
    memref.store %max3A, %arg9[%swap3A_38, %swap3A_39] : memref<1x1xf32, #tpu.memory_space<smem>>
    %eq3A_41 = arith.constant 9 : i32
    %eq3A_42 = arith.cmpi eq, %arg0, %eq3A_41 : i32
    %convert_element_type3A_43 = arith.extui %eq3A_42 : i1 to i32
    %cond3A_44 = arith.constant 0 : i32
    %cond3A_45 = arith.cmpi ne, %convert_element_type3A_43, %cond3A_44 : i32
    scf.if %cond3A_45 {
      %get3A_46 = arith.constant 0 : index
      %get3A_47 = arith.constant 0 : index
      %get3A_48 = memref.load %arg9[%get3A_46, %get3A_47] : memref<1x1xf32, #tpu.memory_space<smem>>
      %broadcast_in_dim3A_49 = vector.broadcast %get3A_48 : f32 to vector<1x128xf32>
      %swap3A_50 = arith.constant 0 : index
      %swap3A_51 = arith.constant 0 : index
      %swap3A_52 = vector.load %arg8[%swap3A_50, %swap3A_51] : memref<1x128xf32, #tpu.memory_space<vmem>>, vector<1x128xf32>
      tpu.vector_store %arg8[%swap3A_50, %swap3A_51], %broadcast_in_dim3A_49 {strides = array<i32>} : memref<1x128xf32, #tpu.memory_space<vmem>>, vector<1x128xf32>,
    } else {
    }
    return
  }
  func.func @transform_0(%arg0: i32) -> (i32, i32) {
    %c0_i32 = arith.constant 0 : i32
    %c0_i32_0 = arith.constant 0 : i32
    return %arg0, %c0_i32 : i32, i32
  }
  func.func @transform_1(%arg0: i32) -> (i32, i32) {
    %c0_i32 = arith.constant 0 : i32
    %c0_i32_0 = arith.constant 0 : i32
    %c0_i32_1 = arith.constant 0 : i32
    return %c0_i32, %c0_i32_0 : i32, i32
  }
  func.func @transform_2(%arg0: i32) -> (i32, i32) {
    %c0_i32 = arith.constant 0 : i32
    %c0_i32_0 = arith.constant 0 : i32
    %c0_i32_1 = arith.constant 0 : i32
    return %c0_i32, %c0_i32_0 : i32, i32
  }
  func.func @transform_3(%arg0: i32) -> (i32, i32) {
    %c0_i32 = arith.constant 0 : i32
    %c0_i32_0 = arith.constant 0 : i32
    %c0_i32_1 = arith.constant 0 : i32
    return %c0_i32, %c0_i32_0 : i32, i32
  }
  func.func @transform_4(%arg0: i32) -> (i32, i32) {
    %c0_i32 = arith.constant 0 : i32
    %c0_i32_0 = arith.constant 0 : i32
    return %arg0, %c0_i32 : i32, i32
  }
  func.func @transform_5(%arg0: i32) -> (i32, i32) {
    %c0_i32 = arith.constant 0 : i32
    %c0_i32_0 = arith.constant 0 : i32
    return %arg0, %c0_i32 : i32, i32
  }
  func.func @transform_6(%arg0: i32) -> (i32, i32) {
    %c0_i32 = arith.constant 0 : i32
    %c0_i32_0 = arith.constant 0 : i32
    return %arg0, %c0_i32 : i32, i32
  }
  func.func @transform_7(%arg0: i32) -> (i32, i32) {
    %c0_i32 = arith.constant 0 : i32
    %c0_i32_0 = arith.constant 0 : i32
    %c0_i32_1 = arith.constant 0 : i32
    return %c0_i32, %c0_i32_0 : i32, i32
  }
}

module attributes {stable_mosaic.version = 14 : i64} {
  func.func @_dense_body_mid(%arg0: i32, %arg1: memref<2x1024x128xf32, #tpu.memory_space<vmem>>, %arg2: memref<1x128xf32, #tpu.memory_space<vmem>>, %arg3: memref<128x128xf32, #tpu.memory_space<vmem>>, %arg4: memref<1x128xf32, #tpu.memory_space<vmem>>, %arg5: memref<1x128xf32, #tpu.memory_space<vmem>>, %arg6: memref<1024x128xf32, #tpu.memory_space<vmem>>, %arg7: memref<8x128xf32, #tpu.memory_space<vmem>>, %arg8: memref<8x128xf32, #tpu.memory_space<vmem>>, %arg9: memref<1x128xf32, #tpu.memory_space<vmem>>, %arg10: memref<1x1xf32, #tpu.memory_space<smem>>) attributes {dimension_semantics = [#tpu.dimension_semantics<arbitrary>], iteration_bounds = array<i64: 10>, scalar_prefetch = 0 : i64, scratch_operands = 1 : i64, tpu.core_type = #tpu.core_type<tc>, window_params = [{transform_indices = @transform_0, window_bounds = array<i64: 2, 1024, 128>}, {pipeline_mode = #tpu.pipeline_mode<synchronous>, transform_indices = @transform_1, window_bounds = array<i64: 1, 128>}, {pipeline_mode = #tpu.pipeline_mode<synchronous>, transform_indices = @transform_2, window_bounds = array<i64: 128, 128>}, {pipeline_mode = #tpu.pipeline_mode<synchronous>, transform_indices = @transform_3, window_bounds = array<i64: 1, 128>}, {pipeline_mode = #tpu.pipeline_mode<synchronous>, transform_indices = @transform_4, window_bounds = array<i64: 1, 128>}, {transform_indices = @transform_5, window_bounds = array<i64: 1024, 128>}, {transform_indices = @transform_6, window_bounds = array<i64: 8, 128>}, {transform_indices = @transform_7, window_bounds = array<i64: 8, 128>}, {pipeline_mode = #tpu.pipeline_mode<synchronous>, transform_indices = @transform_8, window_bounds = array<i64: 1, 128>}]} {
    %get3A = arith.constant 0 : index
    %get3A_0 = arith.constant 0 : index
    %get3A_1 = arith.constant 0 : index
    %get3A_2 = vector.load %arg1[%get3A, %get3A_0, %get3A_1] : memref<2x1024x128xf32, #tpu.memory_space<vmem>>, vector<1x1024x128xf32>
    %get3A_3 = vector.shape_cast %get3A_2 : vector<1x1024x128xf32> to vector<1024x128xf32>
    %get3A_4 = arith.constant 1 : index
    %get3A_5 = arith.constant 0 : index
    %get3A_6 = arith.constant 0 : index
    %get3A_7 = vector.load %arg1[%get3A_4, %get3A_5, %get3A_6] : memref<2x1024x128xf32, #tpu.memory_space<vmem>>, vector<1x1024x128xf32>
    %get3A_8 = vector.shape_cast %get3A_7 : vector<1x1024x128xf32> to vector<1024x128xf32>
    %add3A = arith.addf %get3A_3, %get3A_8 : vector<1024x128xf32>
    %get3A_9 = arith.constant 0 : index
    %get3A_10 = arith.constant 0 : index
    %get3A_11 = vector.load %arg2[%get3A_9, %get3A_10] : memref<1x128xf32, #tpu.memory_space<vmem>>, vector<1x128xf32>
    %add3A_12 = vector.broadcast %get3A_11 : vector<1x128xf32> to vector<1024x128xf32>
    %add3A_13 = arith.addf %add3A, %add3A_12 : vector<1024x128xf32>
    %max3A = arith.constant 0.000000e+00 : f32
    %max3A_14 = vector.broadcast %max3A : f32 to vector<1024x128xf32>
    %max3A_15 = arith.maximumf %add3A_13, %max3A_14 : vector<1024x128xf32>
    %get3A_16 = arith.constant 0 : index
    %get3A_17 = arith.constant 0 : index
    %get3A_18 = vector.load %arg3[%get3A_16, %get3A_17] : memref<128x128xf32, #tpu.memory_space<vmem>>, vector<128x128xf32>
    %dot_general3A = arith.constant dense<0.000000e+00> : vector<1024x128xf32>
    %dot_general3A_19 = tpu.matmul %max3A_15, %get3A_18, %dot_general3A {dimension_numbers = #tpu.dot_dimension_numbers<[1], [0], [0], [1], [0, 0, 1, 1], [], []>, transpose_lhs_hint = false} : vector<1024x128xf32>, vector<128x128xf32>, vector<1024x128xf32> -> vector<1024x128xf32>
    %swap3A = arith.constant 0 : index
    %swap3A_20 = arith.constant 0 : index
    %swap3A_21 = vector.load %arg6[%swap3A, %swap3A_20] : memref<1024x128xf32, #tpu.memory_space<vmem>>, vector<1024x128xf32>
    tpu.vector_store %arg6[%swap3A, %swap3A_20], %dot_general3A_19 {strides = array<i32>} : memref<1024x128xf32, #tpu.memory_space<vmem>>, vector<1024x128xf32>,
    %reshape3A = vector.shape_cast %dot_general3A_19 : vector<1024x128xf32> to vector<8x128x128xf32>
    %get3A_22 = arith.constant 0 : index
    %get3A_23 = arith.constant 0 : index
    %get3A_24 = vector.load %arg4[%get3A_22, %get3A_23] : memref<1x128xf32, #tpu.memory_space<vmem>>, vector<1x128xf32>
    %reshape3A_25 = vector.shape_cast %get3A_24 : vector<1x128xf32> to vector<128xf32>
    %get3A_26 = arith.constant 0 : index
    %get3A_27 = arith.constant 0 : index
    %get3A_28 = vector.load %arg5[%get3A_26, %get3A_27] : memref<1x128xf32, #tpu.memory_space<vmem>>, vector<1x128xf32>
    %reshape3A_29 = vector.shape_cast %get3A_28 : vector<1x128xf32> to vector<128xf32>
    %broadcast_in_dim3A = vector.shape_cast %reshape3A_25 : vector<128xf32> to vector<1x1x128xf32>
    %mul3A = vector.broadcast %broadcast_in_dim3A : vector<1x1x128xf32> to vector<8x128x128xf32>
    %mul3A_30 = arith.mulf %reshape3A, %mul3A : vector<8x128x128xf32>
    %reduce_sum3A = arith.constant dense<0.000000e+00> : vector<8x128xf32>
    %reduce_sum3A_31 = vector.multi_reduction <add>, %mul3A_30, %reduce_sum3A [2] : vector<8x128x128xf32> to vector<8x128xf32>
    %broadcast_in_dim3A_32 = vector.shape_cast %reshape3A_29 : vector<128xf32> to vector<1x1x128xf32>
    %mul3A_33 = vector.broadcast %broadcast_in_dim3A_32 : vector<1x1x128xf32> to vector<8x128x128xf32>
    %mul3A_34 = arith.mulf %reshape3A, %mul3A_33 : vector<8x128x128xf32>
    %reduce_sum3A_35 = arith.constant dense<0.000000e+00> : vector<8x128xf32>
    %reduce_sum3A_36 = vector.multi_reduction <add>, %mul3A_34, %reduce_sum3A_35 [2] : vector<8x128x128xf32> to vector<8x128xf32>
    %swap3A_37 = arith.constant 0 : index
    %swap3A_38 = arith.constant 0 : index
    %swap3A_39 = vector.load %arg7[%swap3A_37, %swap3A_38] : memref<8x128xf32, #tpu.memory_space<vmem>>, vector<8x128xf32>
    tpu.vector_store %arg7[%swap3A_37, %swap3A_38], %reduce_sum3A_31 {strides = array<i32>} : memref<8x128xf32, #tpu.memory_space<vmem>>, vector<8x128xf32>,
    %swap3A_40 = arith.constant 0 : index
    %swap3A_41 = arith.constant 0 : index
    %swap3A_42 = vector.load %arg8[%swap3A_40, %swap3A_41] : memref<8x128xf32, #tpu.memory_space<vmem>>, vector<8x128xf32>
    tpu.vector_store %arg8[%swap3A_40, %swap3A_41], %reduce_sum3A_36 {strides = array<i32>} : memref<8x128xf32, #tpu.memory_space<vmem>>, vector<8x128xf32>,
    %reduce_max3A = vector.shape_cast %reduce_sum3A_31 : vector<8x128xf32> to vector<1x8x128xf32>
    %reduce_max3A_43 = arith.constant dense<0xFF800000> : vector<1xf32>
    %reduce_max3A_44 = vector.multi_reduction <maximumf>, %reduce_max3A, %reduce_max3A_43 [1, 2] : vector<1x8x128xf32> to vector<1xf32>
    %reduce_max3A_45 = vector.shape_cast %reduce_max3A_44 : vector<1xf32> to vector<1x1x1xf32>
    %reduce_max3A_46 = vector.extract %reduce_max3A_45[0, 0, 0] : f32 from vector<1x1x1xf32>
    %eq3A = arith.constant 0 : i32
    %eq3A_47 = arith.cmpi eq, %arg0, %eq3A : i32
    %convert_element_type3A = arith.extui %eq3A_47 : i1 to i32
    %cond3A = arith.constant 0 : i32
    %cond3A_48 = arith.cmpi ne, %convert_element_type3A, %cond3A : i32
    scf.if %cond3A_48 {
      %swap3A_61 = arith.constant 0 : index
      %swap3A_62 = arith.constant 0 : index
      %swap3A_63 = memref.load %arg10[%swap3A_61, %swap3A_62] : memref<1x1xf32, #tpu.memory_space<smem>>
      memref.store %reduce_max3A_46, %arg10[%swap3A_61, %swap3A_62] : memref<1x1xf32, #tpu.memory_space<smem>>
    } else {
    }
    %get3A_49 = arith.constant 0 : index
    %get3A_50 = arith.constant 0 : index
    %get3A_51 = memref.load %arg10[%get3A_49, %get3A_50] : memref<1x1xf32, #tpu.memory_space<smem>>
    %max3A_52 = arith.maximumf %get3A_51, %reduce_max3A_46 : f32
    %swap3A_53 = arith.constant 0 : index
    %swap3A_54 = arith.constant 0 : index
    %swap3A_55 = memref.load %arg10[%swap3A_53, %swap3A_54] : memref<1x1xf32, #tpu.memory_space<smem>>
    memref.store %max3A_52, %arg10[%swap3A_53, %swap3A_54] : memref<1x1xf32, #tpu.memory_space<smem>>
    %eq3A_56 = arith.constant 9 : i32
    %eq3A_57 = arith.cmpi eq, %arg0, %eq3A_56 : i32
    %convert_element_type3A_58 = arith.extui %eq3A_57 : i1 to i32
    %cond3A_59 = arith.constant 0 : i32
    %cond3A_60 = arith.cmpi ne, %convert_element_type3A_58, %cond3A_59 : i32
    scf.if %cond3A_60 {
      %get3A_61 = arith.constant 0 : index
      %get3A_62 = arith.constant 0 : index
      %get3A_63 = memref.load %arg10[%get3A_61, %get3A_62] : memref<1x1xf32, #tpu.memory_space<smem>>
      %broadcast_in_dim3A_64 = vector.broadcast %get3A_63 : f32 to vector<1x128xf32>
      %swap3A_65 = arith.constant 0 : index
      %swap3A_66 = arith.constant 0 : index
      %swap3A_67 = vector.load %arg9[%swap3A_65, %swap3A_66] : memref<1x128xf32, #tpu.memory_space<vmem>>, vector<1x128xf32>
      tpu.vector_store %arg9[%swap3A_65, %swap3A_66], %broadcast_in_dim3A_64 {strides = array<i32>} : memref<1x128xf32, #tpu.memory_space<vmem>>, vector<1x128xf32>,
    } else {
    }
    return
  }
  func.func @transform_0(%arg0: i32) -> (i32, i32, i32) {
    %c0_i32 = arith.constant 0 : i32
    %c0_i32_0 = arith.constant 0 : i32
    %c0_i32_1 = arith.constant 0 : i32
    return %c0_i32, %arg0, %c0_i32_0 : i32, i32, i32
  }
  func.func @transform_1(%arg0: i32) -> (i32, i32) {
    %c0_i32 = arith.constant 0 : i32
    %c0_i32_0 = arith.constant 0 : i32
    %c0_i32_1 = arith.constant 0 : i32
    return %c0_i32, %c0_i32_0 : i32, i32
  }
  func.func @transform_2(%arg0: i32) -> (i32, i32) {
    %c0_i32 = arith.constant 0 : i32
    %c0_i32_0 = arith.constant 0 : i32
    %c0_i32_1 = arith.constant 0 : i32
    return %c0_i32, %c0_i32_0 : i32, i32
  }
  func.func @transform_3(%arg0: i32) -> (i32, i32) {
    %c0_i32 = arith.constant 0 : i32
    %c0_i32_0 = arith.constant 0 : i32
    %c0_i32_1 = arith.constant 0 : i32
    return %c0_i32, %c0_i32_0 : i32, i32
  }
  func.func @transform_4(%arg0: i32) -> (i32, i32) {
    %c0_i32 = arith.constant 0 : i32
    %c0_i32_0 = arith.constant 0 : i32
    %c0_i32_1 = arith.constant 0 : i32
    return %c0_i32, %c0_i32_0 : i32, i32
  }
  func.func @transform_5(%arg0: i32) -> (i32, i32) {
    %c0_i32 = arith.constant 0 : i32
    %c0_i32_0 = arith.constant 0 : i32
    return %arg0, %c0_i32 : i32, i32
  }
  func.func @transform_6(%arg0: i32) -> (i32, i32) {
    %c0_i32 = arith.constant 0 : i32
    %c0_i32_0 = arith.constant 0 : i32
    return %arg0, %c0_i32 : i32, i32
  }
  func.func @transform_7(%arg0: i32) -> (i32, i32) {
    %c0_i32 = arith.constant 0 : i32
    %c0_i32_0 = arith.constant 0 : i32
    return %arg0, %c0_i32 : i32, i32
  }
  func.func @transform_8(%arg0: i32) -> (i32, i32) {
    %c0_i32 = arith.constant 0 : i32
    %c0_i32_0 = arith.constant 0 : i32
    %c0_i32_1 = arith.constant 0 : i32
    return %c0_i32, %c0_i32_0 : i32, i32
  }
}

module attributes {stable_mosaic.version = 14 : i64} {
  func.func @_pool_body(%arg0: i32, %arg1: memref<2x1024x128xf32, #tpu.memory_space<vmem>>, %arg2: memref<1x128xf32, #tpu.memory_space<vmem>>, %arg3: memref<8x128xi32, #tpu.memory_space<vmem>>, %arg4: memref<128x128xf32, #tpu.memory_space<vmem>>, %arg5: memref<1x128xf32, #tpu.memory_space<vmem>>, %arg6: memref<128x16xf32, #tpu.memory_space<vmem>>, %arg7: memref<1x16xf32, #tpu.memory_space<vmem>>, %arg8: memref<64x16xf32, #tpu.memory_space<vmem>>, %arg9: memref<64x128xf32, #tpu.memory_space<vmem>>, %arg10: memref<64x128xf32, #tpu.memory_space<vmem>>) attributes {dimension_semantics = [#tpu.dimension_semantics<arbitrary>], iteration_bounds = array<i64: 10>, scalar_prefetch = 0 : i64, scratch_operands = 2 : i64, tpu.core_type = #tpu.core_type<tc>, window_params = [{transform_indices = @transform_0, window_bounds = array<i64: 2, 1024, 128>}, {pipeline_mode = #tpu.pipeline_mode<synchronous>, transform_indices = @transform_1, window_bounds = array<i64: 1, 128>}, {transform_indices = @transform_2, window_bounds = array<i64: 8, 128>}, {pipeline_mode = #tpu.pipeline_mode<synchronous>, transform_indices = @transform_3, window_bounds = array<i64: 128, 128>}, {pipeline_mode = #tpu.pipeline_mode<synchronous>, transform_indices = @transform_4, window_bounds = array<i64: 1, 128>}, {pipeline_mode = #tpu.pipeline_mode<synchronous>, transform_indices = @transform_5, window_bounds = array<i64: 128, 16>}, {pipeline_mode = #tpu.pipeline_mode<synchronous>, transform_indices = @transform_6, window_bounds = array<i64: 1, 16>}, {pipeline_mode = #tpu.pipeline_mode<synchronous>, transform_indices = @transform_7, window_bounds = array<i64: 64, 16>}]} {
    %eq3A = arith.constant 0 : i32
    %eq3A_0 = arith.cmpi eq, %arg0, %eq3A : i32
    %convert_element_type3A = arith.extui %eq3A_0 : i1 to i32
    %cond3A = arith.constant 0 : i32
    %cond3A_1 = arith.cmpi ne, %convert_element_type3A, %cond3A : i32
    scf.if %cond3A_1 {
      %broadcast_in_dim3A_49 = arith.constant 0.000000e+00 : f32
      %broadcast_in_dim3A_50 = vector.broadcast %broadcast_in_dim3A_49 : f32 to vector<64x128xf32>
      %swap3A_51 = arith.constant 0 : index
      %swap3A_52 = arith.constant 0 : index
      %swap3A_53 = vector.load %arg9[%swap3A_51, %swap3A_52] : memref<64x128xf32, #tpu.memory_space<vmem>>, vector<64x128xf32>
      tpu.vector_store %arg9[%swap3A_51, %swap3A_52], %broadcast_in_dim3A_50 {strides = array<i32>} : memref<64x128xf32, #tpu.memory_space<vmem>>, vector<64x128xf32>,
      %broadcast_in_dim3A_54 = arith.constant 0.000000e+00 : f32
      %broadcast_in_dim3A_55 = vector.broadcast %broadcast_in_dim3A_54 : f32 to vector<64x128xf32>
      %swap3A_56 = arith.constant 0 : index
      %swap3A_57 = arith.constant 0 : index
      %swap3A_58 = vector.load %arg10[%swap3A_56, %swap3A_57] : memref<64x128xf32, #tpu.memory_space<vmem>>, vector<64x128xf32>
      tpu.vector_store %arg10[%swap3A_56, %swap3A_57], %broadcast_in_dim3A_55 {strides = array<i32>} : memref<64x128xf32, #tpu.memory_space<vmem>>, vector<64x128xf32>,
    } else {
    }
    %get3A = arith.constant 0 : index
    %get3A_2 = arith.constant 0 : index
    %get3A_3 = arith.constant 0 : index
    %get3A_4 = vector.load %arg1[%get3A, %get3A_2, %get3A_3] : memref<2x1024x128xf32, #tpu.memory_space<vmem>>, vector<1x1024x128xf32>
    %get3A_5 = vector.shape_cast %get3A_4 : vector<1x1024x128xf32> to vector<1024x128xf32>
    %get3A_6 = arith.constant 1 : index
    %get3A_7 = arith.constant 0 : index
    %get3A_8 = arith.constant 0 : index
    %get3A_9 = vector.load %arg1[%get3A_6, %get3A_7, %get3A_8] : memref<2x1024x128xf32, #tpu.memory_space<vmem>>, vector<1x1024x128xf32>
    %get3A_10 = vector.shape_cast %get3A_9 : vector<1x1024x128xf32> to vector<1024x128xf32>
    %add3A = arith.addf %get3A_5, %get3A_10 : vector<1024x128xf32>
    %get3A_11 = arith.constant 0 : index
    %get3A_12 = arith.constant 0 : index
    %get3A_13 = vector.load %arg2[%get3A_11, %get3A_12] : memref<1x128xf32, #tpu.memory_space<vmem>>, vector<1x128xf32>
    %reshape3A = vector.shape_cast %get3A_13 : vector<1x128xf32> to vector<1x1x128xf32>
    %broadcast_in_dim3A = vector.shape_cast %add3A : vector<1024x128xf32> to vector<1x1024x128xf32>
    %add3A_14 = vector.broadcast %reshape3A : vector<1x1x128xf32> to vector<1x1024x128xf32>
    %add3A_15 = arith.addf %broadcast_in_dim3A, %add3A_14 : vector<1x1024x128xf32>
    %get3A_16 = arith.constant 0 : index
    %get3A_17 = arith.constant 0 : index
    %get3A_18 = vector.load %arg3[%get3A_16, %get3A_17] : memref<8x128xi32, #tpu.memory_space<vmem>>, vector<8x128xi32>
    %iota3A = tpu.iota {dimensions = array<i32: 0>} : vector<64x8x128xi32>
    %broadcast_in_dim3A_19 = vector.shape_cast %get3A_18 : vector<8x128xi32> to vector<1x8x128xi32>
    %eq3A_20 = vector.broadcast %broadcast_in_dim3A_19 : vector<1x8x128xi32> to vector<64x8x128xi32>
    %eq3A_21 = arith.cmpi eq, %iota3A, %eq3A_20 : vector<64x8x128xi32>
    %convert_element_type3A_22 = arith.extui %eq3A_21 : vector<64x8x128xi1> to vector<64x8x128xi32>
    %convert_element_type3A_23 = arith.sitofp %convert_element_type3A_22 : vector<64x8x128xi32> to vector<64x8x128xf32>
    %reshape3A_24 = vector.shape_cast %convert_element_type3A_23 : vector<64x8x128xf32> to vector<64x1024xf32>
    %reshape3A_25 = vector.shape_cast %add3A_15 : vector<1x1024x128xf32> to vector<1024x128xf32>
    %get3A_26 = arith.constant 0 : index
    %get3A_27 = arith.constant 0 : index
    %get3A_28 = vector.load %arg9[%get3A_26, %get3A_27] : memref<64x128xf32, #tpu.memory_space<vmem>>, vector<64x128xf32>
    %dot_general3A = arith.constant dense<0.000000e+00> : vector<64x128xf32>
    %dot_general3A_29 = tpu.matmul %reshape3A_24, %reshape3A_25, %dot_general3A {dimension_numbers = #tpu.dot_dimension_numbers<[1], [0], [0], [1], [0, 0, 1, 1], [], []>, transpose_lhs_hint = false} : vector<64x1024xf32>, vector<1024x128xf32>, vector<64x128xf32> -> vector<64x128xf32>
    %add3A_30 = arith.addf %get3A_28, %dot_general3A_29 : vector<64x128xf32>
    %swap3A = arith.constant 0 : index
    %swap3A_31 = arith.constant 0 : index
    %swap3A_32 = vector.load %arg9[%swap3A, %swap3A_31] : memref<64x128xf32, #tpu.memory_space<vmem>>, vector<64x128xf32>
    tpu.vector_store %arg9[%swap3A, %swap3A_31], %add3A_30 {strides = array<i32>} : memref<64x128xf32, #tpu.memory_space<vmem>>, vector<64x128xf32>,
    %get3A_33 = arith.constant 0 : index
    %get3A_34 = arith.constant 0 : index
    %get3A_35 = vector.load %arg10[%get3A_33, %get3A_34] : memref<64x128xf32, #tpu.memory_space<vmem>>, vector<64x128xf32>
    %broadcast_in_dim3A_36 = arith.constant 1.000000e+00 : f32
    %broadcast_in_dim3A_37 = vector.broadcast %broadcast_in_dim3A_36 : f32 to vector<1024x128xf32>
    %dot_general3A_38 = arith.constant dense<0.000000e+00> : vector<64x128xf32>
    %dot_general3A_39 = tpu.matmul %reshape3A_24, %broadcast_in_dim3A_37, %dot_general3A_38 {dimension_numbers = #tpu.dot_dimension_numbers<[1], [0], [0], [1], [0, 0, 1, 1], [], []>, transpose_lhs_hint = false} : vector<64x1024xf32>, vector<1024x128xf32>, vector<64x128xf32> -> vector<64x128xf32>
    %add3A_40 = arith.addf %get3A_35, %dot_general3A_39 : vector<64x128xf32>
    %swap3A_41 = arith.constant 0 : index
    %swap3A_42 = arith.constant 0 : index
    %swap3A_43 = vector.load %arg10[%swap3A_41, %swap3A_42] : memref<64x128xf32, #tpu.memory_space<vmem>>, vector<64x128xf32>
    tpu.vector_store %arg10[%swap3A_41, %swap3A_42], %add3A_40 {strides = array<i32>} : memref<64x128xf32, #tpu.memory_space<vmem>>, vector<64x128xf32>,
    %eq3A_44 = arith.constant 9 : i32
    %eq3A_45 = arith.cmpi eq, %arg0, %eq3A_44 : i32
    %convert_element_type3A_46 = arith.extui %eq3A_45 : i1 to i32
    %cond3A_47 = arith.constant 0 : i32
    %cond3A_48 = arith.cmpi ne, %convert_element_type3A_46, %cond3A_47 : i32
    scf.if %cond3A_48 {
      %get3A_49 = arith.constant 0 : index
      %get3A_50 = arith.constant 0 : index
      %get3A_51 = vector.load %arg9[%get3A_49, %get3A_50] : memref<64x128xf32, #tpu.memory_space<vmem>>, vector<64x128xf32>
      %get3A_52 = arith.constant 0 : index
      %get3A_53 = arith.constant 0 : index
      %get3A_54 = vector.load %arg10[%get3A_52, %get3A_53] : memref<64x128xf32, #tpu.memory_space<vmem>>, vector<64x128xf32>
      %max3A = arith.constant 1.000000e+00 : f32
      %max3A_55 = vector.broadcast %max3A : f32 to vector<64x128xf32>
      %max3A_56 = arith.maximumf %get3A_54, %max3A_55 : vector<64x128xf32>
      %div3A = arith.divf %get3A_51, %max3A_56 : vector<64x128xf32>
      %get3A_57 = arith.constant 0 : index
      %get3A_58 = arith.constant 0 : index
      %get3A_59 = vector.load %arg4[%get3A_57, %get3A_58] : memref<128x128xf32, #tpu.memory_space<vmem>>, vector<128x128xf32>
      %dot_general3A_60 = arith.constant dense<0.000000e+00> : vector<64x128xf32>
      %dot_general3A_61 = tpu.matmul %div3A, %get3A_59, %dot_general3A_60 {dimension_numbers = #tpu.dot_dimension_numbers<[1], [0], [0], [1], [0, 0, 1, 1], [], []>, transpose_lhs_hint = false} : vector<64x128xf32>, vector<128x128xf32>, vector<64x128xf32> -> vector<64x128xf32>
      %get3A_62 = arith.constant 0 : index
      %get3A_63 = arith.constant 0 : index
      %get3A_64 = vector.load %arg5[%get3A_62, %get3A_63] : memref<1x128xf32, #tpu.memory_space<vmem>>, vector<1x128xf32>
      %add3A_65 = vector.broadcast %get3A_64 : vector<1x128xf32> to vector<64x128xf32>
      %add3A_66 = arith.addf %dot_general3A_61, %add3A_65 : vector<64x128xf32>
      %max3A_67 = arith.constant 0.000000e+00 : f32
      %max3A_68 = vector.broadcast %max3A_67 : f32 to vector<64x128xf32>
      %max3A_69 = arith.maximumf %add3A_66, %max3A_68 : vector<64x128xf32>
      %get3A_70 = arith.constant 0 : index
      %get3A_71 = arith.constant 0 : index
      %get3A_72 = vector.load %arg6[%get3A_70, %get3A_71] : memref<128x16xf32, #tpu.memory_space<vmem>>, vector<128x16xf32>
      %dot_general3A_73 = arith.constant dense<0.000000e+00> : vector<64x16xf32>
      %dot_general3A_74 = tpu.matmul %max3A_69, %get3A_72, %dot_general3A_73 {dimension_numbers = #tpu.dot_dimension_numbers<[1], [0], [0], [1], [0, 0, 1, 1], [], []>, transpose_lhs_hint = false} : vector<64x128xf32>, vector<128x16xf32>, vector<64x16xf32> -> vector<64x16xf32>
      %get3A_75 = arith.constant 0 : index
      %get3A_76 = arith.constant 0 : index
      %get3A_77 = vector.load %arg7[%get3A_75, %get3A_76] : memref<1x16xf32, #tpu.memory_space<vmem>>, vector<1x16xf32>
      %add3A_78 = vector.broadcast %get3A_77 : vector<1x16xf32> to vector<64x16xf32>
      %add3A_79 = arith.addf %dot_general3A_74, %add3A_78 : vector<64x16xf32>
      %swap3A_80 = arith.constant 0 : index
      %swap3A_81 = arith.constant 0 : index
      %swap3A_82 = vector.load %arg8[%swap3A_80, %swap3A_81] : memref<64x16xf32, #tpu.memory_space<vmem>>, vector<64x16xf32>
      tpu.vector_store %arg8[%swap3A_80, %swap3A_81], %add3A_79 {strides = array<i32>} : memref<64x16xf32, #tpu.memory_space<vmem>>, vector<64x16xf32>,
    } else {
    }
    return
  }
  func.func @transform_0(%arg0: i32) -> (i32, i32, i32) {
    %c0_i32 = arith.constant 0 : i32
    %c0_i32_0 = arith.constant 0 : i32
    %c0_i32_1 = arith.constant 0 : i32
    return %c0_i32, %arg0, %c0_i32_0 : i32, i32, i32
  }
  func.func @transform_1(%arg0: i32) -> (i32, i32) {
    %c0_i32 = arith.constant 0 : i32
    %c0_i32_0 = arith.constant 0 : i32
    %c0_i32_1 = arith.constant 0 : i32
    return %c0_i32, %c0_i32_0 : i32, i32
  }
  func.func @transform_2(%arg0: i32) -> (i32, i32) {
    %c0_i32 = arith.constant 0 : i32
    %c0_i32_0 = arith.constant 0 : i32
    return %arg0, %c0_i32 : i32, i32
  }
  func.func @transform_3(%arg0: i32) -> (i32, i32) {
    %c0_i32 = arith.constant 0 : i32
    %c0_i32_0 = arith.constant 0 : i32
    %c0_i32_1 = arith.constant 0 : i32
    return %c0_i32, %c0_i32_0 : i32, i32
  }
  func.func @transform_4(%arg0: i32) -> (i32, i32) {
    %c0_i32 = arith.constant 0 : i32
    %c0_i32_0 = arith.constant 0 : i32
    %c0_i32_1 = arith.constant 0 : i32
    return %c0_i32, %c0_i32_0 : i32, i32
  }
  func.func @transform_5(%arg0: i32) -> (i32, i32) {
    %c0_i32 = arith.constant 0 : i32
    %c0_i32_0 = arith.constant 0 : i32
    %c0_i32_1 = arith.constant 0 : i32
    return %c0_i32, %c0_i32_0 : i32, i32
  }
  func.func @transform_6(%arg0: i32) -> (i32, i32) {
    %c0_i32 = arith.constant 0 : i32
    %c0_i32_0 = arith.constant 0 : i32
    %c0_i32_1 = arith.constant 0 : i32
    return %c0_i32, %c0_i32_0 : i32, i32
  }
  func.func @transform_7(%arg0: i32) -> (i32, i32) {
    %c0_i32 = arith.constant 0 : i32
    %c0_i32_0 = arith.constant 0 : i32
    %c0_i32_1 = arith.constant 0 : i32
    return %c0_i32, %c0_i32_0 : i32, i32
  }
}

</mosaic_0001>

<sc_bundles>
// kernel: kernel.12.cloned.1.call-start
scs
__scs_entry_jumppad:
0x0: {  	(pc) =	sbr.rel $0x88, $3  }
0x1: {  	(tag) =	ssettag $0x0;
	lr =	simm.s32 $0x1  }
0x2: {  	[smem:$0x3F8E] =	sst lr;
	_ =	strace $0xD0000000  }
0x3: {  	_ = 	snop  }
0x4: {  	_ = 	snop  }
0x5: {  	_ = 	snop  }
0x6: {  	_ = 	snop  }
0x7: {  	_ = 	snop  }
__scs_overlays_trampoline_lowered:
0x8: {  	[smem:$0x3F9D] =	sst s0  }
0x9: {  	[smem:$0x3F9E] =	sst s1  }
0xa: {  	[smem:$0x3F9F] =	sst s2  }
0xb: {  	[smem:$0x3FA0] =	sst s3  }
0xc: {  	[smem:$0x3FA1] =	sst s4  }
0xd: {  	[smem:$0x3FA2] =	sst s5  }
0xe: {  	[smem:$0x3FA3] =	sst s6  }
0xf: {  	[smem:$0x3FA4] =	sst s7  }
0x10: {  	[smem:$0x3FA5] =	sst s8  }
0x11: {  	[smem:$0x3FA6] =	sst s9;
	s0 =	simm.s32 @!p0 $0x0  }
0x12: {  	s1 =	sld [smem:$0x3F8C];
	s0 =	simm.s32 @p0 $0x1  }
0x13: {  	[smem:$0x3FA7] =	sst s0;
	s0 =	simm.s32 @!p1 $0x0  }
0x14: {  	s2 =	sld [smem:$0x3F8B];
	s0 =	simm.s32 @p1 $0x1  }
0x15: {  	[smem:$0x3FA8] =	sst s0;
	s0 =	simm.s32 @!p2 $0x0  }
0x16: {  	s3 =	sld [smem:$0x3FDB];
	s0 =	simm.s32 @p2 $0x1  }
0x17: {  	s4 =	simm.s32 $0x1BF5;
	[smem:$0x3FAA] =	sst s0  }
0x18: {  	s0 =	sld [smem:$0x3F8D];
	_ =	swait.ge [sflag:s4], $0x0  }
0x19: {  	s7 =	sld [smem:$0x3F8E]  }
0x1a: {  	s8 =	sadd.s32 $0xFFFFE003, lr  }
0x1b: {  	s9 =	sadd.s32 $0xFFFFFEF7, lr;
	s5 =	simm.s32 $0xFFFFFFFF;
	p2 =	slt.u32 s8, $0xFFFFF086  }
0x1c: {  	p1 =	slt.u32 s9, $0xF7A;
	s5 =	simm.s32 @!p2 $0x0  }
0x1d: {  	s5 =	simm.s32 @p1 $0x1;
	p0 =	seq.s32 s7, s2  }
0x1e: {  	s7 =	smul.u32 @!p0 $0xF7A, s2;
	p2 =	seq.s32 @!p0 s5, $0x0  }
0x1f: {  	s9 =	smul.u32 $0xF7A, s1;
	s8 =	simm.s32 @!p0 $0x1BF5;
	p2 =	por !p2, p0  }
0x20: {  	[sflag:s8] =	ssyncset.s32 @!p0 $0xFFFFF086;
	s6 =	sadd.s32 @!p0 s3, s7;
	s7 =	simm.s32 @!p0 $0x108  }
0x21: {  	s3 =	sadd.s32 s3, s9;
	s6 =	sadd.s32 @!p0 $0x88, s6;
	s7 =	simm.s32 @p2 $0x1082  }
0x22: {  	[simem:s7], [sflag:s8] =	dma.local @!p0 [hbm:s6], $0xF7A  }
0x23: {  	s9 =	sor.u32 $0xD0000000, s2;
	s6 =	simm.s32 $0x108;
	_ =	swait.ge @!p0 [sflag:s8], $0x0  }
0x24: {  	s3 =	sadd.s32 $0x88, s3;
	s6 =	simm.s32 @!p1 $0x1082;
	[sflag:s4] =	ssyncset.s32 $0xFFFFF086  }
0x25: {  	[simem:s6], [sflag:s4] =	dma.local [hbm:s3], $0xF7A  }
0x26: {  	[smem:$0x3F8E] =	sst s1;
	(tag) =	ssettag s2;
	_ =	strace s9  }
0x27: {  	s1 =	sld [smem:$0x3F9E]  }
0x28: {  	s2 =	sld [smem:$0x3F9F]  }
0x29: {  	s4 =	sld [smem:$0x3FA1]  }
0x2a: {  	p0 =	seq.s32 s5, $0x0;
	s5 =	sld [smem:$0x3FA2]  }
0x2b: {  	s6 =	sld [smem:$0x3FA3]  }
0x2c: {  	s7 =	sld [smem:$0x3FA4]  }
0x2d: {  	s3 =	simm.s32 $0x108;
	s8 =	sld [smem:$0x3FA5]  }
0x2e: {  	s3 =	simm.s32 @!p0 $0x1082;
	s9 =	sld [smem:$0x3FA6]  }
0x2f: {  	lr =	sadd.s32 s0, s3;
	s0 =	sld [smem:$0x3F9D]  }
0x30: {  	s3 =	sld [smem:$0x3FA0]  }
0x31: {  	[smem:$0x3FA9] =	sst s10  }
0x32: {  	s10 =	sld [smem:$0x3FA7];
	_ =	sdelay $0x3  }
0x33: {  	p0 =	seq.s32 s10, $0x1;
	s10 =	sld [smem:$0x3FA9];
	_ =	sdelay $0x3  }
0x34: {  	[smem:$0x3FA9] =	sst s10  }
0x35: {  	s10 =	sld [smem:$0x3FA8];
	_ =	sdelay $0x3  }
0x36: {  	p1 =	seq.s32 s10, $0x1;
	s10 =	sld [smem:$0x3FA9];
	_ =	sdelay $0x3  }
0x37: {  	[smem:$0x3FA9] =	sst s10  }
0x38: {  	s10 =	sld [smem:$0x3FAA]  }
0x39: {  	_ = 	snop;
	(pc) =	sbr.ind lr, $3  }
0x3a: {  	_ = 	snop  }
0x3b: {  	_ = 	snop  }
0x3c: {  	p2 =	seq.s32 s10, $0x1;
	s10 =	sld [smem:$0x3FA9]  }
0x3d: {  	_ =	shalt  }
0x3e: {  	_ =	shalt  }
0x3f: {  	_ =	shalt  }
0x40: {  	_ =	shalt  }
0x41: {  	_ =	shalt  }
0x42: {  	_ =	shalt  }
0x43: {  	_ =	shalt  }
0x44: {  	_ =	shalt  }
0x45: {  	_ =	shalt  }
0x46: {  	_ =	shalt  }
0x47: {  	_ =	shalt  }
0x48: {  	_ =	shalt  }
0x49: {  	_ =	shalt  }
0x4a: {  	_ =	shalt  }
0x4b: {  	_ =	shalt  }
0x4c: {  	_ =	shalt  }
0x4d: {  	_ =	shalt  }
0x4e: {  	_ =	shalt  }
0x4f: {  	_ =	shalt  }
0x50: {  	_ =	shalt  }
0x51: {  	_ =	shalt  }
0x52: {  	_ =	shalt  }
0x53: {  	_ =	shalt  }
0x54: {  	_ =	shalt  }
0x55: {  	_ =	shalt  }
0x56: {  	_ =	shalt  }
0x57: {  	_ =	shalt  }
0x58: {  	_ =	shalt  }
0x59: {  	_ =	shalt  }
0x5a: {  	_ =	shalt  }
0x5b: {  	_ =	shalt  }
0x5c: {  	_ =	shalt  }
0x5d: {  	_ =	shalt  }
0x5e: {  	_ =	shalt  }
0x5f: {  	_ =	shalt  }
0x60: {  	_ =	shalt  }
0x61: {  	_ =	shalt  }
0x62: {  	_ =	shalt  }
0x63: {  	_ =	shalt  }
0x64: {  	_ =	shalt  }
0x65: {  	_ =	shalt  }
0x66: {  	_ =	shalt  }
0x67: {  	_ =	shalt  }
0x68: {  	_ =	shalt  }
0x69: {  	_ =	shalt  }
0x6a: {  	_ =	shalt  }
0x6b: {  	_ =	shalt  }
0x6c: {  	_ =	shalt  }
0x6d: {  	_ =	shalt  }
0x6e: {  	_ =	shalt  }
0x6f: {  	_ =	shalt  }
0x70: {  	_ =	shalt  }
0x71: {  	_ =	shalt  }
0x72: {  	_ =	shalt  }
0x73: {  	_ =	shalt  }
0x74: {  	_ =	shalt  }
0x75: {  	_ =	shalt  }
0x76: {  	_ =	shalt  }
0x77: {  	_ =	shalt  }
0x78: {  	_ =	shalt  }
0x79: {  	_ =	shalt  }
0x7a: {  	_ =	shalt  }
0x7b: {  	_ =	shalt  }
0x7c: {  	_ =	shalt  }
0x7d: {  	_ =	shalt  }
0x7e: {  	_ =	shalt  }
0x7f: {  	_ =	shalt  }
0x80: {  	_ =	shalt  }
0x81: {  	_ =	shalt  }
0x82: {  	_ =	shalt  }
0x83: {  	_ =	shalt  }
0x84: {  	_ =	shalt  }
0x85: {  	_ =	shalt  }
0x86: {  	_ =	shalt  }
0x87: {  	_ =	shalt  }
.Lfunc_end0:
.L_simem_size_0:
called_computation.1_lowered:
.L_overlay_start_0:
0x88: {  	s2 =	sld [smem:$0x3FD9]  }
0x89: {  	s3 =	sld [smem:$0x3FFE];
	_ =	sdelay $0x1  }
0x8a: {  	s1 =	srdreg.scid  }
0x8b: {  	s0 =	sand.u32 $0x1, s1  }
0x8c: {  	s17 =	sshll.u32 s0, $0xA;
	s2 =	sadd.s32 s3, s2  }
0x8d: {  	s2 =	sadd.s32 s2, s17  }
0x8e: {  	[smem:$0x3FB5] =	sst s2  }
0x8f: {  	_ = 	snop  }
0x90: {  	s2 =	sld [smem:$0x3FD0];
	(tm) =	ssettm $0x1  }
0x91: {  	s18 =	sld [smem:$0x3FFB];
	_ =	sdelay $0x3  }
0x92: {  	_ =	strace s18  }
0x93: {  	s3 =	sld [smem:$0x3FFC];
	_ =	sdelay $0x3  }
0x94: {  	_ =	strace s3  }
0x95: {  	s3 =	sld [smem:$0x3FFD];
	_ =	sdelay $0x3  }
0x96: {  	_ =	strace s3  }
0x97: {  	_ =	strace $0x8FFFFFFF  }
0x98: {  	s19 =	sld [smem:$0x3FDB];
	_ =	sdelay $0x1  }
0x99: {  	s4 =	simm.s32 $_scs_section_size  }
0x9a: {  	s5 =	simm.s32 $_size__tile_overlayer_lowered;
	s6 =	simm.s32 $_tile_overlayer_lowered  }
0x9b: {  	s22 =	simm.s32 $0x1BFF;
	s21 =	sshll.u32 s6, $0x1;
	s3 =	sadd.s32 s4, s19  }
0x9c: {  	s7 =	simm.s32 $0x0;
	s20 =	sshll.u32 s5, $0x1;
	s5 =	sadd.s32 s21, s3  }
0x9d: {  	[timem:s7], [sflag:s22] =	dma.local [hbm:s5], s20  }
0x9e: {  	_ =	swait.ge [sflag:s22], s20  }
0x9f: {  	s4 =	ssub.s32 $0x0, s20;
	[sflag:s22] =	ssyncset.done $0x0  }
0xa0: {  	[sflag:s22] =	ssyncadd.s32 s4;
	_ =	sdelay $0x1  }
0xa1: {  	s23 =	simm.s32 $0x1B8B  }
0xa2: {  	_ =	swait.ge [sflag:s23], $0x1  }
0xa3: {  	[sflag:s23] =	ssyncset.done $0x0  }
0xa4: {  	s25 =	simm.s32 $0x1B8E;
	s24 =	sld [smem:$0x3FFE];
	[sflag:s23] =	ssyncadd.s32 $0xFFFFFFFF  }
0xa5: {  	s26 =	simm.s32 $execute0_lowered;
	[smem:$0x3FD2] =	sst s25  }
0xa6: {  	s5 =	sshll.u32 s26, $0x1;
	_ =	strace $0x80000049;
	[dreg:$0x1] =	wrdreg $0xFFFFFFFF  }
0xa7: {  	s28 =	simm.s32 $_size_execute0_lowered;
	s3 =	sadd.s32 s3, s5;
	[dreg:$0x0] =	wrdreg $0x0  }
0xa8: {  	s5 =	sshll.u32 s28, $0x1;
	[dreg:$0x2] =	wrdreg s3  }
0xa9: {  	[dreg:$0x3] =	wrdreg s5  }
0xaa: {  	[dreg:$0x4] =	wrdreg $0xC0  }
0xab: {  	_ =	task [dreg:s7], $0x5FFFF  }
0xac: {  	[dreg:$0x1] =	wrdreg $0xFFFFFFFF  }
0xad: {  	[dreg:$0x0] =	wrdreg $0x60  }
0xae: {  	[dreg:$0x2] =	wrdreg s24  }
0xaf: {  	[dreg:$0x3] =	wrdreg s2  }
0xb0: {  	[dreg:$0x4] =	wrdreg $0xBD800  }
0xb1: {  	[dreg:$0x5] =	wrdreg $0xBB000  }
0xb2: {  	[dreg:$0x6] =	wrdreg $0x9  }
0xb3: {  	_ =	task.clear_ibuf [dreg:s7], $0x7FFFF;
	_ =	strace $0x90000049  }
0xb4: {  	s29 =	simm.s32 $0x9;
	_ =	strace $0x8000004B  }
0xb5: {  	_ =	swait.ge [sflag:s29], $0x1  }
0xb6: {  	[sflag:s29] =	ssyncadd.s32 $0xFFFFFFFF  }
0xb7: {  	_ =	strace $0x9000004B  }
0xb8: {  	_ =	sfence  }
0xb9: {  	s30 =	sld [smem:$0x0];
	_ =	sdelay $0x2  }
0xba: {  	s31 =	sshll.u32 s1, $0xD;
	s1 =	sshrl.u32 s1, $0x2  }
0xbb: {  	s3 =	sand.u32 $0x4000, s31;
	s1 =	sadd.s32 s1, s30  }
0xbc: {  	s0 =	sor.u32 s3, s0;
	s1 =	sshll.u32 s1, $0x11  }
0xbd: {  	s0 =	sor.u32 s1, s0  }
0xbe: {  	s0 =	sadd.s32 $0x8F2B, s0  }
0xbf: {  	[sflag:s0] =	ssyncadd.remote.s32 $0x1  }
0xc0: {  	_ =	sfence.sel $0xFFFF  }
0xc1: {  	[dreg:$0x0] =	wrdreg $0xFFFFFFFF;
	(pc) =	sbr.abs _section_cstart, $3  }
0xc2: {  	[dreg:$0x1] =	wrdreg $0xFFFFFFFF  }
0xc3: {  	_ =	task.clear_ibuf [dreg:s7], $0x2FFFF;
	_ =	strace $0x9FFFFFFF  }
0xc4: {  	(tm) =	ssettm $0x7FFFFFFF  }
0xc5: {  	_ =	shalt  }
tec
execute0_lowered:
.L_overlay_start_1:
0x0: {  	(tag) =	ssettag $0x1  }
0x1: {  	s0 =	rddreg [dreg:$0x0]  }
0x2: {  	s2 =	rddreg [dreg:$0x2]  }
0x3: {  	s3 =	rddreg [dreg:$0x3];
	s4 =	simm.s32 $0x0  }
0x4: {  	s1 =	srdreg.scid;
	s14 =	stileid.u32;
	s28 =	simm.s32 $0x2  }
0x5: {  	s30 =	simm.s32 $0x7800;
	s31 =	simm.s32 $0x7900;
	s29 =	simm.s32 $0xBA00  }
0x6: {  	[smem:$0x7FF] =	sst s4;
	s1 =	sand.u32 $0x1, s1;
	s6 =	sadd.s32 $0x19000, s0  }
0x7: {  	s7 =	sadd.s32 $0x41000, s0;
	s24 =	smul.u32 $0x14000, s14;
	s8 =	sadd.s32 $0x41600, s0  }
0x8: {  	s9 =	sadd.s32 $0x4C00, s0;
	s10 =	sadd.s32 $0xEE00, s0;
	s26 =	smul.u32 $0x50000, s14  }
0x9: {  	s13 =	smul.u32 $0x280, s14;
	_ =	strace $0x8000004A;
	[dreg:$0x5] =	wrdreg s7  }
0xa: {  	s5 =	smul.u32 $0x140000, s1;
	[dreg:$0x6] =	wrdreg s8;
	s25 =	ssub.s32 $0x2, s1  }
0xb: {  	s1 =	smul.u32 $0x2880, s1;
	s11 =	sshrl.u32 s25, $0x1;
	s12 =	sshrl.u32 s26, $0x2  }
0xc: {  	s15 =	sadd.s32 s13, s3;
	s16 =	sadd.s32 $0x80, s13;
	s18 =	sadd.s32 $0x100, s13  }
0xd: {  	s20 =	sadd.s32 $0x180, s13;
	s23 =	sadd.s32 $0x200, s13;
	s26 =	smul.u32 $0xA20, s14  }
0xe: {  	s13 =	simm.s32 $0x0;
	s5 =	sadd.s32 s24, s5;
	[dreg:$0x7] =	wrdreg s15  }
0xf: {  	s12 =	sadd.s32 s12, s2;
	s17 =	sadd.s32 s16, s3;
	s7 =	sshll.u32 s16, $0x7  }
0x10: {  	s19 =	sshll.u32 s18, $0x7;
	s8 =	sadd.s32 s18, s3;
	s21 =	sadd.s32 s20, s3  }
0x11: {  	s22 =	sshll.u32 s20, $0x7;
	s24 =	smul.u32 $0x5100, s14;
	[dreg:$0x8] =	wrdreg s17  }
0x12: {  	s5 =	sshrl.u32 s5, $0x3;
	s7 =	sadd.s32 s7, s2;
	[dreg:$0xa] =	wrdreg s8  }
0x13: {  	[dreg:$0xc] =	wrdreg s21;
	s8 =	sadd.s32 s23, s3;
	s0 =	sadd.s32 s5, s0  }
0x14: {  	s5 =	ssub.s32 s25, s11;
	[dreg:$0x9] =	wrdreg s7;
	s7 =	sadd.s32 s19, s2  }
0x15: {  	s25 =	sshll.u32 s23, $0x7;
	[dreg:$0xe] =	wrdreg s8;
	s21 =	sadd.s32 s1, s24  }
0x16: {  	s24 =	sadd.s32 s26, s10;
	s1 =	simm.s32 $0x80;
	s8 =	simm.s32 $0x7980  }
0x17: {  	s11 =	simm.s32 $0x1;
	[dreg:$0xb] =	wrdreg s7;
	s7 =	sadd.s32 s22, s2  }
0x18: {  	s20 =	sadd.s32 s25, s2;
	s22 =	sadd.s32 $0x41C00, s0;
	s23 =	smax.u32 s5, $0x1  }
0x19: {  	s25 =	sadd.s32 s26, s9;
	s26 =	simm.s32 $0x7A00;
	s0 =	simm.s32 $0x2800  }
0x1a: {  	v0 =	vimm.f32 $0.0e+00;
	s5 =	simm.s32 $0x5000;
	[dreg:$0xd] =	wrdreg s7;
	s7 =	simm.s32 $0x7880  }
.LBB2_1:
0x1b: {  	s14 =	rddreg [dreg:$0x5]  }
0x1c: {  	[tilespmem:s26], [sflag:$0x2] =	stream.linear.gather [hbm4b:s14+s4], $0x2800, $0x38;
	[tilespmem:$0x1FD80] =	vst v63  }
0x1d: {  	_ =	swait.ge [sflag:s28], $0x2800  }
0x1e: {  	[sflag:s28] =	ssyncset.done $0x0  }
0x1f: {  	s14 =	simm.s32 $0x0;
	[sflag:s28] =	ssyncadd.s32 $0xFFFFD800  }
0x20: {  	v4 =	vld [tilespmem:s14+$0x7A70]  }
0x21: {  	v5 =	vld [tilespmem:s14+$0x7A00]  }
0x22: {  	v6 =	vld [tilespmem:s14+$0x7A10]  }
0x23: {  	v3 =	vld [tilespmem:s14+$0x7A20]  }
0x24: {  	v1 =	vld [tilespmem:s14+$0x7A30]  }
0x25: {  	v2 =	vld [tilespmem:s14+$0x7A40];
	[tilespmem:s14+$0x70] =	vst v4  }
0x26: {  	[tilespmem:s14+$0x0] =	vst v5;
	v4 =	vld [tilespmem:s14+$0x7A50]  }
0x27: {  	s15 =	simm.s32 $0x80;
	s16 =	simm.s32 $0x400;
	[tilespmem:s14+$0x10] =	vst v6;
	v5 =	vld [tilespmem:s14+$0x7A60]  }
.LBB2_2:
0x28: {  	p0 =	sne.s32 s16, $0x9E00;
	v6 =	vld [tilespmem:s15+$0x7A70];
	[tilespmem:s14+$0x20] =	vst v3  }
0x29: {  	v7 =	vld [tilespmem:s15+$0x7A00];
	[tilespmem:s14+$0x30] =	vst v1  }
0x2a: {  	v8 =	vld [tilespmem:s15+$0x7A10];
	[tilespmem:s14+$0x40] =	vst v2  }
.Ltmp0:
0x2b: {  	v3 =	vld [tilespmem:s15+$0x7A20];
	[tilespmem:s14+$0x50] =	vst v4;
	(pc) =	sbr.rel @p0 .LBB2_2-.Ltmp0, $4  }
0x2c: {  	v1 =	vld [tilespmem:s15+$0x7A30];
	[tilespmem:s14+$0x60] =	vst v5;
	s14 =	smov.u32 s15  }
0x2d: {  	v2 =	vld [tilespmem:s14+$0x7A40];
	[tilespmem:s14+$0x70] =	vst v6  }
0x2e: {  	[tilespmem:s14+$0x0] =	vst v7;
	v4 =	vld [tilespmem:s14+$0x7A50]  }
0x2f: {  	s15 =	sshra.s32 s16, $0x2;
	s16 =	sadd.s32 $0x200, s16;
	[tilespmem:s14+$0x10] =	vst v8;
	v5 =	vld [tilespmem:s14+$0x7A60]  }
0x30: {  	v6 =	vld [tilespmem:s15+$0x7A70];
	[tilespmem:s14+$0x20] =	vst v3  }
0x31: {  	v3 =	vld [tilespmem:s15+$0x7A00];
	[tilespmem:s14+$0x30] =	vst v1  }
0x32: {  	v1 =	vld [tilespmem:s15+$0x7A10];
	[tilespmem:s14+$0x40] =	vst v2  }
0x33: {  	v2 =	vld [tilespmem:s15+$0x7A20];
	[tilespmem:s14+$0x50] =	vst v4  }
0x34: {  	v4 =	vld [tilespmem:s15+$0x7A30];
	[tilespmem:s14+$0x60] =	vst v5  }
0x35: {  	v5 =	vld [tilespmem:s15+$0x7A40];
	[tilespmem:s15+$0x70] =	vst v6  }
0x36: {  	[tilespmem:s15+$0x0] =	vst v3;
	v3 =	vld [tilespmem:s15+$0x7A50]  }
0x37: {  	[tilespmem:s15+$0x10] =	vst v1;
	v1 =	vld [tilespmem:s15+$0x7A60]  }
0x38: {  	[tilespmem:s15+$0x20] =	vst v2  }
0x39: {  	[tilespmem:s15+$0x30] =	vst v4  }
0x3a: {  	[tilespmem:s15+$0x40] =	vst v5  }
0x3b: {  	[tilespmem:s15+$0x50] =	vst v3  }
0x3c: {  	s18 =	simm.s32 $0x0;
	s19 =	rddreg [dreg:$0x6];
	[tilespmem:s15+$0x60] =	vst v1  }
0x3d: {  	[tilespmem:s26], [sflag:$0x2] =	stream.linear.gather [hbm4b:s19+s18], $0x2800, $0x38;
	[tilespmem:$0x1FD80] =	vst v63  }
0x3e: {  	_ =	swait.ge [sflag:s28], $0x2800  }
0x3f: {  	[sflag:s28] =	ssyncset.done $0x0  }
0x40: {  	s14 =	simm.s32 $0x0;
	[sflag:s28] =	ssyncadd.s32 $0xFFFFD800  }
0x41: {  	v4 =	vld [tilespmem:s14+$0x7A70]  }
0x42: {  	v5 =	vld [tilespmem:s14+$0x7A00]  }
0x43: {  	v6 =	vld [tilespmem:s14+$0x7A10]  }
0x44: {  	v3 =	vld [tilespmem:s14+$0x7A20]  }
0x45: {  	v1 =	vld [tilespmem:s14+$0x7A30]  }
0x46: {  	v2 =	vld [tilespmem:s14+$0x7A40];
	[tilespmem:s14+$0x2870] =	vst v4  }
0x47: {  	[tilespmem:s14+$0x2800] =	vst v5;
	v4 =	vld [tilespmem:s14+$0x7A50]  }
0x48: {  	s16 =	simm.s32 $0x400;
	s15 =	simm.s32 $0x80;
	[tilespmem:s14+$0x2810] =	vst v6;
	v5 =	vld [tilespmem:s14+$0x7A60]  }
.LBB2_4:
0x49: {  	p0 =	sne.s32 s16, $0x9E00;
	v6 =	vld [tilespmem:s15+$0x7A70];
	[tilespmem:s14+$0x2820] =	vst v3  }
0x4a: {  	v7 =	vld [tilespmem:s15+$0x7A00];
	[tilespmem:s14+$0x2830] =	vst v1  }
0x4b: {  	v8 =	vld [tilespmem:s15+$0x7A10];
	[tilespmem:s14+$0x2840] =	vst v2  }
.Ltmp1:
0x4c: {  	v3 =	vld [tilespmem:s15+$0x7A20];
	[tilespmem:s14+$0x2850] =	vst v4;
	(pc) =	sbr.rel @p0 .LBB2_4-.Ltmp1, $4  }
0x4d: {  	v1 =	vld [tilespmem:s15+$0x7A30];
	[tilespmem:s14+$0x2860] =	vst v5;
	s14 =	smov.u32 s15  }
0x4e: {  	v2 =	vld [tilespmem:s14+$0x7A40];
	[tilespmem:s14+$0x2870] =	vst v6  }
0x4f: {  	[tilespmem:s14+$0x2800] =	vst v7;
	v4 =	vld [tilespmem:s14+$0x7A50]  }
0x50: {  	s15 =	sshra.s32 s16, $0x2;
	s16 =	sadd.s32 $0x200, s16;
	[tilespmem:s14+$0x2810] =	vst v8;
	v5 =	vld [tilespmem:s14+$0x7A60]  }
0x51: {  	v6 =	vld [tilespmem:s15+$0x7A70];
	[tilespmem:s14+$0x2820] =	vst v3  }
0x52: {  	v3 =	vld [tilespmem:s15+$0x7A00];
	[tilespmem:s14+$0x2830] =	vst v1  }
0x53: {  	v1 =	vld [tilespmem:s15+$0x7A10];
	[tilespmem:s14+$0x2840] =	vst v2  }
0x54: {  	v2 =	vld [tilespmem:s15+$0x7A20];
	[tilespmem:s14+$0x2850] =	vst v4  }
0x55: {  	v4 =	vld [tilespmem:s15+$0x7A30];
	[tilespmem:s14+$0x2860] =	vst v5  }
0x56: {  	v5 =	vld [tilespmem:s15+$0x7A40];
	[tilespmem:s15+$0x2870] =	vst v6  }
0x57: {  	[tilespmem:s15+$0x2800] =	vst v3;
	v3 =	vld [tilespmem:s15+$0x7A50]  }
0x58: {  	[tilespmem:s15+$0x2810] =	vst v1;
	v1 =	vld [tilespmem:s15+$0x7A60]  }
0x59: {  	[tilespmem:s15+$0x2820] =	vst v2  }
0x5a: {  	[tilespmem:s15+$0x2830] =	vst v4  }
0x5b: {  	[tilespmem:s15+$0x2840] =	vst v5  }
0x5c: {  	[tilespmem:s15+$0x2850] =	vst v3  }
0x5d: {  	s18 =	simm.s32 $0x0;
	s19 =	rddreg [dreg:$0x1];
	s16 =	simm.s32 $0xBA80;
	[tilespmem:s15+$0x2860] =	vst v1  }
0x5e: {  	[tilespmem:s16], [sflag:$0x2] =	stream.linear.gather [hbm4b:s19+s18], $0x80, $0x38;
	[tilespmem:$0x1FD80] =	vst v63  }
0x5f: {  	_ =	swait.ge [sflag:s28], $0x80  }
0x60: {  	[sflag:s28] =	ssyncset.done $0x0  }
0x61: {  	[sflag:s28] =	ssyncadd.s32 $0xFFFFFF80  }
0x62: {  	s14 =	simm.s32 $0x40;
	s15 =	simm.s32 $0x0;
	v1 =	vld [tilespmem:$0xBA80]  }
.LBB2_6:
0x63: {  	p0 =	sne.s32 s14, $0xFFC0;
	[tilespmem:s15+$0x7A00] =	vst v0;
	s15 =	smov.u32 s14;
	s14 =	sadd.s32 $0x40, s14  }
.Ltmp2:
0x64: {  	(pc) =	sbr.rel @p0 .LBB2_6-.Ltmp2, $2  }
0x65: {  	_ =	sdelay $0x2  }
0x66: {  	s15 =	sshra.s32 s15, $0x2  }
0x67: {  	[tilespmem:s15+$0x7A00] =	vst v0;
	s14 =	rddreg [dreg:$0x7]  }
0x68: {  	[spmem:s14] =	stream.linear.scatter [tilespmem:s26], [sflag:$0x2], $0x80, $0x38;
	[tilespmem:$0x1FD80] =	vst v63  }
0x69: {  	_ =	swait.ge [sflag:s28], $0x80  }
0x6a: {  	[sflag:s28] =	ssyncset.done $0x0  }
0x6b: {  	[sflag:s28] =	ssyncadd.s32 $0xFFFFFF80  }
0x6c: {  	[spmem:s12] =	stream.linear.scatter [tilespmem:s26], [sflag:$0x2], $0x4000, $0x38;
	[tilespmem:$0x1FD80] =	vst v63  }
0x6d: {  	_ =	swait.ge [sflag:s28], $0x4000  }
0x6e: {  	[sflag:s28] =	ssyncset.done $0x0  }
0x6f: {  	s16 =	rddreg [dreg:$0x8];
	[sflag:s28] =	ssyncadd.s32 $0xFFFFC000  }
0x70: {  	[spmem:s16] =	stream.linear.scatter [tilespmem:s26], [sflag:$0x2], $0x80, $0x38;
	[tilespmem:$0x1FD80] =	vst v63  }
0x71: {  	_ =	swait.ge [sflag:s28], $0x80  }
0x72: {  	[sflag:s28] =	ssyncset.done $0x0  }
0x73: {  	s17 =	rddreg [dreg:$0x9];
	[sflag:s28] =	ssyncadd.s32 $0xFFFFFF80  }
0x74: {  	[spmem:s17] =	stream.linear.scatter [tilespmem:s26], [sflag:$0x2], $0x4000, $0x38;
	[tilespmem:$0x1FD80] =	vst v63  }
0x75: {  	_ =	swait.ge [sflag:s28], $0x4000  }
0x76: {  	[sflag:s28] =	ssyncset.done $0x0  }
0x77: {  	s18 =	rddreg [dreg:$0xa];
	[sflag:s28] =	ssyncadd.s32 $0xFFFFC000  }
0x78: {  	[spmem:s18] =	stream.linear.scatter [tilespmem:s26], [sflag:$0x2], $0x80, $0x38;
	[tilespmem:$0x1FD80] =	vst v63  }
0x79: {  	_ =	swait.ge [sflag:s28], $0x80  }
0x7a: {  	[sflag:s28] =	ssyncset.done $0x0  }
0x7b: {  	s19 =	rddreg [dreg:$0xb];
	[sflag:s28] =	ssyncadd.s32 $0xFFFFFF80  }
0x7c: {  	[spmem:s19] =	stream.linear.scatter [tilespmem:s26], [sflag:$0x2], $0x4000, $0x38;
	[tilespmem:$0x1FD80] =	vst v63  }
0x7d: {  	_ =	swait.ge [sflag:s28], $0x4000  }
0x7e: {  	[sflag:s28] =	ssyncset.done $0x0  }
0x7f: {  	s15 =	rddreg [dreg:$0xc];
	[sflag:s28] =	ssyncadd.s32 $0xFFFFC000  }
0x80: {  	[spmem:s15] =	stream.linear.scatter [tilespmem:s26], [sflag:$0x2], $0x80, $0x38;
	[tilespmem:$0x1FD80] =	vst v63  }
0x81: {  	_ =	swait.ge [sflag:s28], $0x80  }
0x82: {  	[sflag:s28] =	ssyncset.done $0x0  }
0x83: {  	s16 =	rddreg [dreg:$0xd];
	[sflag:s28] =	ssyncadd.s32 $0xFFFFFF80  }
0x84: {  	[spmem:s16] =	stream.linear.scatter [tilespmem:s26], [sflag:$0x2], $0x4000, $0x38;
	[tilespmem:$0x1FD80] =	vst v63  }
0x85: {  	_ =	swait.ge [sflag:s28], $0x4000  }
0x86: {  	[sflag:s28] =	ssyncset.done $0x0  }
0x87: {  	s17 =	rddreg [dreg:$0xe];
	[sflag:s28] =	ssyncadd.s32 $0xFFFFC000  }
0x88: {  	[spmem:s17] =	stream.linear.scatter [tilespmem:s26], [sflag:$0x2], $0x80, $0x38;
	[tilespmem:$0x1FD80] =	vst v63  }
0x89: {  	_ =	swait.ge [sflag:s28], $0x80  }
0x8a: {  	[sflag:s28] =	ssyncset.done $0x0  }
0x8b: {  	[sflag:s28] =	ssyncadd.s32 $0xFFFFFF80  }
0x8c: {  	[spmem:s20] =	stream.linear.scatter [tilespmem:s26], [sflag:$0x2], $0x4000, $0x38;
	[tilespmem:$0x1FD80] =	vst v63  }
0x8d: {  	_ =	swait.ge [sflag:s28], $0x4000  }
0x8e: {  	[sflag:s28] =	ssyncset.done $0x0  }
0x8f: {  	[sflag:s28] =	ssyncadd.s32 $0xFFFFC000  }
0x90: {  	s18 =	sadd.s32 $0x0, s25;
	[bflag:$0x0] =	sbarrier.arrive $0xFFFF  }
0x91: {  	[tilespmem:s30], [sflag:$0x2] =	stream.linear.gather [hbm4b:s18+s4], $0x80, $0x38;
	[tilespmem:$0x1FD80] =	vst v63  }
0x92: {  	_ =	swait.ge [sflag:s28], $0x80  }
0x93: {  	[sflag:s28] =	ssyncset.done $0x0  }
0x94: {  	s19 =	sadd.s32 $0x0, s24;
	[sflag:s28] =	ssyncadd.s32 $0xFFFFFF80  }
0x95: {  	[tilespmem:s31], [sflag:$0x2] =	stream.linear.gather [hbm4b:s19+s4], $0x80, $0x38;
	[tilespmem:$0x1FD80] =	vst v63  }
0x96: {  	_ =	swait.ge [sflag:s28], $0x80  }
0x97: {  	[sflag:s28] =	ssyncset.done $0x0  }
0x98: {  	[sflag:s28] =	ssyncadd.s32 $0xFFFFFF80  }
0x99: {  	v2 =	vld [tilespmem:$0x7800]  }
0x9a: {  	v3 =	vld [tilespmem:$0x7900];
	_ =	sdelay $0x6  }
0x9b: {  	v2 =	vld.idx.msk [tilespmem:v2+s4+$0x0], $0xffff  }
0x9c: {  	v3 =	vld.idx.msk [tilespmem:v3+s0+$0x0], $0xffff;
	_ =	sdelay $0x4  }
0x9d: {  	v2 =	vadd.f32 v3, v2;
	v3 =	vadd.f32 v3, v1;
	_ =	sdelay $0x1  }
0x9e: {  	v4 =	vmul.f32 $2.000000030e-01, v2;
	v5 =	vmul.f32 $2.000000030e-01, v3  }
0x9f: {  	vm0 =	vgt.f32 v2, $0.0e+00;
	vm1 =	vgt.f32 v3, $0.0e+00  }
0xa0: {  	v2 =	vsel vm0, v2, v4;
	v3 =	vsel vm1, v3, v5  }
0xa1: {  	v2 =	vsub.f32 v2, v3;
	_ =	sdelay $0x1  }
0xa2: {  	v2 =	vmul.f32 $1.442695020e+00, v2;
	_ =	sdelay $0x1  }
0xa3: {  	(erf) = vpow2.f32 v2;
	_ =	sdelay $0x2  }
0xa4: {  	v2 =	vld [tilespmem:$0x7810]  }
0xa5: {  	v3 =	vld [tilespmem:$0x7910];
	_ =	sdelay $0x4  }
0xa6: {  	v43 =	vpop (erf)  }
0xa7: {  	[tilespmem:$0xBA00] =	vst v43  }
0xa8: {  	v2 =	vld.idx.msk [tilespmem:v2+s4+$0x0], $0xffff  }
0xa9: {  	v3 =	vld.idx.msk [tilespmem:v3+s0+$0x0], $0xffff;
	_ =	sdelay $0x4  }
0xaa: {  	v2 =	vadd.f32 v3, v2;
	v3 =	vadd.f32 v3, v1;
	_ =	sdelay $0x1  }
0xab: {  	v44 =	vmul.f32 $2.000000030e-01, v2;
	v45 =	vmul.f32 $2.000000030e-01, v3  }
0xac: {  	vm14 =	vgt.f32 v2, $0.0e+00;
	vm15 =	vgt.f32 v3, $0.0e+00  }
0xad: {  	v2 =	vsel vm14, v2, v44;
	v3 =	vsel vm15, v3, v45  }
0xae: {  	v2 =	vsub.f32 v2, v3;
	_ =	sdelay $0x1  }
0xaf: {  	v2 =	vmul.f32 $1.442695020e+00, v2;
	_ =	sdelay $0x1  }
0xb0: {  	(erf) = vpow2.f32 v2;
	_ =	sdelay $0x2  }
0xb1: {  	v2 =	vld [tilespmem:$0x7820]  }
0xb2: {  	v3 =	vld [tilespmem:$0x7920];
	_ =	sdelay $0x4  }
0xb3: {  	v46 =	vpop (erf)  }
0xb4: {  	[tilespmem:$0xBA10] =	vst v46  }
0xb5: {  	v2 =	vld.idx.msk [tilespmem:v2+s4+$0x0], $0xffff  }
0xb6: {  	v3 =	vld.idx.msk [tilespmem:v3+s0+$0x0], $0xffff;
	_ =	sdelay $0x4  }
0xb7: {  	v2 =	vadd.f32 v3, v2;
	v3 =	vadd.f32 v3, v1;
	_ =	sdelay $0x1  }
0xb8: {  	v47 =	vmul.f32 $2.000000030e-01, v2;
	v48 =	vmul.f32 $2.000000030e-01, v3  }
0xb9: {  	vm4 =	vgt.f32 v2, $0.0e+00;
	vm5 =	vgt.f32 v3, $0.0e+00  }
0xba: {  	v2 =	vsel vm4, v2, v47;
	v3 =	vsel vm5, v3, v48  }
0xbb: {  	v2 =	vsub.f32 v2, v3;
	_ =	sdelay $0x1  }
0xbc: {  	v2 =	vmul.f32 $1.442695020e+00, v2;
	_ =	sdelay $0x1  }
0xbd: {  	(erf) = vpow2.f32 v2;
	_ =	sdelay $0x2  }
0xbe: {  	v2 =	vld [tilespmem:$0x7830]  }
0xbf: {  	v3 =	vld [tilespmem:$0x7930];
	_ =	sdelay $0x4  }
0xc0: {  	v49 =	vpop (erf)  }
0xc1: {  	[tilespmem:$0xBA20] =	vst v49  }
0xc2: {  	v2 =	vld.idx.msk [tilespmem:v2+s4+$0x0], $0xffff  }
0xc3: {  	v3 =	vld.idx.msk [tilespmem:v3+s0+$0x0], $0xffff;
	_ =	sdelay $0x4  }
0xc4: {  	v2 =	vadd.f32 v3, v2;
	v3 =	vadd.f32 v3, v1;
	_ =	sdelay $0x1  }
0xc5: {  	v50 =	vmul.f32 $2.000000030e-01, v2;
	v51 =	vmul.f32 $2.000000030e-01, v3  }
0xc6: {  	vm6 =	vgt.f32 v2, $0.0e+00;
	vm7 =	vgt.f32 v3, $0.0e+00  }
0xc7: {  	v2 =	vsel vm6, v2, v50;
	v3 =	vsel vm7, v3, v51  }
0xc8: {  	v2 =	vsub.f32 v2, v3;
	_ =	sdelay $0x1  }
0xc9: {  	v2 =	vmul.f32 $1.442695020e+00, v2;
	_ =	sdelay $0x1  }
0xca: {  	(erf) = vpow2.f32 v2;
	_ =	sdelay $0x2  }
0xcb: {  	v2 =	vld [tilespmem:$0x7840]  }
0xcc: {  	v3 =	vld [tilespmem:$0x7940];
	_ =	sdelay $0x4  }
0xcd: {  	v52 =	vpop (erf)  }
0xce: {  	[tilespmem:$0xBA30] =	vst v52  }
0xcf: {  	v2 =	vld.idx.msk [tilespmem:v2+s4+$0x0], $0xffff  }
0xd0: {  	v3 =	vld.idx.msk [tilespmem:v3+s0+$0x0], $0xffff;
	_ =	sdelay $0x4  }
0xd1: {  	v2 =	vadd.f32 v3, v2;
	v3 =	vadd.f32 v3, v1;
	_ =	sdelay $0x1  }
0xd2: {  	v53 =	vmul.f32 $2.000000030e-01, v2;
	v54 =	vmul.f32 $2.000000030e-01, v3  }
0xd3: {  	vm8 =	vgt.f32 v2, $0.0e+00;
	vm9 =	vgt.f32 v3, $0.0e+00  }
0xd4: {  	v2 =	vsel vm8, v2, v53;
	v3 =	vsel vm9, v3, v54  }
0xd5: {  	v2 =	vsub.f32 v2, v3;
	_ =	sdelay $0x1  }
0xd6: {  	v2 =	vmul.f32 $1.442695020e+00, v2;
	_ =	sdelay $0x1  }
0xd7: {  	(erf) = vpow2.f32 v2;
	_ =	sdelay $0x2  }
0xd8: {  	v2 =	vld [tilespmem:$0x7850]  }
0xd9: {  	v3 =	vld [tilespmem:$0x7950];
	_ =	sdelay $0x4  }
0xda: {  	v55 =	vpop (erf)  }
0xdb: {  	[tilespmem:$0xBA40] =	vst v55  }
0xdc: {  	v2 =	vld.idx.msk [tilespmem:v2+s4+$0x0], $0xffff  }
0xdd: {  	v3 =	vld.idx.msk [tilespmem:v3+s0+$0x0], $0xffff;
	_ =	sdelay $0x4  }
0xde: {  	v2 =	vadd.f32 v3, v2;
	v3 =	vadd.f32 v3, v1;
	_ =	sdelay $0x1  }
0xdf: {  	v56 =	vmul.f32 $2.000000030e-01, v2;
	v57 =	vmul.f32 $2.000000030e-01, v3  }
0xe0: {  	vm10 =	vgt.f32 v2, $0.0e+00;
	vm11 =	vgt.f32 v3, $0.0e+00  }
0xe1: {  	v2 =	vsel vm10, v2, v56;
	v3 =	vsel vm11, v3, v57  }
0xe2: {  	v2 =	vsub.f32 v2, v3;
	_ =	sdelay $0x1  }
0xe3: {  	v2 =	vmul.f32 $1.442695020e+00, v2;
	_ =	sdelay $0x1  }
0xe4: {  	(erf) = vpow2.f32 v2;
	_ =	sdelay $0x2  }
0xe5: {  	v2 =	vld [tilespmem:$0x7860]  }
0xe6: {  	v3 =	vld [tilespmem:$0x7960];
	_ =	sdelay $0x4  }
0xe7: {  	v58 =	vpop (erf)  }
0xe8: {  	[tilespmem:$0xBA50] =	vst v58  }
0xe9: {  	v2 =	vld.idx.msk [tilespmem:v2+s4+$0x0], $0xffff  }
0xea: {  	v3 =	vld.idx.msk [tilespmem:v3+s0+$0x0], $0xffff;
	_ =	sdelay $0x4  }
0xeb: {  	v2 =	vadd.f32 v3, v2;
	v3 =	vadd.f32 v3, v1;
	_ =	sdelay $0x1  }
0xec: {  	v59 =	vmul.f32 $2.000000030e-01, v2;
	v60 =	vmul.f32 $2.000000030e-01, v3  }
0xed: {  	vm12 =	vgt.f32 v2, $0.0e+00;
	vm13 =	vgt.f32 v3, $0.0e+00  }
0xee: {  	v2 =	vsel vm12, v2, v59;
	v3 =	vsel vm13, v3, v60  }
0xef: {  	v2 =	vsub.f32 v2, v3;
	_ =	sdelay $0x1  }
0xf0: {  	v2 =	vmul.f32 $1.442695020e+00, v2;
	_ =	sdelay $0x1  }
0xf1: {  	(erf) = vpow2.f32 v2;
	_ =	sdelay $0x2  }
0xf2: {  	v2 =	vld [tilespmem:$0x7870]  }
0xf3: {  	v3 =	vld [tilespmem:$0x7970];
	_ =	sdelay $0x4  }
0xf4: {  	v61 =	vpop (erf)  }
0xf5: {  	[tilespmem:$0xBA60] =	vst v61  }
0xf6: {  	v2 =	vld.idx.msk [tilespmem:v2+s4+$0x0], $0xffff  }
0xf7: {  	v3 =	vld.idx.msk [tilespmem:v3+s0+$0x0], $0xffff;
	_ =	sdelay $0x4  }
0xf8: {  	v2 =	vadd.f32 v3, v2;
	v3 =	vadd.f32 v3, v1;
	_ =	sdelay $0x1  }
0xf9: {  	v62 =	vmul.f32 $2.000000030e-01, v2;
	v63 =	vmul.f32 $2.000000030e-01, v3  }
0xfa: {  	vm14 =	vgt.f32 v2, $0.0e+00;
	vm15 =	vgt.f32 v3, $0.0e+00  }
0xfb: {  	v2 =	vsel vm14, v2, v62;
	v3 =	vsel vm15, v3, v63  }
0xfc: {  	v2 =	vsub.f32 v2, v3;
	_ =	sdelay $0x1  }
0xfd: {  	v2 =	vmul.f32 $1.442695020e+00, v2;
	_ =	sdelay $0x1  }
0xfe: {  	s14 =	simm.s32 $0x10;
	(erf) = vpow2.f32 v2  }
.LBB2_8:
0xff: {  	_ =	sdelay $0x4  }
0x100: {  	p0 =	sne.s32 s14, $0xA10;
	s15 =	smov.u32 s14;
	s14 =	sadd.s32 $0x10, s14  }
0x101: {  	_ =	sdelay $0x1  }
0x102: {  	v2 =	vpop (erf)  }
0x103: {  	[tilespmem:$0xBA70] =	vst v2  }
0x104: {  	[spmem:s3] =	stream.indirect.scatter.add.f32 [tilespmem:s29], [sflag:$0x2], $0x1, s31, s1, $0xb8;
	[tilespmem:$0x1FD80] =	vst v63  }
0x105: {  	_ =	swait.ge [sflag:s28], $0x80  }
0x106: {  	[sflag:s28] =	ssyncset.done $0x0  }
0x107: {  	s16 =	sadd.s32 s15, s25;
	[sflag:s28] =	ssyncadd.s32 $0xFFFFFF80  }
0x108: {  	[tilespmem:s30], [sflag:$0x2] =	stream.linear.gather [hbm4b:s16+s4], $0x80, $0x38;
	[tilespmem:$0x1FD80] =	vst v63  }
0x109: {  	_ =	swait.ge [sflag:s28], $0x80  }
0x10a: {  	[sflag:s28] =	ssyncset.done $0x0  }
0x10b: {  	s15 =	sadd.s32 s15, s24;
	[sflag:s28] =	ssyncadd.s32 $0xFFFFFF80  }
0x10c: {  	[tilespmem:s31], [sflag:$0x2] =	stream.linear.gather [hbm4b:s15+s4], $0x80, $0x38;
	[tilespmem:$0x1FD80] =	vst v63  }
0x10d: {  	_ =	swait.ge [sflag:s28], $0x80  }
0x10e: {  	[sflag:s28] =	ssyncset.done $0x0  }
0x10f: {  	[sflag:s28] =	ssyncadd.s32 $0xFFFFFF80  }
0x110: {  	v2 =	vld [tilespmem:$0x7800]  }
0x111: {  	v3 =	vld [tilespmem:$0x7900];
	_ =	sdelay $0x6  }
0x112: {  	v2 =	vld.idx.msk [tilespmem:v2+s4+$0x0], $0xffff  }
0x113: {  	v3 =	vld.idx.msk [tilespmem:v3+s0+$0x0], $0xffff;
	_ =	sdelay $0x5  }
0x114: {  	v2 =	vadd.f32 v3, v2;
	v3 =	vadd.f32 v3, v1;
	_ =	sdelay $0x1  }
0x115: {  	vm0 =	vgt.f32 v2, $0.0e+00;
	v4 =	vmul.f32 $2.000000030e-01, v2;
	v5 =	vmul.f32 $2.000000030e-01, v3  }
0x116: {  	vm1 =	vgt.f32 v3, $0.0e+00  }
0x117: {  	v2 =	vsel vm0, v2, v4;
	v3 =	vsel vm1, v3, v5  }
0x118: {  	v2 =	vsub.f32 v2, v3;
	_ =	sdelay $0x1  }
0x119: {  	v2 =	vmul.f32 $1.442695020e+00, v2;
	_ =	sdelay $0x1  }
0x11a: {  	(erf) = vpow2.f32 v2;
	_ =	sdelay $0x1  }
0x11b: {  	v2 =	vld [tilespmem:$0x7910]  }
0x11c: {  	v3 =	vld [tilespmem:$0x7810];
	_ =	sdelay $0x5  }
0x11d: {  	v4 =	vpop (erf)  }
0x11e: {  	[tilespmem:$0xBA00] =	vst v4  }
0x11f: {  	v3 =	vld.idx.msk [tilespmem:v3+s4+$0x0], $0xffff  }
0x120: {  	v2 =	vld.idx.msk [tilespmem:v2+s0+$0x0], $0xffff;
	_ =	sdelay $0x5  }
0x121: {  	v3 =	vadd.f32 v2, v3;
	v2 =	vadd.f32 v2, v1;
	_ =	sdelay $0x1  }
0x122: {  	vm0 =	vgt.f32 v3, $0.0e+00;
	v4 =	vmul.f32 $2.000000030e-01, v3;
	v5 =	vmul.f32 $2.000000030e-01, v2  }
0x123: {  	vm1 =	vgt.f32 v2, $0.0e+00  }
0x124: {  	v3 =	vsel vm0, v3, v4;
	v2 =	vsel vm1, v2, v5  }
0x125: {  	v2 =	vsub.f32 v3, v2;
	_ =	sdelay $0x1  }
0x126: {  	v2 =	vmul.f32 $1.442695020e+00, v2;
	_ =	sdelay $0x1  }
0x127: {  	(erf) = vpow2.f32 v2;
	_ =	sdelay $0x1  }
0x128: {  	v2 =	vld [tilespmem:$0x7920]  }
0x129: {  	v3 =	vld [tilespmem:$0x7820];
	_ =	sdelay $0x5  }
0x12a: {  	v4 =	vpop (erf)  }
0x12b: {  	[tilespmem:$0xBA10] =	vst v4  }
0x12c: {  	v3 =	vld.idx.msk [tilespmem:v3+s4+$0x0], $0xffff  }
0x12d: {  	v2 =	vld.idx.msk [tilespmem:v2+s0+$0x0], $0xffff;
	_ =	sdelay $0x5  }
0x12e: {  	v3 =	vadd.f32 v2, v3;
	v2 =	vadd.f32 v2, v1;
	_ =	sdelay $0x1  }
0x12f: {  	vm0 =	vgt.f32 v3, $0.0e+00;
	v4 =	vmul.f32 $2.000000030e-01, v3;
	v5 =	vmul.f32 $2.000000030e-01, v2  }
0x130: {  	vm1 =	vgt.f32 v2, $0.0e+00  }
0x131: {  	v3 =	vsel vm0, v3, v4;
	v2 =	vsel vm1, v2, v5  }
0x132: {  	v2 =	vsub.f32 v3, v2;
	_ =	sdelay $0x1  }
0x133: {  	v2 =	vmul.f32 $1.442695020e+00, v2;
	_ =	sdelay $0x1  }
0x134: {  	(erf) = vpow2.f32 v2;
	_ =	sdelay $0x1  }
0x135: {  	v2 =	vld [tilespmem:$0x7930]  }
0x136: {  	v3 =	vld [tilespmem:$0x7830];
	_ =	sdelay $0x5  }
0x137: {  	v4 =	vpop (erf)  }
0x138: {  	[tilespmem:$0xBA20] =	vst v4  }
0x139: {  	v3 =	vld.idx.msk [tilespmem:v3+s4+$0x0], $0xffff  }
0x13a: {  	v2 =	vld.idx.msk [tilespmem:v2+s0+$0x0], $0xffff;
	_ =	sdelay $0x5  }
0x13b: {  	v3 =	vadd.f32 v2, v3;
	v2 =	vadd.f32 v2, v1;
	_ =	sdelay $0x1  }
0x13c: {  	vm0 =	vgt.f32 v3, $0.0e+00;
	v4 =	vmul.f32 $2.000000030e-01, v3;
	v5 =	vmul.f32 $2.000000030e-01, v2  }
0x13d: {  	vm1 =	vgt.f32 v2, $0.0e+00  }
0x13e: {  	v3 =	vsel vm0, v3, v4;
	v2 =	vsel vm1, v2, v5  }
0x13f: {  	v2 =	vsub.f32 v3, v2;
	_ =	sdelay $0x1  }
0x140: {  	v2 =	vmul.f32 $1.442695020e+00, v2;
	_ =	sdelay $0x1  }
0x141: {  	(erf) = vpow2.f32 v2;
	_ =	sdelay $0x1  }
0x142: {  	v2 =	vld [tilespmem:$0x7940]  }
0x143: {  	v3 =	vld [tilespmem:$0x7840];
	_ =	sdelay $0x5  }
0x144: {  	v4 =	vpop (erf)  }
0x145: {  	[tilespmem:$0xBA30] =	vst v4  }
0x146: {  	v3 =	vld.idx.msk [tilespmem:v3+s4+$0x0], $0xffff  }
0x147: {  	v2 =	vld.idx.msk [tilespmem:v2+s0+$0x0], $0xffff;
	_ =	sdelay $0x5  }
0x148: {  	v3 =	vadd.f32 v2, v3;
	v2 =	vadd.f32 v2, v1;
	_ =	sdelay $0x1  }
0x149: {  	vm0 =	vgt.f32 v3, $0.0e+00;
	v4 =	vmul.f32 $2.000000030e-01, v3;
	v5 =	vmul.f32 $2.000000030e-01, v2  }
0x14a: {  	vm1 =	vgt.f32 v2, $0.0e+00  }
0x14b: {  	v3 =	vsel vm0, v3, v4;
	v2 =	vsel vm1, v2, v5  }
0x14c: {  	v2 =	vsub.f32 v3, v2;
	_ =	sdelay $0x1  }
0x14d: {  	v2 =	vmul.f32 $1.442695020e+00, v2;
	_ =	sdelay $0x1  }
0x14e: {  	(erf) = vpow2.f32 v2;
	_ =	sdelay $0x1  }
0x14f: {  	v2 =	vld [tilespmem:$0x7950]  }
0x150: {  	v3 =	vld [tilespmem:$0x7850];
	_ =	sdelay $0x5  }
0x151: {  	v4 =	vpop (erf)  }
0x152: {  	[tilespmem:$0xBA40] =	vst v4  }
0x153: {  	v3 =	vld.idx.msk [tilespmem:v3+s4+$0x0], $0xffff  }
0x154: {  	v2 =	vld.idx.msk [tilespmem:v2+s0+$0x0], $0xffff;
	_ =	sdelay $0x5  }
0x155: {  	v3 =	vadd.f32 v2, v3;
	v2 =	vadd.f32 v2, v1;
	_ =	sdelay $0x1  }
0x156: {  	vm0 =	vgt.f32 v3, $0.0e+00;
	v4 =	vmul.f32 $2.000000030e-01, v3;
	v5 =	vmul.f32 $2.000000030e-01, v2  }
0x157: {  	vm1 =	vgt.f32 v2, $0.0e+00  }
0x158: {  	v3 =	vsel vm0, v3, v4;
	v2 =	vsel vm1, v2, v5  }
0x159: {  	v2 =	vsub.f32 v3, v2;
	_ =	sdelay $0x1  }
0x15a: {  	v2 =	vmul.f32 $1.442695020e+00, v2;
	_ =	sdelay $0x1  }
0x15b: {  	(erf) = vpow2.f32 v2;
	_ =	sdelay $0x1  }
0x15c: {  	v2 =	vld [tilespmem:$0x7960]  }
0x15d: {  	v3 =	vld [tilespmem:$0x7860];
	_ =	sdelay $0x5  }
0x15e: {  	v4 =	vpop (erf)  }
0x15f: {  	[tilespmem:$0xBA50] =	vst v4  }
0x160: {  	v3 =	vld.idx.msk [tilespmem:v3+s4+$0x0], $0xffff  }
0x161: {  	v2 =	vld.idx.msk [tilespmem:v2+s0+$0x0], $0xffff;
	_ =	sdelay $0x5  }
0x162: {  	v3 =	vadd.f32 v2, v3;
	v2 =	vadd.f32 v2, v1;
	_ =	sdelay $0x1  }
0x163: {  	vm0 =	vgt.f32 v3, $0.0e+00;
	v4 =	vmul.f32 $2.000000030e-01, v3;
	v5 =	vmul.f32 $2.000000030e-01, v2  }
0x164: {  	vm1 =	vgt.f32 v2, $0.0e+00  }
0x165: {  	v3 =	vsel vm0, v3, v4;
	v2 =	vsel vm1, v2, v5  }
0x166: {  	v2 =	vsub.f32 v3, v2;
	_ =	sdelay $0x1  }
0x167: {  	v2 =	vmul.f32 $1.442695020e+00, v2;
	_ =	sdelay $0x1  }
0x168: {  	(erf) = vpow2.f32 v2;
	_ =	sdelay $0x1  }
0x169: {  	v2 =	vld [tilespmem:$0x7970]  }
0x16a: {  	v3 =	vld [tilespmem:$0x7870];
	_ =	sdelay $0x5  }
0x16b: {  	v4 =	vpop (erf)  }
0x16c: {  	[tilespmem:$0xBA60] =	vst v4  }
0x16d: {  	v3 =	vld.idx.msk [tilespmem:v3+s4+$0x0], $0xffff  }
0x16e: {  	v2 =	vld.idx.msk [tilespmem:v2+s0+$0x0], $0xffff;
	_ =	sdelay $0x5  }
0x16f: {  	v3 =	vadd.f32 v2, v3;
	v2 =	vadd.f32 v2, v1;
	_ =	sdelay $0x1  }
0x170: {  	vm0 =	vgt.f32 v3, $0.0e+00;
	v4 =	vmul.f32 $2.000000030e-01, v3;
	v5 =	vmul.f32 $2.000000030e-01, v2  }
0x171: {  	vm1 =	vgt.f32 v2, $0.0e+00  }
0x172: {  	v3 =	vsel vm0, v3, v4;
	v2 =	vsel vm1, v2, v5  }
.Ltmp3:
0x173: {  	v2 =	vsub.f32 v3, v2;
	(pc) =	sbr.rel @p0 .LBB2_8-.Ltmp3, $3  }
0x174: {  	_ = 	snop  }
0x175: {  	v2 =	vmul.f32 $1.442695020e+00, v2;
	_ =	sdelay $0x1  }
0x176: {  	(erf) = vpow2.f32 v2  }
0x177: {  	_ =	sdelay $0x7  }
0x178: {  	v2 =	vpop (erf)  }
0x179: {  	[tilespmem:$0xBA70] =	vst v2  }
0x17a: {  	[spmem:s3] =	stream.indirect.scatter.add.f32 [tilespmem:s29], [sflag:$0x2], $0x1, s31, s1, $0xb8;
	[tilespmem:$0x1FD80] =	vst v63  }
0x17b: {  	_ =	swait.ge [sflag:s28], $0x80  }
0x17c: {  	[sflag:s28] =	ssyncset.done $0x0  }
0x17d: {  	[sflag:s28] =	ssyncadd.s32 $0xFFFFFF80  }
0x17e: {  	[bflag:$0x0] =	sbarrier.arrive $0xFFFF  }
0x17f: {  	[tilespmem:s5], [sflag:$0x2] =	stream.linear.gather [spmem:s3], $0x2800, $0x38;
	[tilespmem:$0x1FD80] =	vst v63  }
0x180: {  	_ =	swait.ge [sflag:s28], $0x2800  }
0x181: {  	[sflag:s28] =	ssyncset.done $0x0  }
0x182: {  	s14 =	simm.s32 $0x0;
	s15 =	simm.s32 $0x0;
	[sflag:s28] =	ssyncadd.s32 $0xFFFFD800  }
.LBB2_10:
0x183: {  	s16 =	sshll.u32 s15, $0x7  }
0x184: {  	s16 =	sadd.s32 s16, s21  }
0x185: {  	s16 =	sshrl.u32 s16, $0x3  }
0x186: {  	s17 =	sadd.s32 s9, s16  }
0x187: {  	[tilespmem:s7], [sflag:$0x2] =	stream.linear.gather [hbm4b:s17+s14], $0x80, $0x38;
	[tilespmem:$0x1FD80] =	vst v63  }
0x188: {  	_ =	swait.ge [sflag:s28], $0x80  }
0x189: {  	[sflag:s28] =	ssyncset.done $0x0  }
0x18a: {  	s16 =	sadd.s32 s10, s16;
	[sflag:s28] =	ssyncadd.s32 $0xFFFFFF80  }
0x18b: {  	[tilespmem:s8], [sflag:$0x2] =	stream.linear.gather [hbm4b:s16+s14], $0x80, $0x38;
	[tilespmem:$0x1FD80] =	vst v63  }
0x18c: {  	_ =	swait.ge [sflag:s28], $0x80  }
0x18d: {  	[sflag:s28] =	ssyncset.done $0x0  }
0x18e: {  	[sflag:s28] =	ssyncadd.s32 $0xFFFFFF80  }
0x18f: {  	v2 =	vld [tilespmem:$0x7880]  }
0x190: {  	v3 =	vld [tilespmem:$0x7980];
	_ =	sdelay $0x6  }
0x191: {  	v2 =	vld.idx.msk [tilespmem:v2+s14+$0x0], $0xffff  }
0x192: {  	v4 =	vld.idx.msk [tilespmem:v3+s0+$0x0], $0xffff;
	_ =	sdelay $0x4  }
0x193: {  	v2 =	vadd.f32 v4, v2;
	v4 =	vadd.f32 v4, v1;
	_ =	sdelay $0x1  }
0x194: {  	v5 =	vmul.f32 $2.000000030e-01, v2;
	v6 =	vmul.f32 $2.000000030e-01, v4  }
0x195: {  	v3 =	vld.idx.msk [tilespmem:v3+s5+$0x0], $0xffff;
	vm0 =	vgt.f32 v2, $0.0e+00;
	vm1 =	vgt.f32 v4, $0.0e+00  }
0x196: {  	v2 =	vsel vm0, v2, v5;
	v4 =	vsel vm1, v4, v6  }
0x197: {  	v2 =	vsub.f32 v2, v4;
	_ =	sdelay $0x1  }
0x198: {  	v2 =	vmul.f32 $1.442695020e+00, v2  }
0x199: {  	v3 =	vadd.f32 $1.000000020e-16, v3  }
0x19a: {  	(erf) = vpow2.f32 v2  }
0x19b: {  	(erf) = vrcp.f32 v3;
	_ =	sdelay $0x4  }
0x19c: {  	v2 =	vld [tilespmem:$0x7890]  }
0x19d: {  	v3 =	vld [tilespmem:$0x7990];
	_ =	sdelay $0x1  }
0x19e: {  	v4 =	vpop (erf)  }
0x19f: {  	v5 =	vpop (erf)  }
0x1a0: {  	v4 =	vmul.f32 v4, v5;
	_ =	sdelay $0x1  }
0x1a1: {  	[tilespmem:$0xBA00] =	vst v4  }
0x1a2: {  	v2 =	vld.idx.msk [tilespmem:v2+s14+$0x0], $0xffff  }
0x1a3: {  	v4 =	vld.idx.msk [tilespmem:v3+s0+$0x0], $0xffff;
	_ =	sdelay $0x4  }
0x1a4: {  	v2 =	vadd.f32 v4, v2;
	v4 =	vadd.f32 v4, v1;
	_ =	sdelay $0x1  }
0x1a5: {  	v5 =	vmul.f32 $2.000000030e-01, v2;
	v6 =	vmul.f32 $2.000000030e-01, v4  }
0x1a6: {  	v3 =	vld.idx.msk [tilespmem:v3+s5+$0x0], $0xffff;
	vm14 =	vgt.f32 v2, $0.0e+00;
	vm15 =	vgt.f32 v4, $0.0e+00  }
0x1a7: {  	v2 =	vsel vm14, v2, v5;
	v4 =	vsel vm15, v4, v6  }
0x1a8: {  	v2 =	vsub.f32 v2, v4;
	_ =	sdelay $0x1  }
0x1a9: {  	v2 =	vmul.f32 $1.442695020e+00, v2  }
0x1aa: {  	v3 =	vadd.f32 $1.000000020e-16, v3  }
0x1ab: {  	(erf) = vpow2.f32 v2  }
0x1ac: {  	(erf) = vrcp.f32 v3;
	_ =	sdelay $0x4  }
0x1ad: {  	v2 =	vld [tilespmem:$0x78A0]  }
0x1ae: {  	v3 =	vld [tilespmem:$0x79A0];
	_ =	sdelay $0x1  }
0x1af: {  	v4 =	vpop (erf)  }
0x1b0: {  	v5 =	vpop (erf)  }
0x1b1: {  	v4 =	vmul.f32 v4, v5;
	_ =	sdelay $0x1  }
0x1b2: {  	[tilespmem:$0xBA10] =	vst v4  }
0x1b3: {  	v2 =	vld.idx.msk [tilespmem:v2+s14+$0x0], $0xffff  }
0x1b4: {  	v4 =	vld.idx.msk [tilespmem:v3+s0+$0x0], $0xffff;
	_ =	sdelay $0x4  }
0x1b5: {  	v2 =	vadd.f32 v4, v2;
	v4 =	vadd.f32 v4, v1;
	_ =	sdelay $0x1  }
0x1b6: {  	v5 =	vmul.f32 $2.000000030e-01, v2;
	v6 =	vmul.f32 $2.000000030e-01, v4  }
0x1b7: {  	v3 =	vld.idx.msk [tilespmem:v3+s5+$0x0], $0xffff;
	vm4 =	vgt.f32 v2, $0.0e+00;
	vm5 =	vgt.f32 v4, $0.0e+00  }
0x1b8: {  	v2 =	vsel vm4, v2, v5;
	v4 =	vsel vm5, v4, v6  }
0x1b9: {  	v2 =	vsub.f32 v2, v4;
	_ =	sdelay $0x1  }
0x1ba: {  	v2 =	vmul.f32 $1.442695020e+00, v2  }
0x1bb: {  	v3 =	vadd.f32 $1.000000020e-16, v3  }
0x1bc: {  	(erf) = vpow2.f32 v2  }
0x1bd: {  	(erf) = vrcp.f32 v3;
	_ =	sdelay $0x4  }
0x1be: {  	v2 =	vld [tilespmem:$0x78B0]  }
0x1bf: {  	v3 =	vld [tilespmem:$0x79B0];
	_ =	sdelay $0x1  }
0x1c0: {  	v4 =	vpop (erf)  }
0x1c1: {  	v5 =	vpop (erf)  }
0x1c2: {  	v4 =	vmul.f32 v4, v5;
	_ =	sdelay $0x1  }
0x1c3: {  	[tilespmem:$0xBA20] =	vst v4  }
0x1c4: {  	v2 =	vld.idx.msk [tilespmem:v2+s14+$0x0], $0xffff  }
0x1c5: {  	v4 =	vld.idx.msk [tilespmem:v3+s0+$0x0], $0xffff;
	_ =	sdelay $0x4  }
0x1c6: {  	v2 =	vadd.f32 v4, v2;
	v4 =	vadd.f32 v4, v1;
	_ =	sdelay $0x1  }
0x1c7: {  	v5 =	vmul.f32 $2.000000030e-01, v2;
	v6 =	vmul.f32 $2.000000030e-01, v4  }
0x1c8: {  	v3 =	vld.idx.msk [tilespmem:v3+s5+$0x0], $0xffff;
	vm6 =	vgt.f32 v2, $0.0e+00;
	vm7 =	vgt.f32 v4, $0.0e+00  }
0x1c9: {  	v2 =	vsel vm6, v2, v5;
	v4 =	vsel vm7, v4, v6  }
0x1ca: {  	v2 =	vsub.f32 v2, v4;
	_ =	sdelay $0x1  }
0x1cb: {  	v2 =	vmul.f32 $1.442695020e+00, v2  }
0x1cc: {  	v3 =	vadd.f32 $1.000000020e-16, v3  }
0x1cd: {  	(erf) = vpow2.f32 v2  }
0x1ce: {  	(erf) = vrcp.f32 v3;
	_ =	sdelay $0x4  }
0x1cf: {  	v2 =	vld [tilespmem:$0x78C0]  }
0x1d0: {  	v3 =	vld [tilespmem:$0x79C0];
	_ =	sdelay $0x1  }
0x1d1: {  	v4 =	vpop (erf)  }
0x1d2: {  	v5 =	vpop (erf)  }
0x1d3: {  	v4 =	vmul.f32 v4, v5;
	_ =	sdelay $0x1  }
0x1d4: {  	[tilespmem:$0xBA30] =	vst v4  }
0x1d5: {  	v2 =	vld.idx.msk [tilespmem:v2+s14+$0x0], $0xffff  }
0x1d6: {  	v4 =	vld.idx.msk [tilespmem:v3+s0+$0x0], $0xffff;
	_ =	sdelay $0x4  }
0x1d7: {  	v2 =	vadd.f32 v4, v2;
	v4 =	vadd.f32 v4, v1;
	_ =	sdelay $0x1  }
0x1d8: {  	v5 =	vmul.f32 $2.000000030e-01, v2;
	v6 =	vmul.f32 $2.000000030e-01, v4  }
0x1d9: {  	v3 =	vld.idx.msk [tilespmem:v3+s5+$0x0], $0xffff;
	vm8 =	vgt.f32 v2, $0.0e+00;
	vm9 =	vgt.f32 v4, $0.0e+00  }
0x1da: {  	v2 =	vsel vm8, v2, v5;
	v4 =	vsel vm9, v4, v6  }
0x1db: {  	v2 =	vsub.f32 v2, v4;
	_ =	sdelay $0x1  }
0x1dc: {  	v2 =	vmul.f32 $1.442695020e+00, v2  }
0x1dd: {  	v3 =	vadd.f32 $1.000000020e-16, v3  }
0x1de: {  	(erf) = vpow2.f32 v2  }
0x1df: {  	(erf) = vrcp.f32 v3;
	_ =	sdelay $0x4  }
0x1e0: {  	v2 =	vld [tilespmem:$0x78D0]  }
0x1e1: {  	v3 =	vld [tilespmem:$0x79D0];
	_ =	sdelay $0x1  }
0x1e2: {  	v4 =	vpop (erf)  }
0x1e3: {  	v5 =	vpop (erf)  }
0x1e4: {  	v4 =	vmul.f32 v4, v5;
	_ =	sdelay $0x1  }
0x1e5: {  	[tilespmem:$0xBA40] =	vst v4  }
0x1e6: {  	v2 =	vld.idx.msk [tilespmem:v2+s14+$0x0], $0xffff  }
0x1e7: {  	v4 =	vld.idx.msk [tilespmem:v3+s0+$0x0], $0xffff;
	_ =	sdelay $0x4  }
0x1e8: {  	v2 =	vadd.f32 v4, v2;
	v4 =	vadd.f32 v4, v1;
	_ =	sdelay $0x1  }
0x1e9: {  	v5 =	vmul.f32 $2.000000030e-01, v2;
	v6 =	vmul.f32 $2.000000030e-01, v4  }
0x1ea: {  	v3 =	vld.idx.msk [tilespmem:v3+s5+$0x0], $0xffff;
	vm10 =	vgt.f32 v2, $0.0e+00;
	vm11 =	vgt.f32 v4, $0.0e+00  }
0x1eb: {  	v2 =	vsel vm10, v2, v5;
	v4 =	vsel vm11, v4, v6  }
0x1ec: {  	v2 =	vsub.f32 v2, v4;
	_ =	sdelay $0x1  }
0x1ed: {  	v2 =	vmul.f32 $1.442695020e+00, v2  }
0x1ee: {  	v3 =	vadd.f32 $1.000000020e-16, v3  }
0x1ef: {  	(erf) = vpow2.f32 v2  }
0x1f0: {  	(erf) = vrcp.f32 v3;
	_ =	sdelay $0x4  }
0x1f1: {  	v2 =	vld [tilespmem:$0x78E0]  }
0x1f2: {  	v3 =	vld [tilespmem:$0x79E0];
	_ =	sdelay $0x1  }
0x1f3: {  	v4 =	vpop (erf)  }
0x1f4: {  	v5 =	vpop (erf)  }
0x1f5: {  	v4 =	vmul.f32 v4, v5;
	_ =	sdelay $0x1  }
0x1f6: {  	[tilespmem:$0xBA50] =	vst v4  }
0x1f7: {  	v2 =	vld.idx.msk [tilespmem:v2+s14+$0x0], $0xffff  }
0x1f8: {  	v4 =	vld.idx.msk [tilespmem:v3+s0+$0x0], $0xffff;
	_ =	sdelay $0x4  }
0x1f9: {  	v2 =	vadd.f32 v4, v2;
	v4 =	vadd.f32 v4, v1;
	_ =	sdelay $0x1  }
0x1fa: {  	v5 =	vmul.f32 $2.000000030e-01, v2;
	v6 =	vmul.f32 $2.000000030e-01, v4  }
0x1fb: {  	v3 =	vld.idx.msk [tilespmem:v3+s5+$0x0], $0xffff;
	vm12 =	vgt.f32 v2, $0.0e+00;
	vm13 =	vgt.f32 v4, $0.0e+00  }
0x1fc: {  	v2 =	vsel vm12, v2, v5;
	v4 =	vsel vm13, v4, v6  }
0x1fd: {  	v2 =	vsub.f32 v2, v4;
	_ =	sdelay $0x1  }
0x1fe: {  	v2 =	vmul.f32 $1.442695020e+00, v2  }
0x1ff: {  	v3 =	vadd.f32 $1.000000020e-16, v3  }
0x200: {  	(erf) = vpow2.f32 v2  }
0x201: {  	(erf) = vrcp.f32 v3;
	_ =	sdelay $0x4  }
0x202: {  	v2 =	vld [tilespmem:$0x78F0]  }
0x203: {  	v3 =	vld [tilespmem:$0x79F0];
	_ =	sdelay $0x1  }
0x204: {  	v4 =	vpop (erf)  }
0x205: {  	v5 =	vpop (erf)  }
0x206: {  	v4 =	vmul.f32 v4, v5;
	_ =	sdelay $0x1  }
0x207: {  	[tilespmem:$0xBA60] =	vst v4  }
0x208: {  	v2 =	vld.idx.msk [tilespmem:v2+s14+$0x0], $0xffff  }
0x209: {  	v4 =	vld.idx.msk [tilespmem:v3+s0+$0x0], $0xffff;
	_ =	sdelay $0x4  }
0x20a: {  	v2 =	vadd.f32 v4, v2;
	v4 =	vadd.f32 v4, v1;
	_ =	sdelay $0x1  }
0x20b: {  	v5 =	vmul.f32 $2.000000030e-01, v2;
	v6 =	vmul.f32 $2.000000030e-01, v4  }
0x20c: {  	v3 =	vld.idx.msk [tilespmem:v3+s5+$0x0], $0xffff;
	vm14 =	vgt.f32 v2, $0.0e+00;
	vm15 =	vgt.f32 v4, $0.0e+00  }
0x20d: {  	v2 =	vsel vm14, v2, v5;
	v4 =	vsel vm15, v4, v6  }
0x20e: {  	v2 =	vsub.f32 v2, v4;
	_ =	sdelay $0x1  }
0x20f: {  	v2 =	vmul.f32 $1.442695020e+00, v2  }
0x210: {  	v3 =	vadd.f32 $1.000000020e-16, v3  }
0x211: {  	(erf) = vpow2.f32 v2  }
0x212: {  	(erf) = vrcp.f32 v3;
	_ =	sdelay $0x7  }
0x213: {  	v2 =	vpop (erf)  }
0x214: {  	v3 =	vpop (erf)  }
0x215: {  	v2 =	vmul.f32 v2, v3;
	_ =	sdelay $0x1  }
0x216: {  	[tilespmem:$0xBA70] =	vst v2  }
0x217: {  	[tilespmem:s26], [sflag:$0x1] =	stream.indirect.gather [hbm4b:s6+s1], $0x80, s7, s1, $0xb8;
	[tilespmem:$0x1FD80] =	vst v63  }
0x218: {  	_ =	swait.ge [sflag:s11], $0x4000  }
0x219: {  	v2 =	vmov s14;
	[sflag:s11] =	ssyncset.done $0x0  }
0x21a: {  	s16 =	simm.s32 $0x7A40;
	[sflag:s11] =	ssyncadd.s32 $0xFFFFC000  }
0x21b: {  	v6 =	vld [tilespmem:s16+$0x30]  }
0x21c: {  	v9 =	vld [tilespmem:s16+$0x10]  }
0x21d: {  	v7 =	vld [tilespmem:s16+$0xFFFFFFC0]  }
0x21e: {  	v3 =	vld.idx.msk [tilespmem:v2+s29+$0x0], $0xffff  }
0x21f: {  	v11 =	vld [tilespmem:s16+$0xFFFFFFE0]  }
0x220: {  	v2 =	vld [tilespmem:s16+$0xFFFFFFF0]  }
0x221: {  	v4 =	vld [tilespmem:s16+$0x20]  }
0x222: {  	v5 =	vld [tilespmem:s16+$0xFFFFFFD0]  }
0x223: {  	v10 =	vmul.f32 v6, v3;
	v6 =	vld [tilespmem:s16+$0x0]  }
0x224: {  	v8 =	vmul.f32 v7, v3  }
0x225: {  	s18 =	simm.s32 $0x7A40;
	s17 =	simm.s32 $0x1;
	v7 =	vmul.f32 v11, v3;
	v9 =	vmul.f32 v9, v3  }
.LBB2_11:
0x226: {  	p0 =	sne.s32 s17, $0x7F  }
0x227: {  	v5 =	vmul.f32 v5, v3;
	v4 =	vmul.f32 v4, v3;
	[tilespmem:s16+$0x30] =	vst v10;
	s18 =	sadd.s32 $0x80, s18;
	s19 =	smov.u32 s17;
	s17 =	sadd.s32 $0x1, s17  }
0x228: {  	[tilespmem:s16+$0xFFFFFFC0] =	vst v8;
	v8 =	vmul.f32 v2, v3;
	v3 =	vmul.f32 v6, v3  }
0x229: {  	[tilespmem:s16+$0x10] =	vst v9  }
0x22a: {  	v6 =	vmov s19;
	[tilespmem:s16+$0xFFFFFFE0] =	vst v7  }
0x22b: {  	v2 =	vld [tilespmem:s18+$0xFFFFFFF0];
	[tilespmem:s16+$0xFFFFFFF0] =	vst v8  }
0x22c: {  	v7 =	vld [tilespmem:s18+$0x30];
	[tilespmem:s16+$0x0] =	vst v3  }
0x22d: {  	v9 =	vld [tilespmem:s18+$0x10];
	[tilespmem:s16+$0x20] =	vst v4  }
0x22e: {  	v8 =	vld [tilespmem:s18+$0xFFFFFFC0];
	[tilespmem:s16+$0xFFFFFFD0] =	vst v5;
	s16 =	smov.u32 s18  }
0x22f: {  	v3 =	vld.idx.msk [tilespmem:v6+s29+$0x0], $0xffff  }
0x230: {  	v11 =	vld [tilespmem:s18+$0xFFFFFFE0]  }
0x231: {  	v4 =	vld [tilespmem:s18+$0x20]  }
.Ltmp4:
0x232: {  	v5 =	vld [tilespmem:s18+$0xFFFFFFD0];
	(pc) =	sbr.rel @p0 .LBB2_11-.Ltmp4, $3  }
0x233: {  	v6 =	vld [tilespmem:s18+$0x0];
	_ =	sdelay $0x1  }
0x234: {  	v8 =	vmul.f32 v8, v3;
	v10 =	vmul.f32 v7, v3  }
0x235: {  	v9 =	vmul.f32 v9, v3;
	v7 =	vmul.f32 v11, v3  }
0x236: {  	[tilespmem:s16+$0x30] =	vst v10  }
0x237: {  	[tilespmem:s16+$0xFFFFFFC0] =	vst v8  }
0x238: {  	v2 =	vmul.f32 v2, v3;
	[tilespmem:s16+$0x10] =	vst v9  }
0x239: {  	v4 =	vmul.f32 v4, v3;
	[tilespmem:s16+$0xFFFFFFE0] =	vst v7  }
0x23a: {  	v6 =	vmul.f32 v6, v3;
	[tilespmem:s16+$0xFFFFFFF0] =	vst v2  }
0x23b: {  	s15 =	sadd.s32 $0x1, s15;
	v2 =	vmul.f32 v5, v3;
	[tilespmem:s16+$0x20] =	vst v4  }
0x23c: {  	p0 =	sne.s32 s15, $0x51;
	[tilespmem:s16+$0x0] =	vst v6  }
.Ltmp5:
0x23d: {  	[tilespmem:s16+$0xFFFFFFD0] =	vst v2;
	(pc) =	sbr.rel @p0 .LBB2_10-.Ltmp5, $4  }
0x23e: {  	[spmem:s2] =	stream.indirect.scatter.add.f32 [tilespmem:s26], [sflag:$0x2], $0x80, s8, s1, $0xb8;
	[tilespmem:$0x1FD80] =	vst v63  }
0x23f: {  	_ =	swait.ge [sflag:s28], $0x4000  }
0x240: {  	[sflag:s28] =	ssyncset.done $0x0  }
0x241: {  	[sflag:s28] =	ssyncadd.s32 $0xFFFFC000  }
0x242: {  	s14 =	stileid.u32;
	s13 =	sadd.s32 $0x1, s13  }
0x243: {  	[bflag:$0x0] =	sbarrier.arrive $0xFFFF;
	s14 =	sshll.u32 s14, $0x6;
	p0 =	sne.s32 s13, s23  }
.Ltmp6:
0x244: {  	s15 =	sshrl.u32 s12, $0x3;
	s14 =	sor.u32 $0x1C02, s14;
	(pc) =	sbr.rel @p0 .LBB2_1-.Ltmp6, $4  }
0x245: {  	[hbm:s22], [sflag:s14] =	dma.local [spmem:s15], $0x2800  }
0x246: {  	_ =	swait.ge [sflag:s28], $0x2800  }
0x247: {  	[sflag:s28] =	ssyncset.done $0x0  }
0x248: {  	[sflag:s28] =	ssyncadd.s32 $0xFFFFD800  }
0x249: {  	_ =	sfence.sel $0x180000  }
0x24a: {  	[bflag:$0x0] =	sbarrier.arrive $0xFFFF  }
0x24b: {  	_ =	strace $0x9000004A  }
0x24c: {  	s0 =	stileid.u32;
	[bflag:$0x2] =	sbarrier.arrive $0xFFFF  }
0x24d: {  	p0 =	sne.s32 s0, $0x0;
	s0 =	rddreg [dreg:$0x4]  }
0x24e: {  	s0 =	sadd.s32 @!p0 $0x100000, s0  }
0x24f: {  	[sflag:s0] =	ssyncadd.tile.s32 @!p0 $0x1;
	_ =	shalt  }
.Lfunc_end2:
_tile_overlayer_lowered:
.L_overlay_start_2:
0x250: {  	(tag) =	ssettag $0x2  }
0x251: {  	s0 =	rddreg [dreg:$0x0];
	s2 =	stileid.u32  }
0x252: {  	s1 =	rddreg [dreg:$0x1];
	p0 =	sne.s32 s2, $0x0  }
0x253: {  	s3 =	rddreg [dreg:$0x2];
	[bflag:$0x3] =	sbarrier.arrive $0xFFFF;
	s2 =	simm.s32 @!p0 $0x1C02  }
0x254: {  	[timem:s3], [sflag:s2] =	dma.local @!p0 [hbm:s0], s1  }
0x255: {  	s0 =	simm.s32 @!p0 $0x2  }
0x256: {  	_ =	swait.ge @!p0 [sflag:s0], s1  }
0x257: {  	s1 =	ssub.s32 @!p0 $0x0, s1;
	[sflag:s0] =	ssyncset.done @!p0 $0x0  }
0x258: {  	[sflag:s0] =	ssyncadd.s32 @!p0 s1  }
0x259: {  	[bflag:$0x3] =	sbarrier.arrive $0xFFFF  }
0x25a: {  	_ =	shalt  }

// kernel: kernel.15.cloned.1.call-start
scs
__scs_entry_jumppad:
0x0: {  	(pc) =	sbr.rel $0x88, $3  }
0x1: {  	(tag) =	ssettag $0x0;
	lr =	simm.s32 $0x1  }
0x2: {  	[smem:$0x3F8E] =	sst lr;
	_ =	strace $0xD0000000  }
0x3: {  	_ = 	snop  }
0x4: {  	_ = 	snop  }
0x5: {  	_ = 	snop  }
0x6: {  	_ = 	snop  }
0x7: {  	_ = 	snop  }
__scs_overlays_trampoline_lowered:
0x8: {  	[smem:$0x3F9D] =	sst s0  }
0x9: {  	[smem:$0x3F9E] =	sst s1  }
0xa: {  	[smem:$0x3F9F] =	sst s2  }
0xb: {  	[smem:$0x3FA0] =	sst s3  }
0xc: {  	[smem:$0x3FA1] =	sst s4  }
0xd: {  	[smem:$0x3FA2] =	sst s5  }
0xe: {  	[smem:$0x3FA3] =	sst s6  }
0xf: {  	[smem:$0x3FA4] =	sst s7  }
0x10: {  	[smem:$0x3FA5] =	sst s8  }
0x11: {  	[smem:$0x3FA6] =	sst s9;
	s0 =	simm.s32 @!p0 $0x0  }
0x12: {  	s1 =	sld [smem:$0x3F8C];
	s0 =	simm.s32 @p0 $0x1  }
0x13: {  	[smem:$0x3FA7] =	sst s0;
	s0 =	simm.s32 @!p1 $0x0  }
0x14: {  	s2 =	sld [smem:$0x3F8B];
	s0 =	simm.s32 @p1 $0x1  }
0x15: {  	[smem:$0x3FA8] =	sst s0;
	s0 =	simm.s32 @!p2 $0x0  }
0x16: {  	s3 =	sld [smem:$0x3FDB];
	s0 =	simm.s32 @p2 $0x1  }
0x17: {  	s4 =	simm.s32 $0x1BF5;
	[smem:$0x3FAA] =	sst s0  }
0x18: {  	s0 =	sld [smem:$0x3F8D];
	_ =	swait.ge [sflag:s4], $0x0  }
0x19: {  	s7 =	sld [smem:$0x3F8E]  }
0x1a: {  	s8 =	sadd.s32 $0xFFFFE003, lr  }
0x1b: {  	s9 =	sadd.s32 $0xFFFFFEF7, lr;
	s5 =	simm.s32 $0xFFFFFFFF;
	p2 =	slt.u32 s8, $0xFFFFF086  }
0x1c: {  	p1 =	slt.u32 s9, $0xF7A;
	s5 =	simm.s32 @!p2 $0x0  }
0x1d: {  	s5 =	simm.s32 @p1 $0x1;
	p0 =	seq.s32 s7, s2  }
0x1e: {  	s7 =	smul.u32 @!p0 $0xF7A, s2;
	p2 =	seq.s32 @!p0 s5, $0x0  }
0x1f: {  	s9 =	smul.u32 $0xF7A, s1;
	s8 =	simm.s32 @!p0 $0x1BF5;
	p2 =	por !p2, p0  }
0x20: {  	[sflag:s8] =	ssyncset.s32 @!p0 $0xFFFFF086;
	s6 =	sadd.s32 @!p0 s3, s7;
	s7 =	simm.s32 @!p0 $0x108  }
0x21: {  	s3 =	sadd.s32 s3, s9;
	s6 =	sadd.s32 @!p0 $0x88, s6;
	s7 =	simm.s32 @p2 $0x1082  }
0x22: {  	[simem:s7], [sflag:s8] =	dma.local @!p0 [hbm:s6], $0xF7A  }
0x23: {  	s9 =	sor.u32 $0xD0000000, s2;
	s6 =	simm.s32 $0x108;
	_ =	swait.ge @!p0 [sflag:s8], $0x0  }
0x24: {  	s3 =	sadd.s32 $0x88, s3;
	s6 =	simm.s32 @!p1 $0x1082;
	[sflag:s4] =	ssyncset.s32 $0xFFFFF086  }
0x25: {  	[simem:s6], [sflag:s4] =	dma.local [hbm:s3], $0xF7A  }
0x26: {  	[smem:$0x3F8E] =	sst s1;
	(tag) =	ssettag s2;
	_ =	strace s9  }
0x27: {  	s1 =	sld [smem:$0x3F9E]  }
0x28: {  	s2 =	sld [smem:$0x3F9F]  }
0x29: {  	s4 =	sld [smem:$0x3FA1]  }
0x2a: {  	p0 =	seq.s32 s5, $0x0;
	s5 =	sld [smem:$0x3FA2]  }
0x2b: {  	s6 =	sld [smem:$0x3FA3]  }
0x2c: {  	s7 =	sld [smem:$0x3FA4]  }
0x2d: {  	s3 =	simm.s32 $0x108;
	s8 =	sld [smem:$0x3FA5]  }
0x2e: {  	s3 =	simm.s32 @!p0 $0x1082;
	s9 =	sld [smem:$0x3FA6]  }
0x2f: {  	lr =	sadd.s32 s0, s3;
	s0 =	sld [smem:$0x3F9D]  }
0x30: {  	s3 =	sld [smem:$0x3FA0]  }
0x31: {  	[smem:$0x3FA9] =	sst s10  }
0x32: {  	s10 =	sld [smem:$0x3FA7];
	_ =	sdelay $0x3  }
0x33: {  	p0 =	seq.s32 s10, $0x1;
	s10 =	sld [smem:$0x3FA9];
	_ =	sdelay $0x3  }
0x34: {  	[smem:$0x3FA9] =	sst s10  }
0x35: {  	s10 =	sld [smem:$0x3FA8];
	_ =	sdelay $0x3  }
0x36: {  	p1 =	seq.s32 s10, $0x1;
	s10 =	sld [smem:$0x3FA9];
	_ =	sdelay $0x3  }
0x37: {  	[smem:$0x3FA9] =	sst s10  }
0x38: {  	s10 =	sld [smem:$0x3FAA]  }
0x39: {  	_ = 	snop;
	(pc) =	sbr.ind lr, $3  }
0x3a: {  	_ = 	snop  }
0x3b: {  	_ = 	snop  }
0x3c: {  	p2 =	seq.s32 s10, $0x1;
	s10 =	sld [smem:$0x3FA9]  }
0x3d: {  	_ =	shalt  }
0x3e: {  	_ =	shalt  }
0x3f: {  	_ =	shalt  }
0x40: {  	_ =	shalt  }
0x41: {  	_ =	shalt  }
0x42: {  	_ =	shalt  }
0x43: {  	_ =	shalt  }
0x44: {  	_ =	shalt  }
0x45: {  	_ =	shalt  }
0x46: {  	_ =	shalt  }
0x47: {  	_ =	shalt  }
0x48: {  	_ =	shalt  }
0x49: {  	_ =	shalt  }
0x4a: {  	_ =	shalt  }
0x4b: {  	_ =	shalt  }
0x4c: {  	_ =	shalt  }
0x4d: {  	_ =	shalt  }
0x4e: {  	_ =	shalt  }
0x4f: {  	_ =	shalt  }
0x50: {  	_ =	shalt  }
0x51: {  	_ =	shalt  }
0x52: {  	_ =	shalt  }
0x53: {  	_ =	shalt  }
0x54: {  	_ =	shalt  }
0x55: {  	_ =	shalt  }
0x56: {  	_ =	shalt  }
0x57: {  	_ =	shalt  }
0x58: {  	_ =	shalt  }
0x59: {  	_ =	shalt  }
0x5a: {  	_ =	shalt  }
0x5b: {  	_ =	shalt  }
0x5c: {  	_ =	shalt  }
0x5d: {  	_ =	shalt  }
0x5e: {  	_ =	shalt  }
0x5f: {  	_ =	shalt  }
0x60: {  	_ =	shalt  }
0x61: {  	_ =	shalt  }
0x62: {  	_ =	shalt  }
0x63: {  	_ =	shalt  }
0x64: {  	_ =	shalt  }
0x65: {  	_ =	shalt  }
0x66: {  	_ =	shalt  }
0x67: {  	_ =	shalt  }
0x68: {  	_ =	shalt  }
0x69: {  	_ =	shalt  }
0x6a: {  	_ =	shalt  }
0x6b: {  	_ =	shalt  }
0x6c: {  	_ =	shalt  }
0x6d: {  	_ =	shalt  }
0x6e: {  	_ =	shalt  }
0x6f: {  	_ =	shalt  }
0x70: {  	_ =	shalt  }
0x71: {  	_ =	shalt  }
0x72: {  	_ =	shalt  }
0x73: {  	_ =	shalt  }
0x74: {  	_ =	shalt  }
0x75: {  	_ =	shalt  }
0x76: {  	_ =	shalt  }
0x77: {  	_ =	shalt  }
0x78: {  	_ =	shalt  }
0x79: {  	_ =	shalt  }
0x7a: {  	_ =	shalt  }
0x7b: {  	_ =	shalt  }
0x7c: {  	_ =	shalt  }
0x7d: {  	_ =	shalt  }
0x7e: {  	_ =	shalt  }
0x7f: {  	_ =	shalt  }
0x80: {  	_ =	shalt  }
0x81: {  	_ =	shalt  }
0x82: {  	_ =	shalt  }
0x83: {  	_ =	shalt  }
0x84: {  	_ =	shalt  }
0x85: {  	_ =	shalt  }
0x86: {  	_ =	shalt  }
0x87: {  	_ =	shalt  }
.Lfunc_end0:
.L_simem_size_0:
called_computation.2_lowered:
.L_overlay_start_0:
0x88: {  	s2 =	sld [smem:$0x3FD9]  }
0x89: {  	s3 =	sld [smem:$0x3FFE];
	_ =	sdelay $0x1  }
0x8a: {  	s1 =	srdreg.scid  }
0x8b: {  	s0 =	sand.u32 $0x1, s1  }
0x8c: {  	s17 =	sshll.u32 s0, $0xA;
	s2 =	sadd.s32 s3, s2  }
0x8d: {  	s2 =	sadd.s32 s2, s17  }
0x8e: {  	[smem:$0x3FB5] =	sst s2  }
0x8f: {  	_ = 	snop  }
0x90: {  	s2 =	sld [smem:$0x3FD0];
	(tm) =	ssettm $0x1  }
0x91: {  	s18 =	sld [smem:$0x3FFB];
	_ =	sdelay $0x3  }
0x92: {  	_ =	strace s18  }
0x93: {  	s3 =	sld [smem:$0x3FFC];
	_ =	sdelay $0x3  }
0x94: {  	_ =	strace s3  }
0x95: {  	s3 =	sld [smem:$0x3FFD];
	_ =	sdelay $0x3  }
0x96: {  	_ =	strace s3  }
0x97: {  	_ =	strace $0x8FFFFFFF  }
0x98: {  	s19 =	sld [smem:$0x3FDB];
	_ =	sdelay $0x1  }
0x99: {  	s4 =	simm.s32 $_scs_section_size  }
0x9a: {  	s5 =	simm.s32 $_size__tile_overlayer_lowered;
	s6 =	simm.s32 $_tile_overlayer_lowered  }
0x9b: {  	s22 =	simm.s32 $0x1BFF;
	s21 =	sshll.u32 s6, $0x1;
	s3 =	sadd.s32 s4, s19  }
0x9c: {  	s7 =	simm.s32 $0x0;
	s20 =	sshll.u32 s5, $0x1;
	s5 =	sadd.s32 s21, s3  }
0x9d: {  	[timem:s7], [sflag:s22] =	dma.local [hbm:s5], s20  }
0x9e: {  	_ =	swait.ge [sflag:s22], s20  }
0x9f: {  	s4 =	ssub.s32 $0x0, s20;
	[sflag:s22] =	ssyncset.done $0x0  }
0xa0: {  	[sflag:s22] =	ssyncadd.s32 s4;
	_ =	sdelay $0x1  }
0xa1: {  	s23 =	simm.s32 $0x1B8B  }
0xa2: {  	_ =	swait.ge [sflag:s23], $0x1  }
0xa3: {  	[sflag:s23] =	ssyncset.done $0x0  }
0xa4: {  	s25 =	simm.s32 $0x1B8E;
	s24 =	sld [smem:$0x3FFE];
	[sflag:s23] =	ssyncadd.s32 $0xFFFFFFFF  }
0xa5: {  	s26 =	simm.s32 $execute0_lowered;
	[smem:$0x3FD2] =	sst s25  }
0xa6: {  	s5 =	sshll.u32 s26, $0x1;
	_ =	strace $0x8000004C;
	[dreg:$0x1] =	wrdreg $0xFFFFFFFF  }
0xa7: {  	s28 =	simm.s32 $_size_execute0_lowered;
	s3 =	sadd.s32 s3, s5;
	[dreg:$0x0] =	wrdreg $0x0  }
0xa8: {  	s5 =	sshll.u32 s28, $0x1;
	[dreg:$0x2] =	wrdreg s3  }
0xa9: {  	[dreg:$0x3] =	wrdreg s5  }
0xaa: {  	[dreg:$0x4] =	wrdreg $0xC0  }
0xab: {  	_ =	task [dreg:s7], $0x5FFFF  }
0xac: {  	[dreg:$0x1] =	wrdreg $0xFFFFFFFF  }
0xad: {  	[dreg:$0x0] =	wrdreg $0x60  }
0xae: {  	[dreg:$0x2] =	wrdreg s24  }
0xaf: {  	[dreg:$0x3] =	wrdreg s2  }
0xb0: {  	[dreg:$0x4] =	wrdreg $0xBD800  }
0xb1: {  	[dreg:$0x5] =	wrdreg $0xBB000  }
0xb2: {  	[dreg:$0x6] =	wrdreg $0x9  }
0xb3: {  	_ =	task.clear_ibuf [dreg:s7], $0x7FFFF;
	_ =	strace $0x9000004C  }
0xb4: {  	s29 =	simm.s32 $0x9;
	_ =	strace $0x8000004E  }
0xb5: {  	_ =	swait.ge [sflag:s29], $0x1  }
0xb6: {  	[sflag:s29] =	ssyncadd.s32 $0xFFFFFFFF  }
0xb7: {  	_ =	strace $0x9000004E  }
0xb8: {  	_ =	sfence  }
0xb9: {  	s30 =	sld [smem:$0x0];
	_ =	sdelay $0x2  }
0xba: {  	s31 =	sshll.u32 s1, $0xD;
	s1 =	sshrl.u32 s1, $0x2  }
0xbb: {  	s3 =	sand.u32 $0x4000, s31;
	s1 =	sadd.s32 s1, s30  }
0xbc: {  	s0 =	sor.u32 s3, s0;
	s1 =	sshll.u32 s1, $0x11  }
0xbd: {  	s0 =	sor.u32 s1, s0  }
0xbe: {  	s0 =	sadd.s32 $0x8F2B, s0  }
0xbf: {  	[sflag:s0] =	ssyncadd.remote.s32 $0x1  }
0xc0: {  	_ =	sfence.sel $0xFFFF  }
0xc1: {  	[dreg:$0x0] =	wrdreg $0xFFFFFFFF;
	(pc) =	sbr.abs _section_cstart, $3  }
0xc2: {  	[dreg:$0x1] =	wrdreg $0xFFFFFFFF  }
0xc3: {  	_ =	task.clear_ibuf [dreg:s7], $0x2FFFF;
	_ =	strace $0x9FFFFFFF  }
0xc4: {  	(tm) =	ssettm $0x7FFFFFFF  }
0xc5: {  	_ =	shalt  }
tec
execute0_lowered:
.L_overlay_start_1:
0x0: {  	(tag) =	ssettag $0x1  }
0x1: {  	s0 =	rddreg [dreg:$0x0]  }
0x2: {  	s2 =	rddreg [dreg:$0x2]  }
0x3: {  	s3 =	rddreg [dreg:$0x3];
	s4 =	simm.s32 $0x0  }
0x4: {  	s1 =	srdreg.scid;
	s14 =	stileid.u32;
	s28 =	simm.s32 $0x2  }
0x5: {  	s30 =	simm.s32 $0x7800;
	s31 =	simm.s32 $0x7900;
	s29 =	simm.s32 $0xBA00  }
0x6: {  	[smem:$0x7FF] =	sst s4;
	s1 =	sand.u32 $0x1, s1;
	s6 =	sadd.s32 $0x19000, s0  }
0x7: {  	s7 =	sadd.s32 $0x41000, s0;
	s24 =	smul.u32 $0x14000, s14;
	s8 =	sadd.s32 $0x41600, s0  }
0x8: {  	s9 =	sadd.s32 $0x4C00, s0;
	s10 =	sadd.s32 $0xEE00, s0;
	s26 =	smul.u32 $0x50000, s14  }
0x9: {  	s13 =	smul.u32 $0x280, s14;
	_ =	strace $0x8000004D;
	[dreg:$0x5] =	wrdreg s7  }
0xa: {  	s5 =	smul.u32 $0x140000, s1;
	[dreg:$0x6] =	wrdreg s8;
	s25 =	ssub.s32 $0x2, s1  }
0xb: {  	s1 =	smul.u32 $0x2880, s1;
	s11 =	sshrl.u32 s25, $0x1;
	s12 =	sshrl.u32 s26, $0x2  }
0xc: {  	s15 =	sadd.s32 s13, s3;
	s16 =	sadd.s32 $0x80, s13;
	s18 =	sadd.s32 $0x100, s13  }
0xd: {  	s20 =	sadd.s32 $0x180, s13;
	s23 =	sadd.s32 $0x200, s13;
	s26 =	smul.u32 $0xA20, s14  }
0xe: {  	s13 =	simm.s32 $0x0;
	s5 =	sadd.s32 s24, s5;
	[dreg:$0x7] =	wrdreg s15  }
0xf: {  	s12 =	sadd.s32 s12, s2;
	s17 =	sadd.s32 s16, s3;
	s7 =	sshll.u32 s16, $0x7  }
0x10: {  	s19 =	sshll.u32 s18, $0x7;
	s8 =	sadd.s32 s18, s3;
	s21 =	sadd.s32 s20, s3  }
0x11: {  	s22 =	sshll.u32 s20, $0x7;
	s24 =	smul.u32 $0x5100, s14;
	[dreg:$0x8] =	wrdreg s17  }
0x12: {  	s5 =	sshrl.u32 s5, $0x3;
	s7 =	sadd.s32 s7, s2;
	[dreg:$0xa] =	wrdreg s8  }
0x13: {  	[dreg:$0xc] =	wrdreg s21;
	s8 =	sadd.s32 s23, s3;
	s0 =	sadd.s32 s5, s0  }
0x14: {  	s5 =	ssub.s32 s25, s11;
	[dreg:$0x9] =	wrdreg s7;
	s7 =	sadd.s32 s19, s2  }
0x15: {  	s25 =	sshll.u32 s23, $0x7;
	[dreg:$0xe] =	wrdreg s8;
	s21 =	sadd.s32 s1, s24  }
0x16: {  	s24 =	sadd.s32 s26, s10;
	s1 =	simm.s32 $0x80;
	s8 =	simm.s32 $0x7980  }
0x17: {  	s11 =	simm.s32 $0x1;
	[dreg:$0xb] =	wrdreg s7;
	s7 =	sadd.s32 s22, s2  }
0x18: {  	s20 =	sadd.s32 s25, s2;
	s22 =	sadd.s32 $0x41C00, s0;
	s23 =	smax.u32 s5, $0x1  }
0x19: {  	s25 =	sadd.s32 s26, s9;
	s26 =	simm.s32 $0x7A00;
	s0 =	simm.s32 $0x2800  }
0x1a: {  	v0 =	vimm.f32 $0.0e+00;
	s5 =	simm.s32 $0x5000;
	[dreg:$0xd] =	wrdreg s7;
	s7 =	simm.s32 $0x7880  }
.LBB2_1:
0x1b: {  	s14 =	rddreg [dreg:$0x5]  }
0x1c: {  	[tilespmem:s26], [sflag:$0x2] =	stream.linear.gather [hbm4b:s14+s4], $0x2800, $0x38;
	[tilespmem:$0x1FD80] =	vst v63  }
0x1d: {  	_ =	swait.ge [sflag:s28], $0x2800  }
0x1e: {  	[sflag:s28] =	ssyncset.done $0x0  }
0x1f: {  	s14 =	simm.s32 $0x0;
	[sflag:s28] =	ssyncadd.s32 $0xFFFFD800  }
0x20: {  	v4 =	vld [tilespmem:s14+$0x7A70]  }
0x21: {  	v5 =	vld [tilespmem:s14+$0x7A00]  }
0x22: {  	v6 =	vld [tilespmem:s14+$0x7A10]  }
0x23: {  	v3 =	vld [tilespmem:s14+$0x7A20]  }
0x24: {  	v1 =	vld [tilespmem:s14+$0x7A30]  }
0x25: {  	v2 =	vld [tilespmem:s14+$0x7A40];
	[tilespmem:s14+$0x70] =	vst v4  }
0x26: {  	[tilespmem:s14+$0x0] =	vst v5;
	v4 =	vld [tilespmem:s14+$0x7A50]  }
0x27: {  	s15 =	simm.s32 $0x80;
	s16 =	simm.s32 $0x400;
	[tilespmem:s14+$0x10] =	vst v6;
	v5 =	vld [tilespmem:s14+$0x7A60]  }
.LBB2_2:
0x28: {  	p0 =	sne.s32 s16, $0x9E00;
	v6 =	vld [tilespmem:s15+$0x7A70];
	[tilespmem:s14+$0x20] =	vst v3  }
0x29: {  	v7 =	vld [tilespmem:s15+$0x7A00];
	[tilespmem:s14+$0x30] =	vst v1  }
0x2a: {  	v8 =	vld [tilespmem:s15+$0x7A10];
	[tilespmem:s14+$0x40] =	vst v2  }
.Ltmp0:
0x2b: {  	v3 =	vld [tilespmem:s15+$0x7A20];
	[tilespmem:s14+$0x50] =	vst v4;
	(pc) =	sbr.rel @p0 .LBB2_2-.Ltmp0, $4  }
0x2c: {  	v1 =	vld [tilespmem:s15+$0x7A30];
	[tilespmem:s14+$0x60] =	vst v5;
	s14 =	smov.u32 s15  }
0x2d: {  	v2 =	vld [tilespmem:s14+$0x7A40];
	[tilespmem:s14+$0x70] =	vst v6  }
0x2e: {  	[tilespmem:s14+$0x0] =	vst v7;
	v4 =	vld [tilespmem:s14+$0x7A50]  }
0x2f: {  	s15 =	sshra.s32 s16, $0x2;
	s16 =	sadd.s32 $0x200, s16;
	[tilespmem:s14+$0x10] =	vst v8;
	v5 =	vld [tilespmem:s14+$0x7A60]  }
0x30: {  	v6 =	vld [tilespmem:s15+$0x7A70];
	[tilespmem:s14+$0x20] =	vst v3  }
0x31: {  	v3 =	vld [tilespmem:s15+$0x7A00];
	[tilespmem:s14+$0x30] =	vst v1  }
0x32: {  	v1 =	vld [tilespmem:s15+$0x7A10];
	[tilespmem:s14+$0x40] =	vst v2  }
0x33: {  	v2 =	vld [tilespmem:s15+$0x7A20];
	[tilespmem:s14+$0x50] =	vst v4  }
0x34: {  	v4 =	vld [tilespmem:s15+$0x7A30];
	[tilespmem:s14+$0x60] =	vst v5  }
0x35: {  	v5 =	vld [tilespmem:s15+$0x7A40];
	[tilespmem:s15+$0x70] =	vst v6  }
0x36: {  	[tilespmem:s15+$0x0] =	vst v3;
	v3 =	vld [tilespmem:s15+$0x7A50]  }
0x37: {  	[tilespmem:s15+$0x10] =	vst v1;
	v1 =	vld [tilespmem:s15+$0x7A60]  }
0x38: {  	[tilespmem:s15+$0x20] =	vst v2  }
0x39: {  	[tilespmem:s15+$0x30] =	vst v4  }
0x3a: {  	[tilespmem:s15+$0x40] =	vst v5  }
0x3b: {  	[tilespmem:s15+$0x50] =	vst v3  }
0x3c: {  	s18 =	simm.s32 $0x0;
	s19 =	rddreg [dreg:$0x6];
	[tilespmem:s15+$0x60] =	vst v1  }
0x3d: {  	[tilespmem:s26], [sflag:$0x2] =	stream.linear.gather [hbm4b:s19+s18], $0x2800, $0x38;
	[tilespmem:$0x1FD80] =	vst v63  }
0x3e: {  	_ =	swait.ge [sflag:s28], $0x2800  }
0x3f: {  	[sflag:s28] =	ssyncset.done $0x0  }
0x40: {  	s14 =	simm.s32 $0x0;
	[sflag:s28] =	ssyncadd.s32 $0xFFFFD800  }
0x41: {  	v4 =	vld [tilespmem:s14+$0x7A70]  }
0x42: {  	v5 =	vld [tilespmem:s14+$0x7A00]  }
0x43: {  	v6 =	vld [tilespmem:s14+$0x7A10]  }
0x44: {  	v3 =	vld [tilespmem:s14+$0x7A20]  }
0x45: {  	v1 =	vld [tilespmem:s14+$0x7A30]  }
0x46: {  	v2 =	vld [tilespmem:s14+$0x7A40];
	[tilespmem:s14+$0x2870] =	vst v4  }
0x47: {  	[tilespmem:s14+$0x2800] =	vst v5;
	v4 =	vld [tilespmem:s14+$0x7A50]  }
0x48: {  	s16 =	simm.s32 $0x400;
	s15 =	simm.s32 $0x80;
	[tilespmem:s14+$0x2810] =	vst v6;
	v5 =	vld [tilespmem:s14+$0x7A60]  }
.LBB2_4:
0x49: {  	p0 =	sne.s32 s16, $0x9E00;
	v6 =	vld [tilespmem:s15+$0x7A70];
	[tilespmem:s14+$0x2820] =	vst v3  }
0x4a: {  	v7 =	vld [tilespmem:s15+$0x7A00];
	[tilespmem:s14+$0x2830] =	vst v1  }
0x4b: {  	v8 =	vld [tilespmem:s15+$0x7A10];
	[tilespmem:s14+$0x2840] =	vst v2  }
.Ltmp1:
0x4c: {  	v3 =	vld [tilespmem:s15+$0x7A20];
	[tilespmem:s14+$0x2850] =	vst v4;
	(pc) =	sbr.rel @p0 .LBB2_4-.Ltmp1, $4  }
0x4d: {  	v1 =	vld [tilespmem:s15+$0x7A30];
	[tilespmem:s14+$0x2860] =	vst v5;
	s14 =	smov.u32 s15  }
0x4e: {  	v2 =	vld [tilespmem:s14+$0x7A40];
	[tilespmem:s14+$0x2870] =	vst v6  }
0x4f: {  	[tilespmem:s14+$0x2800] =	vst v7;
	v4 =	vld [tilespmem:s14+$0x7A50]  }
0x50: {  	s15 =	sshra.s32 s16, $0x2;
	s16 =	sadd.s32 $0x200, s16;
	[tilespmem:s14+$0x2810] =	vst v8;
	v5 =	vld [tilespmem:s14+$0x7A60]  }
0x51: {  	v6 =	vld [tilespmem:s15+$0x7A70];
	[tilespmem:s14+$0x2820] =	vst v3  }
0x52: {  	v3 =	vld [tilespmem:s15+$0x7A00];
	[tilespmem:s14+$0x2830] =	vst v1  }
0x53: {  	v1 =	vld [tilespmem:s15+$0x7A10];
	[tilespmem:s14+$0x2840] =	vst v2  }
0x54: {  	v2 =	vld [tilespmem:s15+$0x7A20];
	[tilespmem:s14+$0x2850] =	vst v4  }
0x55: {  	v4 =	vld [tilespmem:s15+$0x7A30];
	[tilespmem:s14+$0x2860] =	vst v5  }
0x56: {  	v5 =	vld [tilespmem:s15+$0x7A40];
	[tilespmem:s15+$0x2870] =	vst v6  }
0x57: {  	[tilespmem:s15+$0x2800] =	vst v3;
	v3 =	vld [tilespmem:s15+$0x7A50]  }
0x58: {  	[tilespmem:s15+$0x2810] =	vst v1;
	v1 =	vld [tilespmem:s15+$0x7A60]  }
0x59: {  	[tilespmem:s15+$0x2820] =	vst v2  }
0x5a: {  	[tilespmem:s15+$0x2830] =	vst v4  }
0x5b: {  	[tilespmem:s15+$0x2840] =	vst v5  }
0x5c: {  	[tilespmem:s15+$0x2850] =	vst v3  }
0x5d: {  	s18 =	simm.s32 $0x0;
	s19 =	rddreg [dreg:$0x1];
	s16 =	simm.s32 $0xBA80;
	[tilespmem:s15+$0x2860] =	vst v1  }
0x5e: {  	[tilespmem:s16], [sflag:$0x2] =	stream.linear.gather [hbm4b:s19+s18], $0x80, $0x38;
	[tilespmem:$0x1FD80] =	vst v63  }
0x5f: {  	_ =	swait.ge [sflag:s28], $0x80  }
0x60: {  	[sflag:s28] =	ssyncset.done $0x0  }
0x61: {  	[sflag:s28] =	ssyncadd.s32 $0xFFFFFF80  }
0x62: {  	s14 =	simm.s32 $0x40;
	s15 =	simm.s32 $0x0;
	v1 =	vld [tilespmem:$0xBA80]  }
.LBB2_6:
0x63: {  	p0 =	sne.s32 s14, $0xFFC0;
	[tilespmem:s15+$0x7A00] =	vst v0;
	s15 =	smov.u32 s14;
	s14 =	sadd.s32 $0x40, s14  }
.Ltmp2:
0x64: {  	(pc) =	sbr.rel @p0 .LBB2_6-.Ltmp2, $2  }
0x65: {  	_ =	sdelay $0x2  }
0x66: {  	s15 =	sshra.s32 s15, $0x2  }
0x67: {  	[tilespmem:s15+$0x7A00] =	vst v0;
	s14 =	rddreg [dreg:$0x7]  }
0x68: {  	[spmem:s14] =	stream.linear.scatter [tilespmem:s26], [sflag:$0x2], $0x80, $0x38;
	[tilespmem:$0x1FD80] =	vst v63  }
0x69: {  	_ =	swait.ge [sflag:s28], $0x80  }
0x6a: {  	[sflag:s28] =	ssyncset.done $0x0  }
0x6b: {  	[sflag:s28] =	ssyncadd.s32 $0xFFFFFF80  }
0x6c: {  	[spmem:s12] =	stream.linear.scatter [tilespmem:s26], [sflag:$0x2], $0x4000, $0x38;
	[tilespmem:$0x1FD80] =	vst v63  }
0x6d: {  	_ =	swait.ge [sflag:s28], $0x4000  }
0x6e: {  	[sflag:s28] =	ssyncset.done $0x0  }
0x6f: {  	s16 =	rddreg [dreg:$0x8];
	[sflag:s28] =	ssyncadd.s32 $0xFFFFC000  }
0x70: {  	[spmem:s16] =	stream.linear.scatter [tilespmem:s26], [sflag:$0x2], $0x80, $0x38;
	[tilespmem:$0x1FD80] =	vst v63  }
0x71: {  	_ =	swait.ge [sflag:s28], $0x80  }
0x72: {  	[sflag:s28] =	ssyncset.done $0x0  }
0x73: {  	s17 =	rddreg [dreg:$0x9];
	[sflag:s28] =	ssyncadd.s32 $0xFFFFFF80  }
0x74: {  	[spmem:s17] =	stream.linear.scatter [tilespmem:s26], [sflag:$0x2], $0x4000, $0x38;
	[tilespmem:$0x1FD80] =	vst v63  }
0x75: {  	_ =	swait.ge [sflag:s28], $0x4000  }
0x76: {  	[sflag:s28] =	ssyncset.done $0x0  }
0x77: {  	s18 =	rddreg [dreg:$0xa];
	[sflag:s28] =	ssyncadd.s32 $0xFFFFC000  }
0x78: {  	[spmem:s18] =	stream.linear.scatter [tilespmem:s26], [sflag:$0x2], $0x80, $0x38;
	[tilespmem:$0x1FD80] =	vst v63  }
0x79: {  	_ =	swait.ge [sflag:s28], $0x80  }
0x7a: {  	[sflag:s28] =	ssyncset.done $0x0  }
0x7b: {  	s19 =	rddreg [dreg:$0xb];
	[sflag:s28] =	ssyncadd.s32 $0xFFFFFF80  }
0x7c: {  	[spmem:s19] =	stream.linear.scatter [tilespmem:s26], [sflag:$0x2], $0x4000, $0x38;
	[tilespmem:$0x1FD80] =	vst v63  }
0x7d: {  	_ =	swait.ge [sflag:s28], $0x4000  }
0x7e: {  	[sflag:s28] =	ssyncset.done $0x0  }
0x7f: {  	s15 =	rddreg [dreg:$0xc];
	[sflag:s28] =	ssyncadd.s32 $0xFFFFC000  }
0x80: {  	[spmem:s15] =	stream.linear.scatter [tilespmem:s26], [sflag:$0x2], $0x80, $0x38;
	[tilespmem:$0x1FD80] =	vst v63  }
0x81: {  	_ =	swait.ge [sflag:s28], $0x80  }
0x82: {  	[sflag:s28] =	ssyncset.done $0x0  }
0x83: {  	s16 =	rddreg [dreg:$0xd];
	[sflag:s28] =	ssyncadd.s32 $0xFFFFFF80  }
0x84: {  	[spmem:s16] =	stream.linear.scatter [tilespmem:s26], [sflag:$0x2], $0x4000, $0x38;
	[tilespmem:$0x1FD80] =	vst v63  }
0x85: {  	_ =	swait.ge [sflag:s28], $0x4000  }
0x86: {  	[sflag:s28] =	ssyncset.done $0x0  }
0x87: {  	s17 =	rddreg [dreg:$0xe];
	[sflag:s28] =	ssyncadd.s32 $0xFFFFC000  }
0x88: {  	[spmem:s17] =	stream.linear.scatter [tilespmem:s26], [sflag:$0x2], $0x80, $0x38;
	[tilespmem:$0x1FD80] =	vst v63  }
0x89: {  	_ =	swait.ge [sflag:s28], $0x80  }
0x8a: {  	[sflag:s28] =	ssyncset.done $0x0  }
0x8b: {  	[sflag:s28] =	ssyncadd.s32 $0xFFFFFF80  }
0x8c: {  	[spmem:s20] =	stream.linear.scatter [tilespmem:s26], [sflag:$0x2], $0x4000, $0x38;
	[tilespmem:$0x1FD80] =	vst v63  }
0x8d: {  	_ =	swait.ge [sflag:s28], $0x4000  }
0x8e: {  	[sflag:s28] =	ssyncset.done $0x0  }
0x8f: {  	[sflag:s28] =	ssyncadd.s32 $0xFFFFC000  }
0x90: {  	s18 =	sadd.s32 $0x0, s25;
	[bflag:$0x0] =	sbarrier.arrive $0xFFFF  }
0x91: {  	[tilespmem:s30], [sflag:$0x2] =	stream.linear.gather [hbm4b:s18+s4], $0x80, $0x38;
	[tilespmem:$0x1FD80] =	vst v63  }
0x92: {  	_ =	swait.ge [sflag:s28], $0x80  }
0x93: {  	[sflag:s28] =	ssyncset.done $0x0  }
0x94: {  	s19 =	sadd.s32 $0x0, s24;
	[sflag:s28] =	ssyncadd.s32 $0xFFFFFF80  }
0x95: {  	[tilespmem:s31], [sflag:$0x2] =	stream.linear.gather [hbm4b:s19+s4], $0x80, $0x38;
	[tilespmem:$0x1FD80] =	vst v63  }
0x96: {  	_ =	swait.ge [sflag:s28], $0x80  }
0x97: {  	[sflag:s28] =	ssyncset.done $0x0  }
0x98: {  	[sflag:s28] =	ssyncadd.s32 $0xFFFFFF80  }
0x99: {  	v2 =	vld [tilespmem:$0x7800]  }
0x9a: {  	v3 =	vld [tilespmem:$0x7900];
	_ =	sdelay $0x6  }
0x9b: {  	v2 =	vld.idx.msk [tilespmem:v2+s4+$0x0], $0xffff  }
0x9c: {  	v3 =	vld.idx.msk [tilespmem:v3+s0+$0x0], $0xffff;
	_ =	sdelay $0x4  }
0x9d: {  	v2 =	vadd.f32 v3, v2;
	v3 =	vadd.f32 v3, v1;
	_ =	sdelay $0x1  }
0x9e: {  	v4 =	vmul.f32 $2.000000030e-01, v2;
	v5 =	vmul.f32 $2.000000030e-01, v3  }
0x9f: {  	vm0 =	vgt.f32 v2, $0.0e+00;
	vm1 =	vgt.f32 v3, $0.0e+00  }
0xa0: {  	v2 =	vsel vm0, v2, v4;
	v3 =	vsel vm1, v3, v5  }
0xa1: {  	v2 =	vsub.f32 v2, v3;
	_ =	sdelay $0x1  }
0xa2: {  	v2 =	vmul.f32 $1.442695020e+00, v2;
	_ =	sdelay $0x1  }
0xa3: {  	(erf) = vpow2.f32 v2;
	_ =	sdelay $0x2  }
0xa4: {  	v2 =	vld [tilespmem:$0x7810]  }
0xa5: {  	v3 =	vld [tilespmem:$0x7910];
	_ =	sdelay $0x4  }
0xa6: {  	v43 =	vpop (erf)  }
0xa7: {  	[tilespmem:$0xBA00] =	vst v43  }
0xa8: {  	v2 =	vld.idx.msk [tilespmem:v2+s4+$0x0], $0xffff  }
0xa9: {  	v3 =	vld.idx.msk [tilespmem:v3+s0+$0x0], $0xffff;
	_ =	sdelay $0x4  }
0xaa: {  	v2 =	vadd.f32 v3, v2;
	v3 =	vadd.f32 v3, v1;
	_ =	sdelay $0x1  }
0xab: {  	v44 =	vmul.f32 $2.000000030e-01, v2;
	v45 =	vmul.f32 $2.000000030e-01, v3  }
0xac: {  	vm14 =	vgt.f32 v2, $0.0e+00;
	vm15 =	vgt.f32 v3, $0.0e+00  }
0xad: {  	v2 =	vsel vm14, v2, v44;
	v3 =	vsel vm15, v3, v45  }
0xae: {  	v2 =	vsub.f32 v2, v3;
	_ =	sdelay $0x1  }
0xaf: {  	v2 =	vmul.f32 $1.442695020e+00, v2;
	_ =	sdelay $0x1  }
0xb0: {  	(erf) = vpow2.f32 v2;
	_ =	sdelay $0x2  }
0xb1: {  	v2 =	vld [tilespmem:$0x7820]  }
0xb2: {  	v3 =	vld [tilespmem:$0x7920];
	_ =	sdelay $0x4  }
0xb3: {  	v46 =	vpop (erf)  }
0xb4: {  	[tilespmem:$0xBA10] =	vst v46  }
0xb5: {  	v2 =	vld.idx.msk [tilespmem:v2+s4+$0x0], $0xffff  }
0xb6: {  	v3 =	vld.idx.msk [tilespmem:v3+s0+$0x0], $0xffff;
	_ =	sdelay $0x4  }
0xb7: {  	v2 =	vadd.f32 v3, v2;
	v3 =	vadd.f32 v3, v1;
	_ =	sdelay $0x1  }
0xb8: {  	v47 =	vmul.f32 $2.000000030e-01, v2;
	v48 =	vmul.f32 $2.000000030e-01, v3  }
0xb9: {  	vm4 =	vgt.f32 v2, $0.0e+00;
	vm5 =	vgt.f32 v3, $0.0e+00  }
0xba: {  	v2 =	vsel vm4, v2, v47;
	v3 =	vsel vm5, v3, v48  }
0xbb: {  	v2 =	vsub.f32 v2, v3;
	_ =	sdelay $0x1  }
0xbc: {  	v2 =	vmul.f32 $1.442695020e+00, v2;
	_ =	sdelay $0x1  }
0xbd: {  	(erf) = vpow2.f32 v2;
	_ =	sdelay $0x2  }
0xbe: {  	v2 =	vld [tilespmem:$0x7830]  }
0xbf: {  	v3 =	vld [tilespmem:$0x7930];
	_ =	sdelay $0x4  }
0xc0: {  	v49 =	vpop (erf)  }
0xc1: {  	[tilespmem:$0xBA20] =	vst v49  }
0xc2: {  	v2 =	vld.idx.msk [tilespmem:v2+s4+$0x0], $0xffff  }
0xc3: {  	v3 =	vld.idx.msk [tilespmem:v3+s0+$0x0], $0xffff;
	_ =	sdelay $0x4  }
0xc4: {  	v2 =	vadd.f32 v3, v2;
	v3 =	vadd.f32 v3, v1;
	_ =	sdelay $0x1  }
0xc5: {  	v50 =	vmul.f32 $2.000000030e-01, v2;
	v51 =	vmul.f32 $2.000000030e-01, v3  }
0xc6: {  	vm6 =	vgt.f32 v2, $0.0e+00;
	vm7 =	vgt.f32 v3, $0.0e+00  }
0xc7: {  	v2 =	vsel vm6, v2, v50;
	v3 =	vsel vm7, v3, v51  }
0xc8: {  	v2 =	vsub.f32 v2, v3;
	_ =	sdelay $0x1  }
0xc9: {  	v2 =	vmul.f32 $1.442695020e+00, v2;
	_ =	sdelay $0x1  }
0xca: {  	(erf) = vpow2.f32 v2;
	_ =	sdelay $0x2  }
0xcb: {  	v2 =	vld [tilespmem:$0x7840]  }
0xcc: {  	v3 =	vld [tilespmem:$0x7940];
	_ =	sdelay $0x4  }
0xcd: {  	v52 =	vpop (erf)  }
0xce: {  	[tilespmem:$0xBA30] =	vst v52  }
0xcf: {  	v2 =	vld.idx.msk [tilespmem:v2+s4+$0x0], $0xffff  }
0xd0: {  	v3 =	vld.idx.msk [tilespmem:v3+s0+$0x0], $0xffff;
	_ =	sdelay $0x4  }
0xd1: {  	v2 =	vadd.f32 v3, v2;
	v3 =	vadd.f32 v3, v1;
	_ =	sdelay $0x1  }
0xd2: {  	v53 =	vmul.f32 $2.000000030e-01, v2;
	v54 =	vmul.f32 $2.000000030e-01, v3  }
0xd3: {  	vm8 =	vgt.f32 v2, $0.0e+00;
	vm9 =	vgt.f32 v3, $0.0e+00  }
0xd4: {  	v2 =	vsel vm8, v2, v53;
	v3 =	vsel vm9, v3, v54  }
0xd5: {  	v2 =	vsub.f32 v2, v3;
	_ =	sdelay $0x1  }
0xd6: {  	v2 =	vmul.f32 $1.442695020e+00, v2;
	_ =	sdelay $0x1  }
0xd7: {  	(erf) = vpow2.f32 v2;
	_ =	sdelay $0x2  }
0xd8: {  	v2 =	vld [tilespmem:$0x7850]  }
0xd9: {  	v3 =	vld [tilespmem:$0x7950];
	_ =	sdelay $0x4  }
0xda: {  	v55 =	vpop (erf)  }
0xdb: {  	[tilespmem:$0xBA40] =	vst v55  }
0xdc: {  	v2 =	vld.idx.msk [tilespmem:v2+s4+$0x0], $0xffff  }
0xdd: {  	v3 =	vld.idx.msk [tilespmem:v3+s0+$0x0], $0xffff;
	_ =	sdelay $0x4  }
0xde: {  	v2 =	vadd.f32 v3, v2;
	v3 =	vadd.f32 v3, v1;
	_ =	sdelay $0x1  }
0xdf: {  	v56 =	vmul.f32 $2.000000030e-01, v2;
	v57 =	vmul.f32 $2.000000030e-01, v3  }
0xe0: {  	vm10 =	vgt.f32 v2, $0.0e+00;
	vm11 =	vgt.f32 v3, $0.0e+00  }
0xe1: {  	v2 =	vsel vm10, v2, v56;
	v3 =	vsel vm11, v3, v57  }
0xe2: {  	v2 =	vsub.f32 v2, v3;
	_ =	sdelay $0x1  }
0xe3: {  	v2 =	vmul.f32 $1.442695020e+00, v2;
	_ =	sdelay $0x1  }
0xe4: {  	(erf) = vpow2.f32 v2;
	_ =	sdelay $0x2  }
0xe5: {  	v2 =	vld [tilespmem:$0x7860]  }
0xe6: {  	v3 =	vld [tilespmem:$0x7960];
	_ =	sdelay $0x4  }
0xe7: {  	v58 =	vpop (erf)  }
0xe8: {  	[tilespmem:$0xBA50] =	vst v58  }
0xe9: {  	v2 =	vld.idx.msk [tilespmem:v2+s4+$0x0], $0xffff  }
0xea: {  	v3 =	vld.idx.msk [tilespmem:v3+s0+$0x0], $0xffff;
	_ =	sdelay $0x4  }
0xeb: {  	v2 =	vadd.f32 v3, v2;
	v3 =	vadd.f32 v3, v1;
	_ =	sdelay $0x1  }
0xec: {  	v59 =	vmul.f32 $2.000000030e-01, v2;
	v60 =	vmul.f32 $2.000000030e-01, v3  }
0xed: {  	vm12 =	vgt.f32 v2, $0.0e+00;
	vm13 =	vgt.f32 v3, $0.0e+00  }
0xee: {  	v2 =	vsel vm12, v2, v59;
	v3 =	vsel vm13, v3, v60  }
0xef: {  	v2 =	vsub.f32 v2, v3;
	_ =	sdelay $0x1  }
0xf0: {  	v2 =	vmul.f32 $1.442695020e+00, v2;
	_ =	sdelay $0x1  }
0xf1: {  	(erf) = vpow2.f32 v2;
	_ =	sdelay $0x2  }
0xf2: {  	v2 =	vld [tilespmem:$0x7870]  }
0xf3: {  	v3 =	vld [tilespmem:$0x7970];
	_ =	sdelay $0x4  }
0xf4: {  	v61 =	vpop (erf)  }
0xf5: {  	[tilespmem:$0xBA60] =	vst v61  }
0xf6: {  	v2 =	vld.idx.msk [tilespmem:v2+s4+$0x0], $0xffff  }
0xf7: {  	v3 =	vld.idx.msk [tilespmem:v3+s0+$0x0], $0xffff;
	_ =	sdelay $0x4  }
0xf8: {  	v2 =	vadd.f32 v3, v2;
	v3 =	vadd.f32 v3, v1;
	_ =	sdelay $0x1  }
0xf9: {  	v62 =	vmul.f32 $2.000000030e-01, v2;
	v63 =	vmul.f32 $2.000000030e-01, v3  }
0xfa: {  	vm14 =	vgt.f32 v2, $0.0e+00;
	vm15 =	vgt.f32 v3, $0.0e+00  }
0xfb: {  	v2 =	vsel vm14, v2, v62;
	v3 =	vsel vm15, v3, v63  }
0xfc: {  	v2 =	vsub.f32 v2, v3;
	_ =	sdelay $0x1  }
0xfd: {  	v2 =	vmul.f32 $1.442695020e+00, v2;
	_ =	sdelay $0x1  }
0xfe: {  	s14 =	simm.s32 $0x10;
	(erf) = vpow2.f32 v2  }
.LBB2_8:
0xff: {  	_ =	sdelay $0x4  }
0x100: {  	p0 =	sne.s32 s14, $0xA10;
	s15 =	smov.u32 s14;
	s14 =	sadd.s32 $0x10, s14  }
0x101: {  	_ =	sdelay $0x1  }
0x102: {  	v2 =	vpop (erf)  }
0x103: {  	[tilespmem:$0xBA70] =	vst v2  }
0x104: {  	[spmem:s3] =	stream.indirect.scatter.add.f32 [tilespmem:s29], [sflag:$0x2], $0x1, s31, s1, $0xb8;
	[tilespmem:$0x1FD80] =	vst v63  }
0x105: {  	_ =	swait.ge [sflag:s28], $0x80  }
0x106: {  	[sflag:s28] =	ssyncset.done $0x0  }
0x107: {  	s16 =	sadd.s32 s15, s25;
	[sflag:s28] =	ssyncadd.s32 $0xFFFFFF80  }
0x108: {  	[tilespmem:s30], [sflag:$0x2] =	stream.linear.gather [hbm4b:s16+s4], $0x80, $0x38;
	[tilespmem:$0x1FD80] =	vst v63  }
0x109: {  	_ =	swait.ge [sflag:s28], $0x80  }
0x10a: {  	[sflag:s28] =	ssyncset.done $0x0  }
0x10b: {  	s15 =	sadd.s32 s15, s24;
	[sflag:s28] =	ssyncadd.s32 $0xFFFFFF80  }
0x10c: {  	[tilespmem:s31], [sflag:$0x2] =	stream.linear.gather [hbm4b:s15+s4], $0x80, $0x38;
	[tilespmem:$0x1FD80] =	vst v63  }
0x10d: {  	_ =	swait.ge [sflag:s28], $0x80  }
0x10e: {  	[sflag:s28] =	ssyncset.done $0x0  }
0x10f: {  	[sflag:s28] =	ssyncadd.s32 $0xFFFFFF80  }
0x110: {  	v2 =	vld [tilespmem:$0x7800]  }
0x111: {  	v3 =	vld [tilespmem:$0x7900];
	_ =	sdelay $0x6  }
0x112: {  	v2 =	vld.idx.msk [tilespmem:v2+s4+$0x0], $0xffff  }
0x113: {  	v3 =	vld.idx.msk [tilespmem:v3+s0+$0x0], $0xffff;
	_ =	sdelay $0x5  }
0x114: {  	v2 =	vadd.f32 v3, v2;
	v3 =	vadd.f32 v3, v1;
	_ =	sdelay $0x1  }
0x115: {  	vm0 =	vgt.f32 v2, $0.0e+00;
	v4 =	vmul.f32 $2.000000030e-01, v2;
	v5 =	vmul.f32 $2.000000030e-01, v3  }
0x116: {  	vm1 =	vgt.f32 v3, $0.0e+00  }
0x117: {  	v2 =	vsel vm0, v2, v4;
	v3 =	vsel vm1, v3, v5  }
0x118: {  	v2 =	vsub.f32 v2, v3;
	_ =	sdelay $0x1  }
0x119: {  	v2 =	vmul.f32 $1.442695020e+00, v2;
	_ =	sdelay $0x1  }
0x11a: {  	(erf) = vpow2.f32 v2;
	_ =	sdelay $0x1  }
0x11b: {  	v2 =	vld [tilespmem:$0x7910]  }
0x11c: {  	v3 =	vld [tilespmem:$0x7810];
	_ =	sdelay $0x5  }
0x11d: {  	v4 =	vpop (erf)  }
0x11e: {  	[tilespmem:$0xBA00] =	vst v4  }
0x11f: {  	v3 =	vld.idx.msk [tilespmem:v3+s4+$0x0], $0xffff  }
0x120: {  	v2 =	vld.idx.msk [tilespmem:v2+s0+$0x0], $0xffff;
	_ =	sdelay $0x5  }
0x121: {  	v3 =	vadd.f32 v2, v3;
	v2 =	vadd.f32 v2, v1;
	_ =	sdelay $0x1  }
0x122: {  	vm0 =	vgt.f32 v3, $0.0e+00;
	v4 =	vmul.f32 $2.000000030e-01, v3;
	v5 =	vmul.f32 $2.000000030e-01, v2  }
0x123: {  	vm1 =	vgt.f32 v2, $0.0e+00  }
0x124: {  	v3 =	vsel vm0, v3, v4;
	v2 =	vsel vm1, v2, v5  }
0x125: {  	v2 =	vsub.f32 v3, v2;
	_ =	sdelay $0x1  }
0x126: {  	v2 =	vmul.f32 $1.442695020e+00, v2;
	_ =	sdelay $0x1  }
0x127: {  	(erf) = vpow2.f32 v2;
	_ =	sdelay $0x1  }
0x128: {  	v2 =	vld [tilespmem:$0x7920]  }
0x129: {  	v3 =	vld [tilespmem:$0x7820];
	_ =	sdelay $0x5  }
0x12a: {  	v4 =	vpop (erf)  }
0x12b: {  	[tilespmem:$0xBA10] =	vst v4  }
0x12c: {  	v3 =	vld.idx.msk [tilespmem:v3+s4+$0x0], $0xffff  }
0x12d: {  	v2 =	vld.idx.msk [tilespmem:v2+s0+$0x0], $0xffff;
	_ =	sdelay $0x5  }
0x12e: {  	v3 =	vadd.f32 v2, v3;
	v2 =	vadd.f32 v2, v1;
	_ =	sdelay $0x1  }
0x12f: {  	vm0 =	vgt.f32 v3, $0.0e+00;
	v4 =	vmul.f32 $2.000000030e-01, v3;
	v5 =	vmul.f32 $2.000000030e-01, v2  }
0x130: {  	vm1 =	vgt.f32 v2, $0.0e+00  }
0x131: {  	v3 =	vsel vm0, v3, v4;
	v2 =	vsel vm1, v2, v5  }
0x132: {  	v2 =	vsub.f32 v3, v2;
	_ =	sdelay $0x1  }
0x133: {  	v2 =	vmul.f32 $1.442695020e+00, v2;
	_ =	sdelay $0x1  }
0x134: {  	(erf) = vpow2.f32 v2;
	_ =	sdelay $0x1  }
0x135: {  	v2 =	vld [tilespmem:$0x7930]  }
0x136: {  	v3 =	vld [tilespmem:$0x7830];
	_ =	sdelay $0x5  }
0x137: {  	v4 =	vpop (erf)  }
0x138: {  	[tilespmem:$0xBA20] =	vst v4  }
0x139: {  	v3 =	vld.idx.msk [tilespmem:v3+s4+$0x0], $0xffff  }
0x13a: {  	v2 =	vld.idx.msk [tilespmem:v2+s0+$0x0], $0xffff;
	_ =	sdelay $0x5  }
0x13b: {  	v3 =	vadd.f32 v2, v3;
	v2 =	vadd.f32 v2, v1;
	_ =	sdelay $0x1  }
0x13c: {  	vm0 =	vgt.f32 v3, $0.0e+00;
	v4 =	vmul.f32 $2.000000030e-01, v3;
	v5 =	vmul.f32 $2.000000030e-01, v2  }
0x13d: {  	vm1 =	vgt.f32 v2, $0.0e+00  }
0x13e: {  	v3 =	vsel vm0, v3, v4;
	v2 =	vsel vm1, v2, v5  }
0x13f: {  	v2 =	vsub.f32 v3, v2;
	_ =	sdelay $0x1  }
0x140: {  	v2 =	vmul.f32 $1.442695020e+00, v2;
	_ =	sdelay $0x1  }
0x141: {  	(erf) = vpow2.f32 v2;
	_ =	sdelay $0x1  }
0x142: {  	v2 =	vld [tilespmem:$0x7940]  }
0x143: {  	v3 =	vld [tilespmem:$0x7840];
	_ =	sdelay $0x5  }
0x144: {  	v4 =	vpop (erf)  }
0x145: {  	[tilespmem:$0xBA30] =	vst v4  }
0x146: {  	v3 =	vld.idx.msk [tilespmem:v3+s4+$0x0], $0xffff  }
0x147: {  	v2 =	vld.idx.msk [tilespmem:v2+s0+$0x0], $0xffff;
	_ =	sdelay $0x5  }
0x148: {  	v3 =	vadd.f32 v2, v3;
	v2 =	vadd.f32 v2, v1;
	_ =	sdelay $0x1  }
0x149: {  	vm0 =	vgt.f32 v3, $0.0e+00;
	v4 =	vmul.f32 $2.000000030e-01, v3;
	v5 =	vmul.f32 $2.000000030e-01, v2  }
0x14a: {  	vm1 =	vgt.f32 v2, $0.0e+00  }
0x14b: {  	v3 =	vsel vm0, v3, v4;
	v2 =	vsel vm1, v2, v5  }
0x14c: {  	v2 =	vsub.f32 v3, v2;
	_ =	sdelay $0x1  }
0x14d: {  	v2 =	vmul.f32 $1.442695020e+00, v2;
	_ =	sdelay $0x1  }
0x14e: {  	(erf) = vpow2.f32 v2;
	_ =	sdelay $0x1  }
0x14f: {  	v2 =	vld [tilespmem:$0x7950]  }
0x150: {  	v3 =	vld [tilespmem:$0x7850];
	_ =	sdelay $0x5  }
0x151: {  	v4 =	vpop (erf)  }
0x152: {  	[tilespmem:$0xBA40] =	vst v4  }
0x153: {  	v3 =	vld.idx.msk [tilespmem:v3+s4+$0x0], $0xffff  }
0x154: {  	v2 =	vld.idx.msk [tilespmem:v2+s0+$0x0], $0xffff;
	_ =	sdelay $0x5  }
0x155: {  	v3 =	vadd.f32 v2, v3;
	v2 =	vadd.f32 v2, v1;
	_ =	sdelay $0x1  }
0x156: {  	vm0 =	vgt.f32 v3, $0.0e+00;
	v4 =	vmul.f32 $2.000000030e-01, v3;
	v5 =	vmul.f32 $2.000000030e-01, v2  }
0x157: {  	vm1 =	vgt.f32 v2, $0.0e+00  }
0x158: {  	v3 =	vsel vm0, v3, v4;
	v2 =	vsel vm1, v2, v5  }
0x159: {  	v2 =	vsub.f32 v3, v2;
	_ =	sdelay $0x1  }
0x15a: {  	v2 =	vmul.f32 $1.442695020e+00, v2;
	_ =	sdelay $0x1  }
0x15b: {  	(erf) = vpow2.f32 v2;
	_ =	sdelay $0x1  }
0x15c: {  	v2 =	vld [tilespmem:$0x7960]  }
0x15d: {  	v3 =	vld [tilespmem:$0x7860];
	_ =	sdelay $0x5  }
0x15e: {  	v4 =	vpop (erf)  }
0x15f: {  	[tilespmem:$0xBA50] =	vst v4  }
0x160: {  	v3 =	vld.idx.msk [tilespmem:v3+s4+$0x0], $0xffff  }
0x161: {  	v2 =	vld.idx.msk [tilespmem:v2+s0+$0x0], $0xffff;
	_ =	sdelay $0x5  }
0x162: {  	v3 =	vadd.f32 v2, v3;
	v2 =	vadd.f32 v2, v1;
	_ =	sdelay $0x1  }
0x163: {  	vm0 =	vgt.f32 v3, $0.0e+00;
	v4 =	vmul.f32 $2.000000030e-01, v3;
	v5 =	vmul.f32 $2.000000030e-01, v2  }
0x164: {  	vm1 =	vgt.f32 v2, $0.0e+00  }
0x165: {  	v3 =	vsel vm0, v3, v4;
	v2 =	vsel vm1, v2, v5  }
0x166: {  	v2 =	vsub.f32 v3, v2;
	_ =	sdelay $0x1  }
0x167: {  	v2 =	vmul.f32 $1.442695020e+00, v2;
	_ =	sdelay $0x1  }
0x168: {  	(erf) = vpow2.f32 v2;
	_ =	sdelay $0x1  }
0x169: {  	v2 =	vld [tilespmem:$0x7970]  }
0x16a: {  	v3 =	vld [tilespmem:$0x7870];
	_ =	sdelay $0x5  }
0x16b: {  	v4 =	vpop (erf)  }
0x16c: {  	[tilespmem:$0xBA60] =	vst v4  }
0x16d: {  	v3 =	vld.idx.msk [tilespmem:v3+s4+$0x0], $0xffff  }
0x16e: {  	v2 =	vld.idx.msk [tilespmem:v2+s0+$0x0], $0xffff;
	_ =	sdelay $0x5  }
0x16f: {  	v3 =	vadd.f32 v2, v3;
	v2 =	vadd.f32 v2, v1;
	_ =	sdelay $0x1  }
0x170: {  	vm0 =	vgt.f32 v3, $0.0e+00;
	v4 =	vmul.f32 $2.000000030e-01, v3;
	v5 =	vmul.f32 $2.000000030e-01, v2  }
0x171: {  	vm1 =	vgt.f32 v2, $0.0e+00  }
0x172: {  	v3 =	vsel vm0, v3, v4;
	v2 =	vsel vm1, v2, v5  }
.Ltmp3:
0x173: {  	v2 =	vsub.f32 v3, v2;
	(pc) =	sbr.rel @p0 .LBB2_8-.Ltmp3, $3  }
0x174: {  	_ = 	snop  }
0x175: {  	v2 =	vmul.f32 $1.442695020e+00, v2;
	_ =	sdelay $0x1  }
0x176: {  	(erf) = vpow2.f32 v2  }
0x177: {  	_ =	sdelay $0x7  }
0x178: {  	v2 =	vpop (erf)  }
0x179: {  	[tilespmem:$0xBA70] =	vst v2  }
0x17a: {  	[spmem:s3] =	stream.indirect.scatter.add.f32 [tilespmem:s29], [sflag:$0x2], $0x1, s31, s1, $0xb8;
	[tilespmem:$0x1FD80] =	vst v63  }
0x17b: {  	_ =	swait.ge [sflag:s28], $0x80  }
0x17c: {  	[sflag:s28] =	ssyncset.done $0x0  }
0x17d: {  	[sflag:s28] =	ssyncadd.s32 $0xFFFFFF80  }
0x17e: {  	[bflag:$0x0] =	sbarrier.arrive $0xFFFF  }
0x17f: {  	[tilespmem:s5], [sflag:$0x2] =	stream.linear.gather [spmem:s3], $0x2800, $0x38;
	[tilespmem:$0x1FD80] =	vst v63  }
0x180: {  	_ =	swait.ge [sflag:s28], $0x2800  }
0x181: {  	[sflag:s28] =	ssyncset.done $0x0  }
0x182: {  	s14 =	simm.s32 $0x0;
	s15 =	simm.s32 $0x0;
	[sflag:s28] =	ssyncadd.s32 $0xFFFFD800  }
.LBB2_10:
0x183: {  	s16 =	sshll.u32 s15, $0x7  }
0x184: {  	s16 =	sadd.s32 s16, s21  }
0x185: {  	s16 =	sshrl.u32 s16, $0x3  }
0x186: {  	s17 =	sadd.s32 s9, s16  }
0x187: {  	[tilespmem:s7], [sflag:$0x2] =	stream.linear.gather [hbm4b:s17+s14], $0x80, $0x38;
	[tilespmem:$0x1FD80] =	vst v63  }
0x188: {  	_ =	swait.ge [sflag:s28], $0x80  }
0x189: {  	[sflag:s28] =	ssyncset.done $0x0  }
0x18a: {  	s16 =	sadd.s32 s10, s16;
	[sflag:s28] =	ssyncadd.s32 $0xFFFFFF80  }
0x18b: {  	[tilespmem:s8], [sflag:$0x2] =	stream.linear.gather [hbm4b:s16+s14], $0x80, $0x38;
	[tilespmem:$0x1FD80] =	vst v63  }
0x18c: {  	_ =	swait.ge [sflag:s28], $0x80  }
0x18d: {  	[sflag:s28] =	ssyncset.done $0x0  }
0x18e: {  	[sflag:s28] =	ssyncadd.s32 $0xFFFFFF80  }
0x18f: {  	v2 =	vld [tilespmem:$0x7880]  }
0x190: {  	v3 =	vld [tilespmem:$0x7980];
	_ =	sdelay $0x6  }
0x191: {  	v2 =	vld.idx.msk [tilespmem:v2+s14+$0x0], $0xffff  }
0x192: {  	v4 =	vld.idx.msk [tilespmem:v3+s0+$0x0], $0xffff;
	_ =	sdelay $0x4  }
0x193: {  	v2 =	vadd.f32 v4, v2;
	v4 =	vadd.f32 v4, v1;
	_ =	sdelay $0x1  }
0x194: {  	v5 =	vmul.f32 $2.000000030e-01, v2;
	v6 =	vmul.f32 $2.000000030e-01, v4  }
0x195: {  	v3 =	vld.idx.msk [tilespmem:v3+s5+$0x0], $0xffff;
	vm0 =	vgt.f32 v2, $0.0e+00;
	vm1 =	vgt.f32 v4, $0.0e+00  }
0x196: {  	v2 =	vsel vm0, v2, v5;
	v4 =	vsel vm1, v4, v6  }
0x197: {  	v2 =	vsub.f32 v2, v4;
	_ =	sdelay $0x1  }
0x198: {  	v2 =	vmul.f32 $1.442695020e+00, v2  }
0x199: {  	v3 =	vadd.f32 $1.000000020e-16, v3  }
0x19a: {  	(erf) = vpow2.f32 v2  }
0x19b: {  	(erf) = vrcp.f32 v3;
	_ =	sdelay $0x4  }
0x19c: {  	v2 =	vld [tilespmem:$0x7890]  }
0x19d: {  	v3 =	vld [tilespmem:$0x7990];
	_ =	sdelay $0x1  }
0x19e: {  	v4 =	vpop (erf)  }
0x19f: {  	v5 =	vpop (erf)  }
0x1a0: {  	v4 =	vmul.f32 v4, v5;
	_ =	sdelay $0x1  }
0x1a1: {  	[tilespmem:$0xBA00] =	vst v4  }
0x1a2: {  	v2 =	vld.idx.msk [tilespmem:v2+s14+$0x0], $0xffff  }
0x1a3: {  	v4 =	vld.idx.msk [tilespmem:v3+s0+$0x0], $0xffff;
	_ =	sdelay $0x4  }
0x1a4: {  	v2 =	vadd.f32 v4, v2;
	v4 =	vadd.f32 v4, v1;
	_ =	sdelay $0x1  }
0x1a5: {  	v5 =	vmul.f32 $2.000000030e-01, v2;
	v6 =	vmul.f32 $2.000000030e-01, v4  }
0x1a6: {  	v3 =	vld.idx.msk [tilespmem:v3+s5+$0x0], $0xffff;
	vm14 =	vgt.f32 v2, $0.0e+00;
	vm15 =	vgt.f32 v4, $0.0e+00  }
0x1a7: {  	v2 =	vsel vm14, v2, v5;
	v4 =	vsel vm15, v4, v6  }
0x1a8: {  	v2 =	vsub.f32 v2, v4;
	_ =	sdelay $0x1  }
0x1a9: {  	v2 =	vmul.f32 $1.442695020e+00, v2  }
0x1aa: {  	v3 =	vadd.f32 $1.000000020e-16, v3  }
0x1ab: {  	(erf) = vpow2.f32 v2  }
0x1ac: {  	(erf) = vrcp.f32 v3;
	_ =	sdelay $0x4  }
0x1ad: {  	v2 =	vld [tilespmem:$0x78A0]  }
0x1ae: {  	v3 =	vld [tilespmem:$0x79A0];
	_ =	sdelay $0x1  }
0x1af: {  	v4 =	vpop (erf)  }
0x1b0: {  	v5 =	vpop (erf)  }
0x1b1: {  	v4 =	vmul.f32 v4, v5;
	_ =	sdelay $0x1  }
0x1b2: {  	[tilespmem:$0xBA10] =	vst v4  }
0x1b3: {  	v2 =	vld.idx.msk [tilespmem:v2+s14+$0x0], $0xffff  }
0x1b4: {  	v4 =	vld.idx.msk [tilespmem:v3+s0+$0x0], $0xffff;
	_ =	sdelay $0x4  }
0x1b5: {  	v2 =	vadd.f32 v4, v2;
	v4 =	vadd.f32 v4, v1;
	_ =	sdelay $0x1  }
0x1b6: {  	v5 =	vmul.f32 $2.000000030e-01, v2;
	v6 =	vmul.f32 $2.000000030e-01, v4  }
0x1b7: {  	v3 =	vld.idx.msk [tilespmem:v3+s5+$0x0], $0xffff;
	vm4 =	vgt.f32 v2, $0.0e+00;
	vm5 =	vgt.f32 v4, $0.0e+00  }
0x1b8: {  	v2 =	vsel vm4, v2, v5;
	v4 =	vsel vm5, v4, v6  }
0x1b9: {  	v2 =	vsub.f32 v2, v4;
	_ =	sdelay $0x1  }
0x1ba: {  	v2 =	vmul.f32 $1.442695020e+00, v2  }
0x1bb: {  	v3 =	vadd.f32 $1.000000020e-16, v3  }
0x1bc: {  	(erf) = vpow2.f32 v2  }
0x1bd: {  	(erf) = vrcp.f32 v3;
	_ =	sdelay $0x4  }
0x1be: {  	v2 =	vld [tilespmem:$0x78B0]  }
0x1bf: {  	v3 =	vld [tilespmem:$0x79B0];
	_ =	sdelay $0x1  }
0x1c0: {  	v4 =	vpop (erf)  }
0x1c1: {  	v5 =	vpop (erf)  }
0x1c2: {  	v4 =	vmul.f32 v4, v5;
	_ =	sdelay $0x1  }
0x1c3: {  	[tilespmem:$0xBA20] =	vst v4  }
0x1c4: {  	v2 =	vld.idx.msk [tilespmem:v2+s14+$0x0], $0xffff  }
0x1c5: {  	v4 =	vld.idx.msk [tilespmem:v3+s0+$0x0], $0xffff;
	_ =	sdelay $0x4  }
0x1c6: {  	v2 =	vadd.f32 v4, v2;
	v4 =	vadd.f32 v4, v1;
	_ =	sdelay $0x1  }
0x1c7: {  	v5 =	vmul.f32 $2.000000030e-01, v2;
	v6 =	vmul.f32 $2.000000030e-01, v4  }
0x1c8: {  	v3 =	vld.idx.msk [tilespmem:v3+s5+$0x0], $0xffff;
	vm6 =	vgt.f32 v2, $0.0e+00;
	vm7 =	vgt.f32 v4, $0.0e+00  }
0x1c9: {  	v2 =	vsel vm6, v2, v5;
	v4 =	vsel vm7, v4, v6  }
0x1ca: {  	v2 =	vsub.f32 v2, v4;
	_ =	sdelay $0x1  }
0x1cb: {  	v2 =	vmul.f32 $1.442695020e+00, v2  }
0x1cc: {  	v3 =	vadd.f32 $1.000000020e-16, v3  }
0x1cd: {  	(erf) = vpow2.f32 v2  }
0x1ce: {  	(erf) = vrcp.f32 v3;
	_ =	sdelay $0x4  }
0x1cf: {  	v2 =	vld [tilespmem:$0x78C0]  }
0x1d0: {  	v3 =	vld [tilespmem:$0x79C0];
	_ =	sdelay $0x1  }
0x1d1: {  	v4 =	vpop (erf)  }
0x1d2: {  	v5 =	vpop (erf)  }
0x1d3: {  	v4 =	vmul.f32 v4, v5;
	_ =	sdelay $0x1  }
0x1d4: {  	[tilespmem:$0xBA30] =	vst v4  }
0x1d5: {  	v2 =	vld.idx.msk [tilespmem:v2+s14+$0x0], $0xffff  }
0x1d6: {  	v4 =	vld.idx.msk [tilespmem:v3+s0+$0x0], $0xffff;
	_ =	sdelay $0x4  }
0x1d7: {  	v2 =	vadd.f32 v4, v2;
	v4 =	vadd.f32 v4, v1;
	_ =	sdelay $0x1  }
0x1d8: {  	v5 =	vmul.f32 $2.000000030e-01, v2;
	v6 =	vmul.f32 $2.000000030e-01, v4  }
0x1d9: {  	v3 =	vld.idx.msk [tilespmem:v3+s5+$0x0], $0xffff;
	vm8 =	vgt.f32 v2, $0.0e+00;
	vm9 =	vgt.f32 v4, $0.0e+00  }
0x1da: {  	v2 =	vsel vm8, v2, v5;
	v4 =	vsel vm9, v4, v6  }
0x1db: {  	v2 =	vsub.f32 v2, v4;
	_ =	sdelay $0x1  }
0x1dc: {  	v2 =	vmul.f32 $1.442695020e+00, v2  }
0x1dd: {  	v3 =	vadd.f32 $1.000000020e-16, v3  }
0x1de: {  	(erf) = vpow2.f32 v2  }
0x1df: {  	(erf) = vrcp.f32 v3;
	_ =	sdelay $0x4  }
0x1e0: {  	v2 =	vld [tilespmem:$0x78D0]  }
0x1e1: {  	v3 =	vld [tilespmem:$0x79D0];
	_ =	sdelay $0x1  }
0x1e2: {  	v4 =	vpop (erf)  }
0x1e3: {  	v5 =	vpop (erf)  }
0x1e4: {  	v4 =	vmul.f32 v4, v5;
	_ =	sdelay $0x1  }
0x1e5: {  	[tilespmem:$0xBA40] =	vst v4  }
0x1e6: {  	v2 =	vld.idx.msk [tilespmem:v2+s14+$0x0], $0xffff  }
0x1e7: {  	v4 =	vld.idx.msk [tilespmem:v3+s0+$0x0], $0xffff;
	_ =	sdelay $0x4  }
0x1e8: {  	v2 =	vadd.f32 v4, v2;
	v4 =	vadd.f32 v4, v1;
	_ =	sdelay $0x1  }
0x1e9: {  	v5 =	vmul.f32 $2.000000030e-01, v2;
	v6 =	vmul.f32 $2.000000030e-01, v4  }
0x1ea: {  	v3 =	vld.idx.msk [tilespmem:v3+s5+$0x0], $0xffff;
	vm10 =	vgt.f32 v2, $0.0e+00;
	vm11 =	vgt.f32 v4, $0.0e+00  }
0x1eb: {  	v2 =	vsel vm10, v2, v5;
	v4 =	vsel vm11, v4, v6  }
0x1ec: {  	v2 =	vsub.f32 v2, v4;
	_ =	sdelay $0x1  }
0x1ed: {  	v2 =	vmul.f32 $1.442695020e+00, v2  }
0x1ee: {  	v3 =	vadd.f32 $1.000000020e-16, v3  }
0x1ef: {  	(erf) = vpow2.f32 v2  }
0x1f0: {  	(erf) = vrcp.f32 v3;
	_ =	sdelay $0x4  }
0x1f1: {  	v2 =	vld [tilespmem:$0x78E0]  }
0x1f2: {  	v3 =	vld [tilespmem:$0x79E0];
	_ =	sdelay $0x1  }
0x1f3: {  	v4 =	vpop (erf)  }
0x1f4: {  	v5 =	vpop (erf)  }
0x1f5: {  	v4 =	vmul.f32 v4, v5;
	_ =	sdelay $0x1  }
0x1f6: {  	[tilespmem:$0xBA50] =	vst v4  }
0x1f7: {  	v2 =	vld.idx.msk [tilespmem:v2+s14+$0x0], $0xffff  }
0x1f8: {  	v4 =	vld.idx.msk [tilespmem:v3+s0+$0x0], $0xffff;
	_ =	sdelay $0x4  }
0x1f9: {  	v2 =	vadd.f32 v4, v2;
	v4 =	vadd.f32 v4, v1;
	_ =	sdelay $0x1  }
0x1fa: {  	v5 =	vmul.f32 $2.000000030e-01, v2;
	v6 =	vmul.f32 $2.000000030e-01, v4  }
0x1fb: {  	v3 =	vld.idx.msk [tilespmem:v3+s5+$0x0], $0xffff;
	vm12 =	vgt.f32 v2, $0.0e+00;
	vm13 =	vgt.f32 v4, $0.0e+00  }
0x1fc: {  	v2 =	vsel vm12, v2, v5;
	v4 =	vsel vm13, v4, v6  }
0x1fd: {  	v2 =	vsub.f32 v2, v4;
	_ =	sdelay $0x1  }
0x1fe: {  	v2 =	vmul.f32 $1.442695020e+00, v2  }
0x1ff: {  	v3 =	vadd.f32 $1.000000020e-16, v3  }
0x200: {  	(erf) = vpow2.f32 v2  }
0x201: {  	(erf) = vrcp.f32 v3;
	_ =	sdelay $0x4  }
0x202: {  	v2 =	vld [tilespmem:$0x78F0]  }
0x203: {  	v3 =	vld [tilespmem:$0x79F0];
	_ =	sdelay $0x1  }
0x204: {  	v4 =	vpop (erf)  }
0x205: {  	v5 =	vpop (erf)  }
0x206: {  	v4 =	vmul.f32 v4, v5;
	_ =	sdelay $0x1  }
0x207: {  	[tilespmem:$0xBA60] =	vst v4  }
0x208: {  	v2 =	vld.idx.msk [tilespmem:v2+s14+$0x0], $0xffff  }
0x209: {  	v4 =	vld.idx.msk [tilespmem:v3+s0+$0x0], $0xffff;
	_ =	sdelay $0x4  }
0x20a: {  	v2 =	vadd.f32 v4, v2;
	v4 =	vadd.f32 v4, v1;
	_ =	sdelay $0x1  }
0x20b: {  	v5 =	vmul.f32 $2.000000030e-01, v2;
	v6 =	vmul.f32 $2.000000030e-01, v4  }
0x20c: {  	v3 =	vld.idx.msk [tilespmem:v3+s5+$0x0], $0xffff;
	vm14 =	vgt.f32 v2, $0.0e+00;
	vm15 =	vgt.f32 v4, $0.0e+00  }
0x20d: {  	v2 =	vsel vm14, v2, v5;
	v4 =	vsel vm15, v4, v6  }
0x20e: {  	v2 =	vsub.f32 v2, v4;
	_ =	sdelay $0x1  }
0x20f: {  	v2 =	vmul.f32 $1.442695020e+00, v2  }
0x210: {  	v3 =	vadd.f32 $1.000000020e-16, v3  }
0x211: {  	(erf) = vpow2.f32 v2  }
0x212: {  	(erf) = vrcp.f32 v3;
	_ =	sdelay $0x7  }
0x213: {  	v2 =	vpop (erf)  }
0x214: {  	v3 =	vpop (erf)  }
0x215: {  	v2 =	vmul.f32 v2, v3;
	_ =	sdelay $0x1  }
0x216: {  	[tilespmem:$0xBA70] =	vst v2  }
0x217: {  	[tilespmem:s26], [sflag:$0x1] =	stream.indirect.gather [hbm4b:s6+s1], $0x80, s7, s1, $0xb8;
	[tilespmem:$0x1FD80] =	vst v63  }
0x218: {  	_ =	swait.ge [sflag:s11], $0x4000  }
0x219: {  	v2 =	vmov s14;
	[sflag:s11] =	ssyncset.done $0x0  }
0x21a: {  	s16 =	simm.s32 $0x7A40;
	[sflag:s11] =	ssyncadd.s32 $0xFFFFC000  }
0x21b: {  	v6 =	vld [tilespmem:s16+$0x30]  }
0x21c: {  	v9 =	vld [tilespmem:s16+$0x10]  }
0x21d: {  	v7 =	vld [tilespmem:s16+$0xFFFFFFC0]  }
0x21e: {  	v3 =	vld.idx.msk [tilespmem:v2+s29+$0x0], $0xffff  }
0x21f: {  	v11 =	vld [tilespmem:s16+$0xFFFFFFE0]  }
0x220: {  	v2 =	vld [tilespmem:s16+$0xFFFFFFF0]  }
0x221: {  	v4 =	vld [tilespmem:s16+$0x20]  }
0x222: {  	v5 =	vld [tilespmem:s16+$0xFFFFFFD0]  }
0x223: {  	v10 =	vmul.f32 v6, v3;
	v6 =	vld [tilespmem:s16+$0x0]  }
0x224: {  	v8 =	vmul.f32 v7, v3  }
0x225: {  	s18 =	simm.s32 $0x7A40;
	s17 =	simm.s32 $0x1;
	v7 =	vmul.f32 v11, v3;
	v9 =	vmul.f32 v9, v3  }
.LBB2_11:
0x226: {  	p0 =	sne.s32 s17, $0x7F  }
0x227: {  	v5 =	vmul.f32 v5, v3;
	v4 =	vmul.f32 v4, v3;
	[tilespmem:s16+$0x30] =	vst v10;
	s18 =	sadd.s32 $0x80, s18;
	s19 =	smov.u32 s17;
	s17 =	sadd.s32 $0x1, s17  }
0x228: {  	[tilespmem:s16+$0xFFFFFFC0] =	vst v8;
	v8 =	vmul.f32 v2, v3;
	v3 =	vmul.f32 v6, v3  }
0x229: {  	[tilespmem:s16+$0x10] =	vst v9  }
0x22a: {  	v6 =	vmov s19;
	[tilespmem:s16+$0xFFFFFFE0] =	vst v7  }
0x22b: {  	v2 =	vld [tilespmem:s18+$0xFFFFFFF0];
	[tilespmem:s16+$0xFFFFFFF0] =	vst v8  }
0x22c: {  	v7 =	vld [tilespmem:s18+$0x30];
	[tilespmem:s16+$0x0] =	vst v3  }
0x22d: {  	v9 =	vld [tilespmem:s18+$0x10];
	[tilespmem:s16+$0x20] =	vst v4  }
0x22e: {  	v8 =	vld [tilespmem:s18+$0xFFFFFFC0];
	[tilespmem:s16+$0xFFFFFFD0] =	vst v5;
	s16 =	smov.u32 s18  }
0x22f: {  	v3 =	vld.idx.msk [tilespmem:v6+s29+$0x0], $0xffff  }
0x230: {  	v11 =	vld [tilespmem:s18+$0xFFFFFFE0]  }
0x231: {  	v4 =	vld [tilespmem:s18+$0x20]  }
.Ltmp4:
0x232: {  	v5 =	vld [tilespmem:s18+$0xFFFFFFD0];
	(pc) =	sbr.rel @p0 .LBB2_11-.Ltmp4, $3  }
0x233: {  	v6 =	vld [tilespmem:s18+$0x0];
	_ =	sdelay $0x1  }
0x234: {  	v8 =	vmul.f32 v8, v3;
	v10 =	vmul.f32 v7, v3  }
0x235: {  	v9 =	vmul.f32 v9, v3;
	v7 =	vmul.f32 v11, v3  }
0x236: {  	[tilespmem:s16+$0x30] =	vst v10  }
0x237: {  	[tilespmem:s16+$0xFFFFFFC0] =	vst v8  }
0x238: {  	v2 =	vmul.f32 v2, v3;
	[tilespmem:s16+$0x10] =	vst v9  }
0x239: {  	v4 =	vmul.f32 v4, v3;
	[tilespmem:s16+$0xFFFFFFE0] =	vst v7  }
0x23a: {  	v6 =	vmul.f32 v6, v3;
	[tilespmem:s16+$0xFFFFFFF0] =	vst v2  }
0x23b: {  	s15 =	sadd.s32 $0x1, s15;
	v2 =	vmul.f32 v5, v3;
	[tilespmem:s16+$0x20] =	vst v4  }
0x23c: {  	p0 =	sne.s32 s15, $0x51;
	[tilespmem:s16+$0x0] =	vst v6  }
.Ltmp5:
0x23d: {  	[tilespmem:s16+$0xFFFFFFD0] =	vst v2;
	(pc) =	sbr.rel @p0 .LBB2_10-.Ltmp5, $4  }
0x23e: {  	[spmem:s2] =	stream.indirect.scatter.add.f32 [tilespmem:s26], [sflag:$0x2], $0x80, s8, s1, $0xb8;
	[tilespmem:$0x1FD80] =	vst v63  }
0x23f: {  	_ =	swait.ge [sflag:s28], $0x4000  }
0x240: {  	[sflag:s28] =	ssyncset.done $0x0  }
0x241: {  	[sflag:s28] =	ssyncadd.s32 $0xFFFFC000  }
0x242: {  	s14 =	stileid.u32;
	s13 =	sadd.s32 $0x1, s13  }
0x243: {  	[bflag:$0x0] =	sbarrier.arrive $0xFFFF;
	s14 =	sshll.u32 s14, $0x6;
	p0 =	sne.s32 s13, s23  }
.Ltmp6:
0x244: {  	s15 =	sshrl.u32 s12, $0x3;
	s14 =	sor.u32 $0x1C02, s14;
	(pc) =	sbr.rel @p0 .LBB2_1-.Ltmp6, $4  }
0x245: {  	[hbm:s22], [sflag:s14] =	dma.local [spmem:s15], $0x2800  }
0x246: {  	_ =	swait.ge [sflag:s28], $0x2800  }
0x247: {  	[sflag:s28] =	ssyncset.done $0x0  }
0x248: {  	[sflag:s28] =	ssyncadd.s32 $0xFFFFD800  }
0x249: {  	_ =	sfence.sel $0x180000  }
0x24a: {  	[bflag:$0x0] =	sbarrier.arrive $0xFFFF  }
0x24b: {  	_ =	strace $0x9000004D  }
0x24c: {  	s0 =	stileid.u32;
	[bflag:$0x2] =	sbarrier.arrive $0xFFFF  }
0x24d: {  	p0 =	sne.s32 s0, $0x0;
	s0 =	rddreg [dreg:$0x4]  }
0x24e: {  	s0 =	sadd.s32 @!p0 $0x100000, s0  }
0x24f: {  	[sflag:s0] =	ssyncadd.tile.s32 @!p0 $0x1;
	_ =	shalt  }
.Lfunc_end2:
_tile_overlayer_lowered:
.L_overlay_start_2:
0x250: {  	(tag) =	ssettag $0x2  }
0x251: {  	s0 =	rddreg [dreg:$0x0];
	s2 =	stileid.u32  }
0x252: {  	s1 =	rddreg [dreg:$0x1];
	p0 =	sne.s32 s2, $0x0  }
0x253: {  	s3 =	rddreg [dreg:$0x2];
	[bflag:$0x3] =	sbarrier.arrive $0xFFFF;
	s2 =	simm.s32 @!p0 $0x1C02  }
0x254: {  	[timem:s3], [sflag:s2] =	dma.local @!p0 [hbm:s0], s1  }
0x255: {  	s0 =	simm.s32 @!p0 $0x2  }
0x256: {  	_ =	swait.ge @!p0 [sflag:s0], s1  }
0x257: {  	s1 =	ssub.s32 @!p0 $0x0, s1;
	[sflag:s0] =	ssyncset.done @!p0 $0x0  }
0x258: {  	[sflag:s0] =	ssyncadd.s32 @!p0 s1  }
0x259: {  	[bflag:$0x3] =	sbarrier.arrive $0xFFFF  }
0x25a: {  	_ =	shalt  }

// kernel: kernel.9.cloned.1.call-start
scs
__scs_entry_jumppad:
0x0: {  	(pc) =	sbr.rel $0x88, $3  }
0x1: {  	(tag) =	ssettag $0x0;
	lr =	simm.s32 $0x1  }
0x2: {  	[smem:$0x3F8E] =	sst lr;
	_ =	strace $0xD0000000  }
0x3: {  	_ = 	snop  }
0x4: {  	_ = 	snop  }
0x5: {  	_ = 	snop  }
0x6: {  	_ = 	snop  }
0x7: {  	_ = 	snop  }
__scs_overlays_trampoline_lowered:
0x8: {  	[smem:$0x3F9D] =	sst s0  }
0x9: {  	[smem:$0x3F9E] =	sst s1  }
0xa: {  	[smem:$0x3F9F] =	sst s2  }
0xb: {  	[smem:$0x3FA0] =	sst s3  }
0xc: {  	[smem:$0x3FA1] =	sst s4  }
0xd: {  	[smem:$0x3FA2] =	sst s5  }
0xe: {  	[smem:$0x3FA3] =	sst s6  }
0xf: {  	[smem:$0x3FA4] =	sst s7  }
0x10: {  	[smem:$0x3FA5] =	sst s8  }
0x11: {  	[smem:$0x3FA6] =	sst s9;
	s0 =	simm.s32 @!p0 $0x0  }
0x12: {  	s1 =	sld [smem:$0x3F8C];
	s0 =	simm.s32 @p0 $0x1  }
0x13: {  	[smem:$0x3FA7] =	sst s0;
	s0 =	simm.s32 @!p1 $0x0  }
0x14: {  	s2 =	sld [smem:$0x3F8B];
	s0 =	simm.s32 @p1 $0x1  }
0x15: {  	[smem:$0x3FA8] =	sst s0;
	s0 =	simm.s32 @!p2 $0x0  }
0x16: {  	s3 =	sld [smem:$0x3FDB];
	s0 =	simm.s32 @p2 $0x1  }
0x17: {  	s4 =	simm.s32 $0x1BF5;
	[smem:$0x3FAA] =	sst s0  }
0x18: {  	s0 =	sld [smem:$0x3F8D];
	_ =	swait.ge [sflag:s4], $0x0  }
0x19: {  	s7 =	sld [smem:$0x3F8E]  }
0x1a: {  	s8 =	sadd.s32 $0xFFFFE003, lr  }
0x1b: {  	s9 =	sadd.s32 $0xFFFFFEF7, lr;
	s5 =	simm.s32 $0xFFFFFFFF;
	p2 =	slt.u32 s8, $0xFFFFF086  }
0x1c: {  	p1 =	slt.u32 s9, $0xF7A;
	s5 =	simm.s32 @!p2 $0x0  }
0x1d: {  	s5 =	simm.s32 @p1 $0x1;
	p0 =	seq.s32 s7, s2  }
0x1e: {  	s7 =	smul.u32 @!p0 $0xF7A, s2;
	p2 =	seq.s32 @!p0 s5, $0x0  }
0x1f: {  	s9 =	smul.u32 $0xF7A, s1;
	s8 =	simm.s32 @!p0 $0x1BF5;
	p2 =	por !p2, p0  }
0x20: {  	[sflag:s8] =	ssyncset.s32 @!p0 $0xFFFFF086;
	s6 =	sadd.s32 @!p0 s3, s7;
	s7 =	simm.s32 @!p0 $0x108  }
0x21: {  	s3 =	sadd.s32 s3, s9;
	s6 =	sadd.s32 @!p0 $0x88, s6;
	s7 =	simm.s32 @p2 $0x1082  }
0x22: {  	[simem:s7], [sflag:s8] =	dma.local @!p0 [hbm:s6], $0xF7A  }
0x23: {  	s9 =	sor.u32 $0xD0000000, s2;
	s6 =	simm.s32 $0x108;
	_ =	swait.ge @!p0 [sflag:s8], $0x0  }
0x24: {  	s3 =	sadd.s32 $0x88, s3;
	s6 =	simm.s32 @!p1 $0x1082;
	[sflag:s4] =	ssyncset.s32 $0xFFFFF086  }
0x25: {  	[simem:s6], [sflag:s4] =	dma.local [hbm:s3], $0xF7A  }
0x26: {  	[smem:$0x3F8E] =	sst s1;
	(tag) =	ssettag s2;
	_ =	strace s9  }
0x27: {  	s1 =	sld [smem:$0x3F9E]  }
0x28: {  	s2 =	sld [smem:$0x3F9F]  }
0x29: {  	s4 =	sld [smem:$0x3FA1]  }
0x2a: {  	p0 =	seq.s32 s5, $0x0;
	s5 =	sld [smem:$0x3FA2]  }
0x2b: {  	s6 =	sld [smem:$0x3FA3]  }
0x2c: {  	s7 =	sld [smem:$0x3FA4]  }
0x2d: {  	s3 =	simm.s32 $0x108;
	s8 =	sld [smem:$0x3FA5]  }
0x2e: {  	s3 =	simm.s32 @!p0 $0x1082;
	s9 =	sld [smem:$0x3FA6]  }
0x2f: {  	lr =	sadd.s32 s0, s3;
	s0 =	sld [smem:$0x3F9D]  }
0x30: {  	s3 =	sld [smem:$0x3FA0]  }
0x31: {  	[smem:$0x3FA9] =	sst s10  }
0x32: {  	s10 =	sld [smem:$0x3FA7];
	_ =	sdelay $0x3  }
0x33: {  	p0 =	seq.s32 s10, $0x1;
	s10 =	sld [smem:$0x3FA9];
	_ =	sdelay $0x3  }
0x34: {  	[smem:$0x3FA9] =	sst s10  }
0x35: {  	s10 =	sld [smem:$0x3FA8];
	_ =	sdelay $0x3  }
0x36: {  	p1 =	seq.s32 s10, $0x1;
	s10 =	sld [smem:$0x3FA9];
	_ =	sdelay $0x3  }
0x37: {  	[smem:$0x3FA9] =	sst s10  }
0x38: {  	s10 =	sld [smem:$0x3FAA]  }
0x39: {  	_ = 	snop;
	(pc) =	sbr.ind lr, $3  }
0x3a: {  	_ = 	snop  }
0x3b: {  	_ = 	snop  }
0x3c: {  	p2 =	seq.s32 s10, $0x1;
	s10 =	sld [smem:$0x3FA9]  }
0x3d: {  	_ =	shalt  }
0x3e: {  	_ =	shalt  }
0x3f: {  	_ =	shalt  }
0x40: {  	_ =	shalt  }
0x41: {  	_ =	shalt  }
0x42: {  	_ =	shalt  }
0x43: {  	_ =	shalt  }
0x44: {  	_ =	shalt  }
0x45: {  	_ =	shalt  }
0x46: {  	_ =	shalt  }
0x47: {  	_ =	shalt  }
0x48: {  	_ =	shalt  }
0x49: {  	_ =	shalt  }
0x4a: {  	_ =	shalt  }
0x4b: {  	_ =	shalt  }
0x4c: {  	_ =	shalt  }
0x4d: {  	_ =	shalt  }
0x4e: {  	_ =	shalt  }
0x4f: {  	_ =	shalt  }
0x50: {  	_ =	shalt  }
0x51: {  	_ =	shalt  }
0x52: {  	_ =	shalt  }
0x53: {  	_ =	shalt  }
0x54: {  	_ =	shalt  }
0x55: {  	_ =	shalt  }
0x56: {  	_ =	shalt  }
0x57: {  	_ =	shalt  }
0x58: {  	_ =	shalt  }
0x59: {  	_ =	shalt  }
0x5a: {  	_ =	shalt  }
0x5b: {  	_ =	shalt  }
0x5c: {  	_ =	shalt  }
0x5d: {  	_ =	shalt  }
0x5e: {  	_ =	shalt  }
0x5f: {  	_ =	shalt  }
0x60: {  	_ =	shalt  }
0x61: {  	_ =	shalt  }
0x62: {  	_ =	shalt  }
0x63: {  	_ =	shalt  }
0x64: {  	_ =	shalt  }
0x65: {  	_ =	shalt  }
0x66: {  	_ =	shalt  }
0x67: {  	_ =	shalt  }
0x68: {  	_ =	shalt  }
0x69: {  	_ =	shalt  }
0x6a: {  	_ =	shalt  }
0x6b: {  	_ =	shalt  }
0x6c: {  	_ =	shalt  }
0x6d: {  	_ =	shalt  }
0x6e: {  	_ =	shalt  }
0x6f: {  	_ =	shalt  }
0x70: {  	_ =	shalt  }
0x71: {  	_ =	shalt  }
0x72: {  	_ =	shalt  }
0x73: {  	_ =	shalt  }
0x74: {  	_ =	shalt  }
0x75: {  	_ =	shalt  }
0x76: {  	_ =	shalt  }
0x77: {  	_ =	shalt  }
0x78: {  	_ =	shalt  }
0x79: {  	_ =	shalt  }
0x7a: {  	_ =	shalt  }
0x7b: {  	_ =	shalt  }
0x7c: {  	_ =	shalt  }
0x7d: {  	_ =	shalt  }
0x7e: {  	_ =	shalt  }
0x7f: {  	_ =	shalt  }
0x80: {  	_ =	shalt  }
0x81: {  	_ =	shalt  }
0x82: {  	_ =	shalt  }
0x83: {  	_ =	shalt  }
0x84: {  	_ =	shalt  }
0x85: {  	_ =	shalt  }
0x86: {  	_ =	shalt  }
0x87: {  	_ =	shalt  }
.Lfunc_end0:
.L_simem_size_0:
called_computation_lowered:
.L_overlay_start_0:
0x88: {  	s2 =	sld [smem:$0x3FD9]  }
0x89: {  	s3 =	sld [smem:$0x3FFE];
	_ =	sdelay $0x1  }
0x8a: {  	s1 =	srdreg.scid  }
0x8b: {  	s0 =	sand.u32 $0x1, s1  }
0x8c: {  	s17 =	sshll.u32 s0, $0xA;
	s2 =	sadd.s32 s3, s2  }
0x8d: {  	s2 =	sadd.s32 s2, s17  }
0x8e: {  	[smem:$0x3FB5] =	sst s2  }
0x8f: {  	_ = 	snop  }
0x90: {  	s2 =	sld [smem:$0x3FD0];
	(tm) =	ssettm $0x1  }
0x91: {  	s18 =	sld [smem:$0x3FFB];
	_ =	sdelay $0x3  }
0x92: {  	_ =	strace s18  }
0x93: {  	s3 =	sld [smem:$0x3FFC];
	_ =	sdelay $0x3  }
0x94: {  	_ =	strace s3  }
0x95: {  	s3 =	sld [smem:$0x3FFD];
	_ =	sdelay $0x3  }
0x96: {  	_ =	strace s3  }
0x97: {  	_ =	strace $0x8FFFFFFF  }
0x98: {  	s19 =	sld [smem:$0x3FDB];
	_ =	sdelay $0x1  }
0x99: {  	s4 =	simm.s32 $_scs_section_size  }
0x9a: {  	s5 =	simm.s32 $_size__tile_overlayer_lowered;
	s6 =	simm.s32 $_tile_overlayer_lowered  }
0x9b: {  	s22 =	simm.s32 $0x1BFF;
	s21 =	sshll.u32 s6, $0x1;
	s3 =	sadd.s32 s4, s19  }
0x9c: {  	s7 =	simm.s32 $0x0;
	s20 =	sshll.u32 s5, $0x1;
	s5 =	sadd.s32 s21, s3  }
0x9d: {  	[timem:s7], [sflag:s22] =	dma.local [hbm:s5], s20  }
0x9e: {  	_ =	swait.ge [sflag:s22], s20  }
0x9f: {  	s4 =	ssub.s32 $0x0, s20;
	[sflag:s22] =	ssyncset.done $0x0  }
0xa0: {  	[sflag:s22] =	ssyncadd.s32 s4;
	_ =	sdelay $0x1  }
0xa1: {  	s23 =	simm.s32 $0x1B8B  }
0xa2: {  	_ =	swait.ge [sflag:s23], $0x1  }
0xa3: {  	[sflag:s23] =	ssyncset.done $0x0  }
0xa4: {  	s25 =	simm.s32 $0x1B8E;
	s24 =	sld [smem:$0x3FFE];
	[sflag:s23] =	ssyncadd.s32 $0xFFFFFFFF  }
0xa5: {  	s26 =	simm.s32 $execute0_lowered;
	[smem:$0x3FD2] =	sst s25  }
0xa6: {  	s5 =	sshll.u32 s26, $0x1;
	_ =	strace $0x80000046;
	[dreg:$0x1] =	wrdreg $0xFFFFFFFF  }
0xa7: {  	s28 =	simm.s32 $_size_execute0_lowered;
	s3 =	sadd.s32 s3, s5;
	[dreg:$0x0] =	wrdreg $0x0  }
0xa8: {  	s5 =	sshll.u32 s28, $0x1;
	[dreg:$0x2] =	wrdreg s3  }
0xa9: {  	[dreg:$0x3] =	wrdreg s5  }
0xaa: {  	[dreg:$0x4] =	wrdreg $0xC0  }
0xab: {  	_ =	task [dreg:s7], $0x5FFFF  }
0xac: {  	[dreg:$0x1] =	wrdreg $0xFFFFFFFF  }
0xad: {  	[dreg:$0x0] =	wrdreg $0x60  }
0xae: {  	[dreg:$0x2] =	wrdreg s24  }
0xaf: {  	[dreg:$0x3] =	wrdreg s2  }
0xb0: {  	[dreg:$0x4] =	wrdreg $0xBD800  }
0xb1: {  	[dreg:$0x5] =	wrdreg $0xBB000  }
0xb2: {  	[dreg:$0x6] =	wrdreg $0x9  }
0xb3: {  	_ =	task.clear_ibuf [dreg:s7], $0x7FFFF;
	_ =	strace $0x90000046  }
0xb4: {  	s29 =	simm.s32 $0x9;
	_ =	strace $0x80000048  }
0xb5: {  	_ =	swait.ge [sflag:s29], $0x1  }
0xb6: {  	[sflag:s29] =	ssyncadd.s32 $0xFFFFFFFF  }
0xb7: {  	_ =	strace $0x90000048  }
0xb8: {  	_ =	sfence  }
0xb9: {  	s30 =	sld [smem:$0x0];
	_ =	sdelay $0x2  }
0xba: {  	s31 =	sshll.u32 s1, $0xD;
	s1 =	sshrl.u32 s1, $0x2  }
0xbb: {  	s3 =	sand.u32 $0x4000, s31;
	s1 =	sadd.s32 s1, s30  }
0xbc: {  	s0 =	sor.u32 s3, s0;
	s1 =	sshll.u32 s1, $0x11  }
0xbd: {  	s0 =	sor.u32 s1, s0  }
0xbe: {  	s0 =	sadd.s32 $0x8F2B, s0  }
0xbf: {  	[sflag:s0] =	ssyncadd.remote.s32 $0x1  }
0xc0: {  	_ =	sfence.sel $0xFFFF  }
0xc1: {  	[dreg:$0x0] =	wrdreg $0xFFFFFFFF;
	(pc) =	sbr.abs _section_cstart, $3  }
0xc2: {  	[dreg:$0x1] =	wrdreg $0xFFFFFFFF  }
0xc3: {  	_ =	task.clear_ibuf [dreg:s7], $0x2FFFF;
	_ =	strace $0x9FFFFFFF  }
0xc4: {  	(tm) =	ssettm $0x7FFFFFFF  }
0xc5: {  	_ =	shalt  }
tec
execute0_lowered:
.L_overlay_start_1:
0x0: {  	(tag) =	ssettag $0x1  }
0x1: {  	s0 =	rddreg [dreg:$0x0]  }
0x2: {  	s2 =	rddreg [dreg:$0x2]  }
0x3: {  	s3 =	rddreg [dreg:$0x3];
	s4 =	simm.s32 $0x0  }
0x4: {  	s1 =	srdreg.scid;
	s14 =	stileid.u32;
	s28 =	simm.s32 $0x2  }
0x5: {  	s30 =	simm.s32 $0x7800;
	s31 =	simm.s32 $0x7900;
	s29 =	simm.s32 $0xBA00  }
0x6: {  	[smem:$0x7FF] =	sst s4;
	s1 =	sand.u32 $0x1, s1;
	s6 =	sadd.s32 $0x19000, s0  }
0x7: {  	s7 =	sadd.s32 $0x41000, s0;
	s24 =	smul.u32 $0x14000, s14;
	s8 =	sadd.s32 $0x41600, s0  }
0x8: {  	s9 =	sadd.s32 $0x4C00, s0;
	s10 =	sadd.s32 $0xEE00, s0;
	s26 =	smul.u32 $0x50000, s14  }
0x9: {  	s13 =	smul.u32 $0x280, s14;
	_ =	strace $0x80000047;
	[dreg:$0x5] =	wrdreg s7  }
0xa: {  	s5 =	smul.u32 $0x140000, s1;
	[dreg:$0x6] =	wrdreg s8;
	s25 =	ssub.s32 $0x2, s1  }
0xb: {  	s1 =	smul.u32 $0x2880, s1;
	s11 =	sshrl.u32 s25, $0x1;
	s12 =	sshrl.u32 s26, $0x2  }
0xc: {  	s15 =	sadd.s32 s13, s3;
	s16 =	sadd.s32 $0x80, s13;
	s18 =	sadd.s32 $0x100, s13  }
0xd: {  	s20 =	sadd.s32 $0x180, s13;
	s23 =	sadd.s32 $0x200, s13;
	s26 =	smul.u32 $0xA20, s14  }
0xe: {  	s13 =	simm.s32 $0x0;
	s5 =	sadd.s32 s24, s5;
	[dreg:$0x7] =	wrdreg s15  }
0xf: {  	s12 =	sadd.s32 s12, s2;
	s17 =	sadd.s32 s16, s3;
	s7 =	sshll.u32 s16, $0x7  }
0x10: {  	s19 =	sshll.u32 s18, $0x7;
	s8 =	sadd.s32 s18, s3;
	s21 =	sadd.s32 s20, s3  }
0x11: {  	s22 =	sshll.u32 s20, $0x7;
	s24 =	smul.u32 $0x5100, s14;
	[dreg:$0x8] =	wrdreg s17  }
0x12: {  	s5 =	sshrl.u32 s5, $0x3;
	s7 =	sadd.s32 s7, s2;
	[dreg:$0xa] =	wrdreg s8  }
0x13: {  	[dreg:$0xc] =	wrdreg s21;
	s8 =	sadd.s32 s23, s3;
	s0 =	sadd.s32 s5, s0  }
0x14: {  	s5 =	ssub.s32 s25, s11;
	[dreg:$0x9] =	wrdreg s7;
	s7 =	sadd.s32 s19, s2  }
0x15: {  	s25 =	sshll.u32 s23, $0x7;
	[dreg:$0xe] =	wrdreg s8;
	s21 =	sadd.s32 s1, s24  }
0x16: {  	s24 =	sadd.s32 s26, s10;
	s1 =	simm.s32 $0x80;
	s8 =	simm.s32 $0x7980  }
0x17: {  	s11 =	simm.s32 $0x1;
	[dreg:$0xb] =	wrdreg s7;
	s7 =	sadd.s32 s22, s2  }
0x18: {  	s20 =	sadd.s32 s25, s2;
	s22 =	sadd.s32 $0x41C00, s0;
	s23 =	smax.u32 s5, $0x1  }
0x19: {  	s25 =	sadd.s32 s26, s9;
	s26 =	simm.s32 $0x7A00;
	s0 =	simm.s32 $0x2800  }
0x1a: {  	v0 =	vimm.f32 $0.0e+00;
	s5 =	simm.s32 $0x5000;
	[dreg:$0xd] =	wrdreg s7;
	s7 =	simm.s32 $0x7880  }
.LBB2_1:
0x1b: {  	s14 =	rddreg [dreg:$0x5]  }
0x1c: {  	[tilespmem:s26], [sflag:$0x2] =	stream.linear.gather [hbm4b:s14+s4], $0x2800, $0x38;
	[tilespmem:$0x1FD80] =	vst v63  }
0x1d: {  	_ =	swait.ge [sflag:s28], $0x2800  }
0x1e: {  	[sflag:s28] =	ssyncset.done $0x0  }
0x1f: {  	s14 =	simm.s32 $0x0;
	[sflag:s28] =	ssyncadd.s32 $0xFFFFD800  }
0x20: {  	v4 =	vld [tilespmem:s14+$0x7A70]  }
0x21: {  	v5 =	vld [tilespmem:s14+$0x7A00]  }
0x22: {  	v6 =	vld [tilespmem:s14+$0x7A10]  }
0x23: {  	v3 =	vld [tilespmem:s14+$0x7A20]  }
0x24: {  	v1 =	vld [tilespmem:s14+$0x7A30]  }
0x25: {  	v2 =	vld [tilespmem:s14+$0x7A40];
	[tilespmem:s14+$0x70] =	vst v4  }
0x26: {  	[tilespmem:s14+$0x0] =	vst v5;
	v4 =	vld [tilespmem:s14+$0x7A50]  }
0x27: {  	s15 =	simm.s32 $0x80;
	s16 =	simm.s32 $0x400;
	[tilespmem:s14+$0x10] =	vst v6;
	v5 =	vld [tilespmem:s14+$0x7A60]  }
.LBB2_2:
0x28: {  	p0 =	sne.s32 s16, $0x9E00;
	v6 =	vld [tilespmem:s15+$0x7A70];
	[tilespmem:s14+$0x20] =	vst v3  }
0x29: {  	v7 =	vld [tilespmem:s15+$0x7A00];
	[tilespmem:s14+$0x30] =	vst v1  }
0x2a: {  	v8 =	vld [tilespmem:s15+$0x7A10];
	[tilespmem:s14+$0x40] =	vst v2  }
.Ltmp0:
0x2b: {  	v3 =	vld [tilespmem:s15+$0x7A20];
	[tilespmem:s14+$0x50] =	vst v4;
	(pc) =	sbr.rel @p0 .LBB2_2-.Ltmp0, $4  }
0x2c: {  	v1 =	vld [tilespmem:s15+$0x7A30];
	[tilespmem:s14+$0x60] =	vst v5;
	s14 =	smov.u32 s15  }
0x2d: {  	v2 =	vld [tilespmem:s14+$0x7A40];
	[tilespmem:s14+$0x70] =	vst v6  }
0x2e: {  	[tilespmem:s14+$0x0] =	vst v7;
	v4 =	vld [tilespmem:s14+$0x7A50]  }
0x2f: {  	s15 =	sshra.s32 s16, $0x2;
	s16 =	sadd.s32 $0x200, s16;
	[tilespmem:s14+$0x10] =	vst v8;
	v5 =	vld [tilespmem:s14+$0x7A60]  }
0x30: {  	v6 =	vld [tilespmem:s15+$0x7A70];
	[tilespmem:s14+$0x20] =	vst v3  }
0x31: {  	v3 =	vld [tilespmem:s15+$0x7A00];
	[tilespmem:s14+$0x30] =	vst v1  }
0x32: {  	v1 =	vld [tilespmem:s15+$0x7A10];
	[tilespmem:s14+$0x40] =	vst v2  }
0x33: {  	v2 =	vld [tilespmem:s15+$0x7A20];
	[tilespmem:s14+$0x50] =	vst v4  }
0x34: {  	v4 =	vld [tilespmem:s15+$0x7A30];
	[tilespmem:s14+$0x60] =	vst v5  }
0x35: {  	v5 =	vld [tilespmem:s15+$0x7A40];
	[tilespmem:s15+$0x70] =	vst v6  }
0x36: {  	[tilespmem:s15+$0x0] =	vst v3;
	v3 =	vld [tilespmem:s15+$0x7A50]  }
0x37: {  	[tilespmem:s15+$0x10] =	vst v1;
	v1 =	vld [tilespmem:s15+$0x7A60]  }
0x38: {  	[tilespmem:s15+$0x20] =	vst v2  }
0x39: {  	[tilespmem:s15+$0x30] =	vst v4  }
0x3a: {  	[tilespmem:s15+$0x40] =	vst v5  }
0x3b: {  	[tilespmem:s15+$0x50] =	vst v3  }
0x3c: {  	s18 =	simm.s32 $0x0;
	s19 =	rddreg [dreg:$0x6];
	[tilespmem:s15+$0x60] =	vst v1  }
0x3d: {  	[tilespmem:s26], [sflag:$0x2] =	stream.linear.gather [hbm4b:s19+s18], $0x2800, $0x38;
	[tilespmem:$0x1FD80] =	vst v63  }
0x3e: {  	_ =	swait.ge [sflag:s28], $0x2800  }
0x3f: {  	[sflag:s28] =	ssyncset.done $0x0  }
0x40: {  	s14 =	simm.s32 $0x0;
	[sflag:s28] =	ssyncadd.s32 $0xFFFFD800  }
0x41: {  	v4 =	vld [tilespmem:s14+$0x7A70]  }
0x42: {  	v5 =	vld [tilespmem:s14+$0x7A00]  }
0x43: {  	v6 =	vld [tilespmem:s14+$0x7A10]  }
0x44: {  	v3 =	vld [tilespmem:s14+$0x7A20]  }
0x45: {  	v1 =	vld [tilespmem:s14+$0x7A30]  }
0x46: {  	v2 =	vld [tilespmem:s14+$0x7A40];
	[tilespmem:s14+$0x2870] =	vst v4  }
0x47: {  	[tilespmem:s14+$0x2800] =	vst v5;
	v4 =	vld [tilespmem:s14+$0x7A50]  }
0x48: {  	s16 =	simm.s32 $0x400;
	s15 =	simm.s32 $0x80;
	[tilespmem:s14+$0x2810] =	vst v6;
	v5 =	vld [tilespmem:s14+$0x7A60]  }
.LBB2_4:
0x49: {  	p0 =	sne.s32 s16, $0x9E00;
	v6 =	vld [tilespmem:s15+$0x7A70];
	[tilespmem:s14+$0x2820] =	vst v3  }
0x4a: {  	v7 =	vld [tilespmem:s15+$0x7A00];
	[tilespmem:s14+$0x2830] =	vst v1  }
0x4b: {  	v8 =	vld [tilespmem:s15+$0x7A10];
	[tilespmem:s14+$0x2840] =	vst v2  }
.Ltmp1:
0x4c: {  	v3 =	vld [tilespmem:s15+$0x7A20];
	[tilespmem:s14+$0x2850] =	vst v4;
	(pc) =	sbr.rel @p0 .LBB2_4-.Ltmp1, $4  }
0x4d: {  	v1 =	vld [tilespmem:s15+$0x7A30];
	[tilespmem:s14+$0x2860] =	vst v5;
	s14 =	smov.u32 s15  }
0x4e: {  	v2 =	vld [tilespmem:s14+$0x7A40];
	[tilespmem:s14+$0x2870] =	vst v6  }
0x4f: {  	[tilespmem:s14+$0x2800] =	vst v7;
	v4 =	vld [tilespmem:s14+$0x7A50]  }
0x50: {  	s15 =	sshra.s32 s16, $0x2;
	s16 =	sadd.s32 $0x200, s16;
	[tilespmem:s14+$0x2810] =	vst v8;
	v5 =	vld [tilespmem:s14+$0x7A60]  }
0x51: {  	v6 =	vld [tilespmem:s15+$0x7A70];
	[tilespmem:s14+$0x2820] =	vst v3  }
0x52: {  	v3 =	vld [tilespmem:s15+$0x7A00];
	[tilespmem:s14+$0x2830] =	vst v1  }
0x53: {  	v1 =	vld [tilespmem:s15+$0x7A10];
	[tilespmem:s14+$0x2840] =	vst v2  }
0x54: {  	v2 =	vld [tilespmem:s15+$0x7A20];
	[tilespmem:s14+$0x2850] =	vst v4  }
0x55: {  	v4 =	vld [tilespmem:s15+$0x7A30];
	[tilespmem:s14+$0x2860] =	vst v5  }
0x56: {  	v5 =	vld [tilespmem:s15+$0x7A40];
	[tilespmem:s15+$0x2870] =	vst v6  }
0x57: {  	[tilespmem:s15+$0x2800] =	vst v3;
	v3 =	vld [tilespmem:s15+$0x7A50]  }
0x58: {  	[tilespmem:s15+$0x2810] =	vst v1;
	v1 =	vld [tilespmem:s15+$0x7A60]  }
0x59: {  	[tilespmem:s15+$0x2820] =	vst v2  }
0x5a: {  	[tilespmem:s15+$0x2830] =	vst v4  }
0x5b: {  	[tilespmem:s15+$0x2840] =	vst v5  }
0x5c: {  	[tilespmem:s15+$0x2850] =	vst v3  }
0x5d: {  	s18 =	simm.s32 $0x0;
	s19 =	rddreg [dreg:$0x1];
	s16 =	simm.s32 $0xBA80;
	[tilespmem:s15+$0x2860] =	vst v1  }
0x5e: {  	[tilespmem:s16], [sflag:$0x2] =	stream.linear.gather [hbm4b:s19+s18], $0x80, $0x38;
	[tilespmem:$0x1FD80] =	vst v63  }
0x5f: {  	_ =	swait.ge [sflag:s28], $0x80  }
0x60: {  	[sflag:s28] =	ssyncset.done $0x0  }
0x61: {  	[sflag:s28] =	ssyncadd.s32 $0xFFFFFF80  }
0x62: {  	s14 =	simm.s32 $0x40;
	s15 =	simm.s32 $0x0;
	v1 =	vld [tilespmem:$0xBA80]  }
.LBB2_6:
0x63: {  	p0 =	sne.s32 s14, $0xFFC0;
	[tilespmem:s15+$0x7A00] =	vst v0;
	s15 =	smov.u32 s14;
	s14 =	sadd.s32 $0x40, s14  }
.Ltmp2:
0x64: {  	(pc) =	sbr.rel @p0 .LBB2_6-.Ltmp2, $2  }
0x65: {  	_ =	sdelay $0x2  }
0x66: {  	s15 =	sshra.s32 s15, $0x2  }
0x67: {  	[tilespmem:s15+$0x7A00] =	vst v0;
	s14 =	rddreg [dreg:$0x7]  }
0x68: {  	[spmem:s14] =	stream.linear.scatter [tilespmem:s26], [sflag:$0x2], $0x80, $0x38;
	[tilespmem:$0x1FD80] =	vst v63  }
0x69: {  	_ =	swait.ge [sflag:s28], $0x80  }
0x6a: {  	[sflag:s28] =	ssyncset.done $0x0  }
0x6b: {  	[sflag:s28] =	ssyncadd.s32 $0xFFFFFF80  }
0x6c: {  	[spmem:s12] =	stream.linear.scatter [tilespmem:s26], [sflag:$0x2], $0x4000, $0x38;
	[tilespmem:$0x1FD80] =	vst v63  }
0x6d: {  	_ =	swait.ge [sflag:s28], $0x4000  }
0x6e: {  	[sflag:s28] =	ssyncset.done $0x0  }
0x6f: {  	s16 =	rddreg [dreg:$0x8];
	[sflag:s28] =	ssyncadd.s32 $0xFFFFC000  }
0x70: {  	[spmem:s16] =	stream.linear.scatter [tilespmem:s26], [sflag:$0x2], $0x80, $0x38;
	[tilespmem:$0x1FD80] =	vst v63  }
0x71: {  	_ =	swait.ge [sflag:s28], $0x80  }
0x72: {  	[sflag:s28] =	ssyncset.done $0x0  }
0x73: {  	s17 =	rddreg [dreg:$0x9];
	[sflag:s28] =	ssyncadd.s32 $0xFFFFFF80  }
0x74: {  	[spmem:s17] =	stream.linear.scatter [tilespmem:s26], [sflag:$0x2], $0x4000, $0x38;
	[tilespmem:$0x1FD80] =	vst v63  }
0x75: {  	_ =	swait.ge [sflag:s28], $0x4000  }
0x76: {  	[sflag:s28] =	ssyncset.done $0x0  }
0x77: {  	s18 =	rddreg [dreg:$0xa];
	[sflag:s28] =	ssyncadd.s32 $0xFFFFC000  }
0x78: {  	[spmem:s18] =	stream.linear.scatter [tilespmem:s26], [sflag:$0x2], $0x80, $0x38;
	[tilespmem:$0x1FD80] =	vst v63  }
0x79: {  	_ =	swait.ge [sflag:s28], $0x80  }
0x7a: {  	[sflag:s28] =	ssyncset.done $0x0  }
0x7b: {  	s19 =	rddreg [dreg:$0xb];
	[sflag:s28] =	ssyncadd.s32 $0xFFFFFF80  }
0x7c: {  	[spmem:s19] =	stream.linear.scatter [tilespmem:s26], [sflag:$0x2], $0x4000, $0x38;
	[tilespmem:$0x1FD80] =	vst v63  }
0x7d: {  	_ =	swait.ge [sflag:s28], $0x4000  }
0x7e: {  	[sflag:s28] =	ssyncset.done $0x0  }
0x7f: {  	s15 =	rddreg [dreg:$0xc];
	[sflag:s28] =	ssyncadd.s32 $0xFFFFC000  }
0x80: {  	[spmem:s15] =	stream.linear.scatter [tilespmem:s26], [sflag:$0x2], $0x80, $0x38;
	[tilespmem:$0x1FD80] =	vst v63  }
0x81: {  	_ =	swait.ge [sflag:s28], $0x80  }
0x82: {  	[sflag:s28] =	ssyncset.done $0x0  }
0x83: {  	s16 =	rddreg [dreg:$0xd];
	[sflag:s28] =	ssyncadd.s32 $0xFFFFFF80  }
0x84: {  	[spmem:s16] =	stream.linear.scatter [tilespmem:s26], [sflag:$0x2], $0x4000, $0x38;
	[tilespmem:$0x1FD80] =	vst v63  }
0x85: {  	_ =	swait.ge [sflag:s28], $0x4000  }
0x86: {  	[sflag:s28] =	ssyncset.done $0x0  }
0x87: {  	s17 =	rddreg [dreg:$0xe];
	[sflag:s28] =	ssyncadd.s32 $0xFFFFC000  }
0x88: {  	[spmem:s17] =	stream.linear.scatter [tilespmem:s26], [sflag:$0x2], $0x80, $0x38;
	[tilespmem:$0x1FD80] =	vst v63  }
0x89: {  	_ =	swait.ge [sflag:s28], $0x80  }
0x8a: {  	[sflag:s28] =	ssyncset.done $0x0  }
0x8b: {  	[sflag:s28] =	ssyncadd.s32 $0xFFFFFF80  }
0x8c: {  	[spmem:s20] =	stream.linear.scatter [tilespmem:s26], [sflag:$0x2], $0x4000, $0x38;
	[tilespmem:$0x1FD80] =	vst v63  }
0x8d: {  	_ =	swait.ge [sflag:s28], $0x4000  }
0x8e: {  	[sflag:s28] =	ssyncset.done $0x0  }
0x8f: {  	[sflag:s28] =	ssyncadd.s32 $0xFFFFC000  }
0x90: {  	s18 =	sadd.s32 $0x0, s25;
	[bflag:$0x0] =	sbarrier.arrive $0xFFFF  }
0x91: {  	[tilespmem:s30], [sflag:$0x2] =	stream.linear.gather [hbm4b:s18+s4], $0x80, $0x38;
	[tilespmem:$0x1FD80] =	vst v63  }
0x92: {  	_ =	swait.ge [sflag:s28], $0x80  }
0x93: {  	[sflag:s28] =	ssyncset.done $0x0  }
0x94: {  	s19 =	sadd.s32 $0x0, s24;
	[sflag:s28] =	ssyncadd.s32 $0xFFFFFF80  }
0x95: {  	[tilespmem:s31], [sflag:$0x2] =	stream.linear.gather [hbm4b:s19+s4], $0x80, $0x38;
	[tilespmem:$0x1FD80] =	vst v63  }
0x96: {  	_ =	swait.ge [sflag:s28], $0x80  }
0x97: {  	[sflag:s28] =	ssyncset.done $0x0  }
0x98: {  	[sflag:s28] =	ssyncadd.s32 $0xFFFFFF80  }
0x99: {  	v2 =	vld [tilespmem:$0x7800]  }
0x9a: {  	v3 =	vld [tilespmem:$0x7900];
	_ =	sdelay $0x6  }
0x9b: {  	v2 =	vld.idx.msk [tilespmem:v2+s4+$0x0], $0xffff  }
0x9c: {  	v3 =	vld.idx.msk [tilespmem:v3+s0+$0x0], $0xffff;
	_ =	sdelay $0x4  }
0x9d: {  	v2 =	vadd.f32 v3, v2;
	v3 =	vadd.f32 v3, v1;
	_ =	sdelay $0x1  }
0x9e: {  	v4 =	vmul.f32 $2.000000030e-01, v2;
	v5 =	vmul.f32 $2.000000030e-01, v3  }
0x9f: {  	vm0 =	vgt.f32 v2, $0.0e+00;
	vm1 =	vgt.f32 v3, $0.0e+00  }
0xa0: {  	v2 =	vsel vm0, v2, v4;
	v3 =	vsel vm1, v3, v5  }
0xa1: {  	v2 =	vsub.f32 v2, v3;
	_ =	sdelay $0x1  }
0xa2: {  	v2 =	vmul.f32 $1.442695020e+00, v2;
	_ =	sdelay $0x1  }
0xa3: {  	(erf) = vpow2.f32 v2;
	_ =	sdelay $0x2  }
0xa4: {  	v2 =	vld [tilespmem:$0x7810]  }
0xa5: {  	v3 =	vld [tilespmem:$0x7910];
	_ =	sdelay $0x4  }
0xa6: {  	v43 =	vpop (erf)  }
0xa7: {  	[tilespmem:$0xBA00] =	vst v43  }
0xa8: {  	v2 =	vld.idx.msk [tilespmem:v2+s4+$0x0], $0xffff  }
0xa9: {  	v3 =	vld.idx.msk [tilespmem:v3+s0+$0x0], $0xffff;
	_ =	sdelay $0x4  }
0xaa: {  	v2 =	vadd.f32 v3, v2;
	v3 =	vadd.f32 v3, v1;
	_ =	sdelay $0x1  }
0xab: {  	v44 =	vmul.f32 $2.000000030e-01, v2;
	v45 =	vmul.f32 $2.000000030e-01, v3  }
0xac: {  	vm14 =	vgt.f32 v2, $0.0e+00;
	vm15 =	vgt.f32 v3, $0.0e+00  }
0xad: {  	v2 =	vsel vm14, v2, v44;
	v3 =	vsel vm15, v3, v45  }
0xae: {  	v2 =	vsub.f32 v2, v3;
	_ =	sdelay $0x1  }
0xaf: {  	v2 =	vmul.f32 $1.442695020e+00, v2;
	_ =	sdelay $0x1  }
0xb0: {  	(erf) = vpow2.f32 v2;
	_ =	sdelay $0x2  }
0xb1: {  	v2 =	vld [tilespmem:$0x7820]  }
0xb2: {  	v3 =	vld [tilespmem:$0x7920];
	_ =	sdelay $0x4  }
0xb3: {  	v46 =	vpop (erf)  }
0xb4: {  	[tilespmem:$0xBA10] =	vst v46  }
0xb5: {  	v2 =	vld.idx.msk [tilespmem:v2+s4+$0x0], $0xffff  }
0xb6: {  	v3 =	vld.idx.msk [tilespmem:v3+s0+$0x0], $0xffff;
	_ =	sdelay $0x4  }
0xb7: {  	v2 =	vadd.f32 v3, v2;
	v3 =	vadd.f32 v3, v1;
	_ =	sdelay $0x1  }
0xb8: {  	v47 =	vmul.f32 $2.000000030e-01, v2;
	v48 =	vmul.f32 $2.000000030e-01, v3  }
0xb9: {  	vm4 =	vgt.f32 v2, $0.0e+00;
	vm5 =	vgt.f32 v3, $0.0e+00  }
0xba: {  	v2 =	vsel vm4, v2, v47;
	v3 =	vsel vm5, v3, v48  }
0xbb: {  	v2 =	vsub.f32 v2, v3;
	_ =	sdelay $0x1  }
0xbc: {  	v2 =	vmul.f32 $1.442695020e+00, v2;
	_ =	sdelay $0x1  }
0xbd: {  	(erf) = vpow2.f32 v2;
	_ =	sdelay $0x2  }
0xbe: {  	v2 =	vld [tilespmem:$0x7830]  }
0xbf: {  	v3 =	vld [tilespmem:$0x7930];
	_ =	sdelay $0x4  }
0xc0: {  	v49 =	vpop (erf)  }
0xc1: {  	[tilespmem:$0xBA20] =	vst v49  }
0xc2: {  	v2 =	vld.idx.msk [tilespmem:v2+s4+$0x0], $0xffff  }
0xc3: {  	v3 =	vld.idx.msk [tilespmem:v3+s0+$0x0], $0xffff;
	_ =	sdelay $0x4  }
0xc4: {  	v2 =	vadd.f32 v3, v2;
	v3 =	vadd.f32 v3, v1;
	_ =	sdelay $0x1  }
0xc5: {  	v50 =	vmul.f32 $2.000000030e-01, v2;
	v51 =	vmul.f32 $2.000000030e-01, v3  }
0xc6: {  	vm6 =	vgt.f32 v2, $0.0e+00;
	vm7 =	vgt.f32 v3, $0.0e+00  }
0xc7: {  	v2 =	vsel vm6, v2, v50;
	v3 =	vsel vm7, v3, v51  }
0xc8: {  	v2 =	vsub.f32 v2, v3;
	_ =	sdelay $0x1  }
0xc9: {  	v2 =	vmul.f32 $1.442695020e+00, v2;
	_ =	sdelay $0x1  }
0xca: {  	(erf) = vpow2.f32 v2;
	_ =	sdelay $0x2  }
0xcb: {  	v2 =	vld [tilespmem:$0x7840]  }
0xcc: {  	v3 =	vld [tilespmem:$0x7940];
	_ =	sdelay $0x4  }
0xcd: {  	v52 =	vpop (erf)  }
0xce: {  	[tilespmem:$0xBA30] =	vst v52  }
0xcf: {  	v2 =	vld.idx.msk [tilespmem:v2+s4+$0x0], $0xffff  }
0xd0: {  	v3 =	vld.idx.msk [tilespmem:v3+s0+$0x0], $0xffff;
	_ =	sdelay $0x4  }
0xd1: {  	v2 =	vadd.f32 v3, v2;
	v3 =	vadd.f32 v3, v1;
	_ =	sdelay $0x1  }
0xd2: {  	v53 =	vmul.f32 $2.000000030e-01, v2;
	v54 =	vmul.f32 $2.000000030e-01, v3  }
0xd3: {  	vm8 =	vgt.f32 v2, $0.0e+00;
	vm9 =	vgt.f32 v3, $0.0e+00  }
0xd4: {  	v2 =	vsel vm8, v2, v53;
	v3 =	vsel vm9, v3, v54  }
0xd5: {  	v2 =	vsub.f32 v2, v3;
	_ =	sdelay $0x1  }
0xd6: {  	v2 =	vmul.f32 $1.442695020e+00, v2;
	_ =	sdelay $0x1  }
0xd7: {  	(erf) = vpow2.f32 v2;
	_ =	sdelay $0x2  }
0xd8: {  	v2 =	vld [tilespmem:$0x7850]  }
0xd9: {  	v3 =	vld [tilespmem:$0x7950];
	_ =	sdelay $0x4  }
0xda: {  	v55 =	vpop (erf)  }
0xdb: {  	[tilespmem:$0xBA40] =	vst v55  }
0xdc: {  	v2 =	vld.idx.msk [tilespmem:v2+s4+$0x0], $0xffff  }
0xdd: {  	v3 =	vld.idx.msk [tilespmem:v3+s0+$0x0], $0xffff;
	_ =	sdelay $0x4  }
0xde: {  	v2 =	vadd.f32 v3, v2;
	v3 =	vadd.f32 v3, v1;
	_ =	sdelay $0x1  }
0xdf: {  	v56 =	vmul.f32 $2.000000030e-01, v2;
	v57 =	vmul.f32 $2.000000030e-01, v3  }
0xe0: {  	vm10 =	vgt.f32 v2, $0.0e+00;
	vm11 =	vgt.f32 v3, $0.0e+00  }
0xe1: {  	v2 =	vsel vm10, v2, v56;
	v3 =	vsel vm11, v3, v57  }
0xe2: {  	v2 =	vsub.f32 v2, v3;
	_ =	sdelay $0x1  }
0xe3: {  	v2 =	vmul.f32 $1.442695020e+00, v2;
	_ =	sdelay $0x1  }
0xe4: {  	(erf) = vpow2.f32 v2;
	_ =	sdelay $0x2  }
0xe5: {  	v2 =	vld [tilespmem:$0x7860]  }
0xe6: {  	v3 =	vld [tilespmem:$0x7960];
	_ =	sdelay $0x4  }
0xe7: {  	v58 =	vpop (erf)  }
0xe8: {  	[tilespmem:$0xBA50] =	vst v58  }
0xe9: {  	v2 =	vld.idx.msk [tilespmem:v2+s4+$0x0], $0xffff  }
0xea: {  	v3 =	vld.idx.msk [tilespmem:v3+s0+$0x0], $0xffff;
	_ =	sdelay $0x4  }
0xeb: {  	v2 =	vadd.f32 v3, v2;
	v3 =	vadd.f32 v3, v1;
	_ =	sdelay $0x1  }
0xec: {  	v59 =	vmul.f32 $2.000000030e-01, v2;
	v60 =	vmul.f32 $2.000000030e-01, v3  }
0xed: {  	vm12 =	vgt.f32 v2, $0.0e+00;
	vm13 =	vgt.f32 v3, $0.0e+00  }
0xee: {  	v2 =	vsel vm12, v2, v59;
	v3 =	vsel vm13, v3, v60  }
0xef: {  	v2 =	vsub.f32 v2, v3;
	_ =	sdelay $0x1  }
0xf0: {  	v2 =	vmul.f32 $1.442695020e+00, v2;
	_ =	sdelay $0x1  }
0xf1: {  	(erf) = vpow2.f32 v2;
	_ =	sdelay $0x2  }
0xf2: {  	v2 =	vld [tilespmem:$0x7870]  }
0xf3: {  	v3 =	vld [tilespmem:$0x7970];
	_ =	sdelay $0x4  }
0xf4: {  	v61 =	vpop (erf)  }
0xf5: {  	[tilespmem:$0xBA60] =	vst v61  }
0xf6: {  	v2 =	vld.idx.msk [tilespmem:v2+s4+$0x0], $0xffff  }
0xf7: {  	v3 =	vld.idx.msk [tilespmem:v3+s0+$0x0], $0xffff;
	_ =	sdelay $0x4  }
0xf8: {  	v2 =	vadd.f32 v3, v2;
	v3 =	vadd.f32 v3, v1;
	_ =	sdelay $0x1  }
0xf9: {  	v62 =	vmul.f32 $2.000000030e-01, v2;
	v63 =	vmul.f32 $2.000000030e-01, v3  }
0xfa: {  	vm14 =	vgt.f32 v2, $0.0e+00;
	vm15 =	vgt.f32 v3, $0.0e+00  }
0xfb: {  	v2 =	vsel vm14, v2, v62;
	v3 =	vsel vm15, v3, v63  }
0xfc: {  	v2 =	vsub.f32 v2, v3;
	_ =	sdelay $0x1  }
0xfd: {  	v2 =	vmul.f32 $1.442695020e+00, v2;
	_ =	sdelay $0x1  }
0xfe: {  	s14 =	simm.s32 $0x10;
	(erf) = vpow2.f32 v2  }
.LBB2_8:
0xff: {  	_ =	sdelay $0x4  }
0x100: {  	p0 =	sne.s32 s14, $0xA10;
	s15 =	smov.u32 s14;
	s14 =	sadd.s32 $0x10, s14  }
0x101: {  	_ =	sdelay $0x1  }
0x102: {  	v2 =	vpop (erf)  }
0x103: {  	[tilespmem:$0xBA70] =	vst v2  }
0x104: {  	[spmem:s3] =	stream.indirect.scatter.add.f32 [tilespmem:s29], [sflag:$0x2], $0x1, s31, s1, $0xb8;
	[tilespmem:$0x1FD80] =	vst v63  }
0x105: {  	_ =	swait.ge [sflag:s28], $0x80  }
0x106: {  	[sflag:s28] =	ssyncset.done $0x0  }
0x107: {  	s16 =	sadd.s32 s15, s25;
	[sflag:s28] =	ssyncadd.s32 $0xFFFFFF80  }
0x108: {  	[tilespmem:s30], [sflag:$0x2] =	stream.linear.gather [hbm4b:s16+s4], $0x80, $0x38;
	[tilespmem:$0x1FD80] =	vst v63  }
0x109: {  	_ =	swait.ge [sflag:s28], $0x80  }
0x10a: {  	[sflag:s28] =	ssyncset.done $0x0  }
0x10b: {  	s15 =	sadd.s32 s15, s24;
	[sflag:s28] =	ssyncadd.s32 $0xFFFFFF80  }
0x10c: {  	[tilespmem:s31], [sflag:$0x2] =	stream.linear.gather [hbm4b:s15+s4], $0x80, $0x38;
	[tilespmem:$0x1FD80] =	vst v63  }
0x10d: {  	_ =	swait.ge [sflag:s28], $0x80  }
0x10e: {  	[sflag:s28] =	ssyncset.done $0x0  }
0x10f: {  	[sflag:s28] =	ssyncadd.s32 $0xFFFFFF80  }
0x110: {  	v2 =	vld [tilespmem:$0x7800]  }
0x111: {  	v3 =	vld [tilespmem:$0x7900];
	_ =	sdelay $0x6  }
0x112: {  	v2 =	vld.idx.msk [tilespmem:v2+s4+$0x0], $0xffff  }
0x113: {  	v3 =	vld.idx.msk [tilespmem:v3+s0+$0x0], $0xffff;
	_ =	sdelay $0x5  }
0x114: {  	v2 =	vadd.f32 v3, v2;
	v3 =	vadd.f32 v3, v1;
	_ =	sdelay $0x1  }
0x115: {  	vm0 =	vgt.f32 v2, $0.0e+00;
	v4 =	vmul.f32 $2.000000030e-01, v2;
	v5 =	vmul.f32 $2.000000030e-01, v3  }
0x116: {  	vm1 =	vgt.f32 v3, $0.0e+00  }
0x117: {  	v2 =	vsel vm0, v2, v4;
	v3 =	vsel vm1, v3, v5  }
0x118: {  	v2 =	vsub.f32 v2, v3;
	_ =	sdelay $0x1  }
0x119: {  	v2 =	vmul.f32 $1.442695020e+00, v2;
	_ =	sdelay $0x1  }
0x11a: {  	(erf) = vpow2.f32 v2;
	_ =	sdelay $0x1  }
0x11b: {  	v2 =	vld [tilespmem:$0x7910]  }
0x11c: {  	v3 =	vld [tilespmem:$0x7810];
	_ =	sdelay $0x5  }
0x11d: {  	v4 =	vpop (erf)  }
0x11e: {  	[tilespmem:$0xBA00] =	vst v4  }
0x11f: {  	v3 =	vld.idx.msk [tilespmem:v3+s4+$0x0], $0xffff  }
0x120: {  	v2 =	vld.idx.msk [tilespmem:v2+s0+$0x0], $0xffff;
	_ =	sdelay $0x5  }
0x121: {  	v3 =	vadd.f32 v2, v3;
	v2 =	vadd.f32 v2, v1;
	_ =	sdelay $0x1  }
0x122: {  	vm0 =	vgt.f32 v3, $0.0e+00;
	v4 =	vmul.f32 $2.000000030e-01, v3;
	v5 =	vmul.f32 $2.000000030e-01, v2  }
0x123: {  	vm1 =	vgt.f32 v2, $0.0e+00  }
0x124: {  	v3 =	vsel vm0, v3, v4;
	v2 =	vsel vm1, v2, v5  }
0x125: {  	v2 =	vsub.f32 v3, v2;
	_ =	sdelay $0x1  }
0x126: {  	v2 =	vmul.f32 $1.442695020e+00, v2;
	_ =	sdelay $0x1  }
0x127: {  	(erf) = vpow2.f32 v2;
	_ =	sdelay $0x1  }
0x128: {  	v2 =	vld [tilespmem:$0x7920]  }
0x129: {  	v3 =	vld [tilespmem:$0x7820];
	_ =	sdelay $0x5  }
0x12a: {  	v4 =	vpop (erf)  }
0x12b: {  	[tilespmem:$0xBA10] =	vst v4  }
0x12c: {  	v3 =	vld.idx.msk [tilespmem:v3+s4+$0x0], $0xffff  }
0x12d: {  	v2 =	vld.idx.msk [tilespmem:v2+s0+$0x0], $0xffff;
	_ =	sdelay $0x5  }
0x12e: {  	v3 =	vadd.f32 v2, v3;
	v2 =	vadd.f32 v2, v1;
	_ =	sdelay $0x1  }
0x12f: {  	vm0 =	vgt.f32 v3, $0.0e+00;
	v4 =	vmul.f32 $2.000000030e-01, v3;
	v5 =	vmul.f32 $2.000000030e-01, v2  }
0x130: {  	vm1 =	vgt.f32 v2, $0.0e+00  }
0x131: {  	v3 =	vsel vm0, v3, v4;
	v2 =	vsel vm1, v2, v5  }
0x132: {  	v2 =	vsub.f32 v3, v2;
	_ =	sdelay $0x1  }
0x133: {  	v2 =	vmul.f32 $1.442695020e+00, v2;
	_ =	sdelay $0x1  }
0x134: {  	(erf) = vpow2.f32 v2;
	_ =	sdelay $0x1  }
0x135: {  	v2 =	vld [tilespmem:$0x7930]  }
0x136: {  	v3 =	vld [tilespmem:$0x7830];
	_ =	sdelay $0x5  }
0x137: {  	v4 =	vpop (erf)  }
0x138: {  	[tilespmem:$0xBA20] =	vst v4  }
0x139: {  	v3 =	vld.idx.msk [tilespmem:v3+s4+$0x0], $0xffff  }
0x13a: {  	v2 =	vld.idx.msk [tilespmem:v2+s0+$0x0], $0xffff;
	_ =	sdelay $0x5  }
0x13b: {  	v3 =	vadd.f32 v2, v3;
	v2 =	vadd.f32 v2, v1;
	_ =	sdelay $0x1  }
0x13c: {  	vm0 =	vgt.f32 v3, $0.0e+00;
	v4 =	vmul.f32 $2.000000030e-01, v3;
	v5 =	vmul.f32 $2.000000030e-01, v2  }
0x13d: {  	vm1 =	vgt.f32 v2, $0.0e+00  }
0x13e: {  	v3 =	vsel vm0, v3, v4;
	v2 =	vsel vm1, v2, v5  }
0x13f: {  	v2 =	vsub.f32 v3, v2;
	_ =	sdelay $0x1  }
0x140: {  	v2 =	vmul.f32 $1.442695020e+00, v2;
	_ =	sdelay $0x1  }
0x141: {  	(erf) = vpow2.f32 v2;
	_ =	sdelay $0x1  }
0x142: {  	v2 =	vld [tilespmem:$0x7940]  }
0x143: {  	v3 =	vld [tilespmem:$0x7840];
	_ =	sdelay $0x5  }
0x144: {  	v4 =	vpop (erf)  }
0x145: {  	[tilespmem:$0xBA30] =	vst v4  }
0x146: {  	v3 =	vld.idx.msk [tilespmem:v3+s4+$0x0], $0xffff  }
0x147: {  	v2 =	vld.idx.msk [tilespmem:v2+s0+$0x0], $0xffff;
	_ =	sdelay $0x5  }
0x148: {  	v3 =	vadd.f32 v2, v3;
	v2 =	vadd.f32 v2, v1;
	_ =	sdelay $0x1  }
0x149: {  	vm0 =	vgt.f32 v3, $0.0e+00;
	v4 =	vmul.f32 $2.000000030e-01, v3;
	v5 =	vmul.f32 $2.000000030e-01, v2  }
0x14a: {  	vm1 =	vgt.f32 v2, $0.0e+00  }
0x14b: {  	v3 =	vsel vm0, v3, v4;
	v2 =	vsel vm1, v2, v5  }
0x14c: {  	v2 =	vsub.f32 v3, v2;
	_ =	sdelay $0x1  }
0x14d: {  	v2 =	vmul.f32 $1.442695020e+00, v2;
	_ =	sdelay $0x1  }
0x14e: {  	(erf) = vpow2.f32 v2;
	_ =	sdelay $0x1  }
0x14f: {  	v2 =	vld [tilespmem:$0x7950]  }
0x150: {  	v3 =	vld [tilespmem:$0x7850];
	_ =	sdelay $0x5  }
0x151: {  	v4 =	vpop (erf)  }
0x152: {  	[tilespmem:$0xBA40] =	vst v4  }
0x153: {  	v3 =	vld.idx.msk [tilespmem:v3+s4+$0x0], $0xffff  }
0x154: {  	v2 =	vld.idx.msk [tilespmem:v2+s0+$0x0], $0xffff;
	_ =	sdelay $0x5  }
0x155: {  	v3 =	vadd.f32 v2, v3;
	v2 =	vadd.f32 v2, v1;
	_ =	sdelay $0x1  }
0x156: {  	vm0 =	vgt.f32 v3, $0.0e+00;
	v4 =	vmul.f32 $2.000000030e-01, v3;
	v5 =	vmul.f32 $2.000000030e-01, v2  }
0x157: {  	vm1 =	vgt.f32 v2, $0.0e+00  }
0x158: {  	v3 =	vsel vm0, v3, v4;
	v2 =	vsel vm1, v2, v5  }
0x159: {  	v2 =	vsub.f32 v3, v2;
	_ =	sdelay $0x1  }
0x15a: {  	v2 =	vmul.f32 $1.442695020e+00, v2;
	_ =	sdelay $0x1  }
0x15b: {  	(erf) = vpow2.f32 v2;
	_ =	sdelay $0x1  }
0x15c: {  	v2 =	vld [tilespmem:$0x7960]  }
0x15d: {  	v3 =	vld [tilespmem:$0x7860];
	_ =	sdelay $0x5  }
0x15e: {  	v4 =	vpop (erf)  }
0x15f: {  	[tilespmem:$0xBA50] =	vst v4  }
0x160: {  	v3 =	vld.idx.msk [tilespmem:v3+s4+$0x0], $0xffff  }
0x161: {  	v2 =	vld.idx.msk [tilespmem:v2+s0+$0x0], $0xffff;
	_ =	sdelay $0x5  }
0x162: {  	v3 =	vadd.f32 v2, v3;
	v2 =	vadd.f32 v2, v1;
	_ =	sdelay $0x1  }
0x163: {  	vm0 =	vgt.f32 v3, $0.0e+00;
	v4 =	vmul.f32 $2.000000030e-01, v3;
	v5 =	vmul.f32 $2.000000030e-01, v2  }
0x164: {  	vm1 =	vgt.f32 v2, $0.0e+00  }
0x165: {  	v3 =	vsel vm0, v3, v4;
	v2 =	vsel vm1, v2, v5  }
0x166: {  	v2 =	vsub.f32 v3, v2;
	_ =	sdelay $0x1  }
0x167: {  	v2 =	vmul.f32 $1.442695020e+00, v2;
	_ =	sdelay $0x1  }
0x168: {  	(erf) = vpow2.f32 v2;
	_ =	sdelay $0x1  }
0x169: {  	v2 =	vld [tilespmem:$0x7970]  }
0x16a: {  	v3 =	vld [tilespmem:$0x7870];
	_ =	sdelay $0x5  }
0x16b: {  	v4 =	vpop (erf)  }
0x16c: {  	[tilespmem:$0xBA60] =	vst v4  }
0x16d: {  	v3 =	vld.idx.msk [tilespmem:v3+s4+$0x0], $0xffff  }
0x16e: {  	v2 =	vld.idx.msk [tilespmem:v2+s0+$0x0], $0xffff;
	_ =	sdelay $0x5  }
0x16f: {  	v3 =	vadd.f32 v2, v3;
	v2 =	vadd.f32 v2, v1;
	_ =	sdelay $0x1  }
0x170: {  	vm0 =	vgt.f32 v3, $0.0e+00;
	v4 =	vmul.f32 $2.000000030e-01, v3;
	v5 =	vmul.f32 $2.000000030e-01, v2  }
0x171: {  	vm1 =	vgt.f32 v2, $0.0e+00  }
0x172: {  	v3 =	vsel vm0, v3, v4;
	v2 =	vsel vm1, v2, v5  }
.Ltmp3:
0x173: {  	v2 =	vsub.f32 v3, v2;
	(pc) =	sbr.rel @p0 .LBB2_8-.Ltmp3, $3  }
0x174: {  	_ = 	snop  }
0x175: {  	v2 =	vmul.f32 $1.442695020e+00, v2;
	_ =	sdelay $0x1  }
0x176: {  	(erf) = vpow2.f32 v2  }
0x177: {  	_ =	sdelay $0x7  }
0x178: {  	v2 =	vpop (erf)  }
0x179: {  	[tilespmem:$0xBA70] =	vst v2  }
0x17a: {  	[spmem:s3] =	stream.indirect.scatter.add.f32 [tilespmem:s29], [sflag:$0x2], $0x1, s31, s1, $0xb8;
	[tilespmem:$0x1FD80] =	vst v63  }
0x17b: {  	_ =	swait.ge [sflag:s28], $0x80  }
0x17c: {  	[sflag:s28] =	ssyncset.done $0x0  }
0x17d: {  	[sflag:s28] =	ssyncadd.s32 $0xFFFFFF80  }
0x17e: {  	[bflag:$0x0] =	sbarrier.arrive $0xFFFF  }
0x17f: {  	[tilespmem:s5], [sflag:$0x2] =	stream.linear.gather [spmem:s3], $0x2800, $0x38;
	[tilespmem:$0x1FD80] =	vst v63  }
0x180: {  	_ =	swait.ge [sflag:s28], $0x2800  }
0x181: {  	[sflag:s28] =	ssyncset.done $0x0  }
0x182: {  	s14 =	simm.s32 $0x0;
	s15 =	simm.s32 $0x0;
	[sflag:s28] =	ssyncadd.s32 $0xFFFFD800  }
.LBB2_10:
0x183: {  	s16 =	sshll.u32 s15, $0x7  }
0x184: {  	s16 =	sadd.s32 s16, s21  }
0x185: {  	s16 =	sshrl.u32 s16, $0x3  }
0x186: {  	s17 =	sadd.s32 s9, s16  }
0x187: {  	[tilespmem:s7], [sflag:$0x2] =	stream.linear.gather [hbm4b:s17+s14], $0x80, $0x38;
	[tilespmem:$0x1FD80] =	vst v63  }
0x188: {  	_ =	swait.ge [sflag:s28], $0x80  }
0x189: {  	[sflag:s28] =	ssyncset.done $0x0  }
0x18a: {  	s16 =	sadd.s32 s10, s16;
	[sflag:s28] =	ssyncadd.s32 $0xFFFFFF80  }
0x18b: {  	[tilespmem:s8], [sflag:$0x2] =	stream.linear.gather [hbm4b:s16+s14], $0x80, $0x38;
	[tilespmem:$0x1FD80] =	vst v63  }
0x18c: {  	_ =	swait.ge [sflag:s28], $0x80  }
0x18d: {  	[sflag:s28] =	ssyncset.done $0x0  }
0x18e: {  	[sflag:s28] =	ssyncadd.s32 $0xFFFFFF80  }
0x18f: {  	v2 =	vld [tilespmem:$0x7880]  }
0x190: {  	v3 =	vld [tilespmem:$0x7980];
	_ =	sdelay $0x6  }
0x191: {  	v2 =	vld.idx.msk [tilespmem:v2+s14+$0x0], $0xffff  }
0x192: {  	v4 =	vld.idx.msk [tilespmem:v3+s0+$0x0], $0xffff;
	_ =	sdelay $0x4  }
0x193: {  	v2 =	vadd.f32 v4, v2;
	v4 =	vadd.f32 v4, v1;
	_ =	sdelay $0x1  }
0x194: {  	v5 =	vmul.f32 $2.000000030e-01, v2;
	v6 =	vmul.f32 $2.000000030e-01, v4  }
0x195: {  	v3 =	vld.idx.msk [tilespmem:v3+s5+$0x0], $0xffff;
	vm0 =	vgt.f32 v2, $0.0e+00;
	vm1 =	vgt.f32 v4, $0.0e+00  }
0x196: {  	v2 =	vsel vm0, v2, v5;
	v4 =	vsel vm1, v4, v6  }
0x197: {  	v2 =	vsub.f32 v2, v4;
	_ =	sdelay $0x1  }
0x198: {  	v2 =	vmul.f32 $1.442695020e+00, v2  }
0x199: {  	v3 =	vadd.f32 $1.000000020e-16, v3  }
0x19a: {  	(erf) = vpow2.f32 v2  }
0x19b: {  	(erf) = vrcp.f32 v3;
	_ =	sdelay $0x4  }
0x19c: {  	v2 =	vld [tilespmem:$0x7890]  }
0x19d: {  	v3 =	vld [tilespmem:$0x7990];
	_ =	sdelay $0x1  }
0x19e: {  	v4 =	vpop (erf)  }
0x19f: {  	v5 =	vpop (erf)  }
0x1a0: {  	v4 =	vmul.f32 v4, v5;
	_ =	sdelay $0x1  }
0x1a1: {  	[tilespmem:$0xBA00] =	vst v4  }
0x1a2: {  	v2 =	vld.idx.msk [tilespmem:v2+s14+$0x0], $0xffff  }
0x1a3: {  	v4 =	vld.idx.msk [tilespmem:v3+s0+$0x0], $0xffff;
	_ =	sdelay $0x4  }
0x1a4: {  	v2 =	vadd.f32 v4, v2;
	v4 =	vadd.f32 v4, v1;
	_ =	sdelay $0x1  }
0x1a5: {  	v5 =	vmul.f32 $2.000000030e-01, v2;
	v6 =	vmul.f32 $2.000000030e-01, v4  }
0x1a6: {  	v3 =	vld.idx.msk [tilespmem:v3+s5+$0x0], $0xffff;
	vm14 =	vgt.f32 v2, $0.0e+00;
	vm15 =	vgt.f32 v4, $0.0e+00  }
0x1a7: {  	v2 =	vsel vm14, v2, v5;
	v4 =	vsel vm15, v4, v6  }
0x1a8: {  	v2 =	vsub.f32 v2, v4;
	_ =	sdelay $0x1  }
0x1a9: {  	v2 =	vmul.f32 $1.442695020e+00, v2  }
0x1aa: {  	v3 =	vadd.f32 $1.000000020e-16, v3  }
0x1ab: {  	(erf) = vpow2.f32 v2  }
0x1ac: {  	(erf) = vrcp.f32 v3;
	_ =	sdelay $0x4  }
0x1ad: {  	v2 =	vld [tilespmem:$0x78A0]  }
0x1ae: {  	v3 =	vld [tilespmem:$0x79A0];
	_ =	sdelay $0x1  }
0x1af: {  	v4 =	vpop (erf)  }
0x1b0: {  	v5 =	vpop (erf)  }
0x1b1: {  	v4 =	vmul.f32 v4, v5;
	_ =	sdelay $0x1  }
0x1b2: {  	[tilespmem:$0xBA10] =	vst v4  }
0x1b3: {  	v2 =	vld.idx.msk [tilespmem:v2+s14+$0x0], $0xffff  }
0x1b4: {  	v4 =	vld.idx.msk [tilespmem:v3+s0+$0x0], $0xffff;
	_ =	sdelay $0x4  }
0x1b5: {  	v2 =	vadd.f32 v4, v2;
	v4 =	vadd.f32 v4, v1;
	_ =	sdelay $0x1  }
0x1b6: {  	v5 =	vmul.f32 $2.000000030e-01, v2;
	v6 =	vmul.f32 $2.000000030e-01, v4  }
0x1b7: {  	v3 =	vld.idx.msk [tilespmem:v3+s5+$0x0], $0xffff;
	vm4 =	vgt.f32 v2, $0.0e+00;
	vm5 =	vgt.f32 v4, $0.0e+00  }
0x1b8: {  	v2 =	vsel vm4, v2, v5;
	v4 =	vsel vm5, v4, v6  }
0x1b9: {  	v2 =	vsub.f32 v2, v4;
	_ =	sdelay $0x1  }
0x1ba: {  	v2 =	vmul.f32 $1.442695020e+00, v2  }
0x1bb: {  	v3 =	vadd.f32 $1.000000020e-16, v3  }
0x1bc: {  	(erf) = vpow2.f32 v2  }
0x1bd: {  	(erf) = vrcp.f32 v3;
	_ =	sdelay $0x4  }
0x1be: {  	v2 =	vld [tilespmem:$0x78B0]  }
0x1bf: {  	v3 =	vld [tilespmem:$0x79B0];
	_ =	sdelay $0x1  }
0x1c0: {  	v4 =	vpop (erf)  }
0x1c1: {  	v5 =	vpop (erf)  }
0x1c2: {  	v4 =	vmul.f32 v4, v5;
	_ =	sdelay $0x1  }
0x1c3: {  	[tilespmem:$0xBA20] =	vst v4  }
0x1c4: {  	v2 =	vld.idx.msk [tilespmem:v2+s14+$0x0], $0xffff  }
0x1c5: {  	v4 =	vld.idx.msk [tilespmem:v3+s0+$0x0], $0xffff;
	_ =	sdelay $0x4  }
0x1c6: {  	v2 =	vadd.f32 v4, v2;
	v4 =	vadd.f32 v4, v1;
	_ =	sdelay $0x1  }
0x1c7: {  	v5 =	vmul.f32 $2.000000030e-01, v2;
	v6 =	vmul.f32 $2.000000030e-01, v4  }
0x1c8: {  	v3 =	vld.idx.msk [tilespmem:v3+s5+$0x0], $0xffff;
	vm6 =	vgt.f32 v2, $0.0e+00;
	vm7 =	vgt.f32 v4, $0.0e+00  }
0x1c9: {  	v2 =	vsel vm6, v2, v5;
	v4 =	vsel vm7, v4, v6  }
0x1ca: {  	v2 =	vsub.f32 v2, v4;
	_ =	sdelay $0x1  }
0x1cb: {  	v2 =	vmul.f32 $1.442695020e+00, v2  }
0x1cc: {  	v3 =	vadd.f32 $1.000000020e-16, v3  }
0x1cd: {  	(erf) = vpow2.f32 v2  }
0x1ce: {  	(erf) = vrcp.f32 v3;
	_ =	sdelay $0x4  }
0x1cf: {  	v2 =	vld [tilespmem:$0x78C0]  }
0x1d0: {  	v3 =	vld [tilespmem:$0x79C0];
	_ =	sdelay $0x1  }
0x1d1: {  	v4 =	vpop (erf)  }
0x1d2: {  	v5 =	vpop (erf)  }
0x1d3: {  	v4 =	vmul.f32 v4, v5;
	_ =	sdelay $0x1  }
0x1d4: {  	[tilespmem:$0xBA30] =	vst v4  }
0x1d5: {  	v2 =	vld.idx.msk [tilespmem:v2+s14+$0x0], $0xffff  }
0x1d6: {  	v4 =	vld.idx.msk [tilespmem:v3+s0+$0x0], $0xffff;
	_ =	sdelay $0x4  }
0x1d7: {  	v2 =	vadd.f32 v4, v2;
	v4 =	vadd.f32 v4, v1;
	_ =	sdelay $0x1  }
0x1d8: {  	v5 =	vmul.f32 $2.000000030e-01, v2;
	v6 =	vmul.f32 $2.000000030e-01, v4  }
0x1d9: {  	v3 =	vld.idx.msk [tilespmem:v3+s5+$0x0], $0xffff;
	vm8 =	vgt.f32 v2, $0.0e+00;
	vm9 =	vgt.f32 v4, $0.0e+00  }
0x1da: {  	v2 =	vsel vm8, v2, v5;
	v4 =	vsel vm9, v4, v6  }
0x1db: {  	v2 =	vsub.f32 v2, v4;
	_ =	sdelay $0x1  }
0x1dc: {  	v2 =	vmul.f32 $1.442695020e+00, v2  }
0x1dd: {  	v3 =	vadd.f32 $1.000000020e-16, v3  }
0x1de: {  	(erf) = vpow2.f32 v2  }
0x1df: {  	(erf) = vrcp.f32 v3;
	_ =	sdelay $0x4  }
0x1e0: {  	v2 =	vld [tilespmem:$0x78D0]  }
0x1e1: {  	v3 =	vld [tilespmem:$0x79D0];
	_ =	sdelay $0x1  }
0x1e2: {  	v4 =	vpop (erf)  }
0x1e3: {  	v5 =	vpop (erf)  }
0x1e4: {  	v4 =	vmul.f32 v4, v5;
	_ =	sdelay $0x1  }
0x1e5: {  	[tilespmem:$0xBA40] =	vst v4  }
0x1e6: {  	v2 =	vld.idx.msk [tilespmem:v2+s14+$0x0], $0xffff  }
0x1e7: {  	v4 =	vld.idx.msk [tilespmem:v3+s0+$0x0], $0xffff;
	_ =	sdelay $0x4  }
0x1e8: {  	v2 =	vadd.f32 v4, v2;
	v4 =	vadd.f32 v4, v1;
	_ =	sdelay $0x1  }
0x1e9: {  	v5 =	vmul.f32 $2.000000030e-01, v2;
	v6 =	vmul.f32 $2.000000030e-01, v4  }
0x1ea: {  	v3 =	vld.idx.msk [tilespmem:v3+s5+$0x0], $0xffff;
	vm10 =	vgt.f32 v2, $0.0e+00;
	vm11 =	vgt.f32 v4, $0.0e+00  }
0x1eb: {  	v2 =	vsel vm10, v2, v5;
	v4 =	vsel vm11, v4, v6  }
0x1ec: {  	v2 =	vsub.f32 v2, v4;
	_ =	sdelay $0x1  }
0x1ed: {  	v2 =	vmul.f32 $1.442695020e+00, v2  }
0x1ee: {  	v3 =	vadd.f32 $1.000000020e-16, v3  }
0x1ef: {  	(erf) = vpow2.f32 v2  }
0x1f0: {  	(erf) = vrcp.f32 v3;
	_ =	sdelay $0x4  }
0x1f1: {  	v2 =	vld [tilespmem:$0x78E0]  }
0x1f2: {  	v3 =	vld [tilespmem:$0x79E0];
	_ =	sdelay $0x1  }
0x1f3: {  	v4 =	vpop (erf)  }
0x1f4: {  	v5 =	vpop (erf)  }
0x1f5: {  	v4 =	vmul.f32 v4, v5;
	_ =	sdelay $0x1  }
0x1f6: {  	[tilespmem:$0xBA50] =	vst v4  }
0x1f7: {  	v2 =	vld.idx.msk [tilespmem:v2+s14+$0x0], $0xffff  }
0x1f8: {  	v4 =	vld.idx.msk [tilespmem:v3+s0+$0x0], $0xffff;
	_ =	sdelay $0x4  }
0x1f9: {  	v2 =	vadd.f32 v4, v2;
	v4 =	vadd.f32 v4, v1;
	_ =	sdelay $0x1  }
0x1fa: {  	v5 =	vmul.f32 $2.000000030e-01, v2;
	v6 =	vmul.f32 $2.000000030e-01, v4  }
0x1fb: {  	v3 =	vld.idx.msk [tilespmem:v3+s5+$0x0], $0xffff;
	vm12 =	vgt.f32 v2, $0.0e+00;
	vm13 =	vgt.f32 v4, $0.0e+00  }
0x1fc: {  	v2 =	vsel vm12, v2, v5;
	v4 =	vsel vm13, v4, v6  }
0x1fd: {  	v2 =	vsub.f32 v2, v4;
	_ =	sdelay $0x1  }
0x1fe: {  	v2 =	vmul.f32 $1.442695020e+00, v2  }
0x1ff: {  	v3 =	vadd.f32 $1.000000020e-16, v3  }
0x200: {  	(erf) = vpow2.f32 v2  }
0x201: {  	(erf) = vrcp.f32 v3;
	_ =	sdelay $0x4  }
0x202: {  	v2 =	vld [tilespmem:$0x78F0]  }
0x203: {  	v3 =	vld [tilespmem:$0x79F0];
	_ =	sdelay $0x1  }
0x204: {  	v4 =	vpop (erf)  }
0x205: {  	v5 =	vpop (erf)  }
0x206: {  	v4 =	vmul.f32 v4, v5;
	_ =	sdelay $0x1  }
0x207: {  	[tilespmem:$0xBA60] =	vst v4  }
0x208: {  	v2 =	vld.idx.msk [tilespmem:v2+s14+$0x0], $0xffff  }
0x209: {  	v4 =	vld.idx.msk [tilespmem:v3+s0+$0x0], $0xffff;
	_ =	sdelay $0x4  }
0x20a: {  	v2 =	vadd.f32 v4, v2;
	v4 =	vadd.f32 v4, v1;
	_ =	sdelay $0x1  }
0x20b: {  	v5 =	vmul.f32 $2.000000030e-01, v2;
	v6 =	vmul.f32 $2.000000030e-01, v4  }
0x20c: {  	v3 =	vld.idx.msk [tilespmem:v3+s5+$0x0], $0xffff;
	vm14 =	vgt.f32 v2, $0.0e+00;
	vm15 =	vgt.f32 v4, $0.0e+00  }
0x20d: {  	v2 =	vsel vm14, v2, v5;
	v4 =	vsel vm15, v4, v6  }
0x20e: {  	v2 =	vsub.f32 v2, v4;
	_ =	sdelay $0x1  }
0x20f: {  	v2 =	vmul.f32 $1.442695020e+00, v2  }
0x210: {  	v3 =	vadd.f32 $1.000000020e-16, v3  }
0x211: {  	(erf) = vpow2.f32 v2  }
0x212: {  	(erf) = vrcp.f32 v3;
	_ =	sdelay $0x7  }
0x213: {  	v2 =	vpop (erf)  }
0x214: {  	v3 =	vpop (erf)  }
0x215: {  	v2 =	vmul.f32 v2, v3;
	_ =	sdelay $0x1  }
0x216: {  	[tilespmem:$0xBA70] =	vst v2  }
0x217: {  	[tilespmem:s26], [sflag:$0x1] =	stream.indirect.gather [hbm4b:s6+s1], $0x80, s7, s1, $0xb8;
	[tilespmem:$0x1FD80] =	vst v63  }
0x218: {  	_ =	swait.ge [sflag:s11], $0x4000  }
0x219: {  	v2 =	vmov s14;
	[sflag:s11] =	ssyncset.done $0x0  }
0x21a: {  	s16 =	simm.s32 $0x7A40;
	[sflag:s11] =	ssyncadd.s32 $0xFFFFC000  }
0x21b: {  	v6 =	vld [tilespmem:s16+$0x30]  }
0x21c: {  	v9 =	vld [tilespmem:s16+$0x10]  }
0x21d: {  	v7 =	vld [tilespmem:s16+$0xFFFFFFC0]  }
0x21e: {  	v3 =	vld.idx.msk [tilespmem:v2+s29+$0x0], $0xffff  }
0x21f: {  	v11 =	vld [tilespmem:s16+$0xFFFFFFE0]  }
0x220: {  	v2 =	vld [tilespmem:s16+$0xFFFFFFF0]  }
0x221: {  	v4 =	vld [tilespmem:s16+$0x20]  }
0x222: {  	v5 =	vld [tilespmem:s16+$0xFFFFFFD0]  }
0x223: {  	v10 =	vmul.f32 v6, v3;
	v6 =	vld [tilespmem:s16+$0x0]  }
0x224: {  	v8 =	vmul.f32 v7, v3  }
0x225: {  	s18 =	simm.s32 $0x7A40;
	s17 =	simm.s32 $0x1;
	v7 =	vmul.f32 v11, v3;
	v9 =	vmul.f32 v9, v3  }
.LBB2_11:
0x226: {  	p0 =	sne.s32 s17, $0x7F  }
0x227: {  	v5 =	vmul.f32 v5, v3;
	v4 =	vmul.f32 v4, v3;
	[tilespmem:s16+$0x30] =	vst v10;
	s18 =	sadd.s32 $0x80, s18;
	s19 =	smov.u32 s17;
	s17 =	sadd.s32 $0x1, s17  }
0x228: {  	[tilespmem:s16+$0xFFFFFFC0] =	vst v8;
	v8 =	vmul.f32 v2, v3;
	v3 =	vmul.f32 v6, v3  }
0x229: {  	[tilespmem:s16+$0x10] =	vst v9  }
0x22a: {  	v6 =	vmov s19;
	[tilespmem:s16+$0xFFFFFFE0] =	vst v7  }
0x22b: {  	v2 =	vld [tilespmem:s18+$0xFFFFFFF0];
	[tilespmem:s16+$0xFFFFFFF0] =	vst v8  }
0x22c: {  	v7 =	vld [tilespmem:s18+$0x30];
	[tilespmem:s16+$0x0] =	vst v3  }
0x22d: {  	v9 =	vld [tilespmem:s18+$0x10];
	[tilespmem:s16+$0x20] =	vst v4  }
0x22e: {  	v8 =	vld [tilespmem:s18+$0xFFFFFFC0];
	[tilespmem:s16+$0xFFFFFFD0] =	vst v5;
	s16 =	smov.u32 s18  }
0x22f: {  	v3 =	vld.idx.msk [tilespmem:v6+s29+$0x0], $0xffff  }
0x230: {  	v11 =	vld [tilespmem:s18+$0xFFFFFFE0]  }
0x231: {  	v4 =	vld [tilespmem:s18+$0x20]  }
.Ltmp4:
0x232: {  	v5 =	vld [tilespmem:s18+$0xFFFFFFD0];
	(pc) =	sbr.rel @p0 .LBB2_11-.Ltmp4, $3  }
0x233: {  	v6 =	vld [tilespmem:s18+$0x0];
	_ =	sdelay $0x1  }
0x234: {  	v8 =	vmul.f32 v8, v3;
	v10 =	vmul.f32 v7, v3  }
0x235: {  	v9 =	vmul.f32 v9, v3;
	v7 =	vmul.f32 v11, v3  }
0x236: {  	[tilespmem:s16+$0x30] =	vst v10  }
0x237: {  	[tilespmem:s16+$0xFFFFFFC0] =	vst v8  }
0x238: {  	v2 =	vmul.f32 v2, v3;
	[tilespmem:s16+$0x10] =	vst v9  }
0x239: {  	v4 =	vmul.f32 v4, v3;
	[tilespmem:s16+$0xFFFFFFE0] =	vst v7  }
0x23a: {  	v6 =	vmul.f32 v6, v3;
	[tilespmem:s16+$0xFFFFFFF0] =	vst v2  }
0x23b: {  	s15 =	sadd.s32 $0x1, s15;
	v2 =	vmul.f32 v5, v3;
	[tilespmem:s16+$0x20] =	vst v4  }
0x23c: {  	p0 =	sne.s32 s15, $0x51;
	[tilespmem:s16+$0x0] =	vst v6  }
.Ltmp5:
0x23d: {  	[tilespmem:s16+$0xFFFFFFD0] =	vst v2;
	(pc) =	sbr.rel @p0 .LBB2_10-.Ltmp5, $4  }
0x23e: {  	[spmem:s2] =	stream.indirect.scatter.add.f32 [tilespmem:s26], [sflag:$0x2], $0x80, s8, s1, $0xb8;
	[tilespmem:$0x1FD80] =	vst v63  }
0x23f: {  	_ =	swait.ge [sflag:s28], $0x4000  }
0x240: {  	[sflag:s28] =	ssyncset.done $0x0  }
0x241: {  	[sflag:s28] =	ssyncadd.s32 $0xFFFFC000  }
0x242: {  	s14 =	stileid.u32;
	s13 =	sadd.s32 $0x1, s13  }
0x243: {  	[bflag:$0x0] =	sbarrier.arrive $0xFFFF;
	s14 =	sshll.u32 s14, $0x6;
	p0 =	sne.s32 s13, s23  }
.Ltmp6:
0x244: {  	s15 =	sshrl.u32 s12, $0x3;
	s14 =	sor.u32 $0x1C02, s14;
	(pc) =	sbr.rel @p0 .LBB2_1-.Ltmp6, $4  }
0x245: {  	[hbm:s22], [sflag:s14] =	dma.local [spmem:s15], $0x2800  }
0x246: {  	_ =	swait.ge [sflag:s28], $0x2800  }
0x247: {  	[sflag:s28] =	ssyncset.done $0x0  }
0x248: {  	[sflag:s28] =	ssyncadd.s32 $0xFFFFD800  }
0x249: {  	_ =	sfence.sel $0x180000  }
0x24a: {  	[bflag:$0x0] =	sbarrier.arrive $0xFFFF  }
0x24b: {  	_ =	strace $0x90000047  }
0x24c: {  	s0 =	stileid.u32;
	[bflag:$0x2] =	sbarrier.arrive $0xFFFF  }
0x24d: {  	p0 =	sne.s32 s0, $0x0;
	s0 =	rddreg [dreg:$0x4]  }
0x24e: {  	s0 =	sadd.s32 @!p0 $0x100000, s0  }
0x24f: {  	[sflag:s0] =	ssyncadd.tile.s32 @!p0 $0x1;
	_ =	shalt  }
.Lfunc_end2:
_tile_overlayer_lowered:
.L_overlay_start_2:
0x250: {  	(tag) =	ssettag $0x2  }
0x251: {  	s0 =	rddreg [dreg:$0x0];
	s2 =	stileid.u32  }
0x252: {  	s1 =	rddreg [dreg:$0x1];
	p0 =	sne.s32 s2, $0x0  }
0x253: {  	s3 =	rddreg [dreg:$0x2];
	[bflag:$0x3] =	sbarrier.arrive $0xFFFF;
	s2 =	simm.s32 @!p0 $0x1C02  }
0x254: {  	[timem:s3], [sflag:s2] =	dma.local @!p0 [hbm:s0], s1  }
0x255: {  	s0 =	simm.s32 @!p0 $0x2  }
0x256: {  	_ =	swait.ge @!p0 [sflag:s0], s1  }
0x257: {  	s1 =	ssub.s32 @!p0 $0x0, s1;
	[sflag:s0] =	ssyncset.done @!p0 $0x0  }
0x258: {  	[sflag:s0] =	ssyncadd.s32 @!p0 s1  }
0x259: {  	[bflag:$0x3] =	sbarrier.arrive $0xFFFF  }
0x25a: {  	_ =	shalt  }

</sc_bundles>
